<compile_context>
chip_gen: v7x
topology: tpu7x:2x2x1
jax: 0.10.2.dev20260603
libtpu: 0.0.44.dev20260713+nightly
codegen_flags: <defaults>
</compile_context>

<pallas_src>
import dataclasses

import jax
import jax.numpy as jnp
from jax import lax
from jax.experimental import pallas as pl
from jax.experimental.pallas import tpu as pltpu
from jax.experimental.pallas import tpu_sc as plsc

N = 2
C = 96
H = 512
W = 512
L = 16
NW = 32
NH = N * H
PPW = NH // NW
CB = 48
NBLK = C // CB


def _warp_body(img_hbm, d_hbm, out_hbm, dvec, idx0, idx1, w0, w1,
               inb0, inb1, outb0, outb1, dsem, isem0, isem1, osem0, osem1):
    wid = lax.axis_index("c") * 16 + lax.axis_index("s")
    n = wid // 16
    h0 = (wid % 16) * PPW
    p0 = wid * PPW

    inb = (inb0, inb1)
    outb = (outb0, outb1)
    isem = (isem0, isem1)
    osem = (osem0, osem1)

    def disp_copy(k):
        return pltpu.make_async_copy(d_hbm.at[p0 + k], dvec.at[k % 2], dsem)

    def in_copy(cb, h):
        row0 = n * C + cb * CB
        return pltpu.make_async_copy(
            img_hbm.at[pl.ds(row0, CB), h], inb[cb % 2], isem[cb % 2])

    def out_copy(cb, h):
        row0 = n * C + cb * CB
        return pltpu.make_async_copy(
            outb[cb % 2], out_hbm.at[pl.ds(row0, CB), h], osem[cb % 2])

    disp_copy(0).start()
    in_copy(0, h0).start()

    @pl.loop(0, PPW)
    def _pair(k):
        h = h0 + k
        par = k % 2

        disp_copy(k).wait()

        @pl.when(k < PPW - 1)
        def _():
            disp_copy(k + 1).start()

        @plsc.parallel_loop(0, W, step=L, unroll=2)
        def _idx(o):
            i_i = lax.iota(jnp.int32, L) + o
            x = i_i.astype(jnp.float32) - dvec[par, pl.ds(o, L)]
            x = jnp.clip(x, -1.0, float(W)) + 1.0
            x0 = x.astype(jnp.int32)
            dx = x - x0.astype(jnp.float32)
            x1 = x0 + (dx > 0.0).astype(jnp.int32)
            w0[pl.ds(o, L)] = jnp.where((x0 >= 1) & (x0 <= W), 1.0 - dx, 0.0)
            w1[pl.ds(o, L)] = jnp.where((x1 >= 1) & (x1 <= W), dx, 0.0)
            idx0[pl.ds(o, L)] = jnp.clip(x0 - 1, 0, W - 1)
            idx1[pl.ds(o, L)] = jnp.clip(x1 - 1, 0, W - 1)

        for cb in range(NBLK):
            in_copy(cb, h).wait()
            if cb + 1 < NBLK:
                in_copy(cb + 1, h).start()
            else:
                @pl.when(k < PPW - 1)
                def _():
                    in_copy(0, h + 1).start()

            if cb >= 2:
                out_copy(cb - 2, h).wait()
            else:
                @pl.when(k > 0)
                def _():
                    out_copy(cb, h - 1).wait()

            rows = inb[cb % 2]
            ob = outb[cb % 2]

            @plsc.parallel_loop(0, W, step=L, unroll=4)
            def _gather(o):
                i0 = idx0[pl.ds(o, L)]
                i1 = idx1[pl.ds(o, L)]
                a0 = w0[pl.ds(o, L)]
                a1 = w1[pl.ds(o, L)]
                G = 8
                for g in range(0, CB, G):
                    vs = []
                    for c in range(g, g + G):
                        cc = jnp.full((L,), c, jnp.int32)
                        vs.append((plsc.load_gather(rows, [cc, i0]),
                                   plsc.load_gather(rows, [cc, i1])))
                    for j, c in enumerate(range(g, g + G)):
                        v0, v1 = vs[j]
                        ob[c, pl.ds(o, L)] = a0 * v0 + a1 * v1

            out_copy(cb, h).start()

    for cb in (NBLK - 2, NBLK - 1):
        out_copy(cb, h0 + PPW - 1).wait()


@jax.jit
def _warp(img3, d2):
    mesh = plsc.VectorSubcoreMesh(core_axis_name="c", subcore_axis_name="s")
    cp = pltpu.CompilerParams()
    if "needs_layout_passes" in pltpu.CompilerParams.__dataclass_fields__:
        cp = dataclasses.replace(cp, needs_layout_passes=False)
    f = pl.kernel(
        _warp_body,
        mesh=mesh,
        compiler_params=cp,
        out_type=jax.ShapeDtypeStruct((N * C, H, W), jnp.float32),
        scratch_types=[
            pltpu.VMEM((2, W), jnp.float32),
            pltpu.VMEM((W,), jnp.int32),
            pltpu.VMEM((W,), jnp.int32),
            pltpu.VMEM((W,), jnp.float32),
            pltpu.VMEM((W,), jnp.float32),
            pltpu.VMEM((CB, W), jnp.float32),
            pltpu.VMEM((CB, W), jnp.float32),
            pltpu.VMEM((CB, W), jnp.float32),
            pltpu.VMEM((CB, W), jnp.float32),
            pltpu.SemaphoreType.DMA,
            pltpu.SemaphoreType.DMA,
            pltpu.SemaphoreType.DMA,
            pltpu.SemaphoreType.DMA,
            pltpu.SemaphoreType.DMA,
        ],
    )
    return f(img3, d2)


def kernel(img, disp):
    img3 = img.reshape(N * C, H, W)
    d2 = disp.reshape(N * H, W)
    out3 = _warp(img3, d2)
    return out3.reshape(N, C, H, W)

# --- scband reference (transcript-rebuilt; emitter-appended) ---
"""Pipeline reference for scband-warp1-dop-4947802325355 (READ-ONLY COPY).

The authoritative reference and input builder live on the scoring server;
editing this copy changes nothing except your own understanding.
"""

import jax, jax.numpy as jnp
import numpy as np


def setup_inputs(seed: int = 0) -> dict:
    key = jax.random.key(seed)
    k1, k2 = jax.random.split(key)
    img = jax.random.normal(k1, (2, 96, 512, 512), dtype=jnp.float32)
    disp = jax.random.normal(k2, (2, 1, 512, 512), dtype=jnp.float32)
    return {"img": img, "disp": disp}


def reference(img, disp):
    # Warp1DOp.warp_by_disparity_map with mode='bilinear', padding_mode='zeros', align_corners=True
    n, c, h, w = img.shape
    x = jnp.arange(w, dtype=img.dtype)[None, None, None, :]
    x = jnp.broadcast_to(x, (1, 1, h, w))
    x = x - disp  # [n, 1, h, w]
    # process_grid_coordinates, padding_mode == 'zeros':
    x = jnp.clip(x, -1.0, float(w)) + 1.0
    # pad x and img by 1 on each side of the width dim with zeros
    x = jnp.pad(x, ((0, 0), (0, 0), (0, 0), (1, 1)), constant_values=0.0)
    img_p = jnp.pad(img, ((0, 0), (0, 0), (0, 0), (1, 1)), constant_values=0.0)
    # bilinear (1D) interpolation via two gathers along width
    x0 = jnp.floor(x).astype(jnp.int32)
    x1 = jnp.ceil(x).astype(jnp.int32)
    dx = x - x0.astype(x.dtype)
    idx0 = jnp.broadcast_to(x0, img_p.shape)
    idx1 = jnp.broadcast_to(x1, img_p.shape)
    v_x0 = jnp.take_along_axis(img_p, idx0, axis=-1)
    v_x1 = jnp.take_along_axis(img_p, idx1, axis=-1)
    warped = (1.0 - dx) * v_x0 + dx * v_x1
    # strip the zero padding columns
    return warped[:, :, :, 1:-1]

if __name__ == "__main__":
    import jax
    _d = setup_inputs()
    print(jax.jit(kernel)(*tuple(_d.values())))

</pallas_src>

<mosaic_0001>
#map = affine_map<(d0, d1) -> (0, 0, 0)>
#map1 = affine_map<(d0, d1) -> (0, 0)>
module attributes {stable_mosaic.version = 14 : i64} {
  func.func @_warp_body(%arg0: i32, %arg1: i32, %arg2: memref<192x512x512xf32, #tpu.memory_space<hbm>>, %arg3: memref<1024x512xf32, #tpu.memory_space<hbm>>, %arg4: memref<192x512x512xf32, #tpu.memory_space<hbm>>, %arg5: memref<2x512xf32, #tpu.memory_space<vmem>>, %arg6: memref<512xi32, #tpu.memory_space<vmem>>, %arg7: memref<512xi32, #tpu.memory_space<vmem>>, %arg8: memref<512xf32, #tpu.memory_space<vmem>>, %arg9: memref<512xf32, #tpu.memory_space<vmem>>, %arg10: memref<48x512xf32, #tpu.memory_space<vmem>>, %arg11: memref<48x512xf32, #tpu.memory_space<vmem>>, %arg12: memref<48x512xf32, #tpu.memory_space<vmem>>, %arg13: memref<48x512xf32, #tpu.memory_space<vmem>>, %arg14: memref<!tpu.dma_semaphore, #tpu.memory_space<semaphore_mem>>, %arg15: memref<!tpu.dma_semaphore, #tpu.memory_space<semaphore_mem>>, %arg16: memref<!tpu.dma_semaphore, #tpu.memory_space<semaphore_mem>>, %arg17: memref<!tpu.dma_semaphore, #tpu.memory_space<semaphore_mem>>, %arg18: memref<!tpu.dma_semaphore, #tpu.memory_space<semaphore_mem>>) attributes {dimension_semantics = [#tpu.dimension_semantics<core_parallel>, #tpu.dimension_semantics<subcore_parallel>], iteration_bounds = array<i64: 2, 16>, scalar_prefetch = 0 : i64, scratch_operands = 14 : i64, tpu.core_type = #tpu.core_type<sc_vector_subcore>, window_params = [{transform_indices = #map}, {transform_indices = #map1}, {transform_indices = #map}]} {
    %mul3A = arith.constant 16 : i32
    %mul3A_0 = arith.muli %arg0, %mul3A : i32
    %add3A = arith.addi %mul3A_0, %arg1 : i32
    %jit3A = arith.constant 16 : i32
    %div3A = arith.divsi %add3A, %jit3A : i32
    %sign3A = arith.constant 0 : i32
    %sign3A_1 = arith.cmpi sgt, %add3A, %sign3A : i32
    %sign3A_2 = arith.extui %sign3A_1 : i1 to i32
    %sign3A_3 = arith.constant 0 : i32
    %sign3A_4 = arith.cmpi slt, %add3A, %sign3A_3 : i32
    %sign3A_5 = arith.extui %sign3A_4 : i1 to i32
    %sign3A_6 = arith.subi %sign3A_2, %sign3A_5 : i32
    %sign3A_7 = arith.constant 0 : i32
    %sign3A_8 = arith.cmpi sgt, %jit3A, %sign3A_7 : i32
    %sign3A_9 = arith.extui %sign3A_8 : i1 to i32
    %sign3A_10 = arith.constant 0 : i32
    %sign3A_11 = arith.cmpi slt, %jit3A, %sign3A_10 : i32
    %sign3A_12 = arith.extui %sign3A_11 : i1 to i32
    %sign3A_13 = arith.subi %sign3A_9, %sign3A_12 : i32
    %ne3A = arith.cmpi ne, %sign3A_6, %sign3A_13 : i32
    %rem3A = arith.remsi %add3A, %jit3A : i32
    %ne3A_14 = arith.constant 0 : i32
    %ne3A_15 = arith.cmpi ne, %rem3A, %ne3A_14 : i32
    %and3A = arith.andi %ne3A, %ne3A_15 : i1
    %sub3A = arith.constant 1 : i32
    %sub3A_16 = arith.subi %div3A, %sub3A : i32
    %select_n3A = arith.select %and3A, %sub3A_16, %div3A : i32
    %jit3A_17 = arith.constant 16 : i32
    %eq3A = arith.constant 0 : i32
    %eq3A_18 = arith.cmpi eq, %jit3A_17, %eq3A : i32
    %jit3A_19 = arith.constant 1 : i32
    %select_n3A_20 = arith.select %eq3A_18, %jit3A_19, %jit3A_17 : i32
    %rem3A_21 = arith.remsi %add3A, %select_n3A_20 : i32
    %ne3A_22 = arith.constant 0 : i32
    %ne3A_23 = arith.cmpi ne, %rem3A_21, %ne3A_22 : i32
    %lt3A = arith.constant 0 : i32
    %lt3A_24 = arith.cmpi slt, %rem3A_21, %lt3A : i32
    %lt3A_25 = arith.constant 0 : i32
    %lt3A_26 = arith.cmpi slt, %select_n3A_20, %lt3A_25 : i32
    %ne3A_27 = arith.xori %lt3A_24, %lt3A_26 : i1
    %and3A_28 = arith.andi %ne3A_27, %ne3A_23 : i1
    %add3A_29 = arith.addi %rem3A_21, %select_n3A_20 : i32
    %select_n3A_30 = arith.select %and3A_28, %add3A_29, %rem3A_21 : i32
    %mul3A_31 = arith.constant 32 : i32
    %mul3A_32 = arith.muli %select_n3A_30, %mul3A_31 : i32
    %mul3A_33 = arith.constant 32 : i32
    %mul3A_34 = arith.muli %add3A, %mul3A_33 : i32
    %add3A_35 = arith.constant 0 : i32
    %add3A_36 = arith.addi %mul3A_34, %add3A_35 : i32
    %dma_start3A = arith.constant 0 : i32
    %dma_start3A_37 = arith.constant 0 : i32
    %dma_start3A_38 = tpu.memref_slice %arg5[%dma_start3A, %dma_start3A_37] : memref<2x512xf32, #tpu.memory_space<vmem>> -> memref<1x512xf32, #tpu.memory_space<vmem>>
    %dma_start3A_39 = tpu.memref_squeeze %dma_start3A_38 : memref<1x512xf32, #tpu.memory_space<vmem>> -> memref<512xf32, #tpu.memory_space<vmem>>
    %dma_start3A_40 = arith.constant 0 : i32
    %dma_start3A_41 = tpu.memref_slice %arg3[%add3A_36, %dma_start3A_40] : memref<1024x512xf32, #tpu.memory_space<hbm>> -> memref<1x512xf32, #tpu.memory_space<hbm>>
    %dma_start3A_42 = tpu.memref_squeeze %dma_start3A_41 : memref<1x512xf32, #tpu.memory_space<hbm>> -> memref<512xf32, #tpu.memory_space<hbm>>
    %dma_start3A_43 = arith.constant 0 : i32
    %dma_start3A_44 = tpu.memref_slice %arg5[%dma_start3A, %dma_start3A_43] : memref<2x512xf32, #tpu.memory_space<vmem>> -> memref<1x512xf32, #tpu.memory_space<vmem>>
    %dma_start3A_45 = tpu.memref_squeeze %dma_start3A_44 : memref<1x512xf32, #tpu.memory_space<vmem>> -> memref<512xf32, #tpu.memory_space<vmem>>
    %dma_start3A_46 = arith.constant 0 : i32
    %dma_start3A_47 = tpu.memref_slice %arg3[%add3A_36, %dma_start3A_46] : memref<1024x512xf32, #tpu.memory_space<hbm>> -> memref<1x512xf32, #tpu.memory_space<hbm>>
    %dma_start3A_48 = tpu.memref_squeeze %dma_start3A_47 : memref<1x512xf32, #tpu.memory_space<hbm>> -> memref<512xf32, #tpu.memory_space<hbm>>
    tpu.enqueue_dma source(%dma_start3A_48 : memref<512xf32, #tpu.memory_space<hbm>>) target(%dma_start3A_45 : memref<512xf32, #tpu.memory_space<vmem>>) target_semaphore(%arg14 : memref<!tpu.dma_semaphore, #tpu.memory_space<semaphore_mem>>)
    %mul3A_49 = arith.constant 96 : i32
    %mul3A_50 = arith.muli %select_n3A, %mul3A_49 : i32
    %add3A_51 = arith.constant 0 : i32
    %add3A_52 = arith.addi %mul3A_50, %add3A_51 : i32
    %dma_start3A_53 = arith.constant 0 : i32
    %dma_start3A_54 = tpu.memref_slice %arg2[%add3A_52, %mul3A_32, %dma_start3A_53] : memref<192x512x512xf32, #tpu.memory_space<hbm>> -> memref<48x1x512xf32, #tpu.memory_space<hbm>>
    %dma_start3A_55 = tpu.memref_squeeze %dma_start3A_54 : memref<48x1x512xf32, #tpu.memory_space<hbm>> -> memref<48x512xf32, #tpu.memory_space<hbm>>
    %dma_start3A_56 = arith.constant 0 : i32
    %dma_start3A_57 = tpu.memref_slice %arg2[%add3A_52, %mul3A_32, %dma_start3A_56] : memref<192x512x512xf32, #tpu.memory_space<hbm>> -> memref<48x1x512xf32, #tpu.memory_space<hbm>>
    %dma_start3A_58 = tpu.memref_squeeze %dma_start3A_57 : memref<48x1x512xf32, #tpu.memory_space<hbm>> -> memref<48x512xf32, #tpu.memory_space<hbm>>
    tpu.enqueue_dma source(%dma_start3A_58 : memref<48x512xf32, #tpu.memory_space<hbm>>) target(%arg10 : memref<48x512xf32, #tpu.memory_space<vmem>>) target_semaphore(%arg15 : memref<!tpu.dma_semaphore, #tpu.memory_space<semaphore_mem>>)
    %scan3A = arith.constant 0 : i32
    %scan3A_59 = arith.constant 32 : i32
    %scan3A_60 = arith.addi %scan3A, %scan3A_59 : i32
    %scan3A_61 = arith.constant 1 : i32
    scf.for %scan3A_90 = %scan3A to %scan3A_60 step %scan3A_61  : i32 {
      %mul3A_91 = arith.constant 1 : i32
      %mul3A_92 = arith.muli %scan3A_90, %mul3A_91 : i32
      %add3A_93 = arith.constant 0 : i32
      %add3A_94 = arith.addi %add3A_93, %mul3A_92 : i32
      %add3A_95 = arith.addi %mul3A_32, %add3A_94 : i32
      %jit3A_96 = arith.constant 2 : i32
      %eq3A_97 = arith.constant 0 : i32
      %eq3A_98 = arith.cmpi eq, %jit3A_96, %eq3A_97 : i32
      %jit3A_99 = arith.constant 1 : i32
      %select_n3A_100 = arith.select %eq3A_98, %jit3A_99, %jit3A_96 : i32
      %rem3A_101 = arith.remsi %add3A_94, %select_n3A_100 : i32
      %ne3A_102 = arith.constant 0 : i32
      %ne3A_103 = arith.cmpi ne, %rem3A_101, %ne3A_102 : i32
      %lt3A_104 = arith.constant 0 : i32
      %lt3A_105 = arith.cmpi slt, %rem3A_101, %lt3A_104 : i32
      %lt3A_106 = arith.constant 0 : i32
      %lt3A_107 = arith.cmpi slt, %select_n3A_100, %lt3A_106 : i32
      %ne3A_108 = arith.xori %lt3A_105, %lt3A_107 : i1
      %and3A_109 = arith.andi %ne3A_108, %ne3A_103 : i1
      %add3A_110 = arith.addi %rem3A_101, %select_n3A_100 : i32
      %select_n3A_111 = arith.select %and3A_109, %add3A_110, %rem3A_101 : i32
      %add3A_112 = arith.addi %mul3A_34, %add3A_94 : i32
      %jit3A_113 = arith.constant 2 : i32
      %eq3A_114 = arith.constant 0 : i32
      %eq3A_115 = arith.cmpi eq, %jit3A_113, %eq3A_114 : i32
      %jit3A_116 = arith.constant 1 : i32
      %select_n3A_117 = arith.select %eq3A_115, %jit3A_116, %jit3A_113 : i32
      %rem3A_118 = arith.remsi %add3A_94, %select_n3A_117 : i32
      %ne3A_119 = arith.constant 0 : i32
      %ne3A_120 = arith.cmpi ne, %rem3A_118, %ne3A_119 : i32
      %lt3A_121 = arith.constant 0 : i32
      %lt3A_122 = arith.cmpi slt, %rem3A_118, %lt3A_121 : i32
      %lt3A_123 = arith.constant 0 : i32
      %lt3A_124 = arith.cmpi slt, %select_n3A_117, %lt3A_123 : i32
      %ne3A_125 = arith.xori %lt3A_122, %lt3A_124 : i1
      %and3A_126 = arith.andi %ne3A_125, %ne3A_120 : i1
      %add3A_127 = arith.addi %rem3A_118, %select_n3A_117 : i32
      %select_n3A_128 = arith.select %and3A_126, %add3A_127, %rem3A_118 : i32
      %dma_wait3A_129 = arith.constant 0 : i32
      %dma_wait3A_130 = tpu.memref_slice %arg5[%select_n3A_128, %dma_wait3A_129] : memref<2x512xf32, #tpu.memory_space<vmem>> -> memref<1x512xf32, #tpu.memory_space<vmem>>
      %dma_wait3A_131 = tpu.memref_squeeze %dma_wait3A_130 : memref<1x512xf32, #tpu.memory_space<vmem>> -> memref<512xf32, #tpu.memory_space<vmem>>
      %dma_wait3A_132 = arith.constant 0 : i32
      %dma_wait3A_133 = tpu.memref_slice %arg3[%add3A_112, %dma_wait3A_132] : memref<1024x512xf32, #tpu.memory_space<hbm>> -> memref<1x512xf32, #tpu.memory_space<hbm>>
      %dma_wait3A_134 = tpu.memref_squeeze %dma_wait3A_133 : memref<1x512xf32, #tpu.memory_space<hbm>> -> memref<512xf32, #tpu.memory_space<hbm>>
      %dma_wait3A_135 = arith.constant 0 : i32
      %dma_wait3A_136 = tpu.memref_slice %arg5[%select_n3A_128, %dma_wait3A_135] : memref<2x512xf32, #tpu.memory_space<vmem>> -> memref<1x512xf32, #tpu.memory_space<vmem>>
      %dma_wait3A_137 = tpu.memref_squeeze %dma_wait3A_136 : memref<1x512xf32, #tpu.memory_space<vmem>> -> memref<512xf32, #tpu.memory_space<vmem>>
      %dma_wait3A_138 = arith.constant 0 : i32
      %dma_wait3A_139 = tpu.memref_slice %arg3[%add3A_112, %dma_wait3A_138] : memref<1024x512xf32, #tpu.memory_space<hbm>> -> memref<1x512xf32, #tpu.memory_space<hbm>>
      %dma_wait3A_140 = tpu.memref_squeeze %dma_wait3A_139 : memref<1x512xf32, #tpu.memory_space<hbm>> -> memref<512xf32, #tpu.memory_space<hbm>>
      tpu.wait_dma2 semaphore(%arg14 : memref<!tpu.dma_semaphore, #tpu.memory_space<semaphore_mem>>) src(%dma_wait3A_140 : memref<512xf32, #tpu.memory_space<hbm>>) dst(%dma_wait3A_137 : memref<512xf32, #tpu.memory_space<vmem>>)
      %lt3A_141 = arith.constant 31 : i32
      %lt3A_142 = arith.cmpi slt, %add3A_94, %lt3A_141 : i32
      %convert_element_type3A = arith.extui %lt3A_142 : i1 to i32
      %cond3A = arith.constant 0 : i32
      %cond3A_143 = arith.cmpi ne, %convert_element_type3A, %cond3A : i32
      scf.if %cond3A_143 {
        %add3A_216 = arith.constant 1 : i32
        %add3A_217 = arith.addi %add3A_94, %add3A_216 : i32
        %add3A_218 = arith.addi %mul3A_34, %add3A_217 : i32
        %jit3A_219 = arith.constant 2 : i32
        %eq3A_220 = arith.constant 0 : i32
        %eq3A_221 = arith.cmpi eq, %jit3A_219, %eq3A_220 : i32
        %jit3A_222 = arith.constant 1 : i32
        %select_n3A_223 = arith.select %eq3A_221, %jit3A_222, %jit3A_219 : i32
        %rem3A_224 = arith.remsi %add3A_217, %select_n3A_223 : i32
        %ne3A_225 = arith.constant 0 : i32
        %ne3A_226 = arith.cmpi ne, %rem3A_224, %ne3A_225 : i32
        %lt3A_227 = arith.constant 0 : i32
        %lt3A_228 = arith.cmpi slt, %rem3A_224, %lt3A_227 : i32
        %lt3A_229 = arith.constant 0 : i32
        %lt3A_230 = arith.cmpi slt, %select_n3A_223, %lt3A_229 : i32
        %ne3A_231 = arith.xori %lt3A_228, %lt3A_230 : i1
        %and3A_232 = arith.andi %ne3A_231, %ne3A_226 : i1
        %add3A_233 = arith.addi %rem3A_224, %select_n3A_223 : i32
        %select_n3A_234 = arith.select %and3A_232, %add3A_233, %rem3A_224 : i32
        %dma_start3A_235 = arith.constant 0 : i32
        %dma_start3A_236 = tpu.memref_slice %arg5[%select_n3A_234, %dma_start3A_235] : memref<2x512xf32, #tpu.memory_space<vmem>> -> memref<1x512xf32, #tpu.memory_space<vmem>>
        %dma_start3A_237 = tpu.memref_squeeze %dma_start3A_236 : memref<1x512xf32, #tpu.memory_space<vmem>> -> memref<512xf32, #tpu.memory_space<vmem>>
        %dma_start3A_238 = arith.constant 0 : i32
        %dma_start3A_239 = tpu.memref_slice %arg3[%add3A_218, %dma_start3A_238] : memref<1024x512xf32, #tpu.memory_space<hbm>> -> memref<1x512xf32, #tpu.memory_space<hbm>>
        %dma_start3A_240 = tpu.memref_squeeze %dma_start3A_239 : memref<1x512xf32, #tpu.memory_space<hbm>> -> memref<512xf32, #tpu.memory_space<hbm>>
        %dma_start3A_241 = arith.constant 0 : i32
        %dma_start3A_242 = tpu.memref_slice %arg5[%select_n3A_234, %dma_start3A_241] : memref<2x512xf32, #tpu.memory_space<vmem>> -> memref<1x512xf32, #tpu.memory_space<vmem>>
        %dma_start3A_243 = tpu.memref_squeeze %dma_start3A_242 : memref<1x512xf32, #tpu.memory_space<vmem>> -> memref<512xf32, #tpu.memory_space<vmem>>
        %dma_start3A_244 = arith.constant 0 : i32
        %dma_start3A_245 = tpu.memref_slice %arg3[%add3A_218, %dma_start3A_244] : memref<1024x512xf32, #tpu.memory_space<hbm>> -> memref<1x512xf32, #tpu.memory_space<hbm>>
        %dma_start3A_246 = tpu.memref_squeeze %dma_start3A_245 : memref<1x512xf32, #tpu.memory_space<hbm>> -> memref<512xf32, #tpu.memory_space<hbm>>
        tpu.enqueue_dma source(%dma_start3A_246 : memref<512xf32, #tpu.memory_space<hbm>>) target(%dma_start3A_243 : memref<512xf32, #tpu.memory_space<vmem>>) target_semaphore(%arg14 : memref<!tpu.dma_semaphore, #tpu.memory_space<semaphore_mem>>)
      } else {
      }
      %parallel_loop3A = arith.constant 0 : i32
      %parallel_loop3A_144 = arith.constant 512 : i32
      %parallel_loop3A_145 = arith.constant 16 : i32
      scf.for %parallel_loop3A_216 = %parallel_loop3A to %parallel_loop3A_144 step %parallel_loop3A_145  : i32 {
        %parallel_loop3A_217 = tpu.iota {dimensions = array<i32: 0>} : vector<16xi32>
        %parallel_loop3A_218 = vector.broadcast %parallel_loop3A_216 : i32 to vector<16xi32>
        %parallel_loop3A_219 = arith.addi %parallel_loop3A_217, %parallel_loop3A_218 : vector<16xi32>
        %parallel_loop3A_220 = arith.sitofp %parallel_loop3A_219 : vector<16xi32> to vector<16xf32>
        %parallel_loop3A_221 = arith.index_cast %select_n3A_111 : i32 to index
        %parallel_loop3A_222 = arith.index_cast %parallel_loop3A_216 : i32 to index
        %parallel_loop3A_223 = tpu.vector_load %arg5[%parallel_loop3A_221, %parallel_loop3A_222] {strides = array<i32>} : memref<2x512xf32, #tpu.memory_space<vmem>>, vector<16xf32>,
        %parallel_loop3A_224 = arith.subf %parallel_loop3A_220, %parallel_loop3A_223 : vector<16xf32>
        %parallel_loop3A_225 = arith.constant -1.000000e+00 : f32
        %parallel_loop3A_226 = arith.constant 5.120000e+02 : f32
        %parallel_loop3A_227 = vector.broadcast %parallel_loop3A_225 : f32 to vector<16xf32>
        %parallel_loop3A_228 = arith.maximumf %parallel_loop3A_227, %parallel_loop3A_224 : vector<16xf32>
        %parallel_loop3A_229 = vector.broadcast %parallel_loop3A_226 : f32 to vector<16xf32>
        %parallel_loop3A_230 = arith.minimumf %parallel_loop3A_229, %parallel_loop3A_228 : vector<16xf32>
        %parallel_loop3A_231 = arith.constant 1.000000e+00 : f32
        %parallel_loop3A_232 = vector.broadcast %parallel_loop3A_231 : f32 to vector<16xf32>
        %parallel_loop3A_233 = arith.addf %parallel_loop3A_230, %parallel_loop3A_232 : vector<16xf32>
        %parallel_loop3A_234 = arith.fptosi %parallel_loop3A_233 : vector<16xf32> to vector<16xi32>
        %parallel_loop3A_235 = arith.sitofp %parallel_loop3A_234 : vector<16xi32> to vector<16xf32>
        %parallel_loop3A_236 = arith.subf %parallel_loop3A_233, %parallel_loop3A_235 : vector<16xf32>
        %parallel_loop3A_237 = arith.constant 0.000000e+00 : f32
        %parallel_loop3A_238 = vector.broadcast %parallel_loop3A_237 : f32 to vector<16xf32>
        %parallel_loop3A_239 = arith.cmpf ogt, %parallel_loop3A_236, %parallel_loop3A_238 : vector<16xf32>
        %parallel_loop3A_240 = arith.extui %parallel_loop3A_239 : vector<16xi1> to vector<16xi32>
        %parallel_loop3A_241 = arith.addi %parallel_loop3A_234, %parallel_loop3A_240 : vector<16xi32>
        %parallel_loop3A_242 = arith.constant 1 : i32
        %parallel_loop3A_243 = vector.broadcast %parallel_loop3A_242 : i32 to vector<16xi32>
        %parallel_loop3A_244 = arith.cmpi sge, %parallel_loop3A_234, %parallel_loop3A_243 : vector<16xi32>
        %parallel_loop3A_245 = arith.constant 512 : i32
        %parallel_loop3A_246 = vector.broadcast %parallel_loop3A_245 : i32 to vector<16xi32>
        %parallel_loop3A_247 = arith.cmpi sle, %parallel_loop3A_234, %parallel_loop3A_246 : vector<16xi32>
        %parallel_loop3A_248 = arith.andi %parallel_loop3A_244, %parallel_loop3A_247 : vector<16xi1>
        %parallel_loop3A_249 = arith.constant 1.000000e+00 : f32
        %parallel_loop3A_250 = vector.broadcast %parallel_loop3A_249 : f32 to vector<16xf32>
        %parallel_loop3A_251 = arith.subf %parallel_loop3A_250, %parallel_loop3A_236 : vector<16xf32>
        %parallel_loop3A_252 = arith.constant 0.000000e+00 : f32
        %parallel_loop3A_253 = vector.broadcast %parallel_loop3A_252 : f32 to vector<16xf32>
        %parallel_loop3A_254 = arith.select %parallel_loop3A_248, %parallel_loop3A_251, %parallel_loop3A_253 : vector<16xi1>, vector<16xf32>
        %parallel_loop3A_255 = arith.index_cast %parallel_loop3A_216 : i32 to index
        %parallel_loop3A_256 = tpu.vector_load %arg8[%parallel_loop3A_255] {strides = array<i32>} : memref<512xf32, #tpu.memory_space<vmem>>, vector<16xf32>,
        tpu.vector_store %arg8[%parallel_loop3A_255], %parallel_loop3A_254 {strides = array<i32>} : memref<512xf32, #tpu.memory_space<vmem>>, vector<16xf32>,
        %parallel_loop3A_257 = arith.constant 1 : i32
        %parallel_loop3A_258 = vector.broadcast %parallel_loop3A_257 : i32 to vector<16xi32>
        %parallel_loop3A_259 = arith.cmpi sge, %parallel_loop3A_241, %parallel_loop3A_258 : vector<16xi32>
        %parallel_loop3A_260 = arith.constant 512 : i32
        %parallel_loop3A_261 = vector.broadcast %parallel_loop3A_260 : i32 to vector<16xi32>
        %parallel_loop3A_262 = arith.cmpi sle, %parallel_loop3A_241, %parallel_loop3A_261 : vector<16xi32>
        %parallel_loop3A_263 = arith.andi %parallel_loop3A_259, %parallel_loop3A_262 : vector<16xi1>
        %parallel_loop3A_264 = arith.constant 0.000000e+00 : f32
        %parallel_loop3A_265 = vector.broadcast %parallel_loop3A_264 : f32 to vector<16xf32>
        %parallel_loop3A_266 = arith.select %parallel_loop3A_263, %parallel_loop3A_236, %parallel_loop3A_265 : vector<16xi1>, vector<16xf32>
        %parallel_loop3A_267 = arith.index_cast %parallel_loop3A_216 : i32 to index
        %parallel_loop3A_268 = tpu.vector_load %arg9[%parallel_loop3A_267] {strides = array<i32>} : memref<512xf32, #tpu.memory_space<vmem>>, vector<16xf32>,
        tpu.vector_store %arg9[%parallel_loop3A_267], %parallel_loop3A_266 {strides = array<i32>} : memref<512xf32, #tpu.memory_space<vmem>>, vector<16xf32>,
        %parallel_loop3A_269 = arith.constant 1 : i32
        %parallel_loop3A_270 = vector.broadcast %parallel_loop3A_269 : i32 to vector<16xi32>
        %parallel_loop3A_271 = arith.subi %parallel_loop3A_234, %parallel_loop3A_270 : vector<16xi32>
        %parallel_loop3A_272 = arith.constant 0 : i32
        %parallel_loop3A_273 = arith.constant 511 : i32
        %parallel_loop3A_274 = vector.broadcast %parallel_loop3A_272 : i32 to vector<16xi32>
        %parallel_loop3A_275 = arith.maxsi %parallel_loop3A_274, %parallel_loop3A_271 : vector<16xi32>
        %parallel_loop3A_276 = vector.broadcast %parallel_loop3A_273 : i32 to vector<16xi32>
        %parallel_loop3A_277 = arith.minsi %parallel_loop3A_276, %parallel_loop3A_275 : vector<16xi32>
        %parallel_loop3A_278 = arith.index_cast %parallel_loop3A_216 : i32 to index
        %parallel_loop3A_279 = tpu.vector_load %arg6[%parallel_loop3A_278] {strides = array<i32>} : memref<512xi32, #tpu.memory_space<vmem>>, vector<16xi32>,
        tpu.vector_store %arg6[%parallel_loop3A_278], %parallel_loop3A_277 {strides = array<i32>} : memref<512xi32, #tpu.memory_space<vmem>>, vector<16xi32>,
        %parallel_loop3A_280 = arith.constant 1 : i32
        %parallel_loop3A_281 = vector.broadcast %parallel_loop3A_280 : i32 to vector<16xi32>
        %parallel_loop3A_282 = arith.subi %parallel_loop3A_241, %parallel_loop3A_281 : vector<16xi32>
        %parallel_loop3A_283 = arith.constant 0 : i32
        %parallel_loop3A_284 = arith.constant 511 : i32
        %parallel_loop3A_285 = vector.broadcast %parallel_loop3A_283 : i32 to vector<16xi32>
        %parallel_loop3A_286 = arith.maxsi %parallel_loop3A_285, %parallel_loop3A_282 : vector<16xi32>
        %parallel_loop3A_287 = vector.broadcast %parallel_loop3A_284 : i32 to vector<16xi32>
        %parallel_loop3A_288 = arith.minsi %parallel_loop3A_287, %parallel_loop3A_286 : vector<16xi32>
        %parallel_loop3A_289 = arith.index_cast %parallel_loop3A_216 : i32 to index
        %parallel_loop3A_290 = tpu.vector_load %arg7[%parallel_loop3A_289] {strides = array<i32>} : memref<512xi32, #tpu.memory_space<vmem>>, vector<16xi32>,
        tpu.vector_store %arg7[%parallel_loop3A_289], %parallel_loop3A_288 {strides = array<i32>} : memref<512xi32, #tpu.memory_space<vmem>>, vector<16xi32>,
      } {sc.loop_unroll_factor = 2 : i64, sc.parallel_access}
      %mul3A_146 = arith.constant 96 : i32
      %mul3A_147 = arith.muli %select_n3A, %mul3A_146 : i32
      %add3A_148 = arith.constant 0 : i32
      %add3A_149 = arith.addi %mul3A_147, %add3A_148 : i32
      %dma_wait3A_150 = arith.constant 0 : i32
      %dma_wait3A_151 = tpu.memref_slice %arg2[%add3A_149, %add3A_95, %dma_wait3A_150] : memref<192x512x512xf32, #tpu.memory_space<hbm>> -> memref<48x1x512xf32, #tpu.memory_space<hbm>>
      %dma_wait3A_152 = tpu.memref_squeeze %dma_wait3A_151 : memref<48x1x512xf32, #tpu.memory_space<hbm>> -> memref<48x512xf32, #tpu.memory_space<hbm>>
      %dma_wait3A_153 = arith.constant 0 : i32
      %dma_wait3A_154 = tpu.memref_slice %arg2[%add3A_149, %add3A_95, %dma_wait3A_153] : memref<192x512x512xf32, #tpu.memory_space<hbm>> -> memref<48x1x512xf32, #tpu.memory_space<hbm>>
      %dma_wait3A_155 = tpu.memref_squeeze %dma_wait3A_154 : memref<48x1x512xf32, #tpu.memory_space<hbm>> -> memref<48x512xf32, #tpu.memory_space<hbm>>
      tpu.wait_dma2 semaphore(%arg15 : memref<!tpu.dma_semaphore, #tpu.memory_space<semaphore_mem>>) src(%dma_wait3A_155 : memref<48x512xf32, #tpu.memory_space<hbm>>) dst(%arg10 : memref<48x512xf32, #tpu.memory_space<vmem>>)
      %mul3A_156 = arith.constant 96 : i32
      %mul3A_157 = arith.muli %select_n3A, %mul3A_156 : i32
      %add3A_158 = arith.constant 48 : i32
      %add3A_159 = arith.addi %mul3A_157, %add3A_158 : i32
      %dma_start3A_160 = arith.constant 0 : i32
      %dma_start3A_161 = tpu.memref_slice %arg2[%add3A_159, %add3A_95, %dma_start3A_160] : memref<192x512x512xf32, #tpu.memory_space<hbm>> -> memref<48x1x512xf32, #tpu.memory_space<hbm>>
      %dma_start3A_162 = tpu.memref_squeeze %dma_start3A_161 : memref<48x1x512xf32, #tpu.memory_space<hbm>> -> memref<48x512xf32, #tpu.memory_space<hbm>>
      %dma_start3A_163 = arith.constant 0 : i32
      %dma_start3A_164 = tpu.memref_slice %arg2[%add3A_159, %add3A_95, %dma_start3A_163] : memref<192x512x512xf32, #tpu.memory_space<hbm>> -> memref<48x1x512xf32, #tpu.memory_space<hbm>>
      %dma_start3A_165 = tpu.memref_squeeze %dma_start3A_164 : memref<48x1x512xf32, #tpu.memory_space<hbm>> -> memref<48x512xf32, #tpu.memory_space<hbm>>
      tpu.enqueue_dma source(%dma_start3A_165 : memref<48x512xf32, #tpu.memory_space<hbm>>) target(%arg11 : memref<48x512xf32, #tpu.memory_space<vmem>>) target_semaphore(%arg16 : memref<!tpu.dma_semaphore, #tpu.memory_space<semaphore_mem>>)
      %gt3A = arith.constant 0 : i32
      %gt3A_166 = arith.cmpi sgt, %add3A_94, %gt3A : i32
      %convert_element_type3A_167 = arith.extui %gt3A_166 : i1 to i32
      %cond3A_168 = arith.constant 0 : i32
      %cond3A_169 = arith.cmpi ne, %convert_element_type3A_167, %cond3A_168 : i32
      scf.if %cond3A_169 {
        %sub3A_216 = arith.constant 1 : i32
        %sub3A_217 = arith.subi %add3A_95, %sub3A_216 : i32
        %mul3A_218 = arith.constant 96 : i32
        %mul3A_219 = arith.muli %select_n3A, %mul3A_218 : i32
        %add3A_220 = arith.constant 0 : i32
        %add3A_221 = arith.addi %mul3A_219, %add3A_220 : i32
        %dma_wait3A_222 = arith.constant 0 : i32
        %dma_wait3A_223 = tpu.memref_slice %arg4[%add3A_221, %sub3A_217, %dma_wait3A_222] : memref<192x512x512xf32, #tpu.memory_space<hbm>> -> memref<48x1x512xf32, #tpu.memory_space<hbm>>
        %dma_wait3A_224 = tpu.memref_squeeze %dma_wait3A_223 : memref<48x1x512xf32, #tpu.memory_space<hbm>> -> memref<48x512xf32, #tpu.memory_space<hbm>>
        %dma_wait3A_225 = arith.constant 0 : i32
        %dma_wait3A_226 = tpu.memref_slice %arg4[%add3A_221, %sub3A_217, %dma_wait3A_225] : memref<192x512x512xf32, #tpu.memory_space<hbm>> -> memref<48x1x512xf32, #tpu.memory_space<hbm>>
        %dma_wait3A_227 = tpu.memref_squeeze %dma_wait3A_226 : memref<48x1x512xf32, #tpu.memory_space<hbm>> -> memref<48x512xf32, #tpu.memory_space<hbm>>
        tpu.wait_dma2 semaphore(%arg17 : memref<!tpu.dma_semaphore, #tpu.memory_space<semaphore_mem>>) src(%arg12 : memref<48x512xf32, #tpu.memory_space<vmem>>) dst(%dma_wait3A_227 : memref<48x512xf32, #tpu.memory_space<hbm>>)
      } else {
      }
      %parallel_loop3A_170 = arith.constant 0 : i32
      %parallel_loop3A_171 = arith.constant 512 : i32
      %parallel_loop3A_172 = arith.constant 16 : i32
      scf.for %parallel_loop3A_216 = %parallel_loop3A_170 to %parallel_loop3A_171 step %parallel_loop3A_172  : i32 {
        %parallel_loop3A_217 = arith.index_cast %parallel_loop3A_216 : i32 to index
        %parallel_loop3A_218 = tpu.vector_load %arg6[%parallel_loop3A_217] {strides = array<i32>} : memref<512xi32, #tpu.memory_space<vmem>>, vector<16xi32>,
        %parallel_loop3A_219 = arith.index_cast %parallel_loop3A_216 : i32 to index
        %parallel_loop3A_220 = tpu.vector_load %arg7[%parallel_loop3A_219] {strides = array<i32>} : memref<512xi32, #tpu.memory_space<vmem>>, vector<16xi32>,
        %parallel_loop3A_221 = arith.index_cast %parallel_loop3A_216 : i32 to index
        %parallel_loop3A_222 = tpu.vector_load %arg8[%parallel_loop3A_221] {strides = array<i32>} : memref<512xf32, #tpu.memory_space<vmem>>, vector<16xf32>,
        %parallel_loop3A_223 = arith.index_cast %parallel_loop3A_216 : i32 to index
        %parallel_loop3A_224 = tpu.vector_load %arg9[%parallel_loop3A_223] {strides = array<i32>} : memref<512xf32, #tpu.memory_space<vmem>>, vector<16xf32>,
        %parallel_loop3A_225 = arith.constant 0 : i32
        %parallel_loop3A_226 = vector.broadcast %parallel_loop3A_225 : i32 to vector<16xi32>
        %parallel_loop3A_227 = tpu.vector_load_idx %arg10[%parallel_loop3A_226, %parallel_loop3A_218] : memref<48x512xf32, #tpu.memory_space<vmem>>[vector<16xi32>, vector<16xi32>], vector<16xf32>,
        %parallel_loop3A_228 = tpu.vector_load_idx %arg10[%parallel_loop3A_226, %parallel_loop3A_220] : memref<48x512xf32, #tpu.memory_space<vmem>>[vector<16xi32>, vector<16xi32>], vector<16xf32>,
        %parallel_loop3A_229 = arith.constant 1 : i32
        %parallel_loop3A_230 = vector.broadcast %parallel_loop3A_229 : i32 to vector<16xi32>
        %parallel_loop3A_231 = tpu.vector_load_idx %arg10[%parallel_loop3A_230, %parallel_loop3A_218] : memref<48x512xf32, #tpu.memory_space<vmem>>[vector<16xi32>, vector<16xi32>], vector<16xf32>,
        %parallel_loop3A_232 = tpu.vector_load_idx %arg10[%parallel_loop3A_230, %parallel_loop3A_220] : memref<48x512xf32, #tpu.memory_space<vmem>>[vector<16xi32>, vector<16xi32>], vector<16xf32>,
        %parallel_loop3A_233 = arith.constant 2 : i32
        %parallel_loop3A_234 = vector.broadcast %parallel_loop3A_233 : i32 to vector<16xi32>
        %parallel_loop3A_235 = tpu.vector_load_idx %arg10[%parallel_loop3A_234, %parallel_loop3A_218] : memref<48x512xf32, #tpu.memory_space<vmem>>[vector<16xi32>, vector<16xi32>], vector<16xf32>,
        %parallel_loop3A_236 = tpu.vector_load_idx %arg10[%parallel_loop3A_234, %parallel_loop3A_220] : memref<48x512xf32, #tpu.memory_space<vmem>>[vector<16xi32>, vector<16xi32>], vector<16xf32>,
        %parallel_loop3A_237 = arith.constant 3 : i32
        %parallel_loop3A_238 = vector.broadcast %parallel_loop3A_237 : i32 to vector<16xi32>
        %parallel_loop3A_239 = tpu.vector_load_idx %arg10[%parallel_loop3A_238, %parallel_loop3A_218] : memref<48x512xf32, #tpu.memory_space<vmem>>[vector<16xi32>, vector<16xi32>], vector<16xf32>,
        %parallel_loop3A_240 = tpu.vector_load_idx %arg10[%parallel_loop3A_238, %parallel_loop3A_220] : memref<48x512xf32, #tpu.memory_space<vmem>>[vector<16xi32>, vector<16xi32>], vector<16xf32>,
        %parallel_loop3A_241 = arith.constant 4 : i32
        %parallel_loop3A_242 = vector.broadcast %parallel_loop3A_241 : i32 to vector<16xi32>
        %parallel_loop3A_243 = tpu.vector_load_idx %arg10[%parallel_loop3A_242, %parallel_loop3A_218] : memref<48x512xf32, #tpu.memory_space<vmem>>[vector<16xi32>, vector<16xi32>], vector<16xf32>,
        %parallel_loop3A_244 = tpu.vector_load_idx %arg10[%parallel_loop3A_242, %parallel_loop3A_220] : memref<48x512xf32, #tpu.memory_space<vmem>>[vector<16xi32>, vector<16xi32>], vector<16xf32>,
        %parallel_loop3A_245 = arith.constant 5 : i32
        %parallel_loop3A_246 = vector.broadcast %parallel_loop3A_245 : i32 to vector<16xi32>
        %parallel_loop3A_247 = tpu.vector_load_idx %arg10[%parallel_loop3A_246, %parallel_loop3A_218] : memref<48x512xf32, #tpu.memory_space<vmem>>[vector<16xi32>, vector<16xi32>], vector<16xf32>,
        %parallel_loop3A_248 = tpu.vector_load_idx %arg10[%parallel_loop3A_246, %parallel_loop3A_220] : memref<48x512xf32, #tpu.memory_space<vmem>>[vector<16xi32>, vector<16xi32>], vector<16xf32>,
        %parallel_loop3A_249 = arith.constant 6 : i32
        %parallel_loop3A_250 = vector.broadcast %parallel_loop3A_249 : i32 to vector<16xi32>
        %parallel_loop3A_251 = tpu.vector_load_idx %arg10[%parallel_loop3A_250, %parallel_loop3A_218] : memref<48x512xf32, #tpu.memory_space<vmem>>[vector<16xi32>, vector<16xi32>], vector<16xf32>,
        %parallel_loop3A_252 = tpu.vector_load_idx %arg10[%parallel_loop3A_250, %parallel_loop3A_220] : memref<48x512xf32, #tpu.memory_space<vmem>>[vector<16xi32>, vector<16xi32>], vector<16xf32>,
        %parallel_loop3A_253 = arith.constant 7 : i32
        %parallel_loop3A_254 = vector.broadcast %parallel_loop3A_253 : i32 to vector<16xi32>
        %parallel_loop3A_255 = tpu.vector_load_idx %arg10[%parallel_loop3A_254, %parallel_loop3A_218] : memref<48x512xf32, #tpu.memory_space<vmem>>[vector<16xi32>, vector<16xi32>], vector<16xf32>,
        %parallel_loop3A_256 = tpu.vector_load_idx %arg10[%parallel_loop3A_254, %parallel_loop3A_220] : memref<48x512xf32, #tpu.memory_space<vmem>>[vector<16xi32>, vector<16xi32>], vector<16xf32>,
        %parallel_loop3A_257 = arith.mulf %parallel_loop3A_222, %parallel_loop3A_227 : vector<16xf32>
        %parallel_loop3A_258 = arith.mulf %parallel_loop3A_224, %parallel_loop3A_228 : vector<16xf32>
        %parallel_loop3A_259 = arith.addf %parallel_loop3A_257, %parallel_loop3A_258 : vector<16xf32>
        %parallel_loop3A_260 = arith.constant 0 : i32
        %parallel_loop3A_261 = arith.index_cast %parallel_loop3A_260 : i32 to index
        %parallel_loop3A_262 = arith.index_cast %parallel_loop3A_216 : i32 to index
        %parallel_loop3A_263 = tpu.vector_load %arg12[%parallel_loop3A_261, %parallel_loop3A_262] {strides = array<i32>} : memref<48x512xf32, #tpu.memory_space<vmem>>, vector<16xf32>,
        tpu.vector_store %arg12[%parallel_loop3A_261, %parallel_loop3A_262], %parallel_loop3A_259 {strides = array<i32>} : memref<48x512xf32, #tpu.memory_space<vmem>>, vector<16xf32>,
        %parallel_loop3A_264 = arith.mulf %parallel_loop3A_222, %parallel_loop3A_231 : vector<16xf32>
        %parallel_loop3A_265 = arith.mulf %parallel_loop3A_224, %parallel_loop3A_232 : vector<16xf32>
        %parallel_loop3A_266 = arith.addf %parallel_loop3A_264, %parallel_loop3A_265 : vector<16xf32>
        %parallel_loop3A_267 = arith.constant 1 : i32
        %parallel_loop3A_268 = arith.index_cast %parallel_loop3A_267 : i32 to index
        %parallel_loop3A_269 = arith.index_cast %parallel_loop3A_216 : i32 to index
        %parallel_loop3A_270 = tpu.vector_load %arg12[%parallel_loop3A_268, %parallel_loop3A_269] {strides = array<i32>} : memref<48x512xf32, #tpu.memory_space<vmem>>, vector<16xf32>,
        tpu.vector_store %arg12[%parallel_loop3A_268, %parallel_loop3A_269], %parallel_loop3A_266 {strides = array<i32>} : memref<48x512xf32, #tpu.memory_space<vmem>>, vector<16xf32>,
        %parallel_loop3A_271 = arith.mulf %parallel_loop3A_222, %parallel_loop3A_235 : vector<16xf32>
        %parallel_loop3A_272 = arith.mulf %parallel_loop3A_224, %parallel_loop3A_236 : vector<16xf32>
        %parallel_loop3A_273 = arith.addf %parallel_loop3A_271, %parallel_loop3A_272 : vector<16xf32>
        %parallel_loop3A_274 = arith.constant 2 : i32
        %parallel_loop3A_275 = arith.index_cast %parallel_loop3A_274 : i32 to index
        %parallel_loop3A_276 = arith.index_cast %parallel_loop3A_216 : i32 to index
        %parallel_loop3A_277 = tpu.vector_load %arg12[%parallel_loop3A_275, %parallel_loop3A_276] {strides = array<i32>} : memref<48x512xf32, #tpu.memory_space<vmem>>, vector<16xf32>,
        tpu.vector_store %arg12[%parallel_loop3A_275, %parallel_loop3A_276], %parallel_loop3A_273 {strides = array<i32>} : memref<48x512xf32, #tpu.memory_space<vmem>>, vector<16xf32>,
        %parallel_loop3A_278 = arith.mulf %parallel_loop3A_222, %parallel_loop3A_239 : vector<16xf32>
        %parallel_loop3A_279 = arith.mulf %parallel_loop3A_224, %parallel_loop3A_240 : vector<16xf32>
        %parallel_loop3A_280 = arith.addf %parallel_loop3A_278, %parallel_loop3A_279 : vector<16xf32>
        %parallel_loop3A_281 = arith.constant 3 : i32
        %parallel_loop3A_282 = arith.index_cast %parallel_loop3A_281 : i32 to index
        %parallel_loop3A_283 = arith.index_cast %parallel_loop3A_216 : i32 to index
        %parallel_loop3A_284 = tpu.vector_load %arg12[%parallel_loop3A_282, %parallel_loop3A_283] {strides = array<i32>} : memref<48x512xf32, #tpu.memory_space<vmem>>, vector<16xf32>,
        tpu.vector_store %arg12[%parallel_loop3A_282, %parallel_loop3A_283], %parallel_loop3A_280 {strides = array<i32>} : memref<48x512xf32, #tpu.memory_space<vmem>>, vector<16xf32>,
        %parallel_loop3A_285 = arith.mulf %parallel_loop3A_222, %parallel_loop3A_243 : vector<16xf32>
        %parallel_loop3A_286 = arith.mulf %parallel_loop3A_224, %parallel_loop3A_244 : vector<16xf32>
        %parallel_loop3A_287 = arith.addf %parallel_loop3A_285, %parallel_loop3A_286 : vector<16xf32>
        %parallel_loop3A_288 = arith.constant 4 : i32
        %parallel_loop3A_289 = arith.index_cast %parallel_loop3A_288 : i32 to index
        %parallel_loop3A_290 = arith.index_cast %parallel_loop3A_216 : i32 to index
        %parallel_loop3A_291 = tpu.vector_load %arg12[%parallel_loop3A_289, %parallel_loop3A_290] {strides = array<i32>} : memref<48x512xf32, #tpu.memory_space<vmem>>, vector<16xf32>,
        tpu.vector_store %arg12[%parallel_loop3A_289, %parallel_loop3A_290], %parallel_loop3A_287 {strides = array<i32>} : memref<48x512xf32, #tpu.memory_space<vmem>>, vector<16xf32>,
        %parallel_loop3A_292 = arith.mulf %parallel_loop3A_222, %parallel_loop3A_247 : vector<16xf32>
        %parallel_loop3A_293 = arith.mulf %parallel_loop3A_224, %parallel_loop3A_248 : vector<16xf32>
        %parallel_loop3A_294 = arith.addf %parallel_loop3A_292, %parallel_loop3A_293 : vector<16xf32>
        %parallel_loop3A_295 = arith.constant 5 : i32
        %parallel_loop3A_296 = arith.index_cast %parallel_loop3A_295 : i32 to index
        %parallel_loop3A_297 = arith.index_cast %parallel_loop3A_216 : i32 to index
        %parallel_loop3A_298 = tpu.vector_load %arg12[%parallel_loop3A_296, %parallel_loop3A_297] {strides = array<i32>} : memref<48x512xf32, #tpu.memory_space<vmem>>, vector<16xf32>,
        tpu.vector_store %arg12[%parallel_loop3A_296, %parallel_loop3A_297], %parallel_loop3A_294 {strides = array<i32>} : memref<48x512xf32, #tpu.memory_space<vmem>>, vector<16xf32>,
        %parallel_loop3A_299 = arith.mulf %parallel_loop3A_222, %parallel_loop3A_251 : vector<16xf32>
        %parallel_loop3A_300 = arith.mulf %parallel_loop3A_224, %parallel_loop3A_252 : vector<16xf32>
        %parallel_loop3A_301 = arith.addf %parallel_loop3A_299, %parallel_loop3A_300 : vector<16xf32>
        %parallel_loop3A_302 = arith.constant 6 : i32
        %parallel_loop3A_303 = arith.index_cast %parallel_loop3A_302 : i32 to index
        %parallel_loop3A_304 = arith.index_cast %parallel_loop3A_216 : i32 to index
        %parallel_loop3A_305 = tpu.vector_load %arg12[%parallel_loop3A_303, %parallel_loop3A_304] {strides = array<i32>} : memref<48x512xf32, #tpu.memory_space<vmem>>, vector<16xf32>,
        tpu.vector_store %arg12[%parallel_loop3A_303, %parallel_loop3A_304], %parallel_loop3A_301 {strides = array<i32>} : memref<48x512xf32, #tpu.memory_space<vmem>>, vector<16xf32>,
        %parallel_loop3A_306 = arith.mulf %parallel_loop3A_222, %parallel_loop3A_255 : vector<16xf32>
        %parallel_loop3A_307 = arith.mulf %parallel_loop3A_224, %parallel_loop3A_256 : vector<16xf32>
        %parallel_loop3A_308 = arith.addf %parallel_loop3A_306, %parallel_loop3A_307 : vector<16xf32>
        %parallel_loop3A_309 = arith.constant 7 : i32
        %parallel_loop3A_310 = arith.index_cast %parallel_loop3A_309 : i32 to index
        %parallel_loop3A_311 = arith.index_cast %parallel_loop3A_216 : i32 to index
        %parallel_loop3A_312 = tpu.vector_load %arg12[%parallel_loop3A_310, %parallel_loop3A_311] {strides = array<i32>} : memref<48x512xf32, #tpu.memory_space<vmem>>, vector<16xf32>,
        tpu.vector_store %arg12[%parallel_loop3A_310, %parallel_loop3A_311], %parallel_loop3A_308 {strides = array<i32>} : memref<48x512xf32, #tpu.memory_space<vmem>>, vector<16xf32>,
        %parallel_loop3A_313 = arith.constant 8 : i32
        %parallel_loop3A_314 = vector.broadcast %parallel_loop3A_313 : i32 to vector<16xi32>
        %parallel_loop3A_315 = tpu.vector_load_idx %arg10[%parallel_loop3A_314, %parallel_loop3A_218] : memref<48x512xf32, #tpu.memory_space<vmem>>[vector<16xi32>, vector<16xi32>], vector<16xf32>,
        %parallel_loop3A_316 = tpu.vector_load_idx %arg10[%parallel_loop3A_314, %parallel_loop3A_220] : memref<48x512xf32, #tpu.memory_space<vmem>>[vector<16xi32>, vector<16xi32>], vector<16xf32>,
        %parallel_loop3A_317 = arith.constant 9 : i32
        %parallel_loop3A_318 = vector.broadcast %parallel_loop3A_317 : i32 to vector<16xi32>
        %parallel_loop3A_319 = tpu.vector_load_idx %arg10[%parallel_loop3A_318, %parallel_loop3A_218] : memref<48x512xf32, #tpu.memory_space<vmem>>[vector<16xi32>, vector<16xi32>], vector<16xf32>,
        %parallel_loop3A_320 = tpu.vector_load_idx %arg10[%parallel_loop3A_318, %parallel_loop3A_220] : memref<48x512xf32, #tpu.memory_space<vmem>>[vector<16xi32>, vector<16xi32>], vector<16xf32>,
        %parallel_loop3A_321 = arith.constant 10 : i32
        %parallel_loop3A_322 = vector.broadcast %parallel_loop3A_321 : i32 to vector<16xi32>
        %parallel_loop3A_323 = tpu.vector_load_idx %arg10[%parallel_loop3A_322, %parallel_loop3A_218] : memref<48x512xf32, #tpu.memory_space<vmem>>[vector<16xi32>, vector<16xi32>], vector<16xf32>,
        %parallel_loop3A_324 = tpu.vector_load_idx %arg10[%parallel_loop3A_322, %parallel_loop3A_220] : memref<48x512xf32, #tpu.memory_space<vmem>>[vector<16xi32>, vector<16xi32>], vector<16xf32>,
        %parallel_loop3A_325 = arith.constant 11 : i32
        %parallel_loop3A_326 = vector.broadcast %parallel_loop3A_325 : i32 to vector<16xi32>
        %parallel_loop3A_327 = tpu.vector_load_idx %arg10[%parallel_loop3A_326, %parallel_loop3A_218] : memref<48x512xf32, #tpu.memory_space<vmem>>[vector<16xi32>, vector<16xi32>], vector<16xf32>,
        %parallel_loop3A_328 = tpu.vector_load_idx %arg10[%parallel_loop3A_326, %parallel_loop3A_220] : memref<48x512xf32, #tpu.memory_space<vmem>>[vector<16xi32>, vector<16xi32>], vector<16xf32>,
        %parallel_loop3A_329 = arith.constant 12 : i32
        %parallel_loop3A_330 = vector.broadcast %parallel_loop3A_329 : i32 to vector<16xi32>
        %parallel_loop3A_331 = tpu.vector_load_idx %arg10[%parallel_loop3A_330, %parallel_loop3A_218] : memref<48x512xf32, #tpu.memory_space<vmem>>[vector<16xi32>, vector<16xi32>], vector<16xf32>,
        %parallel_loop3A_332 = tpu.vector_load_idx %arg10[%parallel_loop3A_330, %parallel_loop3A_220] : memref<48x512xf32, #tpu.memory_space<vmem>>[vector<16xi32>, vector<16xi32>], vector<16xf32>,
        %parallel_loop3A_333 = arith.constant 13 : i32
        %parallel_loop3A_334 = vector.broadcast %parallel_loop3A_333 : i32 to vector<16xi32>
        %parallel_loop3A_335 = tpu.vector_load_idx %arg10[%parallel_loop3A_334, %parallel_loop3A_218] : memref<48x512xf32, #tpu.memory_space<vmem>>[vector<16xi32>, vector<16xi32>], vector<16xf32>,
        %parallel_loop3A_336 = tpu.vector_load_idx %arg10[%parallel_loop3A_334, %parallel_loop3A_220] : memref<48x512xf32, #tpu.memory_space<vmem>>[vector<16xi32>, vector<16xi32>], vector<16xf32>,
        %parallel_loop3A_337 = arith.constant 14 : i32
        %parallel_loop3A_338 = vector.broadcast %parallel_loop3A_337 : i32 to vector<16xi32>
        %parallel_loop3A_339 = tpu.vector_load_idx %arg10[%parallel_loop3A_338, %parallel_loop3A_218] : memref<48x512xf32, #tpu.memory_space<vmem>>[vector<16xi32>, vector<16xi32>], vector<16xf32>,
        %parallel_loop3A_340 = tpu.vector_load_idx %arg10[%parallel_loop3A_338, %parallel_loop3A_220] : memref<48x512xf32, #tpu.memory_space<vmem>>[vector<16xi32>, vector<16xi32>], vector<16xf32>,
        %parallel_loop3A_341 = arith.constant 15 : i32
        %parallel_loop3A_342 = vector.broadcast %parallel_loop3A_341 : i32 to vector<16xi32>
        %parallel_loop3A_343 = tpu.vector_load_idx %arg10[%parallel_loop3A_342, %parallel_loop3A_218] : memref<48x512xf32, #tpu.memory_space<vmem>>[vector<16xi32>, vector<16xi32>], vector<16xf32>,
        %parallel_loop3A_344 = tpu.vector_load_idx %arg10[%parallel_loop3A_342, %parallel_loop3A_220] : memref<48x512xf32, #tpu.memory_space<vmem>>[vector<16xi32>, vector<16xi32>], vector<16xf32>,
        %parallel_loop3A_345 = arith.mulf %parallel_loop3A_222, %parallel_loop3A_315 : vector<16xf32>
        %parallel_loop3A_346 = arith.mulf %parallel_loop3A_224, %parallel_loop3A_316 : vector<16xf32>
        %parallel_loop3A_347 = arith.addf %parallel_loop3A_345, %parallel_loop3A_346 : vector<16xf32>
        %parallel_loop3A_348 = arith.constant 8 : i32
        %parallel_loop3A_349 = arith.index_cast %parallel_loop3A_348 : i32 to index
        %parallel_loop3A_350 = arith.index_cast %parallel_loop3A_216 : i32 to index
        %parallel_loop3A_351 = tpu.vector_load %arg12[%parallel_loop3A_349, %parallel_loop3A_350] {strides = array<i32>} : memref<48x512xf32, #tpu.memory_space<vmem>>, vector<16xf32>,
        tpu.vector_store %arg12[%parallel_loop3A_349, %parallel_loop3A_350], %parallel_loop3A_347 {strides = array<i32>} : memref<48x512xf32, #tpu.memory_space<vmem>>, vector<16xf32>,
        %parallel_loop3A_352 = arith.mulf %parallel_loop3A_222, %parallel_loop3A_319 : vector<16xf32>
        %parallel_loop3A_353 = arith.mulf %parallel_loop3A_224, %parallel_loop3A_320 : vector<16xf32>
        %parallel_loop3A_354 = arith.addf %parallel_loop3A_352, %parallel_loop3A_353 : vector<16xf32>
        %parallel_loop3A_355 = arith.constant 9 : i32
        %parallel_loop3A_356 = arith.index_cast %parallel_loop3A_355 : i32 to index
        %parallel_loop3A_357 = arith.index_cast %parallel_loop3A_216 : i32 to index
        %parallel_loop3A_358 = tpu.vector_load %arg12[%parallel_loop3A_356, %parallel_loop3A_357] {strides = array<i32>} : memref<48x512xf32, #tpu.memory_space<vmem>>, vector<16xf32>,
        tpu.vector_store %arg12[%parallel_loop3A_356, %parallel_loop3A_357], %parallel_loop3A_354 {strides = array<i32>} : memref<48x512xf32, #tpu.memory_space<vmem>>, vector<16xf32>,
        %parallel_loop3A_359 = arith.mulf %parallel_loop3A_222, %parallel_loop3A_323 : vector<16xf32>
        %parallel_loop3A_360 = arith.mulf %parallel_loop3A_224, %parallel_loop3A_324 : vector<16xf32>
        %parallel_loop3A_361 = arith.addf %parallel_loop3A_359, %parallel_loop3A_360 : vector<16xf32>
        %parallel_loop3A_362 = arith.constant 10 : i32
        %parallel_loop3A_363 = arith.index_cast %parallel_loop3A_362 : i32 to index
        %parallel_loop3A_364 = arith.index_cast %parallel_loop3A_216 : i32 to index
        %parallel_loop3A_365 = tpu.vector_load %arg12[%parallel_loop3A_363, %parallel_loop3A_364] {strides = array<i32>} : memref<48x512xf32, #tpu.memory_space<vmem>>, vector<16xf32>,
        tpu.vector_store %arg12[%parallel_loop3A_363, %parallel_loop3A_364], %parallel_loop3A_361 {strides = array<i32>} : memref<48x512xf32, #tpu.memory_space<vmem>>, vector<16xf32>,
        %parallel_loop3A_366 = arith.mulf %parallel_loop3A_222, %parallel_loop3A_327 : vector<16xf32>
        %parallel_loop3A_367 = arith.mulf %parallel_loop3A_224, %parallel_loop3A_328 : vector<16xf32>
        %parallel_loop3A_368 = arith.addf %parallel_loop3A_366, %parallel_loop3A_367 : vector<16xf32>
        %parallel_loop3A_369 = arith.constant 11 : i32
        %parallel_loop3A_370 = arith.index_cast %parallel_loop3A_369 : i32 to index
        %parallel_loop3A_371 = arith.index_cast %parallel_loop3A_216 : i32 to index
        %parallel_loop3A_372 = tpu.vector_load %arg12[%parallel_loop3A_370, %parallel_loop3A_371] {strides = array<i32>} : memref<48x512xf32, #tpu.memory_space<vmem>>, vector<16xf32>,
        tpu.vector_store %arg12[%parallel_loop3A_370, %parallel_loop3A_371], %parallel_loop3A_368 {strides = array<i32>} : memref<48x512xf32, #tpu.memory_space<vmem>>, vector<16xf32>,
        %parallel_loop3A_373 = arith.mulf %parallel_loop3A_222, %parallel_loop3A_331 : vector<16xf32>
        %parallel_loop3A_374 = arith.mulf %parallel_loop3A_224, %parallel_loop3A_332 : vector<16xf32>
        %parallel_loop3A_375 = arith.addf %parallel_loop3A_373, %parallel_loop3A_374 : vector<16xf32>
        %parallel_loop3A_376 = arith.constant 12 : i32
        %parallel_loop3A_377 = arith.index_cast %parallel_loop3A_376 : i32 to index
        %parallel_loop3A_378 = arith.index_cast %parallel_loop3A_216 : i32 to index
        %parallel_loop3A_379 = tpu.vector_load %arg12[%parallel_loop3A_377, %parallel_loop3A_378] {strides = array<i32>} : memref<48x512xf32, #tpu.memory_space<vmem>>, vector<16xf32>,
        tpu.vector_store %arg12[%parallel_loop3A_377, %parallel_loop3A_378], %parallel_loop3A_375 {strides = array<i32>} : memref<48x512xf32, #tpu.memory_space<vmem>>, vector<16xf32>,
        %parallel_loop3A_380 = arith.mulf %parallel_loop3A_222, %parallel_loop3A_335 : vector<16xf32>
        %parallel_loop3A_381 = arith.mulf %parallel_loop3A_224, %parallel_loop3A_336 : vector<16xf32>
        %parallel_loop3A_382 = arith.addf %parallel_loop3A_380, %parallel_loop3A_381 : vector<16xf32>
        %parallel_loop3A_383 = arith.constant 13 : i32
        %parallel_loop3A_384 = arith.index_cast %parallel_loop3A_383 : i32 to index
        %parallel_loop3A_385 = arith.index_cast %parallel_loop3A_216 : i32 to index
        %parallel_loop3A_386 = tpu.vector_load %arg12[%parallel_loop3A_384, %parallel_loop3A_385] {strides = array<i32>} : memref<48x512xf32, #tpu.memory_space<vmem>>, vector<16xf32>,
        tpu.vector_store %arg12[%parallel_loop3A_384, %parallel_loop3A_385], %parallel_loop3A_382 {strides = array<i32>} : memref<48x512xf32, #tpu.memory_space<vmem>>, vector<16xf32>,
        %parallel_loop3A_387 = arith.mulf %parallel_loop3A_222, %parallel_loop3A_339 : vector<16xf32>
        %parallel_loop3A_388 = arith.mulf %parallel_loop3A_224, %parallel_loop3A_340 : vector<16xf32>
        %parallel_loop3A_389 = arith.addf %parallel_loop3A_387, %parallel_loop3A_388 : vector<16xf32>
        %parallel_loop3A_390 = arith.constant 14 : i32
        %parallel_loop3A_391 = arith.index_cast %parallel_loop3A_390 : i32 to index
        %parallel_loop3A_392 = arith.index_cast %parallel_loop3A_216 : i32 to index
        %parallel_loop3A_393 = tpu.vector_load %arg12[%parallel_loop3A_391, %parallel_loop3A_392] {strides = array<i32>} : memref<48x512xf32, #tpu.memory_space<vmem>>, vector<16xf32>,
        tpu.vector_store %arg12[%parallel_loop3A_391, %parallel_loop3A_392], %parallel_loop3A_389 {strides = array<i32>} : memref<48x512xf32, #tpu.memory_space<vmem>>, vector<16xf32>,
        %parallel_loop3A_394 = arith.mulf %parallel_loop3A_222, %parallel_loop3A_343 : vector<16xf32>
        %parallel_loop3A_395 = arith.mulf %parallel_loop3A_224, %parallel_loop3A_344 : vector<16xf32>
        %parallel_loop3A_396 = arith.addf %parallel_loop3A_394, %parallel_loop3A_395 : vector<16xf32>
        %parallel_loop3A_397 = arith.constant 15 : i32
        %parallel_loop3A_398 = arith.index_cast %parallel_loop3A_397 : i32 to index
        %parallel_loop3A_399 = arith.index_cast %parallel_loop3A_216 : i32 to index
        %parallel_loop3A_400 = tpu.vector_load %arg12[%parallel_loop3A_398, %parallel_loop3A_399] {strides = array<i32>} : memref<48x512xf32, #tpu.memory_space<vmem>>, vector<16xf32>,
        tpu.vector_store %arg12[%parallel_loop3A_398, %parallel_loop3A_399], %parallel_loop3A_396 {strides = array<i32>} : memref<48x512xf32, #tpu.memory_space<vmem>>, vector<16xf32>,
        %parallel_loop3A_401 = arith.constant 16 : i32
        %parallel_loop3A_402 = vector.broadcast %parallel_loop3A_401 : i32 to vector<16xi32>
        %parallel_loop3A_403 = tpu.vector_load_idx %arg10[%parallel_loop3A_402, %parallel_loop3A_218] : memref<48x512xf32, #tpu.memory_space<vmem>>[vector<16xi32>, vector<16xi32>], vector<16xf32>,
        %parallel_loop3A_404 = tpu.vector_load_idx %arg10[%parallel_loop3A_402, %parallel_loop3A_220] : memref<48x512xf32, #tpu.memory_space<vmem>>[vector<16xi32>, vector<16xi32>], vector<16xf32>,
        %parallel_loop3A_405 = arith.constant 17 : i32
        %parallel_loop3A_406 = vector.broadcast %parallel_loop3A_405 : i32 to vector<16xi32>
        %parallel_loop3A_407 = tpu.vector_load_idx %arg10[%parallel_loop3A_406, %parallel_loop3A_218] : memref<48x512xf32, #tpu.memory_space<vmem>>[vector<16xi32>, vector<16xi32>], vector<16xf32>,
        %parallel_loop3A_408 = tpu.vector_load_idx %arg10[%parallel_loop3A_406, %parallel_loop3A_220] : memref<48x512xf32, #tpu.memory_space<vmem>>[vector<16xi32>, vector<16xi32>], vector<16xf32>,
        %parallel_loop3A_409 = arith.constant 18 : i32
        %parallel_loop3A_410 = vector.broadcast %parallel_loop3A_409 : i32 to vector<16xi32>
        %parallel_loop3A_411 = tpu.vector_load_idx %arg10[%parallel_loop3A_410, %parallel_loop3A_218] : memref<48x512xf32, #tpu.memory_space<vmem>>[vector<16xi32>, vector<16xi32>], vector<16xf32>,
        %parallel_loop3A_412 = tpu.vector_load_idx %arg10[%parallel_loop3A_410, %parallel_loop3A_220] : memref<48x512xf32, #tpu.memory_space<vmem>>[vector<16xi32>, vector<16xi32>], vector<16xf32>,
        %parallel_loop3A_413 = arith.constant 19 : i32
        %parallel_loop3A_414 = vector.broadcast %parallel_loop3A_413 : i32 to vector<16xi32>
        %parallel_loop3A_415 = tpu.vector_load_idx %arg10[%parallel_loop3A_414, %parallel_loop3A_218] : memref<48x512xf32, #tpu.memory_space<vmem>>[vector<16xi32>, vector<16xi32>], vector<16xf32>,
        %parallel_loop3A_416 = tpu.vector_load_idx %arg10[%parallel_loop3A_414, %parallel_loop3A_220] : memref<48x512xf32, #tpu.memory_space<vmem>>[vector<16xi32>, vector<16xi32>], vector<16xf32>,
        %parallel_loop3A_417 = arith.constant 20 : i32
        %parallel_loop3A_418 = vector.broadcast %parallel_loop3A_417 : i32 to vector<16xi32>
        %parallel_loop3A_419 = tpu.vector_load_idx %arg10[%parallel_loop3A_418, %parallel_loop3A_218] : memref<48x512xf32, #tpu.memory_space<vmem>>[vector<16xi32>, vector<16xi32>], vector<16xf32>,
        %parallel_loop3A_420 = tpu.vector_load_idx %arg10[%parallel_loop3A_418, %parallel_loop3A_220] : memref<48x512xf32, #tpu.memory_space<vmem>>[vector<16xi32>, vector<16xi32>], vector<16xf32>,
        %parallel_loop3A_421 = arith.constant 21 : i32
        %parallel_loop3A_422 = vector.broadcast %parallel_loop3A_421 : i32 to vector<16xi32>
        %parallel_loop3A_423 = tpu.vector_load_idx %arg10[%parallel_loop3A_422, %parallel_loop3A_218] : memref<48x512xf32, #tpu.memory_space<vmem>>[vector<16xi32>, vector<16xi32>], vector<16xf32>,
        %parallel_loop3A_424 = tpu.vector_load_idx %arg10[%parallel_loop3A_422, %parallel_loop3A_220] : memref<48x512xf32, #tpu.memory_space<vmem>>[vector<16xi32>, vector<16xi32>], vector<16xf32>,
        %parallel_loop3A_425 = arith.constant 22 : i32
        %parallel_loop3A_426 = vector.broadcast %parallel_loop3A_425 : i32 to vector<16xi32>
        %parallel_loop3A_427 = tpu.vector_load_idx %arg10[%parallel_loop3A_426, %parallel_loop3A_218] : memref<48x512xf32, #tpu.memory_space<vmem>>[vector<16xi32>, vector<16xi32>], vector<16xf32>,
        %parallel_loop3A_428 = tpu.vector_load_idx %arg10[%parallel_loop3A_426, %parallel_loop3A_220] : memref<48x512xf32, #tpu.memory_space<vmem>>[vector<16xi32>, vector<16xi32>], vector<16xf32>,
        %parallel_loop3A_429 = arith.constant 23 : i32
        %parallel_loop3A_430 = vector.broadcast %parallel_loop3A_429 : i32 to vector<16xi32>
        %parallel_loop3A_431 = tpu.vector_load_idx %arg10[%parallel_loop3A_430, %parallel_loop3A_218] : memref<48x512xf32, #tpu.memory_space<vmem>>[vector<16xi32>, vector<16xi32>], vector<16xf32>,
        %parallel_loop3A_432 = tpu.vector_load_idx %arg10[%parallel_loop3A_430, %parallel_loop3A_220] : memref<48x512xf32, #tpu.memory_space<vmem>>[vector<16xi32>, vector<16xi32>], vector<16xf32>,
        %parallel_loop3A_433 = arith.mulf %parallel_loop3A_222, %parallel_loop3A_403 : vector<16xf32>
        %parallel_loop3A_434 = arith.mulf %parallel_loop3A_224, %parallel_loop3A_404 : vector<16xf32>
        %parallel_loop3A_435 = arith.addf %parallel_loop3A_433, %parallel_loop3A_434 : vector<16xf32>
        %parallel_loop3A_436 = arith.constant 16 : i32
        %parallel_loop3A_437 = arith.index_cast %parallel_loop3A_436 : i32 to index
        %parallel_loop3A_438 = arith.index_cast %parallel_loop3A_216 : i32 to index
        %parallel_loop3A_439 = tpu.vector_load %arg12[%parallel_loop3A_437, %parallel_loop3A_438] {strides = array<i32>} : memref<48x512xf32, #tpu.memory_space<vmem>>, vector<16xf32>,
        tpu.vector_store %arg12[%parallel_loop3A_437, %parallel_loop3A_438], %parallel_loop3A_435 {strides = array<i32>} : memref<48x512xf32, #tpu.memory_space<vmem>>, vector<16xf32>,
        %parallel_loop3A_440 = arith.mulf %parallel_loop3A_222, %parallel_loop3A_407 : vector<16xf32>
        %parallel_loop3A_441 = arith.mulf %parallel_loop3A_224, %parallel_loop3A_408 : vector<16xf32>
        %parallel_loop3A_442 = arith.addf %parallel_loop3A_440, %parallel_loop3A_441 : vector<16xf32>
        %parallel_loop3A_443 = arith.constant 17 : i32
        %parallel_loop3A_444 = arith.index_cast %parallel_loop3A_443 : i32 to index
        %parallel_loop3A_445 = arith.index_cast %parallel_loop3A_216 : i32 to index
        %parallel_loop3A_446 = tpu.vector_load %arg12[%parallel_loop3A_444, %parallel_loop3A_445] {strides = array<i32>} : memref<48x512xf32, #tpu.memory_space<vmem>>, vector<16xf32>,
        tpu.vector_store %arg12[%parallel_loop3A_444, %parallel_loop3A_445], %parallel_loop3A_442 {strides = array<i32>} : memref<48x512xf32, #tpu.memory_space<vmem>>, vector<16xf32>,
        %parallel_loop3A_447 = arith.mulf %parallel_loop3A_222, %parallel_loop3A_411 : vector<16xf32>
        %parallel_loop3A_448 = arith.mulf %parallel_loop3A_224, %parallel_loop3A_412 : vector<16xf32>
        %parallel_loop3A_449 = arith.addf %parallel_loop3A_447, %parallel_loop3A_448 : vector<16xf32>
        %parallel_loop3A_450 = arith.constant 18 : i32
        %parallel_loop3A_451 = arith.index_cast %parallel_loop3A_450 : i32 to index
        %parallel_loop3A_452 = arith.index_cast %parallel_loop3A_216 : i32 to index
        %parallel_loop3A_453 = tpu.vector_load %arg12[%parallel_loop3A_451, %parallel_loop3A_452] {strides = array<i32>} : memref<48x512xf32, #tpu.memory_space<vmem>>, vector<16xf32>,
        tpu.vector_store %arg12[%parallel_loop3A_451, %parallel_loop3A_452], %parallel_loop3A_449 {strides = array<i32>} : memref<48x512xf32, #tpu.memory_space<vmem>>, vector<16xf32>,
        %parallel_loop3A_454 = arith.mulf %parallel_loop3A_222, %parallel_loop3A_415 : vector<16xf32>
        %parallel_loop3A_455 = arith.mulf %parallel_loop3A_224, %parallel_loop3A_416 : vector<16xf32>
        %parallel_loop3A_456 = arith.addf %parallel_loop3A_454, %parallel_loop3A_455 : vector<16xf32>
        %parallel_loop3A_457 = arith.constant 19 : i32
        %parallel_loop3A_458 = arith.index_cast %parallel_loop3A_457 : i32 to index
        %parallel_loop3A_459 = arith.index_cast %parallel_loop3A_216 : i32 to index
        %parallel_loop3A_460 = tpu.vector_load %arg12[%parallel_loop3A_458, %parallel_loop3A_459] {strides = array<i32>} : memref<48x512xf32, #tpu.memory_space<vmem>>, vector<16xf32>,
        tpu.vector_store %arg12[%parallel_loop3A_458, %parallel_loop3A_459], %parallel_loop3A_456 {strides = array<i32>} : memref<48x512xf32, #tpu.memory_space<vmem>>, vector<16xf32>,
        %parallel_loop3A_461 = arith.mulf %parallel_loop3A_222, %parallel_loop3A_419 : vector<16xf32>
        %parallel_loop3A_462 = arith.mulf %parallel_loop3A_224, %parallel_loop3A_420 : vector<16xf32>
        %parallel_loop3A_463 = arith.addf %parallel_loop3A_461, %parallel_loop3A_462 : vector<16xf32>
        %parallel_loop3A_464 = arith.constant 20 : i32
        %parallel_loop3A_465 = arith.index_cast %parallel_loop3A_464 : i32 to index
        %parallel_loop3A_466 = arith.index_cast %parallel_loop3A_216 : i32 to index
        %parallel_loop3A_467 = tpu.vector_load %arg12[%parallel_loop3A_465, %parallel_loop3A_466] {strides = array<i32>} : memref<48x512xf32, #tpu.memory_space<vmem>>, vector<16xf32>,
        tpu.vector_store %arg12[%parallel_loop3A_465, %parallel_loop3A_466], %parallel_loop3A_463 {strides = array<i32>} : memref<48x512xf32, #tpu.memory_space<vmem>>, vector<16xf32>,
        %parallel_loop3A_468 = arith.mulf %parallel_loop3A_222, %parallel_loop3A_423 : vector<16xf32>
        %parallel_loop3A_469 = arith.mulf %parallel_loop3A_224, %parallel_loop3A_424 : vector<16xf32>
        %parallel_loop3A_470 = arith.addf %parallel_loop3A_468, %parallel_loop3A_469 : vector<16xf32>
        %parallel_loop3A_471 = arith.constant 21 : i32
        %parallel_loop3A_472 = arith.index_cast %parallel_loop3A_471 : i32 to index
        %parallel_loop3A_473 = arith.index_cast %parallel_loop3A_216 : i32 to index
        %parallel_loop3A_474 = tpu.vector_load %arg12[%parallel_loop3A_472, %parallel_loop3A_473] {strides = array<i32>} : memref<48x512xf32, #tpu.memory_space<vmem>>, vector<16xf32>,
        tpu.vector_store %arg12[%parallel_loop3A_472, %parallel_loop3A_473], %parallel_loop3A_470 {strides = array<i32>} : memref<48x512xf32, #tpu.memory_space<vmem>>, vector<16xf32>,
        %parallel_loop3A_475 = arith.mulf %parallel_loop3A_222, %parallel_loop3A_427 : vector<16xf32>
        %parallel_loop3A_476 = arith.mulf %parallel_loop3A_224, %parallel_loop3A_428 : vector<16xf32>
        %parallel_loop3A_477 = arith.addf %parallel_loop3A_475, %parallel_loop3A_476 : vector<16xf32>
        %parallel_loop3A_478 = arith.constant 22 : i32
        %parallel_loop3A_479 = arith.index_cast %parallel_loop3A_478 : i32 to index
        %parallel_loop3A_480 = arith.index_cast %parallel_loop3A_216 : i32 to index
        %parallel_loop3A_481 = tpu.vector_load %arg12[%parallel_loop3A_479, %parallel_loop3A_480] {strides = array<i32>} : memref<48x512xf32, #tpu.memory_space<vmem>>, vector<16xf32>,
        tpu.vector_store %arg12[%parallel_loop3A_479, %parallel_loop3A_480], %parallel_loop3A_477 {strides = array<i32>} : memref<48x512xf32, #tpu.memory_space<vmem>>, vector<16xf32>,
        %parallel_loop3A_482 = arith.mulf %parallel_loop3A_222, %parallel_loop3A_431 : vector<16xf32>
        %parallel_loop3A_483 = arith.mulf %parallel_loop3A_224, %parallel_loop3A_432 : vector<16xf32>
        %parallel_loop3A_484 = arith.addf %parallel_loop3A_482, %parallel_loop3A_483 : vector<16xf32>
        %parallel_loop3A_485 = arith.constant 23 : i32
        %parallel_loop3A_486 = arith.index_cast %parallel_loop3A_485 : i32 to index
        %parallel_loop3A_487 = arith.index_cast %parallel_loop3A_216 : i32 to index
        %parallel_loop3A_488 = tpu.vector_load %arg12[%parallel_loop3A_486, %parallel_loop3A_487] {strides = array<i32>} : memref<48x512xf32, #tpu.memory_space<vmem>>, vector<16xf32>,
        tpu.vector_store %arg12[%parallel_loop3A_486, %parallel_loop3A_487], %parallel_loop3A_484 {strides = array<i32>} : memref<48x512xf32, #tpu.memory_space<vmem>>, vector<16xf32>,
        %parallel_loop3A_489 = arith.constant 24 : i32
        %parallel_loop3A_490 = vector.broadcast %parallel_loop3A_489 : i32 to vector<16xi32>
        %parallel_loop3A_491 = tpu.vector_load_idx %arg10[%parallel_loop3A_490, %parallel_loop3A_218] : memref<48x512xf32, #tpu.memory_space<vmem>>[vector<16xi32>, vector<16xi32>], vector<16xf32>,
        %parallel_loop3A_492 = tpu.vector_load_idx %arg10[%parallel_loop3A_490, %parallel_loop3A_220] : memref<48x512xf32, #tpu.memory_space<vmem>>[vector<16xi32>, vector<16xi32>], vector<16xf32>,
        %parallel_loop3A_493 = arith.constant 25 : i32
        %parallel_loop3A_494 = vector.broadcast %parallel_loop3A_493 : i32 to vector<16xi32>
        %parallel_loop3A_495 = tpu.vector_load_idx %arg10[%parallel_loop3A_494, %parallel_loop3A_218] : memref<48x512xf32, #tpu.memory_space<vmem>>[vector<16xi32>, vector<16xi32>], vector<16xf32>,
        %parallel_loop3A_496 = tpu.vector_load_idx %arg10[%parallel_loop3A_494, %parallel_loop3A_220] : memref<48x512xf32, #tpu.memory_space<vmem>>[vector<16xi32>, vector<16xi32>], vector<16xf32>,
        %parallel_loop3A_497 = arith.constant 26 : i32
        %parallel_loop3A_498 = vector.broadcast %parallel_loop3A_497 : i32 to vector<16xi32>
        %parallel_loop3A_499 = tpu.vector_load_idx %arg10[%parallel_loop3A_498, %parallel_loop3A_218] : memref<48x512xf32, #tpu.memory_space<vmem>>[vector<16xi32>, vector<16xi32>], vector<16xf32>,
        %parallel_loop3A_500 = tpu.vector_load_idx %arg10[%parallel_loop3A_498, %parallel_loop3A_220] : memref<48x512xf32, #tpu.memory_space<vmem>>[vector<16xi32>, vector<16xi32>], vector<16xf32>,
        %parallel_loop3A_501 = arith.constant 27 : i32
        %parallel_loop3A_502 = vector.broadcast %parallel_loop3A_501 : i32 to vector<16xi32>
        %parallel_loop3A_503 = tpu.vector_load_idx %arg10[%parallel_loop3A_502, %parallel_loop3A_218] : memref<48x512xf32, #tpu.memory_space<vmem>>[vector<16xi32>, vector<16xi32>], vector<16xf32>,
        %parallel_loop3A_504 = tpu.vector_load_idx %arg10[%parallel_loop3A_502, %parallel_loop3A_220] : memref<48x512xf32, #tpu.memory_space<vmem>>[vector<16xi32>, vector<16xi32>], vector<16xf32>,
        %parallel_loop3A_505 = arith.constant 28 : i32
        %parallel_loop3A_506 = vector.broadcast %parallel_loop3A_505 : i32 to vector<16xi32>
        %parallel_loop3A_507 = tpu.vector_load_idx %arg10[%parallel_loop3A_506, %parallel_loop3A_218] : memref<48x512xf32, #tpu.memory_space<vmem>>[vector<16xi32>, vector<16xi32>], vector<16xf32>,
        %parallel_loop3A_508 = tpu.vector_load_idx %arg10[%parallel_loop3A_506, %parallel_loop3A_220] : memref<48x512xf32, #tpu.memory_space<vmem>>[vector<16xi32>, vector<16xi32>], vector<16xf32>,
        %parallel_loop3A_509 = arith.constant 29 : i32
        %parallel_loop3A_510 = vector.broadcast %parallel_loop3A_509 : i32 to vector<16xi32>
        %parallel_loop3A_511 = tpu.vector_load_idx %arg10[%parallel_loop3A_510, %parallel_loop3A_218] : memref<48x512xf32, #tpu.memory_space<vmem>>[vector<16xi32>, vector<16xi32>], vector<16xf32>,
        %parallel_loop3A_512 = tpu.vector_load_idx %arg10[%parallel_loop3A_510, %parallel_loop3A_220] : memref<48x512xf32, #tpu.memory_space<vmem>>[vector<16xi32>, vector<16xi32>], vector<16xf32>,
        %parallel_loop3A_513 = arith.constant 30 : i32
        %parallel_loop3A_514 = vector.broadcast %parallel_loop3A_513 : i32 to vector<16xi32>
        %parallel_loop3A_515 = tpu.vector_load_idx %arg10[%parallel_loop3A_514, %parallel_loop3A_218] : memref<48x512xf32, #tpu.memory_space<vmem>>[vector<16xi32>, vector<16xi32>], vector<16xf32>,
        %parallel_loop3A_516 = tpu.vector_load_idx %arg10[%parallel_loop3A_514, %parallel_loop3A_220] : memref<48x512xf32, #tpu.memory_space<vmem>>[vector<16xi32>, vector<16xi32>], vector<16xf32>,
        %parallel_loop3A_517 = arith.constant 31 : i32
        %parallel_loop3A_518 = vector.broadcast %parallel_loop3A_517 : i32 to vector<16xi32>
        %parallel_loop3A_519 = tpu.vector_load_idx %arg10[%parallel_loop3A_518, %parallel_loop3A_218] : memref<48x512xf32, #tpu.memory_space<vmem>>[vector<16xi32>, vector<16xi32>], vector<16xf32>,
        %parallel_loop3A_520 = tpu.vector_load_idx %arg10[%parallel_loop3A_518, %parallel_loop3A_220] : memref<48x512xf32, #tpu.memory_space<vmem>>[vector<16xi32>, vector<16xi32>], vector<16xf32>,
        %parallel_loop3A_521 = arith.mulf %parallel_loop3A_222, %parallel_loop3A_491 : vector<16xf32>
        %parallel_loop3A_522 = arith.mulf %parallel_loop3A_224, %parallel_loop3A_492 : vector<16xf32>
        %parallel_loop3A_523 = arith.addf %parallel_loop3A_521, %parallel_loop3A_522 : vector<16xf32>
        %parallel_loop3A_524 = arith.constant 24 : i32
        %parallel_loop3A_525 = arith.index_cast %parallel_loop3A_524 : i32 to index
        %parallel_loop3A_526 = arith.index_cast %parallel_loop3A_216 : i32 to index
        %parallel_loop3A_527 = tpu.vector_load %arg12[%parallel_loop3A_525, %parallel_loop3A_526] {strides = array<i32>} : memref<48x512xf32, #tpu.memory_space<vmem>>, vector<16xf32>,
        tpu.vector_store %arg12[%parallel_loop3A_525, %parallel_loop3A_526], %parallel_loop3A_523 {strides = array<i32>} : memref<48x512xf32, #tpu.memory_space<vmem>>, vector<16xf32>,
        %parallel_loop3A_528 = arith.mulf %parallel_loop3A_222, %parallel_loop3A_495 : vector<16xf32>
        %parallel_loop3A_529 = arith.mulf %parallel_loop3A_224, %parallel_loop3A_496 : vector<16xf32>
        %parallel_loop3A_530 = arith.addf %parallel_loop3A_528, %parallel_loop3A_529 : vector<16xf32>
        %parallel_loop3A_531 = arith.constant 25 : i32
        %parallel_loop3A_532 = arith.index_cast %parallel_loop3A_531 : i32 to index
        %parallel_loop3A_533 = arith.index_cast %parallel_loop3A_216 : i32 to index
        %parallel_loop3A_534 = tpu.vector_load %arg12[%parallel_loop3A_532, %parallel_loop3A_533] {strides = array<i32>} : memref<48x512xf32, #tpu.memory_space<vmem>>, vector<16xf32>,
        tpu.vector_store %arg12[%parallel_loop3A_532, %parallel_loop3A_533], %parallel_loop3A_530 {strides = array<i32>} : memref<48x512xf32, #tpu.memory_space<vmem>>, vector<16xf32>,
        %parallel_loop3A_535 = arith.mulf %parallel_loop3A_222, %parallel_loop3A_499 : vector<16xf32>
        %parallel_loop3A_536 = arith.mulf %parallel_loop3A_224, %parallel_loop3A_500 : vector<16xf32>
        %parallel_loop3A_537 = arith.addf %parallel_loop3A_535, %parallel_loop3A_536 : vector<16xf32>
        %parallel_loop3A_538 = arith.constant 26 : i32
        %parallel_loop3A_539 = arith.index_cast %parallel_loop3A_538 : i32 to index
        %parallel_loop3A_540 = arith.index_cast %parallel_loop3A_216 : i32 to index
        %parallel_loop3A_541 = tpu.vector_load %arg12[%parallel_loop3A_539, %parallel_loop3A_540] {strides = array<i32>} : memref<48x512xf32, #tpu.memory_space<vmem>>, vector<16xf32>,
        tpu.vector_store %arg12[%parallel_loop3A_539, %parallel_loop3A_540], %parallel_loop3A_537 {strides = array<i32>} : memref<48x512xf32, #tpu.memory_space<vmem>>, vector<16xf32>,
        %parallel_loop3A_542 = arith.mulf %parallel_loop3A_222, %parallel_loop3A_503 : vector<16xf32>
        %parallel_loop3A_543 = arith.mulf %parallel_loop3A_224, %parallel_loop3A_504 : vector<16xf32>
        %parallel_loop3A_544 = arith.addf %parallel_loop3A_542, %parallel_loop3A_543 : vector<16xf32>
        %parallel_loop3A_545 = arith.constant 27 : i32
        %parallel_loop3A_546 = arith.index_cast %parallel_loop3A_545 : i32 to index
        %parallel_loop3A_547 = arith.index_cast %parallel_loop3A_216 : i32 to index
        %parallel_loop3A_548 = tpu.vector_load %arg12[%parallel_loop3A_546, %parallel_loop3A_547] {strides = array<i32>} : memref<48x512xf32, #tpu.memory_space<vmem>>, vector<16xf32>,
        tpu.vector_store %arg12[%parallel_loop3A_546, %parallel_loop3A_547], %parallel_loop3A_544 {strides = array<i32>} : memref<48x512xf32, #tpu.memory_space<vmem>>, vector<16xf32>,
        %parallel_loop3A_549 = arith.mulf %parallel_loop3A_222, %parallel_loop3A_507 : vector<16xf32>
        %parallel_loop3A_550 = arith.mulf %parallel_loop3A_224, %parallel_loop3A_508 : vector<16xf32>
        %parallel_loop3A_551 = arith.addf %parallel_loop3A_549, %parallel_loop3A_550 : vector<16xf32>
        %parallel_loop3A_552 = arith.constant 28 : i32
        %parallel_loop3A_553 = arith.index_cast %parallel_loop3A_552 : i32 to index
        %parallel_loop3A_554 = arith.index_cast %parallel_loop3A_216 : i32 to index
        %parallel_loop3A_555 = tpu.vector_load %arg12[%parallel_loop3A_553, %parallel_loop3A_554] {strides = array<i32>} : memref<48x512xf32, #tpu.memory_space<vmem>>, vector<16xf32>,
        tpu.vector_store %arg12[%parallel_loop3A_553, %parallel_loop3A_554], %parallel_loop3A_551 {strides = array<i32>} : memref<48x512xf32, #tpu.memory_space<vmem>>, vector<16xf32>,
        %parallel_loop3A_556 = arith.mulf %parallel_loop3A_222, %parallel_loop3A_511 : vector<16xf32>
        %parallel_loop3A_557 = arith.mulf %parallel_loop3A_224, %parallel_loop3A_512 : vector<16xf32>
        %parallel_loop3A_558 = arith.addf %parallel_loop3A_556, %parallel_loop3A_557 : vector<16xf32>
        %parallel_loop3A_559 = arith.constant 29 : i32
        %parallel_loop3A_560 = arith.index_cast %parallel_loop3A_559 : i32 to index
        %parallel_loop3A_561 = arith.index_cast %parallel_loop3A_216 : i32 to index
        %parallel_loop3A_562 = tpu.vector_load %arg12[%parallel_loop3A_560, %parallel_loop3A_561] {strides = array<i32>} : memref<48x512xf32, #tpu.memory_space<vmem>>, vector<16xf32>,
        tpu.vector_store %arg12[%parallel_loop3A_560, %parallel_loop3A_561], %parallel_loop3A_558 {strides = array<i32>} : memref<48x512xf32, #tpu.memory_space<vmem>>, vector<16xf32>,
        %parallel_loop3A_563 = arith.mulf %parallel_loop3A_222, %parallel_loop3A_515 : vector<16xf32>
        %parallel_loop3A_564 = arith.mulf %parallel_loop3A_224, %parallel_loop3A_516 : vector<16xf32>
        %parallel_loop3A_565 = arith.addf %parallel_loop3A_563, %parallel_loop3A_564 : vector<16xf32>
        %parallel_loop3A_566 = arith.constant 30 : i32
        %parallel_loop3A_567 = arith.index_cast %parallel_loop3A_566 : i32 to index
        %parallel_loop3A_568 = arith.index_cast %parallel_loop3A_216 : i32 to index
        %parallel_loop3A_569 = tpu.vector_load %arg12[%parallel_loop3A_567, %parallel_loop3A_568] {strides = array<i32>} : memref<48x512xf32, #tpu.memory_space<vmem>>, vector<16xf32>,
        tpu.vector_store %arg12[%parallel_loop3A_567, %parallel_loop3A_568], %parallel_loop3A_565 {strides = array<i32>} : memref<48x512xf32, #tpu.memory_space<vmem>>, vector<16xf32>,
        %parallel_loop3A_570 = arith.mulf %parallel_loop3A_222, %parallel_loop3A_519 : vector<16xf32>
        %parallel_loop3A_571 = arith.mulf %parallel_loop3A_224, %parallel_loop3A_520 : vector<16xf32>
        %parallel_loop3A_572 = arith.addf %parallel_loop3A_570, %parallel_loop3A_571 : vector<16xf32>
        %parallel_loop3A_573 = arith.constant 31 : i32
        %parallel_loop3A_574 = arith.index_cast %parallel_loop3A_573 : i32 to index
        %parallel_loop3A_575 = arith.index_cast %parallel_loop3A_216 : i32 to index
        %parallel_loop3A_576 = tpu.vector_load %arg12[%parallel_loop3A_574, %parallel_loop3A_575] {strides = array<i32>} : memref<48x512xf32, #tpu.memory_space<vmem>>, vector<16xf32>,
        tpu.vector_store %arg12[%parallel_loop3A_574, %parallel_loop3A_575], %parallel_loop3A_572 {strides = array<i32>} : memref<48x512xf32, #tpu.memory_space<vmem>>, vector<16xf32>,
        %parallel_loop3A_577 = arith.constant 32 : i32
        %parallel_loop3A_578 = vector.broadcast %parallel_loop3A_577 : i32 to vector<16xi32>
        %parallel_loop3A_579 = tpu.vector_load_idx %arg10[%parallel_loop3A_578, %parallel_loop3A_218] : memref<48x512xf32, #tpu.memory_space<vmem>>[vector<16xi32>, vector<16xi32>], vector<16xf32>,
        %parallel_loop3A_580 = tpu.vector_load_idx %arg10[%parallel_loop3A_578, %parallel_loop3A_220] : memref<48x512xf32, #tpu.memory_space<vmem>>[vector<16xi32>, vector<16xi32>], vector<16xf32>,
        %parallel_loop3A_581 = arith.constant 33 : i32
        %parallel_loop3A_582 = vector.broadcast %parallel_loop3A_581 : i32 to vector<16xi32>
        %parallel_loop3A_583 = tpu.vector_load_idx %arg10[%parallel_loop3A_582, %parallel_loop3A_218] : memref<48x512xf32, #tpu.memory_space<vmem>>[vector<16xi32>, vector<16xi32>], vector<16xf32>,
        %parallel_loop3A_584 = tpu.vector_load_idx %arg10[%parallel_loop3A_582, %parallel_loop3A_220] : memref<48x512xf32, #tpu.memory_space<vmem>>[vector<16xi32>, vector<16xi32>], vector<16xf32>,
        %parallel_loop3A_585 = arith.constant 34 : i32
        %parallel_loop3A_586 = vector.broadcast %parallel_loop3A_585 : i32 to vector<16xi32>
        %parallel_loop3A_587 = tpu.vector_load_idx %arg10[%parallel_loop3A_586, %parallel_loop3A_218] : memref<48x512xf32, #tpu.memory_space<vmem>>[vector<16xi32>, vector<16xi32>], vector<16xf32>,
        %parallel_loop3A_588 = tpu.vector_load_idx %arg10[%parallel_loop3A_586, %parallel_loop3A_220] : memref<48x512xf32, #tpu.memory_space<vmem>>[vector<16xi32>, vector<16xi32>], vector<16xf32>,
        %parallel_loop3A_589 = arith.constant 35 : i32
        %parallel_loop3A_590 = vector.broadcast %parallel_loop3A_589 : i32 to vector<16xi32>
        %parallel_loop3A_591 = tpu.vector_load_idx %arg10[%parallel_loop3A_590, %parallel_loop3A_218] : memref<48x512xf32, #tpu.memory_space<vmem>>[vector<16xi32>, vector<16xi32>], vector<16xf32>,
        %parallel_loop3A_592 = tpu.vector_load_idx %arg10[%parallel_loop3A_590, %parallel_loop3A_220] : memref<48x512xf32, #tpu.memory_space<vmem>>[vector<16xi32>, vector<16xi32>], vector<16xf32>,
        %parallel_loop3A_593 = arith.constant 36 : i32
        %parallel_loop3A_594 = vector.broadcast %parallel_loop3A_593 : i32 to vector<16xi32>
        %parallel_loop3A_595 = tpu.vector_load_idx %arg10[%parallel_loop3A_594, %parallel_loop3A_218] : memref<48x512xf32, #tpu.memory_space<vmem>>[vector<16xi32>, vector<16xi32>], vector<16xf32>,
        %parallel_loop3A_596 = tpu.vector_load_idx %arg10[%parallel_loop3A_594, %parallel_loop3A_220] : memref<48x512xf32, #tpu.memory_space<vmem>>[vector<16xi32>, vector<16xi32>], vector<16xf32>,
        %parallel_loop3A_597 = arith.constant 37 : i32
        %parallel_loop3A_598 = vector.broadcast %parallel_loop3A_597 : i32 to vector<16xi32>
        %parallel_loop3A_599 = tpu.vector_load_idx %arg10[%parallel_loop3A_598, %parallel_loop3A_218] : memref<48x512xf32, #tpu.memory_space<vmem>>[vector<16xi32>, vector<16xi32>], vector<16xf32>,
        %parallel_loop3A_600 = tpu.vector_load_idx %arg10[%parallel_loop3A_598, %parallel_loop3A_220] : memref<48x512xf32, #tpu.memory_space<vmem>>[vector<16xi32>, vector<16xi32>], vector<16xf32>,
        %parallel_loop3A_601 = arith.constant 38 : i32
        %parallel_loop3A_602 = vector.broadcast %parallel_loop3A_601 : i32 to vector<16xi32>
        %parallel_loop3A_603 = tpu.vector_load_idx %arg10[%parallel_loop3A_602, %parallel_loop3A_218] : memref<48x512xf32, #tpu.memory_space<vmem>>[vector<16xi32>, vector<16xi32>], vector<16xf32>,
        %parallel_loop3A_604 = tpu.vector_load_idx %arg10[%parallel_loop3A_602, %parallel_loop3A_220] : memref<48x512xf32, #tpu.memory_space<vmem>>[vector<16xi32>, vector<16xi32>], vector<16xf32>,
        %parallel_loop3A_605 = arith.constant 39 : i32
        %parallel_loop3A_606 = vector.broadcast %parallel_loop3A_605 : i32 to vector<16xi32>
        %parallel_loop3A_607 = tpu.vector_load_idx %arg10[%parallel_loop3A_606, %parallel_loop3A_218] : memref<48x512xf32, #tpu.memory_space<vmem>>[vector<16xi32>, vector<16xi32>], vector<16xf32>,
        %parallel_loop3A_608 = tpu.vector_load_idx %arg10[%parallel_loop3A_606, %parallel_loop3A_220] : memref<48x512xf32, #tpu.memory_space<vmem>>[vector<16xi32>, vector<16xi32>], vector<16xf32>,
        %parallel_loop3A_609 = arith.mulf %parallel_loop3A_222, %parallel_loop3A_579 : vector<16xf32>
        %parallel_loop3A_610 = arith.mulf %parallel_loop3A_224, %parallel_loop3A_580 : vector<16xf32>
        %parallel_loop3A_611 = arith.addf %parallel_loop3A_609, %parallel_loop3A_610 : vector<16xf32>
        %parallel_loop3A_612 = arith.constant 32 : i32
        %parallel_loop3A_613 = arith.index_cast %parallel_loop3A_612 : i32 to index
        %parallel_loop3A_614 = arith.index_cast %parallel_loop3A_216 : i32 to index
        %parallel_loop3A_615 = tpu.vector_load %arg12[%parallel_loop3A_613, %parallel_loop3A_614] {strides = array<i32>} : memref<48x512xf32, #tpu.memory_space<vmem>>, vector<16xf32>,
        tpu.vector_store %arg12[%parallel_loop3A_613, %parallel_loop3A_614], %parallel_loop3A_611 {strides = array<i32>} : memref<48x512xf32, #tpu.memory_space<vmem>>, vector<16xf32>,
        %parallel_loop3A_616 = arith.mulf %parallel_loop3A_222, %parallel_loop3A_583 : vector<16xf32>
        %parallel_loop3A_617 = arith.mulf %parallel_loop3A_224, %parallel_loop3A_584 : vector<16xf32>
        %parallel_loop3A_618 = arith.addf %parallel_loop3A_616, %parallel_loop3A_617 : vector<16xf32>
        %parallel_loop3A_619 = arith.constant 33 : i32
        %parallel_loop3A_620 = arith.index_cast %parallel_loop3A_619 : i32 to index
        %parallel_loop3A_621 = arith.index_cast %parallel_loop3A_216 : i32 to index
        %parallel_loop3A_622 = tpu.vector_load %arg12[%parallel_loop3A_620, %parallel_loop3A_621] {strides = array<i32>} : memref<48x512xf32, #tpu.memory_space<vmem>>, vector<16xf32>,
        tpu.vector_store %arg12[%parallel_loop3A_620, %parallel_loop3A_621], %parallel_loop3A_618 {strides = array<i32>} : memref<48x512xf32, #tpu.memory_space<vmem>>, vector<16xf32>,
        %parallel_loop3A_623 = arith.mulf %parallel_loop3A_222, %parallel_loop3A_587 : vector<16xf32>
        %parallel_loop3A_624 = arith.mulf %parallel_loop3A_224, %parallel_loop3A_588 : vector<16xf32>
        %parallel_loop3A_625 = arith.addf %parallel_loop3A_623, %parallel_loop3A_624 : vector<16xf32>
        %parallel_loop3A_626 = arith.constant 34 : i32
        %parallel_loop3A_627 = arith.index_cast %parallel_loop3A_626 : i32 to index
        %parallel_loop3A_628 = arith.index_cast %parallel_loop3A_216 : i32 to index
        %parallel_loop3A_629 = tpu.vector_load %arg12[%parallel_loop3A_627, %parallel_loop3A_628] {strides = array<i32>} : memref<48x512xf32, #tpu.memory_space<vmem>>, vector<16xf32>,
        tpu.vector_store %arg12[%parallel_loop3A_627, %parallel_loop3A_628], %parallel_loop3A_625 {strides = array<i32>} : memref<48x512xf32, #tpu.memory_space<vmem>>, vector<16xf32>,
        %parallel_loop3A_630 = arith.mulf %parallel_loop3A_222, %parallel_loop3A_591 : vector<16xf32>
        %parallel_loop3A_631 = arith.mulf %parallel_loop3A_224, %parallel_loop3A_592 : vector<16xf32>
        %parallel_loop3A_632 = arith.addf %parallel_loop3A_630, %parallel_loop3A_631 : vector<16xf32>
        %parallel_loop3A_633 = arith.constant 35 : i32
        %parallel_loop3A_634 = arith.index_cast %parallel_loop3A_633 : i32 to index
        %parallel_loop3A_635 = arith.index_cast %parallel_loop3A_216 : i32 to index
        %parallel_loop3A_636 = tpu.vector_load %arg12[%parallel_loop3A_634, %parallel_loop3A_635] {strides = array<i32>} : memref<48x512xf32, #tpu.memory_space<vmem>>, vector<16xf32>,
        tpu.vector_store %arg12[%parallel_loop3A_634, %parallel_loop3A_635], %parallel_loop3A_632 {strides = array<i32>} : memref<48x512xf32, #tpu.memory_space<vmem>>, vector<16xf32>,
        %parallel_loop3A_637 = arith.mulf %parallel_loop3A_222, %parallel_loop3A_595 : vector<16xf32>
        %parallel_loop3A_638 = arith.mulf %parallel_loop3A_224, %parallel_loop3A_596 : vector<16xf32>
        %parallel_loop3A_639 = arith.addf %parallel_loop3A_637, %parallel_loop3A_638 : vector<16xf32>
        %parallel_loop3A_640 = arith.constant 36 : i32
        %parallel_loop3A_641 = arith.index_cast %parallel_loop3A_640 : i32 to index
        %parallel_loop3A_642 = arith.index_cast %parallel_loop3A_216 : i32 to index
        %parallel_loop3A_643 = tpu.vector_load %arg12[%parallel_loop3A_641, %parallel_loop3A_642] {strides = array<i32>} : memref<48x512xf32, #tpu.memory_space<vmem>>, vector<16xf32>,
        tpu.vector_store %arg12[%parallel_loop3A_641, %parallel_loop3A_642], %parallel_loop3A_639 {strides = array<i32>} : memref<48x512xf32, #tpu.memory_space<vmem>>, vector<16xf32>,
        %parallel_loop3A_644 = arith.mulf %parallel_loop3A_222, %parallel_loop3A_599 : vector<16xf32>
        %parallel_loop3A_645 = arith.mulf %parallel_loop3A_224, %parallel_loop3A_600 : vector<16xf32>
        %parallel_loop3A_646 = arith.addf %parallel_loop3A_644, %parallel_loop3A_645 : vector<16xf32>
        %parallel_loop3A_647 = arith.constant 37 : i32
        %parallel_loop3A_648 = arith.index_cast %parallel_loop3A_647 : i32 to index
        %parallel_loop3A_649 = arith.index_cast %parallel_loop3A_216 : i32 to index
        %parallel_loop3A_650 = tpu.vector_load %arg12[%parallel_loop3A_648, %parallel_loop3A_649] {strides = array<i32>} : memref<48x512xf32, #tpu.memory_space<vmem>>, vector<16xf32>,
        tpu.vector_store %arg12[%parallel_loop3A_648, %parallel_loop3A_649], %parallel_loop3A_646 {strides = array<i32>} : memref<48x512xf32, #tpu.memory_space<vmem>>, vector<16xf32>,
        %parallel_loop3A_651 = arith.mulf %parallel_loop3A_222, %parallel_loop3A_603 : vector<16xf32>
        %parallel_loop3A_652 = arith.mulf %parallel_loop3A_224, %parallel_loop3A_604 : vector<16xf32>
        %parallel_loop3A_653 = arith.addf %parallel_loop3A_651, %parallel_loop3A_652 : vector<16xf32>
        %parallel_loop3A_654 = arith.constant 38 : i32
        %parallel_loop3A_655 = arith.index_cast %parallel_loop3A_654 : i32 to index
        %parallel_loop3A_656 = arith.index_cast %parallel_loop3A_216 : i32 to index
        %parallel_loop3A_657 = tpu.vector_load %arg12[%parallel_loop3A_655, %parallel_loop3A_656] {strides = array<i32>} : memref<48x512xf32, #tpu.memory_space<vmem>>, vector<16xf32>,
        tpu.vector_store %arg12[%parallel_loop3A_655, %parallel_loop3A_656], %parallel_loop3A_653 {strides = array<i32>} : memref<48x512xf32, #tpu.memory_space<vmem>>, vector<16xf32>,
        %parallel_loop3A_658 = arith.mulf %parallel_loop3A_222, %parallel_loop3A_607 : vector<16xf32>
        %parallel_loop3A_659 = arith.mulf %parallel_loop3A_224, %parallel_loop3A_608 : vector<16xf32>
        %parallel_loop3A_660 = arith.addf %parallel_loop3A_658, %parallel_loop3A_659 : vector<16xf32>
        %parallel_loop3A_661 = arith.constant 39 : i32
        %parallel_loop3A_662 = arith.index_cast %parallel_loop3A_661 : i32 to index
        %parallel_loop3A_663 = arith.index_cast %parallel_loop3A_216 : i32 to index
        %parallel_loop3A_664 = tpu.vector_load %arg12[%parallel_loop3A_662, %parallel_loop3A_663] {strides = array<i32>} : memref<48x512xf32, #tpu.memory_space<vmem>>, vector<16xf32>,
        tpu.vector_store %arg12[%parallel_loop3A_662, %parallel_loop3A_663], %parallel_loop3A_660 {strides = array<i32>} : memref<48x512xf32, #tpu.memory_space<vmem>>, vector<16xf32>,
        %parallel_loop3A_665 = arith.constant 40 : i32
        %parallel_loop3A_666 = vector.broadcast %parallel_loop3A_665 : i32 to vector<16xi32>
        %parallel_loop3A_667 = tpu.vector_load_idx %arg10[%parallel_loop3A_666, %parallel_loop3A_218] : memref<48x512xf32, #tpu.memory_space<vmem>>[vector<16xi32>, vector<16xi32>], vector<16xf32>,
        %parallel_loop3A_668 = tpu.vector_load_idx %arg10[%parallel_loop3A_666, %parallel_loop3A_220] : memref<48x512xf32, #tpu.memory_space<vmem>>[vector<16xi32>, vector<16xi32>], vector<16xf32>,
        %parallel_loop3A_669 = arith.constant 41 : i32
        %parallel_loop3A_670 = vector.broadcast %parallel_loop3A_669 : i32 to vector<16xi32>
        %parallel_loop3A_671 = tpu.vector_load_idx %arg10[%parallel_loop3A_670, %parallel_loop3A_218] : memref<48x512xf32, #tpu.memory_space<vmem>>[vector<16xi32>, vector<16xi32>], vector<16xf32>,
        %parallel_loop3A_672 = tpu.vector_load_idx %arg10[%parallel_loop3A_670, %parallel_loop3A_220] : memref<48x512xf32, #tpu.memory_space<vmem>>[vector<16xi32>, vector<16xi32>], vector<16xf32>,
        %parallel_loop3A_673 = arith.constant 42 : i32
        %parallel_loop3A_674 = vector.broadcast %parallel_loop3A_673 : i32 to vector<16xi32>
        %parallel_loop3A_675 = tpu.vector_load_idx %arg10[%parallel_loop3A_674, %parallel_loop3A_218] : memref<48x512xf32, #tpu.memory_space<vmem>>[vector<16xi32>, vector<16xi32>], vector<16xf32>,
        %parallel_loop3A_676 = tpu.vector_load_idx %arg10[%parallel_loop3A_674, %parallel_loop3A_220] : memref<48x512xf32, #tpu.memory_space<vmem>>[vector<16xi32>, vector<16xi32>], vector<16xf32>,
        %parallel_loop3A_677 = arith.constant 43 : i32
        %parallel_loop3A_678 = vector.broadcast %parallel_loop3A_677 : i32 to vector<16xi32>
        %parallel_loop3A_679 = tpu.vector_load_idx %arg10[%parallel_loop3A_678, %parallel_loop3A_218] : memref<48x512xf32, #tpu.memory_space<vmem>>[vector<16xi32>, vector<16xi32>], vector<16xf32>,
        %parallel_loop3A_680 = tpu.vector_load_idx %arg10[%parallel_loop3A_678, %parallel_loop3A_220] : memref<48x512xf32, #tpu.memory_space<vmem>>[vector<16xi32>, vector<16xi32>], vector<16xf32>,
        %parallel_loop3A_681 = arith.constant 44 : i32
        %parallel_loop3A_682 = vector.broadcast %parallel_loop3A_681 : i32 to vector<16xi32>
        %parallel_loop3A_683 = tpu.vector_load_idx %arg10[%parallel_loop3A_682, %parallel_loop3A_218] : memref<48x512xf32, #tpu.memory_space<vmem>>[vector<16xi32>, vector<16xi32>], vector<16xf32>,
        %parallel_loop3A_684 = tpu.vector_load_idx %arg10[%parallel_loop3A_682, %parallel_loop3A_220] : memref<48x512xf32, #tpu.memory_space<vmem>>[vector<16xi32>, vector<16xi32>], vector<16xf32>,
        %parallel_loop3A_685 = arith.constant 45 : i32
        %parallel_loop3A_686 = vector.broadcast %parallel_loop3A_685 : i32 to vector<16xi32>
        %parallel_loop3A_687 = tpu.vector_load_idx %arg10[%parallel_loop3A_686, %parallel_loop3A_218] : memref<48x512xf32, #tpu.memory_space<vmem>>[vector<16xi32>, vector<16xi32>], vector<16xf32>,
        %parallel_loop3A_688 = tpu.vector_load_idx %arg10[%parallel_loop3A_686, %parallel_loop3A_220] : memref<48x512xf32, #tpu.memory_space<vmem>>[vector<16xi32>, vector<16xi32>], vector<16xf32>,
        %parallel_loop3A_689 = arith.constant 46 : i32
        %parallel_loop3A_690 = vector.broadcast %parallel_loop3A_689 : i32 to vector<16xi32>
        %parallel_loop3A_691 = tpu.vector_load_idx %arg10[%parallel_loop3A_690, %parallel_loop3A_218] : memref<48x512xf32, #tpu.memory_space<vmem>>[vector<16xi32>, vector<16xi32>], vector<16xf32>,
        %parallel_loop3A_692 = tpu.vector_load_idx %arg10[%parallel_loop3A_690, %parallel_loop3A_220] : memref<48x512xf32, #tpu.memory_space<vmem>>[vector<16xi32>, vector<16xi32>], vector<16xf32>,
        %parallel_loop3A_693 = arith.constant 47 : i32
        %parallel_loop3A_694 = vector.broadcast %parallel_loop3A_693 : i32 to vector<16xi32>
        %parallel_loop3A_695 = tpu.vector_load_idx %arg10[%parallel_loop3A_694, %parallel_loop3A_218] : memref<48x512xf32, #tpu.memory_space<vmem>>[vector<16xi32>, vector<16xi32>], vector<16xf32>,
        %parallel_loop3A_696 = tpu.vector_load_idx %arg10[%parallel_loop3A_694, %parallel_loop3A_220] : memref<48x512xf32, #tpu.memory_space<vmem>>[vector<16xi32>, vector<16xi32>], vector<16xf32>,
        %parallel_loop3A_697 = arith.mulf %parallel_loop3A_222, %parallel_loop3A_667 : vector<16xf32>
        %parallel_loop3A_698 = arith.mulf %parallel_loop3A_224, %parallel_loop3A_668 : vector<16xf32>
        %parallel_loop3A_699 = arith.addf %parallel_loop3A_697, %parallel_loop3A_698 : vector<16xf32>
        %parallel_loop3A_700 = arith.constant 40 : i32
        %parallel_loop3A_701 = arith.index_cast %parallel_loop3A_700 : i32 to index
        %parallel_loop3A_702 = arith.index_cast %parallel_loop3A_216 : i32 to index
        %parallel_loop3A_703 = tpu.vector_load %arg12[%parallel_loop3A_701, %parallel_loop3A_702] {strides = array<i32>} : memref<48x512xf32, #tpu.memory_space<vmem>>, vector<16xf32>,
        tpu.vector_store %arg12[%parallel_loop3A_701, %parallel_loop3A_702], %parallel_loop3A_699 {strides = array<i32>} : memref<48x512xf32, #tpu.memory_space<vmem>>, vector<16xf32>,
        %parallel_loop3A_704 = arith.mulf %parallel_loop3A_222, %parallel_loop3A_671 : vector<16xf32>
        %parallel_loop3A_705 = arith.mulf %parallel_loop3A_224, %parallel_loop3A_672 : vector<16xf32>
        %parallel_loop3A_706 = arith.addf %parallel_loop3A_704, %parallel_loop3A_705 : vector<16xf32>
        %parallel_loop3A_707 = arith.constant 41 : i32
        %parallel_loop3A_708 = arith.index_cast %parallel_loop3A_707 : i32 to index
        %parallel_loop3A_709 = arith.index_cast %parallel_loop3A_216 : i32 to index
        %parallel_loop3A_710 = tpu.vector_load %arg12[%parallel_loop3A_708, %parallel_loop3A_709] {strides = array<i32>} : memref<48x512xf32, #tpu.memory_space<vmem>>, vector<16xf32>,
        tpu.vector_store %arg12[%parallel_loop3A_708, %parallel_loop3A_709], %parallel_loop3A_706 {strides = array<i32>} : memref<48x512xf32, #tpu.memory_space<vmem>>, vector<16xf32>,
        %parallel_loop3A_711 = arith.mulf %parallel_loop3A_222, %parallel_loop3A_675 : vector<16xf32>
        %parallel_loop3A_712 = arith.mulf %parallel_loop3A_224, %parallel_loop3A_676 : vector<16xf32>
        %parallel_loop3A_713 = arith.addf %parallel_loop3A_711, %parallel_loop3A_712 : vector<16xf32>
        %parallel_loop3A_714 = arith.constant 42 : i32
        %parallel_loop3A_715 = arith.index_cast %parallel_loop3A_714 : i32 to index
        %parallel_loop3A_716 = arith.index_cast %parallel_loop3A_216 : i32 to index
        %parallel_loop3A_717 = tpu.vector_load %arg12[%parallel_loop3A_715, %parallel_loop3A_716] {strides = array<i32>} : memref<48x512xf32, #tpu.memory_space<vmem>>, vector<16xf32>,
        tpu.vector_store %arg12[%parallel_loop3A_715, %parallel_loop3A_716], %parallel_loop3A_713 {strides = array<i32>} : memref<48x512xf32, #tpu.memory_space<vmem>>, vector<16xf32>,
        %parallel_loop3A_718 = arith.mulf %parallel_loop3A_222, %parallel_loop3A_679 : vector<16xf32>
        %parallel_loop3A_719 = arith.mulf %parallel_loop3A_224, %parallel_loop3A_680 : vector<16xf32>
        %parallel_loop3A_720 = arith.addf %parallel_loop3A_718, %parallel_loop3A_719 : vector<16xf32>
        %parallel_loop3A_721 = arith.constant 43 : i32
        %parallel_loop3A_722 = arith.index_cast %parallel_loop3A_721 : i32 to index
        %parallel_loop3A_723 = arith.index_cast %parallel_loop3A_216 : i32 to index
        %parallel_loop3A_724 = tpu.vector_load %arg12[%parallel_loop3A_722, %parallel_loop3A_723] {strides = array<i32>} : memref<48x512xf32, #tpu.memory_space<vmem>>, vector<16xf32>,
        tpu.vector_store %arg12[%parallel_loop3A_722, %parallel_loop3A_723], %parallel_loop3A_720 {strides = array<i32>} : memref<48x512xf32, #tpu.memory_space<vmem>>, vector<16xf32>,
        %parallel_loop3A_725 = arith.mulf %parallel_loop3A_222, %parallel_loop3A_683 : vector<16xf32>
        %parallel_loop3A_726 = arith.mulf %parallel_loop3A_224, %parallel_loop3A_684 : vector<16xf32>
        %parallel_loop3A_727 = arith.addf %parallel_loop3A_725, %parallel_loop3A_726 : vector<16xf32>
        %parallel_loop3A_728 = arith.constant 44 : i32
        %parallel_loop3A_729 = arith.index_cast %parallel_loop3A_728 : i32 to index
        %parallel_loop3A_730 = arith.index_cast %parallel_loop3A_216 : i32 to index
        %parallel_loop3A_731 = tpu.vector_load %arg12[%parallel_loop3A_729, %parallel_loop3A_730] {strides = array<i32>} : memref<48x512xf32, #tpu.memory_space<vmem>>, vector<16xf32>,
        tpu.vector_store %arg12[%parallel_loop3A_729, %parallel_loop3A_730], %parallel_loop3A_727 {strides = array<i32>} : memref<48x512xf32, #tpu.memory_space<vmem>>, vector<16xf32>,
        %parallel_loop3A_732 = arith.mulf %parallel_loop3A_222, %parallel_loop3A_687 : vector<16xf32>
        %parallel_loop3A_733 = arith.mulf %parallel_loop3A_224, %parallel_loop3A_688 : vector<16xf32>
        %parallel_loop3A_734 = arith.addf %parallel_loop3A_732, %parallel_loop3A_733 : vector<16xf32>
        %parallel_loop3A_735 = arith.constant 45 : i32
        %parallel_loop3A_736 = arith.index_cast %parallel_loop3A_735 : i32 to index
        %parallel_loop3A_737 = arith.index_cast %parallel_loop3A_216 : i32 to index
        %parallel_loop3A_738 = tpu.vector_load %arg12[%parallel_loop3A_736, %parallel_loop3A_737] {strides = array<i32>} : memref<48x512xf32, #tpu.memory_space<vmem>>, vector<16xf32>,
        tpu.vector_store %arg12[%parallel_loop3A_736, %parallel_loop3A_737], %parallel_loop3A_734 {strides = array<i32>} : memref<48x512xf32, #tpu.memory_space<vmem>>, vector<16xf32>,
        %parallel_loop3A_739 = arith.mulf %parallel_loop3A_222, %parallel_loop3A_691 : vector<16xf32>
        %parallel_loop3A_740 = arith.mulf %parallel_loop3A_224, %parallel_loop3A_692 : vector<16xf32>
        %parallel_loop3A_741 = arith.addf %parallel_loop3A_739, %parallel_loop3A_740 : vector<16xf32>
        %parallel_loop3A_742 = arith.constant 46 : i32
        %parallel_loop3A_743 = arith.index_cast %parallel_loop3A_742 : i32 to index
        %parallel_loop3A_744 = arith.index_cast %parallel_loop3A_216 : i32 to index
        %parallel_loop3A_745 = tpu.vector_load %arg12[%parallel_loop3A_743, %parallel_loop3A_744] {strides = array<i32>} : memref<48x512xf32, #tpu.memory_space<vmem>>, vector<16xf32>,
        tpu.vector_store %arg12[%parallel_loop3A_743, %parallel_loop3A_744], %parallel_loop3A_741 {strides = array<i32>} : memref<48x512xf32, #tpu.memory_space<vmem>>, vector<16xf32>,
        %parallel_loop3A_746 = arith.mulf %parallel_loop3A_222, %parallel_loop3A_695 : vector<16xf32>
        %parallel_loop3A_747 = arith.mulf %parallel_loop3A_224, %parallel_loop3A_696 : vector<16xf32>
        %parallel_loop3A_748 = arith.addf %parallel_loop3A_746, %parallel_loop3A_747 : vector<16xf32>
        %parallel_loop3A_749 = arith.constant 47 : i32
        %parallel_loop3A_750 = arith.index_cast %parallel_loop3A_749 : i32 to index
        %parallel_loop3A_751 = arith.index_cast %parallel_loop3A_216 : i32 to index
        %parallel_loop3A_752 = tpu.vector_load %arg12[%parallel_loop3A_750, %parallel_loop3A_751] {strides = array<i32>} : memref<48x512xf32, #tpu.memory_space<vmem>>, vector<16xf32>,
        tpu.vector_store %arg12[%parallel_loop3A_750, %parallel_loop3A_751], %parallel_loop3A_748 {strides = array<i32>} : memref<48x512xf32, #tpu.memory_space<vmem>>, vector<16xf32>,
      } {sc.loop_unroll_factor = 4 : i64, sc.parallel_access}
      %mul3A_173 = arith.constant 96 : i32
      %mul3A_174 = arith.muli %select_n3A, %mul3A_173 : i32
      %add3A_175 = arith.constant 0 : i32
      %add3A_176 = arith.addi %mul3A_174, %add3A_175 : i32
      %dma_start3A_177 = arith.constant 0 : i32
      %dma_start3A_178 = tpu.memref_slice %arg4[%add3A_176, %add3A_95, %dma_start3A_177] : memref<192x512x512xf32, #tpu.memory_space<hbm>> -> memref<48x1x512xf32, #tpu.memory_space<hbm>>
      %dma_start3A_179 = tpu.memref_squeeze %dma_start3A_178 : memref<48x1x512xf32, #tpu.memory_space<hbm>> -> memref<48x512xf32, #tpu.memory_space<hbm>>
      %dma_start3A_180 = arith.constant 0 : i32
      %dma_start3A_181 = tpu.memref_slice %arg4[%add3A_176, %add3A_95, %dma_start3A_180] : memref<192x512x512xf32, #tpu.memory_space<hbm>> -> memref<48x1x512xf32, #tpu.memory_space<hbm>>
      %dma_start3A_182 = tpu.memref_squeeze %dma_start3A_181 : memref<48x1x512xf32, #tpu.memory_space<hbm>> -> memref<48x512xf32, #tpu.memory_space<hbm>>
      tpu.enqueue_dma source(%arg12 : memref<48x512xf32, #tpu.memory_space<vmem>>) target(%dma_start3A_182 : memref<48x512xf32, #tpu.memory_space<hbm>>) target_semaphore(%arg17 : memref<!tpu.dma_semaphore, #tpu.memory_space<semaphore_mem>>)
      %mul3A_183 = arith.constant 96 : i32
      %mul3A_184 = arith.muli %select_n3A, %mul3A_183 : i32
      %add3A_185 = arith.constant 48 : i32
      %add3A_186 = arith.addi %mul3A_184, %add3A_185 : i32
      %dma_wait3A_187 = arith.constant 0 : i32
      %dma_wait3A_188 = tpu.memref_slice %arg2[%add3A_186, %add3A_95, %dma_wait3A_187] : memref<192x512x512xf32, #tpu.memory_space<hbm>> -> memref<48x1x512xf32, #tpu.memory_space<hbm>>
      %dma_wait3A_189 = tpu.memref_squeeze %dma_wait3A_188 : memref<48x1x512xf32, #tpu.memory_space<hbm>> -> memref<48x512xf32, #tpu.memory_space<hbm>>
      %dma_wait3A_190 = arith.constant 0 : i32
      %dma_wait3A_191 = tpu.memref_slice %arg2[%add3A_186, %add3A_95, %dma_wait3A_190] : memref<192x512x512xf32, #tpu.memory_space<hbm>> -> memref<48x1x512xf32, #tpu.memory_space<hbm>>
      %dma_wait3A_192 = tpu.memref_squeeze %dma_wait3A_191 : memref<48x1x512xf32, #tpu.memory_space<hbm>> -> memref<48x512xf32, #tpu.memory_space<hbm>>
      tpu.wait_dma2 semaphore(%arg16 : memref<!tpu.dma_semaphore, #tpu.memory_space<semaphore_mem>>) src(%dma_wait3A_192 : memref<48x512xf32, #tpu.memory_space<hbm>>) dst(%arg11 : memref<48x512xf32, #tpu.memory_space<vmem>>)
      %lt3A_193 = arith.constant 31 : i32
      %lt3A_194 = arith.cmpi slt, %add3A_94, %lt3A_193 : i32
      %convert_element_type3A_195 = arith.extui %lt3A_194 : i1 to i32
      %cond3A_196 = arith.constant 0 : i32
      %cond3A_197 = arith.cmpi ne, %convert_element_type3A_195, %cond3A_196 : i32
      scf.if %cond3A_197 {
        %add3A_216 = arith.constant 1 : i32
        %add3A_217 = arith.addi %add3A_95, %add3A_216 : i32
        %mul3A_218 = arith.constant 96 : i32
        %mul3A_219 = arith.muli %select_n3A, %mul3A_218 : i32
        %add3A_220 = arith.constant 0 : i32
        %add3A_221 = arith.addi %mul3A_219, %add3A_220 : i32
        %dma_start3A_222 = arith.constant 0 : i32
        %dma_start3A_223 = tpu.memref_slice %arg2[%add3A_221, %add3A_217, %dma_start3A_222] : memref<192x512x512xf32, #tpu.memory_space<hbm>> -> memref<48x1x512xf32, #tpu.memory_space<hbm>>
        %dma_start3A_224 = tpu.memref_squeeze %dma_start3A_223 : memref<48x1x512xf32, #tpu.memory_space<hbm>> -> memref<48x512xf32, #tpu.memory_space<hbm>>
        %dma_start3A_225 = arith.constant 0 : i32
        %dma_start3A_226 = tpu.memref_slice %arg2[%add3A_221, %add3A_217, %dma_start3A_225] : memref<192x512x512xf32, #tpu.memory_space<hbm>> -> memref<48x1x512xf32, #tpu.memory_space<hbm>>
        %dma_start3A_227 = tpu.memref_squeeze %dma_start3A_226 : memref<48x1x512xf32, #tpu.memory_space<hbm>> -> memref<48x512xf32, #tpu.memory_space<hbm>>
        tpu.enqueue_dma source(%dma_start3A_227 : memref<48x512xf32, #tpu.memory_space<hbm>>) target(%arg10 : memref<48x512xf32, #tpu.memory_space<vmem>>) target_semaphore(%arg15 : memref<!tpu.dma_semaphore, #tpu.memory_space<semaphore_mem>>)
      } else {
      }
      %gt3A_198 = arith.constant 0 : i32
      %gt3A_199 = arith.cmpi sgt, %add3A_94, %gt3A_198 : i32
      %convert_element_type3A_200 = arith.extui %gt3A_199 : i1 to i32
      %cond3A_201 = arith.constant 0 : i32
      %cond3A_202 = arith.cmpi ne, %convert_element_type3A_200, %cond3A_201 : i32
      scf.if %cond3A_202 {
        %sub3A_216 = arith.constant 1 : i32
        %sub3A_217 = arith.subi %add3A_95, %sub3A_216 : i32
        %mul3A_218 = arith.constant 96 : i32
        %mul3A_219 = arith.muli %select_n3A, %mul3A_218 : i32
        %add3A_220 = arith.constant 48 : i32
        %add3A_221 = arith.addi %mul3A_219, %add3A_220 : i32
        %dma_wait3A_222 = arith.constant 0 : i32
        %dma_wait3A_223 = tpu.memref_slice %arg4[%add3A_221, %sub3A_217, %dma_wait3A_222] : memref<192x512x512xf32, #tpu.memory_space<hbm>> -> memref<48x1x512xf32, #tpu.memory_space<hbm>>
        %dma_wait3A_224 = tpu.memref_squeeze %dma_wait3A_223 : memref<48x1x512xf32, #tpu.memory_space<hbm>> -> memref<48x512xf32, #tpu.memory_space<hbm>>
        %dma_wait3A_225 = arith.constant 0 : i32
        %dma_wait3A_226 = tpu.memref_slice %arg4[%add3A_221, %sub3A_217, %dma_wait3A_225] : memref<192x512x512xf32, #tpu.memory_space<hbm>> -> memref<48x1x512xf32, #tpu.memory_space<hbm>>
        %dma_wait3A_227 = tpu.memref_squeeze %dma_wait3A_226 : memref<48x1x512xf32, #tpu.memory_space<hbm>> -> memref<48x512xf32, #tpu.memory_space<hbm>>
        tpu.wait_dma2 semaphore(%arg18 : memref<!tpu.dma_semaphore, #tpu.memory_space<semaphore_mem>>) src(%arg13 : memref<48x512xf32, #tpu.memory_space<vmem>>) dst(%dma_wait3A_227 : memref<48x512xf32, #tpu.memory_space<hbm>>)
      } else {
      }
      %parallel_loop3A_203 = arith.constant 0 : i32
      %parallel_loop3A_204 = arith.constant 512 : i32
      %parallel_loop3A_205 = arith.constant 16 : i32
      scf.for %parallel_loop3A_216 = %parallel_loop3A_203 to %parallel_loop3A_204 step %parallel_loop3A_205  : i32 {
        %parallel_loop3A_217 = arith.index_cast %parallel_loop3A_216 : i32 to index
        %parallel_loop3A_218 = tpu.vector_load %arg6[%parallel_loop3A_217] {strides = array<i32>} : memref<512xi32, #tpu.memory_space<vmem>>, vector<16xi32>,
        %parallel_loop3A_219 = arith.index_cast %parallel_loop3A_216 : i32 to index
        %parallel_loop3A_220 = tpu.vector_load %arg7[%parallel_loop3A_219] {strides = array<i32>} : memref<512xi32, #tpu.memory_space<vmem>>, vector<16xi32>,
        %parallel_loop3A_221 = arith.index_cast %parallel_loop3A_216 : i32 to index
        %parallel_loop3A_222 = tpu.vector_load %arg8[%parallel_loop3A_221] {strides = array<i32>} : memref<512xf32, #tpu.memory_space<vmem>>, vector<16xf32>,
        %parallel_loop3A_223 = arith.index_cast %parallel_loop3A_216 : i32 to index
        %parallel_loop3A_224 = tpu.vector_load %arg9[%parallel_loop3A_223] {strides = array<i32>} : memref<512xf32, #tpu.memory_space<vmem>>, vector<16xf32>,
        %parallel_loop3A_225 = arith.constant 0 : i32
        %parallel_loop3A_226 = vector.broadcast %parallel_loop3A_225 : i32 to vector<16xi32>
        %parallel_loop3A_227 = tpu.vector_load_idx %arg11[%parallel_loop3A_226, %parallel_loop3A_218] : memref<48x512xf32, #tpu.memory_space<vmem>>[vector<16xi32>, vector<16xi32>], vector<16xf32>,
        %parallel_loop3A_228 = tpu.vector_load_idx %arg11[%parallel_loop3A_226, %parallel_loop3A_220] : memref<48x512xf32, #tpu.memory_space<vmem>>[vector<16xi32>, vector<16xi32>], vector<16xf32>,
        %parallel_loop3A_229 = arith.constant 1 : i32
        %parallel_loop3A_230 = vector.broadcast %parallel_loop3A_229 : i32 to vector<16xi32>
        %parallel_loop3A_231 = tpu.vector_load_idx %arg11[%parallel_loop3A_230, %parallel_loop3A_218] : memref<48x512xf32, #tpu.memory_space<vmem>>[vector<16xi32>, vector<16xi32>], vector<16xf32>,
        %parallel_loop3A_232 = tpu.vector_load_idx %arg11[%parallel_loop3A_230, %parallel_loop3A_220] : memref<48x512xf32, #tpu.memory_space<vmem>>[vector<16xi32>, vector<16xi32>], vector<16xf32>,
        %parallel_loop3A_233 = arith.constant 2 : i32
        %parallel_loop3A_234 = vector.broadcast %parallel_loop3A_233 : i32 to vector<16xi32>
        %parallel_loop3A_235 = tpu.vector_load_idx %arg11[%parallel_loop3A_234, %parallel_loop3A_218] : memref<48x512xf32, #tpu.memory_space<vmem>>[vector<16xi32>, vector<16xi32>], vector<16xf32>,
        %parallel_loop3A_236 = tpu.vector_load_idx %arg11[%parallel_loop3A_234, %parallel_loop3A_220] : memref<48x512xf32, #tpu.memory_space<vmem>>[vector<16xi32>, vector<16xi32>], vector<16xf32>,
        %parallel_loop3A_237 = arith.constant 3 : i32
        %parallel_loop3A_238 = vector.broadcast %parallel_loop3A_237 : i32 to vector<16xi32>
        %parallel_loop3A_239 = tpu.vector_load_idx %arg11[%parallel_loop3A_238, %parallel_loop3A_218] : memref<48x512xf32, #tpu.memory_space<vmem>>[vector<16xi32>, vector<16xi32>], vector<16xf32>,
        %parallel_loop3A_240 = tpu.vector_load_idx %arg11[%parallel_loop3A_238, %parallel_loop3A_220] : memref<48x512xf32, #tpu.memory_space<vmem>>[vector<16xi32>, vector<16xi32>], vector<16xf32>,
        %parallel_loop3A_241 = arith.constant 4 : i32
        %parallel_loop3A_242 = vector.broadcast %parallel_loop3A_241 : i32 to vector<16xi32>
        %parallel_loop3A_243 = tpu.vector_load_idx %arg11[%parallel_loop3A_242, %parallel_loop3A_218] : memref<48x512xf32, #tpu.memory_space<vmem>>[vector<16xi32>, vector<16xi32>], vector<16xf32>,
        %parallel_loop3A_244 = tpu.vector_load_idx %arg11[%parallel_loop3A_242, %parallel_loop3A_220] : memref<48x512xf32, #tpu.memory_space<vmem>>[vector<16xi32>, vector<16xi32>], vector<16xf32>,
        %parallel_loop3A_245 = arith.constant 5 : i32
        %parallel_loop3A_246 = vector.broadcast %parallel_loop3A_245 : i32 to vector<16xi32>
        %parallel_loop3A_247 = tpu.vector_load_idx %arg11[%parallel_loop3A_246, %parallel_loop3A_218] : memref<48x512xf32, #tpu.memory_space<vmem>>[vector<16xi32>, vector<16xi32>], vector<16xf32>,
        %parallel_loop3A_248 = tpu.vector_load_idx %arg11[%parallel_loop3A_246, %parallel_loop3A_220] : memref<48x512xf32, #tpu.memory_space<vmem>>[vector<16xi32>, vector<16xi32>], vector<16xf32>,
        %parallel_loop3A_249 = arith.constant 6 : i32
        %parallel_loop3A_250 = vector.broadcast %parallel_loop3A_249 : i32 to vector<16xi32>
        %parallel_loop3A_251 = tpu.vector_load_idx %arg11[%parallel_loop3A_250, %parallel_loop3A_218] : memref<48x512xf32, #tpu.memory_space<vmem>>[vector<16xi32>, vector<16xi32>], vector<16xf32>,
        %parallel_loop3A_252 = tpu.vector_load_idx %arg11[%parallel_loop3A_250, %parallel_loop3A_220] : memref<48x512xf32, #tpu.memory_space<vmem>>[vector<16xi32>, vector<16xi32>], vector<16xf32>,
        %parallel_loop3A_253 = arith.constant 7 : i32
        %parallel_loop3A_254 = vector.broadcast %parallel_loop3A_253 : i32 to vector<16xi32>
        %parallel_loop3A_255 = tpu.vector_load_idx %arg11[%parallel_loop3A_254, %parallel_loop3A_218] : memref<48x512xf32, #tpu.memory_space<vmem>>[vector<16xi32>, vector<16xi32>], vector<16xf32>,
        %parallel_loop3A_256 = tpu.vector_load_idx %arg11[%parallel_loop3A_254, %parallel_loop3A_220] : memref<48x512xf32, #tpu.memory_space<vmem>>[vector<16xi32>, vector<16xi32>], vector<16xf32>,
        %parallel_loop3A_257 = arith.mulf %parallel_loop3A_222, %parallel_loop3A_227 : vector<16xf32>
        %parallel_loop3A_258 = arith.mulf %parallel_loop3A_224, %parallel_loop3A_228 : vector<16xf32>
        %parallel_loop3A_259 = arith.addf %parallel_loop3A_257, %parallel_loop3A_258 : vector<16xf32>
        %parallel_loop3A_260 = arith.constant 0 : i32
        %parallel_loop3A_261 = arith.index_cast %parallel_loop3A_260 : i32 to index
        %parallel_loop3A_262 = arith.index_cast %parallel_loop3A_216 : i32 to index
        %parallel_loop3A_263 = tpu.vector_load %arg13[%parallel_loop3A_261, %parallel_loop3A_262] {strides = array<i32>} : memref<48x512xf32, #tpu.memory_space<vmem>>, vector<16xf32>,
        tpu.vector_store %arg13[%parallel_loop3A_261, %parallel_loop3A_262], %parallel_loop3A_259 {strides = array<i32>} : memref<48x512xf32, #tpu.memory_space<vmem>>, vector<16xf32>,
        %parallel_loop3A_264 = arith.mulf %parallel_loop3A_222, %parallel_loop3A_231 : vector<16xf32>
        %parallel_loop3A_265 = arith.mulf %parallel_loop3A_224, %parallel_loop3A_232 : vector<16xf32>
        %parallel_loop3A_266 = arith.addf %parallel_loop3A_264, %parallel_loop3A_265 : vector<16xf32>
        %parallel_loop3A_267 = arith.constant 1 : i32
        %parallel_loop3A_268 = arith.index_cast %parallel_loop3A_267 : i32 to index
        %parallel_loop3A_269 = arith.index_cast %parallel_loop3A_216 : i32 to index
        %parallel_loop3A_270 = tpu.vector_load %arg13[%parallel_loop3A_268, %parallel_loop3A_269] {strides = array<i32>} : memref<48x512xf32, #tpu.memory_space<vmem>>, vector<16xf32>,
        tpu.vector_store %arg13[%parallel_loop3A_268, %parallel_loop3A_269], %parallel_loop3A_266 {strides = array<i32>} : memref<48x512xf32, #tpu.memory_space<vmem>>, vector<16xf32>,
        %parallel_loop3A_271 = arith.mulf %parallel_loop3A_222, %parallel_loop3A_235 : vector<16xf32>
        %parallel_loop3A_272 = arith.mulf %parallel_loop3A_224, %parallel_loop3A_236 : vector<16xf32>
        %parallel_loop3A_273 = arith.addf %parallel_loop3A_271, %parallel_loop3A_272 : vector<16xf32>
        %parallel_loop3A_274 = arith.constant 2 : i32
        %parallel_loop3A_275 = arith.index_cast %parallel_loop3A_274 : i32 to index
        %parallel_loop3A_276 = arith.index_cast %parallel_loop3A_216 : i32 to index
        %parallel_loop3A_277 = tpu.vector_load %arg13[%parallel_loop3A_275, %parallel_loop3A_276] {strides = array<i32>} : memref<48x512xf32, #tpu.memory_space<vmem>>, vector<16xf32>,
        tpu.vector_store %arg13[%parallel_loop3A_275, %parallel_loop3A_276], %parallel_loop3A_273 {strides = array<i32>} : memref<48x512xf32, #tpu.memory_space<vmem>>, vector<16xf32>,
        %parallel_loop3A_278 = arith.mulf %parallel_loop3A_222, %parallel_loop3A_239 : vector<16xf32>
        %parallel_loop3A_279 = arith.mulf %parallel_loop3A_224, %parallel_loop3A_240 : vector<16xf32>
        %parallel_loop3A_280 = arith.addf %parallel_loop3A_278, %parallel_loop3A_279 : vector<16xf32>
        %parallel_loop3A_281 = arith.constant 3 : i32
        %parallel_loop3A_282 = arith.index_cast %parallel_loop3A_281 : i32 to index
        %parallel_loop3A_283 = arith.index_cast %parallel_loop3A_216 : i32 to index
        %parallel_loop3A_284 = tpu.vector_load %arg13[%parallel_loop3A_282, %parallel_loop3A_283] {strides = array<i32>} : memref<48x512xf32, #tpu.memory_space<vmem>>, vector<16xf32>,
        tpu.vector_store %arg13[%parallel_loop3A_282, %parallel_loop3A_283], %parallel_loop3A_280 {strides = array<i32>} : memref<48x512xf32, #tpu.memory_space<vmem>>, vector<16xf32>,
        %parallel_loop3A_285 = arith.mulf %parallel_loop3A_222, %parallel_loop3A_243 : vector<16xf32>
        %parallel_loop3A_286 = arith.mulf %parallel_loop3A_224, %parallel_loop3A_244 : vector<16xf32>
        %parallel_loop3A_287 = arith.addf %parallel_loop3A_285, %parallel_loop3A_286 : vector<16xf32>
        %parallel_loop3A_288 = arith.constant 4 : i32
        %parallel_loop3A_289 = arith.index_cast %parallel_loop3A_288 : i32 to index
        %parallel_loop3A_290 = arith.index_cast %parallel_loop3A_216 : i32 to index
        %parallel_loop3A_291 = tpu.vector_load %arg13[%parallel_loop3A_289, %parallel_loop3A_290] {strides = array<i32>} : memref<48x512xf32, #tpu.memory_space<vmem>>, vector<16xf32>,
        tpu.vector_store %arg13[%parallel_loop3A_289, %parallel_loop3A_290], %parallel_loop3A_287 {strides = array<i32>} : memref<48x512xf32, #tpu.memory_space<vmem>>, vector<16xf32>,
        %parallel_loop3A_292 = arith.mulf %parallel_loop3A_222, %parallel_loop3A_247 : vector<16xf32>
        %parallel_loop3A_293 = arith.mulf %parallel_loop3A_224, %parallel_loop3A_248 : vector<16xf32>
        %parallel_loop3A_294 = arith.addf %parallel_loop3A_292, %parallel_loop3A_293 : vector<16xf32>
        %parallel_loop3A_295 = arith.constant 5 : i32
        %parallel_loop3A_296 = arith.index_cast %parallel_loop3A_295 : i32 to index
        %parallel_loop3A_297 = arith.index_cast %parallel_loop3A_216 : i32 to index
        %parallel_loop3A_298 = tpu.vector_load %arg13[%parallel_loop3A_296, %parallel_loop3A_297] {strides = array<i32>} : memref<48x512xf32, #tpu.memory_space<vmem>>, vector<16xf32>,
        tpu.vector_store %arg13[%parallel_loop3A_296, %parallel_loop3A_297], %parallel_loop3A_294 {strides = array<i32>} : memref<48x512xf32, #tpu.memory_space<vmem>>, vector<16xf32>,
        %parallel_loop3A_299 = arith.mulf %parallel_loop3A_222, %parallel_loop3A_251 : vector<16xf32>
        %parallel_loop3A_300 = arith.mulf %parallel_loop3A_224, %parallel_loop3A_252 : vector<16xf32>
        %parallel_loop3A_301 = arith.addf %parallel_loop3A_299, %parallel_loop3A_300 : vector<16xf32>
        %parallel_loop3A_302 = arith.constant 6 : i32
        %parallel_loop3A_303 = arith.index_cast %parallel_loop3A_302 : i32 to index
        %parallel_loop3A_304 = arith.index_cast %parallel_loop3A_216 : i32 to index
        %parallel_loop3A_305 = tpu.vector_load %arg13[%parallel_loop3A_303, %parallel_loop3A_304] {strides = array<i32>} : memref<48x512xf32, #tpu.memory_space<vmem>>, vector<16xf32>,
        tpu.vector_store %arg13[%parallel_loop3A_303, %parallel_loop3A_304], %parallel_loop3A_301 {strides = array<i32>} : memref<48x512xf32, #tpu.memory_space<vmem>>, vector<16xf32>,
        %parallel_loop3A_306 = arith.mulf %parallel_loop3A_222, %parallel_loop3A_255 : vector<16xf32>
        %parallel_loop3A_307 = arith.mulf %parallel_loop3A_224, %parallel_loop3A_256 : vector<16xf32>
        %parallel_loop3A_308 = arith.addf %parallel_loop3A_306, %parallel_loop3A_307 : vector<16xf32>
        %parallel_loop3A_309 = arith.constant 7 : i32
        %parallel_loop3A_310 = arith.index_cast %parallel_loop3A_309 : i32 to index
        %parallel_loop3A_311 = arith.index_cast %parallel_loop3A_216 : i32 to index
        %parallel_loop3A_312 = tpu.vector_load %arg13[%parallel_loop3A_310, %parallel_loop3A_311] {strides = array<i32>} : memref<48x512xf32, #tpu.memory_space<vmem>>, vector<16xf32>,
        tpu.vector_store %arg13[%parallel_loop3A_310, %parallel_loop3A_311], %parallel_loop3A_308 {strides = array<i32>} : memref<48x512xf32, #tpu.memory_space<vmem>>, vector<16xf32>,
        %parallel_loop3A_313 = arith.constant 8 : i32
        %parallel_loop3A_314 = vector.broadcast %parallel_loop3A_313 : i32 to vector<16xi32>
        %parallel_loop3A_315 = tpu.vector_load_idx %arg11[%parallel_loop3A_314, %parallel_loop3A_218] : memref<48x512xf32, #tpu.memory_space<vmem>>[vector<16xi32>, vector<16xi32>], vector<16xf32>,
        %parallel_loop3A_316 = tpu.vector_load_idx %arg11[%parallel_loop3A_314, %parallel_loop3A_220] : memref<48x512xf32, #tpu.memory_space<vmem>>[vector<16xi32>, vector<16xi32>], vector<16xf32>,
        %parallel_loop3A_317 = arith.constant 9 : i32
        %parallel_loop3A_318 = vector.broadcast %parallel_loop3A_317 : i32 to vector<16xi32>
        %parallel_loop3A_319 = tpu.vector_load_idx %arg11[%parallel_loop3A_318, %parallel_loop3A_218] : memref<48x512xf32, #tpu.memory_space<vmem>>[vector<16xi32>, vector<16xi32>], vector<16xf32>,
        %parallel_loop3A_320 = tpu.vector_load_idx %arg11[%parallel_loop3A_318, %parallel_loop3A_220] : memref<48x512xf32, #tpu.memory_space<vmem>>[vector<16xi32>, vector<16xi32>], vector<16xf32>,
        %parallel_loop3A_321 = arith.constant 10 : i32
        %parallel_loop3A_322 = vector.broadcast %parallel_loop3A_321 : i32 to vector<16xi32>
        %parallel_loop3A_323 = tpu.vector_load_idx %arg11[%parallel_loop3A_322, %parallel_loop3A_218] : memref<48x512xf32, #tpu.memory_space<vmem>>[vector<16xi32>, vector<16xi32>], vector<16xf32>,
        %parallel_loop3A_324 = tpu.vector_load_idx %arg11[%parallel_loop3A_322, %parallel_loop3A_220] : memref<48x512xf32, #tpu.memory_space<vmem>>[vector<16xi32>, vector<16xi32>], vector<16xf32>,
        %parallel_loop3A_325 = arith.constant 11 : i32
        %parallel_loop3A_326 = vector.broadcast %parallel_loop3A_325 : i32 to vector<16xi32>
        %parallel_loop3A_327 = tpu.vector_load_idx %arg11[%parallel_loop3A_326, %parallel_loop3A_218] : memref<48x512xf32, #tpu.memory_space<vmem>>[vector<16xi32>, vector<16xi32>], vector<16xf32>,
        %parallel_loop3A_328 = tpu.vector_load_idx %arg11[%parallel_loop3A_326, %parallel_loop3A_220] : memref<48x512xf32, #tpu.memory_space<vmem>>[vector<16xi32>, vector<16xi32>], vector<16xf32>,
        %parallel_loop3A_329 = arith.constant 12 : i32
        %parallel_loop3A_330 = vector.broadcast %parallel_loop3A_329 : i32 to vector<16xi32>
        %parallel_loop3A_331 = tpu.vector_load_idx %arg11[%parallel_loop3A_330, %parallel_loop3A_218] : memref<48x512xf32, #tpu.memory_space<vmem>>[vector<16xi32>, vector<16xi32>], vector<16xf32>,
        %parallel_loop3A_332 = tpu.vector_load_idx %arg11[%parallel_loop3A_330, %parallel_loop3A_220] : memref<48x512xf32, #tpu.memory_space<vmem>>[vector<16xi32>, vector<16xi32>], vector<16xf32>,
        %parallel_loop3A_333 = arith.constant 13 : i32
        %parallel_loop3A_334 = vector.broadcast %parallel_loop3A_333 : i32 to vector<16xi32>
        %parallel_loop3A_335 = tpu.vector_load_idx %arg11[%parallel_loop3A_334, %parallel_loop3A_218] : memref<48x512xf32, #tpu.memory_space<vmem>>[vector<16xi32>, vector<16xi32>], vector<16xf32>,
        %parallel_loop3A_336 = tpu.vector_load_idx %arg11[%parallel_loop3A_334, %parallel_loop3A_220] : memref<48x512xf32, #tpu.memory_space<vmem>>[vector<16xi32>, vector<16xi32>], vector<16xf32>,
        %parallel_loop3A_337 = arith.constant 14 : i32
        %parallel_loop3A_338 = vector.broadcast %parallel_loop3A_337 : i32 to vector<16xi32>
        %parallel_loop3A_339 = tpu.vector_load_idx %arg11[%parallel_loop3A_338, %parallel_loop3A_218] : memref<48x512xf32, #tpu.memory_space<vmem>>[vector<16xi32>, vector<16xi32>], vector<16xf32>,
        %parallel_loop3A_340 = tpu.vector_load_idx %arg11[%parallel_loop3A_338, %parallel_loop3A_220] : memref<48x512xf32, #tpu.memory_space<vmem>>[vector<16xi32>, vector<16xi32>], vector<16xf32>,
        %parallel_loop3A_341 = arith.constant 15 : i32
        %parallel_loop3A_342 = vector.broadcast %parallel_loop3A_341 : i32 to vector<16xi32>
        %parallel_loop3A_343 = tpu.vector_load_idx %arg11[%parallel_loop3A_342, %parallel_loop3A_218] : memref<48x512xf32, #tpu.memory_space<vmem>>[vector<16xi32>, vector<16xi32>], vector<16xf32>,
        %parallel_loop3A_344 = tpu.vector_load_idx %arg11[%parallel_loop3A_342, %parallel_loop3A_220] : memref<48x512xf32, #tpu.memory_space<vmem>>[vector<16xi32>, vector<16xi32>], vector<16xf32>,
        %parallel_loop3A_345 = arith.mulf %parallel_loop3A_222, %parallel_loop3A_315 : vector<16xf32>
        %parallel_loop3A_346 = arith.mulf %parallel_loop3A_224, %parallel_loop3A_316 : vector<16xf32>
        %parallel_loop3A_347 = arith.addf %parallel_loop3A_345, %parallel_loop3A_346 : vector<16xf32>
        %parallel_loop3A_348 = arith.constant 8 : i32
        %parallel_loop3A_349 = arith.index_cast %parallel_loop3A_348 : i32 to index
        %parallel_loop3A_350 = arith.index_cast %parallel_loop3A_216 : i32 to index
        %parallel_loop3A_351 = tpu.vector_load %arg13[%parallel_loop3A_349, %parallel_loop3A_350] {strides = array<i32>} : memref<48x512xf32, #tpu.memory_space<vmem>>, vector<16xf32>,
        tpu.vector_store %arg13[%parallel_loop3A_349, %parallel_loop3A_350], %parallel_loop3A_347 {strides = array<i32>} : memref<48x512xf32, #tpu.memory_space<vmem>>, vector<16xf32>,
        %parallel_loop3A_352 = arith.mulf %parallel_loop3A_222, %parallel_loop3A_319 : vector<16xf32>
        %parallel_loop3A_353 = arith.mulf %parallel_loop3A_224, %parallel_loop3A_320 : vector<16xf32>
        %parallel_loop3A_354 = arith.addf %parallel_loop3A_352, %parallel_loop3A_353 : vector<16xf32>
        %parallel_loop3A_355 = arith.constant 9 : i32
        %parallel_loop3A_356 = arith.index_cast %parallel_loop3A_355 : i32 to index
        %parallel_loop3A_357 = arith.index_cast %parallel_loop3A_216 : i32 to index
        %parallel_loop3A_358 = tpu.vector_load %arg13[%parallel_loop3A_356, %parallel_loop3A_357] {strides = array<i32>} : memref<48x512xf32, #tpu.memory_space<vmem>>, vector<16xf32>,
        tpu.vector_store %arg13[%parallel_loop3A_356, %parallel_loop3A_357], %parallel_loop3A_354 {strides = array<i32>} : memref<48x512xf32, #tpu.memory_space<vmem>>, vector<16xf32>,
        %parallel_loop3A_359 = arith.mulf %parallel_loop3A_222, %parallel_loop3A_323 : vector<16xf32>
        %parallel_loop3A_360 = arith.mulf %parallel_loop3A_224, %parallel_loop3A_324 : vector<16xf32>
        %parallel_loop3A_361 = arith.addf %parallel_loop3A_359, %parallel_loop3A_360 : vector<16xf32>
        %parallel_loop3A_362 = arith.constant 10 : i32
        %parallel_loop3A_363 = arith.index_cast %parallel_loop3A_362 : i32 to index
        %parallel_loop3A_364 = arith.index_cast %parallel_loop3A_216 : i32 to index
        %parallel_loop3A_365 = tpu.vector_load %arg13[%parallel_loop3A_363, %parallel_loop3A_364] {strides = array<i32>} : memref<48x512xf32, #tpu.memory_space<vmem>>, vector<16xf32>,
        tpu.vector_store %arg13[%parallel_loop3A_363, %parallel_loop3A_364], %parallel_loop3A_361 {strides = array<i32>} : memref<48x512xf32, #tpu.memory_space<vmem>>, vector<16xf32>,
        %parallel_loop3A_366 = arith.mulf %parallel_loop3A_222, %parallel_loop3A_327 : vector<16xf32>
        %parallel_loop3A_367 = arith.mulf %parallel_loop3A_224, %parallel_loop3A_328 : vector<16xf32>
        %parallel_loop3A_368 = arith.addf %parallel_loop3A_366, %parallel_loop3A_367 : vector<16xf32>
        %parallel_loop3A_369 = arith.constant 11 : i32
        %parallel_loop3A_370 = arith.index_cast %parallel_loop3A_369 : i32 to index
        %parallel_loop3A_371 = arith.index_cast %parallel_loop3A_216 : i32 to index
        %parallel_loop3A_372 = tpu.vector_load %arg13[%parallel_loop3A_370, %parallel_loop3A_371] {strides = array<i32>} : memref<48x512xf32, #tpu.memory_space<vmem>>, vector<16xf32>,
        tpu.vector_store %arg13[%parallel_loop3A_370, %parallel_loop3A_371], %parallel_loop3A_368 {strides = array<i32>} : memref<48x512xf32, #tpu.memory_space<vmem>>, vector<16xf32>,
        %parallel_loop3A_373 = arith.mulf %parallel_loop3A_222, %parallel_loop3A_331 : vector<16xf32>
        %parallel_loop3A_374 = arith.mulf %parallel_loop3A_224, %parallel_loop3A_332 : vector<16xf32>
        %parallel_loop3A_375 = arith.addf %parallel_loop3A_373, %parallel_loop3A_374 : vector<16xf32>
        %parallel_loop3A_376 = arith.constant 12 : i32
        %parallel_loop3A_377 = arith.index_cast %parallel_loop3A_376 : i32 to index
        %parallel_loop3A_378 = arith.index_cast %parallel_loop3A_216 : i32 to index
        %parallel_loop3A_379 = tpu.vector_load %arg13[%parallel_loop3A_377, %parallel_loop3A_378] {strides = array<i32>} : memref<48x512xf32, #tpu.memory_space<vmem>>, vector<16xf32>,
        tpu.vector_store %arg13[%parallel_loop3A_377, %parallel_loop3A_378], %parallel_loop3A_375 {strides = array<i32>} : memref<48x512xf32, #tpu.memory_space<vmem>>, vector<16xf32>,
        %parallel_loop3A_380 = arith.mulf %parallel_loop3A_222, %parallel_loop3A_335 : vector<16xf32>
        %parallel_loop3A_381 = arith.mulf %parallel_loop3A_224, %parallel_loop3A_336 : vector<16xf32>
        %parallel_loop3A_382 = arith.addf %parallel_loop3A_380, %parallel_loop3A_381 : vector<16xf32>
        %parallel_loop3A_383 = arith.constant 13 : i32
        %parallel_loop3A_384 = arith.index_cast %parallel_loop3A_383 : i32 to index
        %parallel_loop3A_385 = arith.index_cast %parallel_loop3A_216 : i32 to index
        %parallel_loop3A_386 = tpu.vector_load %arg13[%parallel_loop3A_384, %parallel_loop3A_385] {strides = array<i32>} : memref<48x512xf32, #tpu.memory_space<vmem>>, vector<16xf32>,
        tpu.vector_store %arg13[%parallel_loop3A_384, %parallel_loop3A_385], %parallel_loop3A_382 {strides = array<i32>} : memref<48x512xf32, #tpu.memory_space<vmem>>, vector<16xf32>,
        %parallel_loop3A_387 = arith.mulf %parallel_loop3A_222, %parallel_loop3A_339 : vector<16xf32>
        %parallel_loop3A_388 = arith.mulf %parallel_loop3A_224, %parallel_loop3A_340 : vector<16xf32>
        %parallel_loop3A_389 = arith.addf %parallel_loop3A_387, %parallel_loop3A_388 : vector<16xf32>
        %parallel_loop3A_390 = arith.constant 14 : i32
        %parallel_loop3A_391 = arith.index_cast %parallel_loop3A_390 : i32 to index
        %parallel_loop3A_392 = arith.index_cast %parallel_loop3A_216 : i32 to index
        %parallel_loop3A_393 = tpu.vector_load %arg13[%parallel_loop3A_391, %parallel_loop3A_392] {strides = array<i32>} : memref<48x512xf32, #tpu.memory_space<vmem>>, vector<16xf32>,
        tpu.vector_store %arg13[%parallel_loop3A_391, %parallel_loop3A_392], %parallel_loop3A_389 {strides = array<i32>} : memref<48x512xf32, #tpu.memory_space<vmem>>, vector<16xf32>,
        %parallel_loop3A_394 = arith.mulf %parallel_loop3A_222, %parallel_loop3A_343 : vector<16xf32>
        %parallel_loop3A_395 = arith.mulf %parallel_loop3A_224, %parallel_loop3A_344 : vector<16xf32>
        %parallel_loop3A_396 = arith.addf %parallel_loop3A_394, %parallel_loop3A_395 : vector<16xf32>
        %parallel_loop3A_397 = arith.constant 15 : i32
        %parallel_loop3A_398 = arith.index_cast %parallel_loop3A_397 : i32 to index
        %parallel_loop3A_399 = arith.index_cast %parallel_loop3A_216 : i32 to index
        %parallel_loop3A_400 = tpu.vector_load %arg13[%parallel_loop3A_398, %parallel_loop3A_399] {strides = array<i32>} : memref<48x512xf32, #tpu.memory_space<vmem>>, vector<16xf32>,
        tpu.vector_store %arg13[%parallel_loop3A_398, %parallel_loop3A_399], %parallel_loop3A_396 {strides = array<i32>} : memref<48x512xf32, #tpu.memory_space<vmem>>, vector<16xf32>,
        %parallel_loop3A_401 = arith.constant 16 : i32
        %parallel_loop3A_402 = vector.broadcast %parallel_loop3A_401 : i32 to vector<16xi32>
        %parallel_loop3A_403 = tpu.vector_load_idx %arg11[%parallel_loop3A_402, %parallel_loop3A_218] : memref<48x512xf32, #tpu.memory_space<vmem>>[vector<16xi32>, vector<16xi32>], vector<16xf32>,
        %parallel_loop3A_404 = tpu.vector_load_idx %arg11[%parallel_loop3A_402, %parallel_loop3A_220] : memref<48x512xf32, #tpu.memory_space<vmem>>[vector<16xi32>, vector<16xi32>], vector<16xf32>,
        %parallel_loop3A_405 = arith.constant 17 : i32
        %parallel_loop3A_406 = vector.broadcast %parallel_loop3A_405 : i32 to vector<16xi32>
        %parallel_loop3A_407 = tpu.vector_load_idx %arg11[%parallel_loop3A_406, %parallel_loop3A_218] : memref<48x512xf32, #tpu.memory_space<vmem>>[vector<16xi32>, vector<16xi32>], vector<16xf32>,
        %parallel_loop3A_408 = tpu.vector_load_idx %arg11[%parallel_loop3A_406, %parallel_loop3A_220] : memref<48x512xf32, #tpu.memory_space<vmem>>[vector<16xi32>, vector<16xi32>], vector<16xf32>,
        %parallel_loop3A_409 = arith.constant 18 : i32
        %parallel_loop3A_410 = vector.broadcast %parallel_loop3A_409 : i32 to vector<16xi32>
        %parallel_loop3A_411 = tpu.vector_load_idx %arg11[%parallel_loop3A_410, %parallel_loop3A_218] : memref<48x512xf32, #tpu.memory_space<vmem>>[vector<16xi32>, vector<16xi32>], vector<16xf32>,
        %parallel_loop3A_412 = tpu.vector_load_idx %arg11[%parallel_loop3A_410, %parallel_loop3A_220] : memref<48x512xf32, #tpu.memory_space<vmem>>[vector<16xi32>, vector<16xi32>], vector<16xf32>,
        %parallel_loop3A_413 = arith.constant 19 : i32
        %parallel_loop3A_414 = vector.broadcast %parallel_loop3A_413 : i32 to vector<16xi32>
        %parallel_loop3A_415 = tpu.vector_load_idx %arg11[%parallel_loop3A_414, %parallel_loop3A_218] : memref<48x512xf32, #tpu.memory_space<vmem>>[vector<16xi32>, vector<16xi32>], vector<16xf32>,
        %parallel_loop3A_416 = tpu.vector_load_idx %arg11[%parallel_loop3A_414, %parallel_loop3A_220] : memref<48x512xf32, #tpu.memory_space<vmem>>[vector<16xi32>, vector<16xi32>], vector<16xf32>,
        %parallel_loop3A_417 = arith.constant 20 : i32
        %parallel_loop3A_418 = vector.broadcast %parallel_loop3A_417 : i32 to vector<16xi32>
        %parallel_loop3A_419 = tpu.vector_load_idx %arg11[%parallel_loop3A_418, %parallel_loop3A_218] : memref<48x512xf32, #tpu.memory_space<vmem>>[vector<16xi32>, vector<16xi32>], vector<16xf32>,
        %parallel_loop3A_420 = tpu.vector_load_idx %arg11[%parallel_loop3A_418, %parallel_loop3A_220] : memref<48x512xf32, #tpu.memory_space<vmem>>[vector<16xi32>, vector<16xi32>], vector<16xf32>,
        %parallel_loop3A_421 = arith.constant 21 : i32
        %parallel_loop3A_422 = vector.broadcast %parallel_loop3A_421 : i32 to vector<16xi32>
        %parallel_loop3A_423 = tpu.vector_load_idx %arg11[%parallel_loop3A_422, %parallel_loop3A_218] : memref<48x512xf32, #tpu.memory_space<vmem>>[vector<16xi32>, vector<16xi32>], vector<16xf32>,
        %parallel_loop3A_424 = tpu.vector_load_idx %arg11[%parallel_loop3A_422, %parallel_loop3A_220] : memref<48x512xf32, #tpu.memory_space<vmem>>[vector<16xi32>, vector<16xi32>], vector<16xf32>,
        %parallel_loop3A_425 = arith.constant 22 : i32
        %parallel_loop3A_426 = vector.broadcast %parallel_loop3A_425 : i32 to vector<16xi32>
        %parallel_loop3A_427 = tpu.vector_load_idx %arg11[%parallel_loop3A_426, %parallel_loop3A_218] : memref<48x512xf32, #tpu.memory_space<vmem>>[vector<16xi32>, vector<16xi32>], vector<16xf32>,
        %parallel_loop3A_428 = tpu.vector_load_idx %arg11[%parallel_loop3A_426, %parallel_loop3A_220] : memref<48x512xf32, #tpu.memory_space<vmem>>[vector<16xi32>, vector<16xi32>], vector<16xf32>,
        %parallel_loop3A_429 = arith.constant 23 : i32
        %parallel_loop3A_430 = vector.broadcast %parallel_loop3A_429 : i32 to vector<16xi32>
        %parallel_loop3A_431 = tpu.vector_load_idx %arg11[%parallel_loop3A_430, %parallel_loop3A_218] : memref<48x512xf32, #tpu.memory_space<vmem>>[vector<16xi32>, vector<16xi32>], vector<16xf32>,
        %parallel_loop3A_432 = tpu.vector_load_idx %arg11[%parallel_loop3A_430, %parallel_loop3A_220] : memref<48x512xf32, #tpu.memory_space<vmem>>[vector<16xi32>, vector<16xi32>], vector<16xf32>,
        %parallel_loop3A_433 = arith.mulf %parallel_loop3A_222, %parallel_loop3A_403 : vector<16xf32>
        %parallel_loop3A_434 = arith.mulf %parallel_loop3A_224, %parallel_loop3A_404 : vector<16xf32>
        %parallel_loop3A_435 = arith.addf %parallel_loop3A_433, %parallel_loop3A_434 : vector<16xf32>
        %parallel_loop3A_436 = arith.constant 16 : i32
        %parallel_loop3A_437 = arith.index_cast %parallel_loop3A_436 : i32 to index
        %parallel_loop3A_438 = arith.index_cast %parallel_loop3A_216 : i32 to index
        %parallel_loop3A_439 = tpu.vector_load %arg13[%parallel_loop3A_437, %parallel_loop3A_438] {strides = array<i32>} : memref<48x512xf32, #tpu.memory_space<vmem>>, vector<16xf32>,
        tpu.vector_store %arg13[%parallel_loop3A_437, %parallel_loop3A_438], %parallel_loop3A_435 {strides = array<i32>} : memref<48x512xf32, #tpu.memory_space<vmem>>, vector<16xf32>,
        %parallel_loop3A_440 = arith.mulf %parallel_loop3A_222, %parallel_loop3A_407 : vector<16xf32>
        %parallel_loop3A_441 = arith.mulf %parallel_loop3A_224, %parallel_loop3A_408 : vector<16xf32>
        %parallel_loop3A_442 = arith.addf %parallel_loop3A_440, %parallel_loop3A_441 : vector<16xf32>
        %parallel_loop3A_443 = arith.constant 17 : i32
        %parallel_loop3A_444 = arith.index_cast %parallel_loop3A_443 : i32 to index
        %parallel_loop3A_445 = arith.index_cast %parallel_loop3A_216 : i32 to index
        %parallel_loop3A_446 = tpu.vector_load %arg13[%parallel_loop3A_444, %parallel_loop3A_445] {strides = array<i32>} : memref<48x512xf32, #tpu.memory_space<vmem>>, vector<16xf32>,
        tpu.vector_store %arg13[%parallel_loop3A_444, %parallel_loop3A_445], %parallel_loop3A_442 {strides = array<i32>} : memref<48x512xf32, #tpu.memory_space<vmem>>, vector<16xf32>,
        %parallel_loop3A_447 = arith.mulf %parallel_loop3A_222, %parallel_loop3A_411 : vector<16xf32>
        %parallel_loop3A_448 = arith.mulf %parallel_loop3A_224, %parallel_loop3A_412 : vector<16xf32>
        %parallel_loop3A_449 = arith.addf %parallel_loop3A_447, %parallel_loop3A_448 : vector<16xf32>
        %parallel_loop3A_450 = arith.constant 18 : i32
        %parallel_loop3A_451 = arith.index_cast %parallel_loop3A_450 : i32 to index
        %parallel_loop3A_452 = arith.index_cast %parallel_loop3A_216 : i32 to index
        %parallel_loop3A_453 = tpu.vector_load %arg13[%parallel_loop3A_451, %parallel_loop3A_452] {strides = array<i32>} : memref<48x512xf32, #tpu.memory_space<vmem>>, vector<16xf32>,
        tpu.vector_store %arg13[%parallel_loop3A_451, %parallel_loop3A_452], %parallel_loop3A_449 {strides = array<i32>} : memref<48x512xf32, #tpu.memory_space<vmem>>, vector<16xf32>,
        %parallel_loop3A_454 = arith.mulf %parallel_loop3A_222, %parallel_loop3A_415 : vector<16xf32>
        %parallel_loop3A_455 = arith.mulf %parallel_loop3A_224, %parallel_loop3A_416 : vector<16xf32>
        %parallel_loop3A_456 = arith.addf %parallel_loop3A_454, %parallel_loop3A_455 : vector<16xf32>
        %parallel_loop3A_457 = arith.constant 19 : i32
        %parallel_loop3A_458 = arith.index_cast %parallel_loop3A_457 : i32 to index
        %parallel_loop3A_459 = arith.index_cast %parallel_loop3A_216 : i32 to index
        %parallel_loop3A_460 = tpu.vector_load %arg13[%parallel_loop3A_458, %parallel_loop3A_459] {strides = array<i32>} : memref<48x512xf32, #tpu.memory_space<vmem>>, vector<16xf32>,
        tpu.vector_store %arg13[%parallel_loop3A_458, %parallel_loop3A_459], %parallel_loop3A_456 {strides = array<i32>} : memref<48x512xf32, #tpu.memory_space<vmem>>, vector<16xf32>,
        %parallel_loop3A_461 = arith.mulf %parallel_loop3A_222, %parallel_loop3A_419 : vector<16xf32>
        %parallel_loop3A_462 = arith.mulf %parallel_loop3A_224, %parallel_loop3A_420 : vector<16xf32>
        %parallel_loop3A_463 = arith.addf %parallel_loop3A_461, %parallel_loop3A_462 : vector<16xf32>
        %parallel_loop3A_464 = arith.constant 20 : i32
        %parallel_loop3A_465 = arith.index_cast %parallel_loop3A_464 : i32 to index
        %parallel_loop3A_466 = arith.index_cast %parallel_loop3A_216 : i32 to index
        %parallel_loop3A_467 = tpu.vector_load %arg13[%parallel_loop3A_465, %parallel_loop3A_466] {strides = array<i32>} : memref<48x512xf32, #tpu.memory_space<vmem>>, vector<16xf32>,
        tpu.vector_store %arg13[%parallel_loop3A_465, %parallel_loop3A_466], %parallel_loop3A_463 {strides = array<i32>} : memref<48x512xf32, #tpu.memory_space<vmem>>, vector<16xf32>,
        %parallel_loop3A_468 = arith.mulf %parallel_loop3A_222, %parallel_loop3A_423 : vector<16xf32>
        %parallel_loop3A_469 = arith.mulf %parallel_loop3A_224, %parallel_loop3A_424 : vector<16xf32>
        %parallel_loop3A_470 = arith.addf %parallel_loop3A_468, %parallel_loop3A_469 : vector<16xf32>
        %parallel_loop3A_471 = arith.constant 21 : i32
        %parallel_loop3A_472 = arith.index_cast %parallel_loop3A_471 : i32 to index
        %parallel_loop3A_473 = arith.index_cast %parallel_loop3A_216 : i32 to index
        %parallel_loop3A_474 = tpu.vector_load %arg13[%parallel_loop3A_472, %parallel_loop3A_473] {strides = array<i32>} : memref<48x512xf32, #tpu.memory_space<vmem>>, vector<16xf32>,
        tpu.vector_store %arg13[%parallel_loop3A_472, %parallel_loop3A_473], %parallel_loop3A_470 {strides = array<i32>} : memref<48x512xf32, #tpu.memory_space<vmem>>, vector<16xf32>,
        %parallel_loop3A_475 = arith.mulf %parallel_loop3A_222, %parallel_loop3A_427 : vector<16xf32>
        %parallel_loop3A_476 = arith.mulf %parallel_loop3A_224, %parallel_loop3A_428 : vector<16xf32>
        %parallel_loop3A_477 = arith.addf %parallel_loop3A_475, %parallel_loop3A_476 : vector<16xf32>
        %parallel_loop3A_478 = arith.constant 22 : i32
        %parallel_loop3A_479 = arith.index_cast %parallel_loop3A_478 : i32 to index
        %parallel_loop3A_480 = arith.index_cast %parallel_loop3A_216 : i32 to index
        %parallel_loop3A_481 = tpu.vector_load %arg13[%parallel_loop3A_479, %parallel_loop3A_480] {strides = array<i32>} : memref<48x512xf32, #tpu.memory_space<vmem>>, vector<16xf32>,
        tpu.vector_store %arg13[%parallel_loop3A_479, %parallel_loop3A_480], %parallel_loop3A_477 {strides = array<i32>} : memref<48x512xf32, #tpu.memory_space<vmem>>, vector<16xf32>,
        %parallel_loop3A_482 = arith.mulf %parallel_loop3A_222, %parallel_loop3A_431 : vector<16xf32>
        %parallel_loop3A_483 = arith.mulf %parallel_loop3A_224, %parallel_loop3A_432 : vector<16xf32>
        %parallel_loop3A_484 = arith.addf %parallel_loop3A_482, %parallel_loop3A_483 : vector<16xf32>
        %parallel_loop3A_485 = arith.constant 23 : i32
        %parallel_loop3A_486 = arith.index_cast %parallel_loop3A_485 : i32 to index
        %parallel_loop3A_487 = arith.index_cast %parallel_loop3A_216 : i32 to index
        %parallel_loop3A_488 = tpu.vector_load %arg13[%parallel_loop3A_486, %parallel_loop3A_487] {strides = array<i32>} : memref<48x512xf32, #tpu.memory_space<vmem>>, vector<16xf32>,
        tpu.vector_store %arg13[%parallel_loop3A_486, %parallel_loop3A_487], %parallel_loop3A_484 {strides = array<i32>} : memref<48x512xf32, #tpu.memory_space<vmem>>, vector<16xf32>,
        %parallel_loop3A_489 = arith.constant 24 : i32
        %parallel_loop3A_490 = vector.broadcast %parallel_loop3A_489 : i32 to vector<16xi32>
        %parallel_loop3A_491 = tpu.vector_load_idx %arg11[%parallel_loop3A_490, %parallel_loop3A_218] : memref<48x512xf32, #tpu.memory_space<vmem>>[vector<16xi32>, vector<16xi32>], vector<16xf32>,
        %parallel_loop3A_492 = tpu.vector_load_idx %arg11[%parallel_loop3A_490, %parallel_loop3A_220] : memref<48x512xf32, #tpu.memory_space<vmem>>[vector<16xi32>, vector<16xi32>], vector<16xf32>,
        %parallel_loop3A_493 = arith.constant 25 : i32
        %parallel_loop3A_494 = vector.broadcast %parallel_loop3A_493 : i32 to vector<16xi32>
        %parallel_loop3A_495 = tpu.vector_load_idx %arg11[%parallel_loop3A_494, %parallel_loop3A_218] : memref<48x512xf32, #tpu.memory_space<vmem>>[vector<16xi32>, vector<16xi32>], vector<16xf32>,
        %parallel_loop3A_496 = tpu.vector_load_idx %arg11[%parallel_loop3A_494, %parallel_loop3A_220] : memref<48x512xf32, #tpu.memory_space<vmem>>[vector<16xi32>, vector<16xi32>], vector<16xf32>,
        %parallel_loop3A_497 = arith.constant 26 : i32
        %parallel_loop3A_498 = vector.broadcast %parallel_loop3A_497 : i32 to vector<16xi32>
        %parallel_loop3A_499 = tpu.vector_load_idx %arg11[%parallel_loop3A_498, %parallel_loop3A_218] : memref<48x512xf32, #tpu.memory_space<vmem>>[vector<16xi32>, vector<16xi32>], vector<16xf32>,
        %parallel_loop3A_500 = tpu.vector_load_idx %arg11[%parallel_loop3A_498, %parallel_loop3A_220] : memref<48x512xf32, #tpu.memory_space<vmem>>[vector<16xi32>, vector<16xi32>], vector<16xf32>,
        %parallel_loop3A_501 = arith.constant 27 : i32
        %parallel_loop3A_502 = vector.broadcast %parallel_loop3A_501 : i32 to vector<16xi32>
        %parallel_loop3A_503 = tpu.vector_load_idx %arg11[%parallel_loop3A_502, %parallel_loop3A_218] : memref<48x512xf32, #tpu.memory_space<vmem>>[vector<16xi32>, vector<16xi32>], vector<16xf32>,
        %parallel_loop3A_504 = tpu.vector_load_idx %arg11[%parallel_loop3A_502, %parallel_loop3A_220] : memref<48x512xf32, #tpu.memory_space<vmem>>[vector<16xi32>, vector<16xi32>], vector<16xf32>,
        %parallel_loop3A_505 = arith.constant 28 : i32
        %parallel_loop3A_506 = vector.broadcast %parallel_loop3A_505 : i32 to vector<16xi32>
        %parallel_loop3A_507 = tpu.vector_load_idx %arg11[%parallel_loop3A_506, %parallel_loop3A_218] : memref<48x512xf32, #tpu.memory_space<vmem>>[vector<16xi32>, vector<16xi32>], vector<16xf32>,
        %parallel_loop3A_508 = tpu.vector_load_idx %arg11[%parallel_loop3A_506, %parallel_loop3A_220] : memref<48x512xf32, #tpu.memory_space<vmem>>[vector<16xi32>, vector<16xi32>], vector<16xf32>,
        %parallel_loop3A_509 = arith.constant 29 : i32
        %parallel_loop3A_510 = vector.broadcast %parallel_loop3A_509 : i32 to vector<16xi32>
        %parallel_loop3A_511 = tpu.vector_load_idx %arg11[%parallel_loop3A_510, %parallel_loop3A_218] : memref<48x512xf32, #tpu.memory_space<vmem>>[vector<16xi32>, vector<16xi32>], vector<16xf32>,
        %parallel_loop3A_512 = tpu.vector_load_idx %arg11[%parallel_loop3A_510, %parallel_loop3A_220] : memref<48x512xf32, #tpu.memory_space<vmem>>[vector<16xi32>, vector<16xi32>], vector<16xf32>,
        %parallel_loop3A_513 = arith.constant 30 : i32
        %parallel_loop3A_514 = vector.broadcast %parallel_loop3A_513 : i32 to vector<16xi32>
        %parallel_loop3A_515 = tpu.vector_load_idx %arg11[%parallel_loop3A_514, %parallel_loop3A_218] : memref<48x512xf32, #tpu.memory_space<vmem>>[vector<16xi32>, vector<16xi32>], vector<16xf32>,
        %parallel_loop3A_516 = tpu.vector_load_idx %arg11[%parallel_loop3A_514, %parallel_loop3A_220] : memref<48x512xf32, #tpu.memory_space<vmem>>[vector<16xi32>, vector<16xi32>], vector<16xf32>,
        %parallel_loop3A_517 = arith.constant 31 : i32
        %parallel_loop3A_518 = vector.broadcast %parallel_loop3A_517 : i32 to vector<16xi32>
        %parallel_loop3A_519 = tpu.vector_load_idx %arg11[%parallel_loop3A_518, %parallel_loop3A_218] : memref<48x512xf32, #tpu.memory_space<vmem>>[vector<16xi32>, vector<16xi32>], vector<16xf32>,
        %parallel_loop3A_520 = tpu.vector_load_idx %arg11[%parallel_loop3A_518, %parallel_loop3A_220] : memref<48x512xf32, #tpu.memory_space<vmem>>[vector<16xi32>, vector<16xi32>], vector<16xf32>,
        %parallel_loop3A_521 = arith.mulf %parallel_loop3A_222, %parallel_loop3A_491 : vector<16xf32>
        %parallel_loop3A_522 = arith.mulf %parallel_loop3A_224, %parallel_loop3A_492 : vector<16xf32>
        %parallel_loop3A_523 = arith.addf %parallel_loop3A_521, %parallel_loop3A_522 : vector<16xf32>
        %parallel_loop3A_524 = arith.constant 24 : i32
        %parallel_loop3A_525 = arith.index_cast %parallel_loop3A_524 : i32 to index
        %parallel_loop3A_526 = arith.index_cast %parallel_loop3A_216 : i32 to index
        %parallel_loop3A_527 = tpu.vector_load %arg13[%parallel_loop3A_525, %parallel_loop3A_526] {strides = array<i32>} : memref<48x512xf32, #tpu.memory_space<vmem>>, vector<16xf32>,
        tpu.vector_store %arg13[%parallel_loop3A_525, %parallel_loop3A_526], %parallel_loop3A_523 {strides = array<i32>} : memref<48x512xf32, #tpu.memory_space<vmem>>, vector<16xf32>,
        %parallel_loop3A_528 = arith.mulf %parallel_loop3A_222, %parallel_loop3A_495 : vector<16xf32>
        %parallel_loop3A_529 = arith.mulf %parallel_loop3A_224, %parallel_loop3A_496 : vector<16xf32>
        %parallel_loop3A_530 = arith.addf %parallel_loop3A_528, %parallel_loop3A_529 : vector<16xf32>
        %parallel_loop3A_531 = arith.constant 25 : i32
        %parallel_loop3A_532 = arith.index_cast %parallel_loop3A_531 : i32 to index
        %parallel_loop3A_533 = arith.index_cast %parallel_loop3A_216 : i32 to index
        %parallel_loop3A_534 = tpu.vector_load %arg13[%parallel_loop3A_532, %parallel_loop3A_533] {strides = array<i32>} : memref<48x512xf32, #tpu.memory_space<vmem>>, vector<16xf32>,
        tpu.vector_store %arg13[%parallel_loop3A_532, %parallel_loop3A_533], %parallel_loop3A_530 {strides = array<i32>} : memref<48x512xf32, #tpu.memory_space<vmem>>, vector<16xf32>,
        %parallel_loop3A_535 = arith.mulf %parallel_loop3A_222, %parallel_loop3A_499 : vector<16xf32>
        %parallel_loop3A_536 = arith.mulf %parallel_loop3A_224, %parallel_loop3A_500 : vector<16xf32>
        %parallel_loop3A_537 = arith.addf %parallel_loop3A_535, %parallel_loop3A_536 : vector<16xf32>
        %parallel_loop3A_538 = arith.constant 26 : i32
        %parallel_loop3A_539 = arith.index_cast %parallel_loop3A_538 : i32 to index
        %parallel_loop3A_540 = arith.index_cast %parallel_loop3A_216 : i32 to index
        %parallel_loop3A_541 = tpu.vector_load %arg13[%parallel_loop3A_539, %parallel_loop3A_540] {strides = array<i32>} : memref<48x512xf32, #tpu.memory_space<vmem>>, vector<16xf32>,
        tpu.vector_store %arg13[%parallel_loop3A_539, %parallel_loop3A_540], %parallel_loop3A_537 {strides = array<i32>} : memref<48x512xf32, #tpu.memory_space<vmem>>, vector<16xf32>,
        %parallel_loop3A_542 = arith.mulf %parallel_loop3A_222, %parallel_loop3A_503 : vector<16xf32>
        %parallel_loop3A_543 = arith.mulf %parallel_loop3A_224, %parallel_loop3A_504 : vector<16xf32>
        %parallel_loop3A_544 = arith.addf %parallel_loop3A_542, %parallel_loop3A_543 : vector<16xf32>
        %parallel_loop3A_545 = arith.constant 27 : i32
        %parallel_loop3A_546 = arith.index_cast %parallel_loop3A_545 : i32 to index
        %parallel_loop3A_547 = arith.index_cast %parallel_loop3A_216 : i32 to index
        %parallel_loop3A_548 = tpu.vector_load %arg13[%parallel_loop3A_546, %parallel_loop3A_547] {strides = array<i32>} : memref<48x512xf32, #tpu.memory_space<vmem>>, vector<16xf32>,
        tpu.vector_store %arg13[%parallel_loop3A_546, %parallel_loop3A_547], %parallel_loop3A_544 {strides = array<i32>} : memref<48x512xf32, #tpu.memory_space<vmem>>, vector<16xf32>,
        %parallel_loop3A_549 = arith.mulf %parallel_loop3A_222, %parallel_loop3A_507 : vector<16xf32>
        %parallel_loop3A_550 = arith.mulf %parallel_loop3A_224, %parallel_loop3A_508 : vector<16xf32>
        %parallel_loop3A_551 = arith.addf %parallel_loop3A_549, %parallel_loop3A_550 : vector<16xf32>
        %parallel_loop3A_552 = arith.constant 28 : i32
        %parallel_loop3A_553 = arith.index_cast %parallel_loop3A_552 : i32 to index
        %parallel_loop3A_554 = arith.index_cast %parallel_loop3A_216 : i32 to index
        %parallel_loop3A_555 = tpu.vector_load %arg13[%parallel_loop3A_553, %parallel_loop3A_554] {strides = array<i32>} : memref<48x512xf32, #tpu.memory_space<vmem>>, vector<16xf32>,
        tpu.vector_store %arg13[%parallel_loop3A_553, %parallel_loop3A_554], %parallel_loop3A_551 {strides = array<i32>} : memref<48x512xf32, #tpu.memory_space<vmem>>, vector<16xf32>,
        %parallel_loop3A_556 = arith.mulf %parallel_loop3A_222, %parallel_loop3A_511 : vector<16xf32>
        %parallel_loop3A_557 = arith.mulf %parallel_loop3A_224, %parallel_loop3A_512 : vector<16xf32>
        %parallel_loop3A_558 = arith.addf %parallel_loop3A_556, %parallel_loop3A_557 : vector<16xf32>
        %parallel_loop3A_559 = arith.constant 29 : i32
        %parallel_loop3A_560 = arith.index_cast %parallel_loop3A_559 : i32 to index
        %parallel_loop3A_561 = arith.index_cast %parallel_loop3A_216 : i32 to index
        %parallel_loop3A_562 = tpu.vector_load %arg13[%parallel_loop3A_560, %parallel_loop3A_561] {strides = array<i32>} : memref<48x512xf32, #tpu.memory_space<vmem>>, vector<16xf32>,
        tpu.vector_store %arg13[%parallel_loop3A_560, %parallel_loop3A_561], %parallel_loop3A_558 {strides = array<i32>} : memref<48x512xf32, #tpu.memory_space<vmem>>, vector<16xf32>,
        %parallel_loop3A_563 = arith.mulf %parallel_loop3A_222, %parallel_loop3A_515 : vector<16xf32>
        %parallel_loop3A_564 = arith.mulf %parallel_loop3A_224, %parallel_loop3A_516 : vector<16xf32>
        %parallel_loop3A_565 = arith.addf %parallel_loop3A_563, %parallel_loop3A_564 : vector<16xf32>
        %parallel_loop3A_566 = arith.constant 30 : i32
        %parallel_loop3A_567 = arith.index_cast %parallel_loop3A_566 : i32 to index
        %parallel_loop3A_568 = arith.index_cast %parallel_loop3A_216 : i32 to index
        %parallel_loop3A_569 = tpu.vector_load %arg13[%parallel_loop3A_567, %parallel_loop3A_568] {strides = array<i32>} : memref<48x512xf32, #tpu.memory_space<vmem>>, vector<16xf32>,
        tpu.vector_store %arg13[%parallel_loop3A_567, %parallel_loop3A_568], %parallel_loop3A_565 {strides = array<i32>} : memref<48x512xf32, #tpu.memory_space<vmem>>, vector<16xf32>,
        %parallel_loop3A_570 = arith.mulf %parallel_loop3A_222, %parallel_loop3A_519 : vector<16xf32>
        %parallel_loop3A_571 = arith.mulf %parallel_loop3A_224, %parallel_loop3A_520 : vector<16xf32>
        %parallel_loop3A_572 = arith.addf %parallel_loop3A_570, %parallel_loop3A_571 : vector<16xf32>
        %parallel_loop3A_573 = arith.constant 31 : i32
        %parallel_loop3A_574 = arith.index_cast %parallel_loop3A_573 : i32 to index
        %parallel_loop3A_575 = arith.index_cast %parallel_loop3A_216 : i32 to index
        %parallel_loop3A_576 = tpu.vector_load %arg13[%parallel_loop3A_574, %parallel_loop3A_575] {strides = array<i32>} : memref<48x512xf32, #tpu.memory_space<vmem>>, vector<16xf32>,
        tpu.vector_store %arg13[%parallel_loop3A_574, %parallel_loop3A_575], %parallel_loop3A_572 {strides = array<i32>} : memref<48x512xf32, #tpu.memory_space<vmem>>, vector<16xf32>,
        %parallel_loop3A_577 = arith.constant 32 : i32
        %parallel_loop3A_578 = vector.broadcast %parallel_loop3A_577 : i32 to vector<16xi32>
        %parallel_loop3A_579 = tpu.vector_load_idx %arg11[%parallel_loop3A_578, %parallel_loop3A_218] : memref<48x512xf32, #tpu.memory_space<vmem>>[vector<16xi32>, vector<16xi32>], vector<16xf32>,
        %parallel_loop3A_580 = tpu.vector_load_idx %arg11[%parallel_loop3A_578, %parallel_loop3A_220] : memref<48x512xf32, #tpu.memory_space<vmem>>[vector<16xi32>, vector<16xi32>], vector<16xf32>,
        %parallel_loop3A_581 = arith.constant 33 : i32
        %parallel_loop3A_582 = vector.broadcast %parallel_loop3A_581 : i32 to vector<16xi32>
        %parallel_loop3A_583 = tpu.vector_load_idx %arg11[%parallel_loop3A_582, %parallel_loop3A_218] : memref<48x512xf32, #tpu.memory_space<vmem>>[vector<16xi32>, vector<16xi32>], vector<16xf32>,
        %parallel_loop3A_584 = tpu.vector_load_idx %arg11[%parallel_loop3A_582, %parallel_loop3A_220] : memref<48x512xf32, #tpu.memory_space<vmem>>[vector<16xi32>, vector<16xi32>], vector<16xf32>,
        %parallel_loop3A_585 = arith.constant 34 : i32
        %parallel_loop3A_586 = vector.broadcast %parallel_loop3A_585 : i32 to vector<16xi32>
        %parallel_loop3A_587 = tpu.vector_load_idx %arg11[%parallel_loop3A_586, %parallel_loop3A_218] : memref<48x512xf32, #tpu.memory_space<vmem>>[vector<16xi32>, vector<16xi32>], vector<16xf32>,
        %parallel_loop3A_588 = tpu.vector_load_idx %arg11[%parallel_loop3A_586, %parallel_loop3A_220] : memref<48x512xf32, #tpu.memory_space<vmem>>[vector<16xi32>, vector<16xi32>], vector<16xf32>,
        %parallel_loop3A_589 = arith.constant 35 : i32
        %parallel_loop3A_590 = vector.broadcast %parallel_loop3A_589 : i32 to vector<16xi32>
        %parallel_loop3A_591 = tpu.vector_load_idx %arg11[%parallel_loop3A_590, %parallel_loop3A_218] : memref<48x512xf32, #tpu.memory_space<vmem>>[vector<16xi32>, vector<16xi32>], vector<16xf32>,
        %parallel_loop3A_592 = tpu.vector_load_idx %arg11[%parallel_loop3A_590, %parallel_loop3A_220] : memref<48x512xf32, #tpu.memory_space<vmem>>[vector<16xi32>, vector<16xi32>], vector<16xf32>,
        %parallel_loop3A_593 = arith.constant 36 : i32
        %parallel_loop3A_594 = vector.broadcast %parallel_loop3A_593 : i32 to vector<16xi32>
        %parallel_loop3A_595 = tpu.vector_load_idx %arg11[%parallel_loop3A_594, %parallel_loop3A_218] : memref<48x512xf32, #tpu.memory_space<vmem>>[vector<16xi32>, vector<16xi32>], vector<16xf32>,
        %parallel_loop3A_596 = tpu.vector_load_idx %arg11[%parallel_loop3A_594, %parallel_loop3A_220] : memref<48x512xf32, #tpu.memory_space<vmem>>[vector<16xi32>, vector<16xi32>], vector<16xf32>,
        %parallel_loop3A_597 = arith.constant 37 : i32
        %parallel_loop3A_598 = vector.broadcast %parallel_loop3A_597 : i32 to vector<16xi32>
        %parallel_loop3A_599 = tpu.vector_load_idx %arg11[%parallel_loop3A_598, %parallel_loop3A_218] : memref<48x512xf32, #tpu.memory_space<vmem>>[vector<16xi32>, vector<16xi32>], vector<16xf32>,
        %parallel_loop3A_600 = tpu.vector_load_idx %arg11[%parallel_loop3A_598, %parallel_loop3A_220] : memref<48x512xf32, #tpu.memory_space<vmem>>[vector<16xi32>, vector<16xi32>], vector<16xf32>,
        %parallel_loop3A_601 = arith.constant 38 : i32
        %parallel_loop3A_602 = vector.broadcast %parallel_loop3A_601 : i32 to vector<16xi32>
        %parallel_loop3A_603 = tpu.vector_load_idx %arg11[%parallel_loop3A_602, %parallel_loop3A_218] : memref<48x512xf32, #tpu.memory_space<vmem>>[vector<16xi32>, vector<16xi32>], vector<16xf32>,
        %parallel_loop3A_604 = tpu.vector_load_idx %arg11[%parallel_loop3A_602, %parallel_loop3A_220] : memref<48x512xf32, #tpu.memory_space<vmem>>[vector<16xi32>, vector<16xi32>], vector<16xf32>,
        %parallel_loop3A_605 = arith.constant 39 : i32
        %parallel_loop3A_606 = vector.broadcast %parallel_loop3A_605 : i32 to vector<16xi32>
        %parallel_loop3A_607 = tpu.vector_load_idx %arg11[%parallel_loop3A_606, %parallel_loop3A_218] : memref<48x512xf32, #tpu.memory_space<vmem>>[vector<16xi32>, vector<16xi32>], vector<16xf32>,
        %parallel_loop3A_608 = tpu.vector_load_idx %arg11[%parallel_loop3A_606, %parallel_loop3A_220] : memref<48x512xf32, #tpu.memory_space<vmem>>[vector<16xi32>, vector<16xi32>], vector<16xf32>,
        %parallel_loop3A_609 = arith.mulf %parallel_loop3A_222, %parallel_loop3A_579 : vector<16xf32>
        %parallel_loop3A_610 = arith.mulf %parallel_loop3A_224, %parallel_loop3A_580 : vector<16xf32>
        %parallel_loop3A_611 = arith.addf %parallel_loop3A_609, %parallel_loop3A_610 : vector<16xf32>
        %parallel_loop3A_612 = arith.constant 32 : i32
        %parallel_loop3A_613 = arith.index_cast %parallel_loop3A_612 : i32 to index
        %parallel_loop3A_614 = arith.index_cast %parallel_loop3A_216 : i32 to index
        %parallel_loop3A_615 = tpu.vector_load %arg13[%parallel_loop3A_613, %parallel_loop3A_614] {strides = array<i32>} : memref<48x512xf32, #tpu.memory_space<vmem>>, vector<16xf32>,
        tpu.vector_store %arg13[%parallel_loop3A_613, %parallel_loop3A_614], %parallel_loop3A_611 {strides = array<i32>} : memref<48x512xf32, #tpu.memory_space<vmem>>, vector<16xf32>,
        %parallel_loop3A_616 = arith.mulf %parallel_loop3A_222, %parallel_loop3A_583 : vector<16xf32>
        %parallel_loop3A_617 = arith.mulf %parallel_loop3A_224, %parallel_loop3A_584 : vector<16xf32>
        %parallel_loop3A_618 = arith.addf %parallel_loop3A_616, %parallel_loop3A_617 : vector<16xf32>
        %parallel_loop3A_619 = arith.constant 33 : i32
        %parallel_loop3A_620 = arith.index_cast %parallel_loop3A_619 : i32 to index
        %parallel_loop3A_621 = arith.index_cast %parallel_loop3A_216 : i32 to index
        %parallel_loop3A_622 = tpu.vector_load %arg13[%parallel_loop3A_620, %parallel_loop3A_621] {strides = array<i32>} : memref<48x512xf32, #tpu.memory_space<vmem>>, vector<16xf32>,
        tpu.vector_store %arg13[%parallel_loop3A_620, %parallel_loop3A_621], %parallel_loop3A_618 {strides = array<i32>} : memref<48x512xf32, #tpu.memory_space<vmem>>, vector<16xf32>,
        %parallel_loop3A_623 = arith.mulf %parallel_loop3A_222, %parallel_loop3A_587 : vector<16xf32>
        %parallel_loop3A_624 = arith.mulf %parallel_loop3A_224, %parallel_loop3A_588 : vector<16xf32>
        %parallel_loop3A_625 = arith.addf %parallel_loop3A_623, %parallel_loop3A_624 : vector<16xf32>
        %parallel_loop3A_626 = arith.constant 34 : i32
        %parallel_loop3A_627 = arith.index_cast %parallel_loop3A_626 : i32 to index
        %parallel_loop3A_628 = arith.index_cast %parallel_loop3A_216 : i32 to index
        %parallel_loop3A_629 = tpu.vector_load %arg13[%parallel_loop3A_627, %parallel_loop3A_628] {strides = array<i32>} : memref<48x512xf32, #tpu.memory_space<vmem>>, vector<16xf32>,
        tpu.vector_store %arg13[%parallel_loop3A_627, %parallel_loop3A_628], %parallel_loop3A_625 {strides = array<i32>} : memref<48x512xf32, #tpu.memory_space<vmem>>, vector<16xf32>,
        %parallel_loop3A_630 = arith.mulf %parallel_loop3A_222, %parallel_loop3A_591 : vector<16xf32>
        %parallel_loop3A_631 = arith.mulf %parallel_loop3A_224, %parallel_loop3A_592 : vector<16xf32>
        %parallel_loop3A_632 = arith.addf %parallel_loop3A_630, %parallel_loop3A_631 : vector<16xf32>
        %parallel_loop3A_633 = arith.constant 35 : i32
        %parallel_loop3A_634 = arith.index_cast %parallel_loop3A_633 : i32 to index
        %parallel_loop3A_635 = arith.index_cast %parallel_loop3A_216 : i32 to index
        %parallel_loop3A_636 = tpu.vector_load %arg13[%parallel_loop3A_634, %parallel_loop3A_635] {strides = array<i32>} : memref<48x512xf32, #tpu.memory_space<vmem>>, vector<16xf32>,
        tpu.vector_store %arg13[%parallel_loop3A_634, %parallel_loop3A_635], %parallel_loop3A_632 {strides = array<i32>} : memref<48x512xf32, #tpu.memory_space<vmem>>, vector<16xf32>,
        %parallel_loop3A_637 = arith.mulf %parallel_loop3A_222, %parallel_loop3A_595 : vector<16xf32>
        %parallel_loop3A_638 = arith.mulf %parallel_loop3A_224, %parallel_loop3A_596 : vector<16xf32>
        %parallel_loop3A_639 = arith.addf %parallel_loop3A_637, %parallel_loop3A_638 : vector<16xf32>
        %parallel_loop3A_640 = arith.constant 36 : i32
        %parallel_loop3A_641 = arith.index_cast %parallel_loop3A_640 : i32 to index
        %parallel_loop3A_642 = arith.index_cast %parallel_loop3A_216 : i32 to index
        %parallel_loop3A_643 = tpu.vector_load %arg13[%parallel_loop3A_641, %parallel_loop3A_642] {strides = array<i32>} : memref<48x512xf32, #tpu.memory_space<vmem>>, vector<16xf32>,
        tpu.vector_store %arg13[%parallel_loop3A_641, %parallel_loop3A_642], %parallel_loop3A_639 {strides = array<i32>} : memref<48x512xf32, #tpu.memory_space<vmem>>, vector<16xf32>,
        %parallel_loop3A_644 = arith.mulf %parallel_loop3A_222, %parallel_loop3A_599 : vector<16xf32>
        %parallel_loop3A_645 = arith.mulf %parallel_loop3A_224, %parallel_loop3A_600 : vector<16xf32>
        %parallel_loop3A_646 = arith.addf %parallel_loop3A_644, %parallel_loop3A_645 : vector<16xf32>
        %parallel_loop3A_647 = arith.constant 37 : i32
        %parallel_loop3A_648 = arith.index_cast %parallel_loop3A_647 : i32 to index
        %parallel_loop3A_649 = arith.index_cast %parallel_loop3A_216 : i32 to index
        %parallel_loop3A_650 = tpu.vector_load %arg13[%parallel_loop3A_648, %parallel_loop3A_649] {strides = array<i32>} : memref<48x512xf32, #tpu.memory_space<vmem>>, vector<16xf32>,
        tpu.vector_store %arg13[%parallel_loop3A_648, %parallel_loop3A_649], %parallel_loop3A_646 {strides = array<i32>} : memref<48x512xf32, #tpu.memory_space<vmem>>, vector<16xf32>,
        %parallel_loop3A_651 = arith.mulf %parallel_loop3A_222, %parallel_loop3A_603 : vector<16xf32>
        %parallel_loop3A_652 = arith.mulf %parallel_loop3A_224, %parallel_loop3A_604 : vector<16xf32>
        %parallel_loop3A_653 = arith.addf %parallel_loop3A_651, %parallel_loop3A_652 : vector<16xf32>
        %parallel_loop3A_654 = arith.constant 38 : i32
        %parallel_loop3A_655 = arith.index_cast %parallel_loop3A_654 : i32 to index
        %parallel_loop3A_656 = arith.index_cast %parallel_loop3A_216 : i32 to index
        %parallel_loop3A_657 = tpu.vector_load %arg13[%parallel_loop3A_655, %parallel_loop3A_656] {strides = array<i32>} : memref<48x512xf32, #tpu.memory_space<vmem>>, vector<16xf32>,
        tpu.vector_store %arg13[%parallel_loop3A_655, %parallel_loop3A_656], %parallel_loop3A_653 {strides = array<i32>} : memref<48x512xf32, #tpu.memory_space<vmem>>, vector<16xf32>,
        %parallel_loop3A_658 = arith.mulf %parallel_loop3A_222, %parallel_loop3A_607 : vector<16xf32>
        %parallel_loop3A_659 = arith.mulf %parallel_loop3A_224, %parallel_loop3A_608 : vector<16xf32>
        %parallel_loop3A_660 = arith.addf %parallel_loop3A_658, %parallel_loop3A_659 : vector<16xf32>
        %parallel_loop3A_661 = arith.constant 39 : i32
        %parallel_loop3A_662 = arith.index_cast %parallel_loop3A_661 : i32 to index
        %parallel_loop3A_663 = arith.index_cast %parallel_loop3A_216 : i32 to index
        %parallel_loop3A_664 = tpu.vector_load %arg13[%parallel_loop3A_662, %parallel_loop3A_663] {strides = array<i32>} : memref<48x512xf32, #tpu.memory_space<vmem>>, vector<16xf32>,
        tpu.vector_store %arg13[%parallel_loop3A_662, %parallel_loop3A_663], %parallel_loop3A_660 {strides = array<i32>} : memref<48x512xf32, #tpu.memory_space<vmem>>, vector<16xf32>,
        %parallel_loop3A_665 = arith.constant 40 : i32
        %parallel_loop3A_666 = vector.broadcast %parallel_loop3A_665 : i32 to vector<16xi32>
        %parallel_loop3A_667 = tpu.vector_load_idx %arg11[%parallel_loop3A_666, %parallel_loop3A_218] : memref<48x512xf32, #tpu.memory_space<vmem>>[vector<16xi32>, vector<16xi32>], vector<16xf32>,
        %parallel_loop3A_668 = tpu.vector_load_idx %arg11[%parallel_loop3A_666, %parallel_loop3A_220] : memref<48x512xf32, #tpu.memory_space<vmem>>[vector<16xi32>, vector<16xi32>], vector<16xf32>,
        %parallel_loop3A_669 = arith.constant 41 : i32
        %parallel_loop3A_670 = vector.broadcast %parallel_loop3A_669 : i32 to vector<16xi32>
        %parallel_loop3A_671 = tpu.vector_load_idx %arg11[%parallel_loop3A_670, %parallel_loop3A_218] : memref<48x512xf32, #tpu.memory_space<vmem>>[vector<16xi32>, vector<16xi32>], vector<16xf32>,
        %parallel_loop3A_672 = tpu.vector_load_idx %arg11[%parallel_loop3A_670, %parallel_loop3A_220] : memref<48x512xf32, #tpu.memory_space<vmem>>[vector<16xi32>, vector<16xi32>], vector<16xf32>,
        %parallel_loop3A_673 = arith.constant 42 : i32
        %parallel_loop3A_674 = vector.broadcast %parallel_loop3A_673 : i32 to vector<16xi32>
        %parallel_loop3A_675 = tpu.vector_load_idx %arg11[%parallel_loop3A_674, %parallel_loop3A_218] : memref<48x512xf32, #tpu.memory_space<vmem>>[vector<16xi32>, vector<16xi32>], vector<16xf32>,
        %parallel_loop3A_676 = tpu.vector_load_idx %arg11[%parallel_loop3A_674, %parallel_loop3A_220] : memref<48x512xf32, #tpu.memory_space<vmem>>[vector<16xi32>, vector<16xi32>], vector<16xf32>,
        %parallel_loop3A_677 = arith.constant 43 : i32
        %parallel_loop3A_678 = vector.broadcast %parallel_loop3A_677 : i32 to vector<16xi32>
        %parallel_loop3A_679 = tpu.vector_load_idx %arg11[%parallel_loop3A_678, %parallel_loop3A_218] : memref<48x512xf32, #tpu.memory_space<vmem>>[vector<16xi32>, vector<16xi32>], vector<16xf32>,
        %parallel_loop3A_680 = tpu.vector_load_idx %arg11[%parallel_loop3A_678, %parallel_loop3A_220] : memref<48x512xf32, #tpu.memory_space<vmem>>[vector<16xi32>, vector<16xi32>], vector<16xf32>,
        %parallel_loop3A_681 = arith.constant 44 : i32
        %parallel_loop3A_682 = vector.broadcast %parallel_loop3A_681 : i32 to vector<16xi32>
        %parallel_loop3A_683 = tpu.vector_load_idx %arg11[%parallel_loop3A_682, %parallel_loop3A_218] : memref<48x512xf32, #tpu.memory_space<vmem>>[vector<16xi32>, vector<16xi32>], vector<16xf32>,
        %parallel_loop3A_684 = tpu.vector_load_idx %arg11[%parallel_loop3A_682, %parallel_loop3A_220] : memref<48x512xf32, #tpu.memory_space<vmem>>[vector<16xi32>, vector<16xi32>], vector<16xf32>,
        %parallel_loop3A_685 = arith.constant 45 : i32
        %parallel_loop3A_686 = vector.broadcast %parallel_loop3A_685 : i32 to vector<16xi32>
        %parallel_loop3A_687 = tpu.vector_load_idx %arg11[%parallel_loop3A_686, %parallel_loop3A_218] : memref<48x512xf32, #tpu.memory_space<vmem>>[vector<16xi32>, vector<16xi32>], vector<16xf32>,
        %parallel_loop3A_688 = tpu.vector_load_idx %arg11[%parallel_loop3A_686, %parallel_loop3A_220] : memref<48x512xf32, #tpu.memory_space<vmem>>[vector<16xi32>, vector<16xi32>], vector<16xf32>,
        %parallel_loop3A_689 = arith.constant 46 : i32
        %parallel_loop3A_690 = vector.broadcast %parallel_loop3A_689 : i32 to vector<16xi32>
        %parallel_loop3A_691 = tpu.vector_load_idx %arg11[%parallel_loop3A_690, %parallel_loop3A_218] : memref<48x512xf32, #tpu.memory_space<vmem>>[vector<16xi32>, vector<16xi32>], vector<16xf32>,
        %parallel_loop3A_692 = tpu.vector_load_idx %arg11[%parallel_loop3A_690, %parallel_loop3A_220] : memref<48x512xf32, #tpu.memory_space<vmem>>[vector<16xi32>, vector<16xi32>], vector<16xf32>,
        %parallel_loop3A_693 = arith.constant 47 : i32
        %parallel_loop3A_694 = vector.broadcast %parallel_loop3A_693 : i32 to vector<16xi32>
        %parallel_loop3A_695 = tpu.vector_load_idx %arg11[%parallel_loop3A_694, %parallel_loop3A_218] : memref<48x512xf32, #tpu.memory_space<vmem>>[vector<16xi32>, vector<16xi32>], vector<16xf32>,
        %parallel_loop3A_696 = tpu.vector_load_idx %arg11[%parallel_loop3A_694, %parallel_loop3A_220] : memref<48x512xf32, #tpu.memory_space<vmem>>[vector<16xi32>, vector<16xi32>], vector<16xf32>,
        %parallel_loop3A_697 = arith.mulf %parallel_loop3A_222, %parallel_loop3A_667 : vector<16xf32>
        %parallel_loop3A_698 = arith.mulf %parallel_loop3A_224, %parallel_loop3A_668 : vector<16xf32>
        %parallel_loop3A_699 = arith.addf %parallel_loop3A_697, %parallel_loop3A_698 : vector<16xf32>
        %parallel_loop3A_700 = arith.constant 40 : i32
        %parallel_loop3A_701 = arith.index_cast %parallel_loop3A_700 : i32 to index
        %parallel_loop3A_702 = arith.index_cast %parallel_loop3A_216 : i32 to index
        %parallel_loop3A_703 = tpu.vector_load %arg13[%parallel_loop3A_701, %parallel_loop3A_702] {strides = array<i32>} : memref<48x512xf32, #tpu.memory_space<vmem>>, vector<16xf32>,
        tpu.vector_store %arg13[%parallel_loop3A_701, %parallel_loop3A_702], %parallel_loop3A_699 {strides = array<i32>} : memref<48x512xf32, #tpu.memory_space<vmem>>, vector<16xf32>,
        %parallel_loop3A_704 = arith.mulf %parallel_loop3A_222, %parallel_loop3A_671 : vector<16xf32>
        %parallel_loop3A_705 = arith.mulf %parallel_loop3A_224, %parallel_loop3A_672 : vector<16xf32>
        %parallel_loop3A_706 = arith.addf %parallel_loop3A_704, %parallel_loop3A_705 : vector<16xf32>
        %parallel_loop3A_707 = arith.constant 41 : i32
        %parallel_loop3A_708 = arith.index_cast %parallel_loop3A_707 : i32 to index
        %parallel_loop3A_709 = arith.index_cast %parallel_loop3A_216 : i32 to index
        %parallel_loop3A_710 = tpu.vector_load %arg13[%parallel_loop3A_708, %parallel_loop3A_709] {strides = array<i32>} : memref<48x512xf32, #tpu.memory_space<vmem>>, vector<16xf32>,
        tpu.vector_store %arg13[%parallel_loop3A_708, %parallel_loop3A_709], %parallel_loop3A_706 {strides = array<i32>} : memref<48x512xf32, #tpu.memory_space<vmem>>, vector<16xf32>,
        %parallel_loop3A_711 = arith.mulf %parallel_loop3A_222, %parallel_loop3A_675 : vector<16xf32>
        %parallel_loop3A_712 = arith.mulf %parallel_loop3A_224, %parallel_loop3A_676 : vector<16xf32>
        %parallel_loop3A_713 = arith.addf %parallel_loop3A_711, %parallel_loop3A_712 : vector<16xf32>
        %parallel_loop3A_714 = arith.constant 42 : i32
        %parallel_loop3A_715 = arith.index_cast %parallel_loop3A_714 : i32 to index
        %parallel_loop3A_716 = arith.index_cast %parallel_loop3A_216 : i32 to index
        %parallel_loop3A_717 = tpu.vector_load %arg13[%parallel_loop3A_715, %parallel_loop3A_716] {strides = array<i32>} : memref<48x512xf32, #tpu.memory_space<vmem>>, vector<16xf32>,
        tpu.vector_store %arg13[%parallel_loop3A_715, %parallel_loop3A_716], %parallel_loop3A_713 {strides = array<i32>} : memref<48x512xf32, #tpu.memory_space<vmem>>, vector<16xf32>,
        %parallel_loop3A_718 = arith.mulf %parallel_loop3A_222, %parallel_loop3A_679 : vector<16xf32>
        %parallel_loop3A_719 = arith.mulf %parallel_loop3A_224, %parallel_loop3A_680 : vector<16xf32>
        %parallel_loop3A_720 = arith.addf %parallel_loop3A_718, %parallel_loop3A_719 : vector<16xf32>
        %parallel_loop3A_721 = arith.constant 43 : i32
        %parallel_loop3A_722 = arith.index_cast %parallel_loop3A_721 : i32 to index
        %parallel_loop3A_723 = arith.index_cast %parallel_loop3A_216 : i32 to index
        %parallel_loop3A_724 = tpu.vector_load %arg13[%parallel_loop3A_722, %parallel_loop3A_723] {strides = array<i32>} : memref<48x512xf32, #tpu.memory_space<vmem>>, vector<16xf32>,
        tpu.vector_store %arg13[%parallel_loop3A_722, %parallel_loop3A_723], %parallel_loop3A_720 {strides = array<i32>} : memref<48x512xf32, #tpu.memory_space<vmem>>, vector<16xf32>,
        %parallel_loop3A_725 = arith.mulf %parallel_loop3A_222, %parallel_loop3A_683 : vector<16xf32>
        %parallel_loop3A_726 = arith.mulf %parallel_loop3A_224, %parallel_loop3A_684 : vector<16xf32>
        %parallel_loop3A_727 = arith.addf %parallel_loop3A_725, %parallel_loop3A_726 : vector<16xf32>
        %parallel_loop3A_728 = arith.constant 44 : i32
        %parallel_loop3A_729 = arith.index_cast %parallel_loop3A_728 : i32 to index
        %parallel_loop3A_730 = arith.index_cast %parallel_loop3A_216 : i32 to index
        %parallel_loop3A_731 = tpu.vector_load %arg13[%parallel_loop3A_729, %parallel_loop3A_730] {strides = array<i32>} : memref<48x512xf32, #tpu.memory_space<vmem>>, vector<16xf32>,
        tpu.vector_store %arg13[%parallel_loop3A_729, %parallel_loop3A_730], %parallel_loop3A_727 {strides = array<i32>} : memref<48x512xf32, #tpu.memory_space<vmem>>, vector<16xf32>,
        %parallel_loop3A_732 = arith.mulf %parallel_loop3A_222, %parallel_loop3A_687 : vector<16xf32>
        %parallel_loop3A_733 = arith.mulf %parallel_loop3A_224, %parallel_loop3A_688 : vector<16xf32>
        %parallel_loop3A_734 = arith.addf %parallel_loop3A_732, %parallel_loop3A_733 : vector<16xf32>
        %parallel_loop3A_735 = arith.constant 45 : i32
        %parallel_loop3A_736 = arith.index_cast %parallel_loop3A_735 : i32 to index
        %parallel_loop3A_737 = arith.index_cast %parallel_loop3A_216 : i32 to index
        %parallel_loop3A_738 = tpu.vector_load %arg13[%parallel_loop3A_736, %parallel_loop3A_737] {strides = array<i32>} : memref<48x512xf32, #tpu.memory_space<vmem>>, vector<16xf32>,
        tpu.vector_store %arg13[%parallel_loop3A_736, %parallel_loop3A_737], %parallel_loop3A_734 {strides = array<i32>} : memref<48x512xf32, #tpu.memory_space<vmem>>, vector<16xf32>,
        %parallel_loop3A_739 = arith.mulf %parallel_loop3A_222, %parallel_loop3A_691 : vector<16xf32>
        %parallel_loop3A_740 = arith.mulf %parallel_loop3A_224, %parallel_loop3A_692 : vector<16xf32>
        %parallel_loop3A_741 = arith.addf %parallel_loop3A_739, %parallel_loop3A_740 : vector<16xf32>
        %parallel_loop3A_742 = arith.constant 46 : i32
        %parallel_loop3A_743 = arith.index_cast %parallel_loop3A_742 : i32 to index
        %parallel_loop3A_744 = arith.index_cast %parallel_loop3A_216 : i32 to index
        %parallel_loop3A_745 = tpu.vector_load %arg13[%parallel_loop3A_743, %parallel_loop3A_744] {strides = array<i32>} : memref<48x512xf32, #tpu.memory_space<vmem>>, vector<16xf32>,
        tpu.vector_store %arg13[%parallel_loop3A_743, %parallel_loop3A_744], %parallel_loop3A_741 {strides = array<i32>} : memref<48x512xf32, #tpu.memory_space<vmem>>, vector<16xf32>,
        %parallel_loop3A_746 = arith.mulf %parallel_loop3A_222, %parallel_loop3A_695 : vector<16xf32>
        %parallel_loop3A_747 = arith.mulf %parallel_loop3A_224, %parallel_loop3A_696 : vector<16xf32>
        %parallel_loop3A_748 = arith.addf %parallel_loop3A_746, %parallel_loop3A_747 : vector<16xf32>
        %parallel_loop3A_749 = arith.constant 47 : i32
        %parallel_loop3A_750 = arith.index_cast %parallel_loop3A_749 : i32 to index
        %parallel_loop3A_751 = arith.index_cast %parallel_loop3A_216 : i32 to index
        %parallel_loop3A_752 = tpu.vector_load %arg13[%parallel_loop3A_750, %parallel_loop3A_751] {strides = array<i32>} : memref<48x512xf32, #tpu.memory_space<vmem>>, vector<16xf32>,
        tpu.vector_store %arg13[%parallel_loop3A_750, %parallel_loop3A_751], %parallel_loop3A_748 {strides = array<i32>} : memref<48x512xf32, #tpu.memory_space<vmem>>, vector<16xf32>,
      } {sc.loop_unroll_factor = 4 : i64, sc.parallel_access}
      %mul3A_206 = arith.constant 96 : i32
      %mul3A_207 = arith.muli %select_n3A, %mul3A_206 : i32
      %add3A_208 = arith.constant 48 : i32
      %add3A_209 = arith.addi %mul3A_207, %add3A_208 : i32
      %dma_start3A_210 = arith.constant 0 : i32
      %dma_start3A_211 = tpu.memref_slice %arg4[%add3A_209, %add3A_95, %dma_start3A_210] : memref<192x512x512xf32, #tpu.memory_space<hbm>> -> memref<48x1x512xf32, #tpu.memory_space<hbm>>
      %dma_start3A_212 = tpu.memref_squeeze %dma_start3A_211 : memref<48x1x512xf32, #tpu.memory_space<hbm>> -> memref<48x512xf32, #tpu.memory_space<hbm>>
      %dma_start3A_213 = arith.constant 0 : i32
      %dma_start3A_214 = tpu.memref_slice %arg4[%add3A_209, %add3A_95, %dma_start3A_213] : memref<192x512x512xf32, #tpu.memory_space<hbm>> -> memref<48x1x512xf32, #tpu.memory_space<hbm>>
      %dma_start3A_215 = tpu.memref_squeeze %dma_start3A_214 : memref<48x1x512xf32, #tpu.memory_space<hbm>> -> memref<48x512xf32, #tpu.memory_space<hbm>>
      tpu.enqueue_dma source(%arg13 : memref<48x512xf32, #tpu.memory_space<vmem>>) target(%dma_start3A_215 : memref<48x512xf32, #tpu.memory_space<hbm>>) target_semaphore(%arg18 : memref<!tpu.dma_semaphore, #tpu.memory_space<semaphore_mem>>)
    }
    %scan3A_62 = arith.constant 32 : i32
    %add3A_63 = arith.constant 32 : i32
    %add3A_64 = arith.addi %mul3A_32, %add3A_63 : i32
    %sub3A_65 = arith.constant 1 : i32
    %sub3A_66 = arith.subi %add3A_64, %sub3A_65 : i32
    %mul3A_67 = arith.constant 96 : i32
    %mul3A_68 = arith.muli %select_n3A, %mul3A_67 : i32
    %add3A_69 = arith.constant 0 : i32
    %add3A_70 = arith.addi %mul3A_68, %add3A_69 : i32
    %dma_wait3A = arith.constant 0 : i32
    %dma_wait3A_71 = tpu.memref_slice %arg4[%add3A_70, %sub3A_66, %dma_wait3A] : memref<192x512x512xf32, #tpu.memory_space<hbm>> -> memref<48x1x512xf32, #tpu.memory_space<hbm>>
    %dma_wait3A_72 = tpu.memref_squeeze %dma_wait3A_71 : memref<48x1x512xf32, #tpu.memory_space<hbm>> -> memref<48x512xf32, #tpu.memory_space<hbm>>
    %dma_wait3A_73 = arith.constant 0 : i32
    %dma_wait3A_74 = tpu.memref_slice %arg4[%add3A_70, %sub3A_66, %dma_wait3A_73] : memref<192x512x512xf32, #tpu.memory_space<hbm>> -> memref<48x1x512xf32, #tpu.memory_space<hbm>>
    %dma_wait3A_75 = tpu.memref_squeeze %dma_wait3A_74 : memref<48x1x512xf32, #tpu.memory_space<hbm>> -> memref<48x512xf32, #tpu.memory_space<hbm>>
    tpu.wait_dma2 semaphore(%arg17 : memref<!tpu.dma_semaphore, #tpu.memory_space<semaphore_mem>>) src(%arg12 : memref<48x512xf32, #tpu.memory_space<vmem>>) dst(%dma_wait3A_75 : memref<48x512xf32, #tpu.memory_space<hbm>>)
    %add3A_76 = arith.constant 32 : i32
    %add3A_77 = arith.addi %mul3A_32, %add3A_76 : i32
    %sub3A_78 = arith.constant 1 : i32
    %sub3A_79 = arith.subi %add3A_77, %sub3A_78 : i32
    %mul3A_80 = arith.constant 96 : i32
    %mul3A_81 = arith.muli %select_n3A, %mul3A_80 : i32
    %add3A_82 = arith.constant 48 : i32
    %add3A_83 = arith.addi %mul3A_81, %add3A_82 : i32
    %dma_wait3A_84 = arith.constant 0 : i32
    %dma_wait3A_85 = tpu.memref_slice %arg4[%add3A_83, %sub3A_79, %dma_wait3A_84] : memref<192x512x512xf32, #tpu.memory_space<hbm>> -> memref<48x1x512xf32, #tpu.memory_space<hbm>>
    %dma_wait3A_86 = tpu.memref_squeeze %dma_wait3A_85 : memref<48x1x512xf32, #tpu.memory_space<hbm>> -> memref<48x512xf32, #tpu.memory_space<hbm>>
    %dma_wait3A_87 = arith.constant 0 : i32
    %dma_wait3A_88 = tpu.memref_slice %arg4[%add3A_83, %sub3A_79, %dma_wait3A_87] : memref<192x512x512xf32, #tpu.memory_space<hbm>> -> memref<48x1x512xf32, #tpu.memory_space<hbm>>
    %dma_wait3A_89 = tpu.memref_squeeze %dma_wait3A_88 : memref<48x1x512xf32, #tpu.memory_space<hbm>> -> memref<48x512xf32, #tpu.memory_space<hbm>>
    tpu.wait_dma2 semaphore(%arg18 : memref<!tpu.dma_semaphore, #tpu.memory_space<semaphore_mem>>) src(%arg13 : memref<48x512xf32, #tpu.memory_space<vmem>>) dst(%dma_wait3A_89 : memref<48x512xf32, #tpu.memory_space<hbm>>)
    return
  }
}

</mosaic_0001>

<sc_bundles>
// kernel: _warp.3.cloned.1.call-start
scs
__scs_entry_jumppad:
0x0: {  	(pc) =	sbr.rel $0x88, $3  }
0x1: {  	(tag) =	ssettag $0x0;
	lr =	simm.s32 $0x1  }
0x2: {  	[smem:$0x3F9F] =	sst lr;
	_ =	strace $0xD0000000  }
0x3: {  	_ = 	snop  }
0x4: {  	_ = 	snop  }
0x5: {  	_ = 	snop  }
0x6: {  	_ = 	snop  }
0x7: {  	_ = 	snop  }
__scs_overlays_trampoline_lowered:
0x8: {  	[smem:$0x3FAE] =	sst s0  }
0x9: {  	[smem:$0x3FAF] =	sst s1  }
0xa: {  	[smem:$0x3FB0] =	sst s2  }
0xb: {  	[smem:$0x3FB1] =	sst s3  }
0xc: {  	[smem:$0x3FB2] =	sst s4  }
0xd: {  	[smem:$0x3FB3] =	sst s5  }
0xe: {  	[smem:$0x3FB4] =	sst s6  }
0xf: {  	[smem:$0x3FB5] =	sst s7  }
0x10: {  	[smem:$0x3FB6] =	sst s8  }
0x11: {  	[smem:$0x3FB7] =	sst s9;
	s0 =	simm.s32 @!p0 $0x0  }
0x12: {  	s1 =	sld [smem:$0x3F9D];
	s0 =	simm.s32 @p0 $0x1  }
0x13: {  	[smem:$0x3FB8] =	sst s0;
	s0 =	simm.s32 @!p1 $0x0  }
0x14: {  	s2 =	sld [smem:$0x3F9C];
	s0 =	simm.s32 @p1 $0x1  }
0x15: {  	[smem:$0x3FB9] =	sst s0;
	s0 =	simm.s32 @!p2 $0x0  }
0x16: {  	s3 =	sld [smem:$0x3FDB];
	s0 =	simm.s32 @p2 $0x1  }
0x17: {  	s4 =	simm.s32 $0x1BF5;
	[smem:$0x3FBB] =	sst s0  }
0x18: {  	s0 =	sld [smem:$0x3F9E];
	_ =	swait.ge [sflag:s4], $0x0  }
0x19: {  	s7 =	sld [smem:$0x3F9F]  }
0x1a: {  	s8 =	sadd.s32 $0xFFFFE003, lr  }
0x1b: {  	s9 =	sadd.s32 $0xFFFFFEF7, lr;
	s5 =	simm.s32 $0xFFFFFFFF;
	p2 =	slt.u32 s8, $0xFFFFF086  }
0x1c: {  	p1 =	slt.u32 s9, $0xF7A;
	s5 =	simm.s32 @!p2 $0x0  }
0x1d: {  	s5 =	simm.s32 @p1 $0x1;
	p0 =	seq.s32 s7, s2  }
0x1e: {  	s7 =	smul.u32 @!p0 $0xF7A, s2;
	p2 =	seq.s32 @!p0 s5, $0x0  }
0x1f: {  	s9 =	smul.u32 $0xF7A, s1;
	s8 =	simm.s32 @!p0 $0x1BF5;
	p2 =	por !p2, p0  }
0x20: {  	[sflag:s8] =	ssyncset.s32 @!p0 $0xFFFFF086;
	s6 =	sadd.s32 @!p0 s3, s7;
	s7 =	simm.s32 @!p0 $0x108  }
0x21: {  	s3 =	sadd.s32 s3, s9;
	s6 =	sadd.s32 @!p0 $0x88, s6;
	s7 =	simm.s32 @p2 $0x1082  }
0x22: {  	[simem:s7], [sflag:s8] =	dma.local @!p0 [hbm:s6], $0xF7A  }
0x23: {  	s9 =	sor.u32 $0xD0000000, s2;
	s6 =	simm.s32 $0x108;
	_ =	swait.ge @!p0 [sflag:s8], $0x0  }
0x24: {  	s3 =	sadd.s32 $0x88, s3;
	s6 =	simm.s32 @!p1 $0x1082;
	[sflag:s4] =	ssyncset.s32 $0xFFFFF086  }
0x25: {  	[simem:s6], [sflag:s4] =	dma.local [hbm:s3], $0xF7A  }
0x26: {  	[smem:$0x3F9F] =	sst s1;
	(tag) =	ssettag s2;
	_ =	strace s9  }
0x27: {  	s1 =	sld [smem:$0x3FAF]  }
0x28: {  	s2 =	sld [smem:$0x3FB0]  }
0x29: {  	s4 =	sld [smem:$0x3FB2]  }
0x2a: {  	p0 =	seq.s32 s5, $0x0;
	s5 =	sld [smem:$0x3FB3]  }
0x2b: {  	s6 =	sld [smem:$0x3FB4]  }
0x2c: {  	s7 =	sld [smem:$0x3FB5]  }
0x2d: {  	s3 =	simm.s32 $0x108;
	s8 =	sld [smem:$0x3FB6]  }
0x2e: {  	s3 =	simm.s32 @!p0 $0x1082;
	s9 =	sld [smem:$0x3FB7]  }
0x2f: {  	lr =	sadd.s32 s0, s3;
	s0 =	sld [smem:$0x3FAE]  }
0x30: {  	s3 =	sld [smem:$0x3FB1]  }
0x31: {  	[smem:$0x3FBA] =	sst s10  }
0x32: {  	s10 =	sld [smem:$0x3FB8];
	_ =	sdelay $0x3  }
0x33: {  	p0 =	seq.s32 s10, $0x1;
	s10 =	sld [smem:$0x3FBA];
	_ =	sdelay $0x3  }
0x34: {  	[smem:$0x3FBA] =	sst s10  }
0x35: {  	s10 =	sld [smem:$0x3FB9];
	_ =	sdelay $0x3  }
0x36: {  	p1 =	seq.s32 s10, $0x1;
	s10 =	sld [smem:$0x3FBA];
	_ =	sdelay $0x3  }
0x37: {  	[smem:$0x3FBA] =	sst s10  }
0x38: {  	s10 =	sld [smem:$0x3FBB]  }
0x39: {  	_ = 	snop;
	(pc) =	sbr.ind lr, $3  }
0x3a: {  	_ = 	snop  }
0x3b: {  	_ = 	snop  }
0x3c: {  	p2 =	seq.s32 s10, $0x1;
	s10 =	sld [smem:$0x3FBA]  }
0x3d: {  	_ =	shalt  }
0x3e: {  	_ =	shalt  }
0x3f: {  	_ =	shalt  }
0x40: {  	_ =	shalt  }
0x41: {  	_ =	shalt  }
0x42: {  	_ =	shalt  }
0x43: {  	_ =	shalt  }
0x44: {  	_ =	shalt  }
0x45: {  	_ =	shalt  }
0x46: {  	_ =	shalt  }
0x47: {  	_ =	shalt  }
0x48: {  	_ =	shalt  }
0x49: {  	_ =	shalt  }
0x4a: {  	_ =	shalt  }
0x4b: {  	_ =	shalt  }
0x4c: {  	_ =	shalt  }
0x4d: {  	_ =	shalt  }
0x4e: {  	_ =	shalt  }
0x4f: {  	_ =	shalt  }
0x50: {  	_ =	shalt  }
0x51: {  	_ =	shalt  }
0x52: {  	_ =	shalt  }
0x53: {  	_ =	shalt  }
0x54: {  	_ =	shalt  }
0x55: {  	_ =	shalt  }
0x56: {  	_ =	shalt  }
0x57: {  	_ =	shalt  }
0x58: {  	_ =	shalt  }
0x59: {  	_ =	shalt  }
0x5a: {  	_ =	shalt  }
0x5b: {  	_ =	shalt  }
0x5c: {  	_ =	shalt  }
0x5d: {  	_ =	shalt  }
0x5e: {  	_ =	shalt  }
0x5f: {  	_ =	shalt  }
0x60: {  	_ =	shalt  }
0x61: {  	_ =	shalt  }
0x62: {  	_ =	shalt  }
0x63: {  	_ =	shalt  }
0x64: {  	_ =	shalt  }
0x65: {  	_ =	shalt  }
0x66: {  	_ =	shalt  }
0x67: {  	_ =	shalt  }
0x68: {  	_ =	shalt  }
0x69: {  	_ =	shalt  }
0x6a: {  	_ =	shalt  }
0x6b: {  	_ =	shalt  }
0x6c: {  	_ =	shalt  }
0x6d: {  	_ =	shalt  }
0x6e: {  	_ =	shalt  }
0x6f: {  	_ =	shalt  }
0x70: {  	_ =	shalt  }
0x71: {  	_ =	shalt  }
0x72: {  	_ =	shalt  }
0x73: {  	_ =	shalt  }
0x74: {  	_ =	shalt  }
0x75: {  	_ =	shalt  }
0x76: {  	_ =	shalt  }
0x77: {  	_ =	shalt  }
0x78: {  	_ =	shalt  }
0x79: {  	_ =	shalt  }
0x7a: {  	_ =	shalt  }
0x7b: {  	_ =	shalt  }
0x7c: {  	_ =	shalt  }
0x7d: {  	_ =	shalt  }
0x7e: {  	_ =	shalt  }
0x7f: {  	_ =	shalt  }
0x80: {  	_ =	shalt  }
0x81: {  	_ =	shalt  }
0x82: {  	_ =	shalt  }
0x83: {  	_ =	shalt  }
0x84: {  	_ =	shalt  }
0x85: {  	_ =	shalt  }
0x86: {  	_ =	shalt  }
0x87: {  	_ =	shalt  }
.Lfunc_end0:
.L_simem_size_0:
called_computation_lowered:
.L_overlay_start_0:
0x88: {  	s2 =	sld [smem:$0x3FD9]  }
0x89: {  	s3 =	sld [smem:$0x3FFE];
	_ =	sdelay $0x1  }
0x8a: {  	s1 =	srdreg.scid  }
0x8b: {  	s0 =	sand.u32 $0x1, s1  }
0x8c: {  	s18 =	sshll.u32 s0, $0xA;
	s2 =	sadd.s32 s3, s2  }
0x8d: {  	s2 =	sadd.s32 s2, s18  }
0x8e: {  	[smem:$0x3FC6] =	sst s2  }
0x8f: {  	_ = 	snop  }
0x90: {  	s2 =	sld [smem:$0x3FC9]  }
0x91: {  	s19 =	sld [smem:$0x3FC8]  }
0x92: {  	s4 =	sld [smem:$0x3FD0];
	(tm) =	ssettm $0x1  }
0x93: {  	s5 =	sld [smem:$0x3FFB];
	_ =	sdelay $0x3  }
0x94: {  	_ =	strace s5  }
0x95: {  	s5 =	sld [smem:$0x3FFC];
	_ =	sdelay $0x3  }
0x96: {  	_ =	strace s5  }
0x97: {  	s5 =	sld [smem:$0x3FFD];
	_ =	sdelay $0x3  }
0x98: {  	_ =	strace s5  }
0x99: {  	_ =	strace $0x8FFFFFFF  }
0x9a: {  	s20 =	sld [smem:$0x3FDB];
	_ =	sdelay $0x1  }
0x9b: {  	s6 =	simm.s32 $_scs_section_size  }
0x9c: {  	s7 =	simm.s32 $_size__tile_overlayer_lowered;
	s8 =	simm.s32 $_tile_overlayer_lowered  }
0x9d: {  	s23 =	simm.s32 $0x1BFF;
	s22 =	sshll.u32 s8, $0x1;
	s5 =	sadd.s32 s6, s20  }
0x9e: {  	s9 =	simm.s32 $0x0;
	s21 =	sshll.u32 s7, $0x1;
	s7 =	sadd.s32 s22, s5  }
0x9f: {  	[timem:s9], [sflag:s23] =	dma.local [hbm:s7], s21  }
0xa0: {  	_ =	swait.ge [sflag:s23], s21  }
0xa1: {  	s6 =	ssub.s32 $0x0, s21;
	[sflag:s23] =	ssyncset.done $0x0  }
0xa2: {  	[sflag:s23] =	ssyncadd.s32 s6;
	_ =	sdelay $0x1  }
0xa3: {  	s24 =	simm.s32 $0x1B8B  }
0xa4: {  	_ =	swait.ge [sflag:s24], $0x1  }
0xa5: {  	[sflag:s24] =	ssyncset.done $0x0  }
0xa6: {  	s25 =	simm.s32 $0x1B8E;
	[sflag:s24] =	ssyncadd.s32 $0xFFFFFFFF  }
0xa7: {  	s26 =	simm.s32 $execute0_lowered;
	[smem:$0x3FD2] =	sst s25  }
0xa8: {  	s6 =	sshll.u32 s26, $0x1;
	_ =	strace $0x80000046;
	[dreg:$0x1] =	wrdreg $0xFFFFFFFF  }
0xa9: {  	s28 =	simm.s32 $_size_execute0_lowered;
	s5 =	sadd.s32 s5, s6;
	[dreg:$0x0] =	wrdreg $0x0  }
0xaa: {  	s6 =	sshll.u32 s28, $0x1;
	[dreg:$0x2] =	wrdreg s5  }
0xab: {  	[dreg:$0x3] =	wrdreg s6  }
0xac: {  	[dreg:$0x4] =	wrdreg $0xC0  }
0xad: {  	_ =	task [dreg:s9], $0x5FFFF  }
0xae: {  	[dreg:$0x1] =	wrdreg $0xFFFFFFFF  }
0xaf: {  	[dreg:$0x0] =	wrdreg $0x60  }
0xb0: {  	[dreg:$0x2] =	wrdreg s2  }
0xb1: {  	[dreg:$0x3] =	wrdreg s19  }
0xb2: {  	[dreg:$0x4] =	wrdreg s4  }
0xb3: {  	[dreg:$0x5] =	wrdreg $0x9  }
0xb4: {  	_ =	task.clear_ibuf [dreg:s9], $0x6FFFF;
	_ =	strace $0x90000046  }
0xb5: {  	s29 =	simm.s32 $0x9;
	_ =	strace $0x80000048  }
0xb6: {  	_ =	swait.ge [sflag:s29], $0x1  }
0xb7: {  	[sflag:s29] =	ssyncadd.s32 $0xFFFFFFFF  }
0xb8: {  	_ =	strace $0x90000048  }
0xb9: {  	_ =	sfence  }
0xba: {  	s30 =	sld [smem:$0x0];
	_ =	sdelay $0x2  }
0xbb: {  	s31 =	sshll.u32 s1, $0xD;
	s1 =	sshrl.u32 s1, $0x2  }
0xbc: {  	s3 =	sand.u32 $0x4000, s31;
	s1 =	sadd.s32 s1, s30  }
0xbd: {  	s0 =	sor.u32 s3, s0;
	s1 =	sshll.u32 s1, $0x11  }
0xbe: {  	s0 =	sor.u32 s1, s0  }
0xbf: {  	s0 =	sadd.s32 $0x8F2B, s0  }
0xc0: {  	[sflag:s0] =	ssyncadd.remote.s32 $0x1  }
0xc1: {  	_ =	sfence.sel $0xFFFF  }
0xc2: {  	[dreg:$0x0] =	wrdreg $0xFFFFFFFF;
	(pc) =	sbr.abs _section_cstart, $3  }
0xc3: {  	[dreg:$0x1] =	wrdreg $0xFFFFFFFF  }
0xc4: {  	_ =	task.clear_ibuf [dreg:s9], $0x2FFFF;
	_ =	strace $0x9FFFFFFF  }
0xc5: {  	(tm) =	ssettm $0x7FFFFFFF  }
tec
execute0_lowered:
.L_overlay_start_1:
0x0: {  	(tag) =	ssettag $0x1  }
0x1: {  	s5 =	rddreg [dreg:$0x0]  }
0x2: {  	s6 =	rddreg [dreg:$0x1]  }
0x3: {  	s0 =	srdreg.scid;
	s7 =	stileid.u32  }
0x4: {  	s1 =	simm.s32 $0x0;
	s0 =	sand.u32 $0x1, s0;
	s4 =	sshll.u32 s7, $0xB  }
0x5: {  	s29 =	ssub.s32 $0x2, s0;
	s8 =	smul.u32 $0x1800000, s0;
	s0 =	sshll.u32 s0, $0xF  }
0x6: {  	[smem:$0x7FF] =	sst s1;
	s30 =	sor.u32 s4, s0;
	s4 =	sshll.u32 s7, $0x5  }
0x7: {  	_ =	strace $0x80000047;
	[dreg:$0x6] =	wrdreg s4  }
0x8: {  	s2 =	sshrl.u32 s29, $0x1;
	[dreg:$0x5] =	wrdreg s30  }
0x9: {  	s1 =	ssub.s32 s29, s2;
	s2 =	sadd.s32 s6, s30;
	[dreg:$0x4] =	wrdreg s8  }
0xa: {  	s3 =	sshll.u32 s7, $0xE;
	s1 =	smax.u32 s1, $0x1;
	[dreg:$0x7] =	wrdreg s2  }
0xb: {  	s3 =	sor.u32 s3, s8;
	s6 =	sadd.s32 $0x80, s2;
	[dreg:$0xa] =	wrdreg s1  }
0xc: {  	s31 =	sshrl.u32 s3, $0x3;
	s7 =	sadd.s32 $0x100, s2;
	[dreg:$0xb] =	wrdreg s6  }
0xd: {  	s0 =	sadd.s32 s5, s31;
	s5 =	sadd.s32 $0xC00000, s8;
	[dreg:$0xc] =	wrdreg s7  }
0xe: {  	s8 =	sadd.s32 $0x180, s2;
	[dreg:$0x9] =	wrdreg s5  }
0xf: {  	[dreg:$0xd] =	wrdreg s8  }
0x10: {  	s9 =	sadd.s32 $0x80, s0;
	[dreg:$0x8] =	wrdreg s0  }
0x11: {  	s10 =	sadd.s32 $0x180, s0;
	[dreg:$0xe] =	wrdreg s9  }
0x12: {  	s11 =	sadd.s32 $0x40000, s0;
	[dreg:$0xf] =	wrdreg s10  }
0x13: {  	s12 =	sadd.s32 $0x40080, s0;
	[dreg:$0x10] =	wrdreg s11  }
0x14: {  	s13 =	sadd.s32 $0x40100, s0;
	[dreg:$0x11] =	wrdreg s12  }
0x15: {  	s14 =	sadd.s32 $0x40180, s0;
	[dreg:$0x12] =	wrdreg s13  }
0x16: {  	s15 =	sadd.s32 $0x80000, s0;
	[dreg:$0x13] =	wrdreg s14  }
0x17: {  	s16 =	sadd.s32 $0x80080, s0;
	[dreg:$0x14] =	wrdreg s15  }
0x18: {  	s17 =	sadd.s32 $0x80100, s0;
	[dreg:$0x15] =	wrdreg s16  }
0x19: {  	s18 =	sadd.s32 $0x80180, s0;
	[dreg:$0x16] =	wrdreg s17  }
0x1a: {  	s19 =	sadd.s32 $0xC0000, s0;
	[dreg:$0x17] =	wrdreg s18  }
0x1b: {  	s20 =	sadd.s32 $0xC0080, s0;
	[dreg:$0x18] =	wrdreg s19  }
0x1c: {  	s21 =	sadd.s32 $0xC0100, s0;
	[dreg:$0x19] =	wrdreg s20  }
0x1d: {  	s22 =	sadd.s32 $0x100, s0;
	[dreg:$0x1a] =	wrdreg s21  }
0x1e: {  	s23 =	sadd.s32 $0x100080, s0;
	[dreg:$0x1b] =	wrdreg s22  }
0x1f: {  	s24 =	sadd.s32 $0x100100, s0;
	[dreg:$0x1c] =	wrdreg s23  }
0x20: {  	s25 =	sadd.s32 $0xC0180, s0;
	[dreg:$0x1d] =	wrdreg s24  }
0x21: {  	s26 =	sadd.s32 $0x100180, s0;
	[dreg:$0x1e] =	wrdreg s25  }
0x22: {  	s28 =	sadd.s32 $0x140000, s0;
	[dreg:$0x1f] =	wrdreg s26  }
0x23: {  	s29 =	sadd.s32 $0x100000, s0;
	[smem:$0x7F9] =	sst s28  }
0x24: {  	s30 =	sadd.s32 $0x140080, s0;
	[smem:$0x7FA] =	sst s29  }
0x25: {  	s31 =	sadd.s32 $0x140100, s0;
	[smem:$0x7FB] =	sst s30  }
0x26: {  	s2 =	simm.s32 $0x0;
	s0 =	sadd.s32 $0x140180, s0;
	[smem:$0x7FC] =	sst s31  }
0x27: {  	v0 =	vlaneseq.u32;
	v1 =	vimm.s32 $0x0;
	[smem:$0x7FD] =	sst s0;
	s20 =	simm.s32 $0xC00;
	s23 =	simm.s32 $0x6C00  }
.LBB2_1:
0x28: {  	[smem:$0x7F8] =	sst s2  }
0x29: {  	s1 =	rddreg [dreg:$0x7]  }
0x2a: {  	s0 =	simm.s32 $0x0;
	s3 =	rddreg [dreg:$0xb]  }
0x2b: {  	[tilespmem:s0], [sflag:$0x1] =	stream.linear.gather [hbm4b:s1+s0], $0x80, $0x38;
	[tilespmem:$0x18C00] =	vst v63  }
0x2c: {  	s4 =	simm.s32 $0x100;
	s5 =	rddreg [dreg:$0xc]  }
0x2d: {  	[tilespmem:s4], [sflag:$0x1] =	stream.linear.gather [hbm4b:s3+s0], $0x80, $0x38;
	[tilespmem:$0x18C00] =	vst v63  }
0x2e: {  	s6 =	simm.s32 $0x200;
	s7 =	rddreg [dreg:$0xd]  }
0x2f: {  	[tilespmem:s6], [sflag:$0x1] =	stream.linear.gather [hbm4b:s5+s0], $0x80, $0x38;
	[tilespmem:$0x18C00] =	vst v63  }
0x30: {  	s8 =	simm.s32 $0x300;
	s9 =	rddreg [dreg:$0x8]  }
0x31: {  	[tilespmem:s8], [sflag:$0x1] =	stream.linear.gather [hbm4b:s7+s0], $0x80, $0x38;
	[tilespmem:$0x18C00] =	vst v63  }
0x32: {  	s2 =	simm.s32 $0x40000;
	s10 =	rddreg [dreg:$0xe];
	s1 =	simm.s32 $0x80  }
0x33: {  	[tilespmem:s20], [sflag:$0x2] =	stream.strided.gather [hbm4b:s9+s1], $0x400, s2, s1, $0x38;
	[tilespmem:$0x18C00] =	vst v63  }
0x34: {  	s11 =	rddreg [dreg:$0x1b];
	s3 =	simm.s32 $0x1000  }
0x35: {  	[tilespmem:s3], [sflag:$0x2] =	stream.strided.gather [hbm4b:s10+s1], $0x400, s2, s1, $0x38;
	[tilespmem:$0x18C00] =	vst v63  }
0x36: {  	s12 =	simm.s32 $0x1400;
	s13 =	rddreg [dreg:$0xf]  }
0x37: {  	[tilespmem:s12], [sflag:$0x2] =	stream.strided.gather [hbm4b:s11+s1], $0x400, s2, s1, $0x38;
	[tilespmem:$0x18C00] =	vst v63  }
0x38: {  	s14 =	simm.s32 $0x1800;
	s15 =	rddreg [dreg:$0x10]  }
0x39: {  	[tilespmem:s14], [sflag:$0x2] =	stream.strided.gather [hbm4b:s13+s1], $0x400, s2, s1, $0x38;
	[tilespmem:$0x18C00] =	vst v63  }
0x3a: {  	s16 =	simm.s32 $0x1C00;
	s17 =	rddreg [dreg:$0x11]  }
0x3b: {  	[tilespmem:s16], [sflag:$0x2] =	stream.strided.gather [hbm4b:s15+s1], $0x400, s2, s1, $0x38;
	[tilespmem:$0x18C00] =	vst v63  }
0x3c: {  	s18 =	simm.s32 $0x2000;
	s19 =	rddreg [dreg:$0x12]  }
0x3d: {  	[tilespmem:s18], [sflag:$0x2] =	stream.strided.gather [hbm4b:s17+s1], $0x400, s2, s1, $0x38;
	[tilespmem:$0x18C00] =	vst v63  }
0x3e: {  	s21 =	simm.s32 $0x2400;
	s22 =	rddreg [dreg:$0x13]  }
0x3f: {  	[tilespmem:s21], [sflag:$0x2] =	stream.strided.gather [hbm4b:s19+s1], $0x400, s2, s1, $0x38;
	[tilespmem:$0x18C00] =	vst v63  }
0x40: {  	s24 =	simm.s32 $0x2800;
	s25 =	rddreg [dreg:$0x14]  }
0x41: {  	[tilespmem:s24], [sflag:$0x2] =	stream.strided.gather [hbm4b:s22+s1], $0x400, s2, s1, $0x38;
	[tilespmem:$0x18C00] =	vst v63  }
0x42: {  	s26 =	simm.s32 $0x2C00;
	s28 =	rddreg [dreg:$0x15]  }
0x43: {  	[tilespmem:s26], [sflag:$0x2] =	stream.strided.gather [hbm4b:s25+s1], $0x400, s2, s1, $0x38;
	[tilespmem:$0x18C00] =	vst v63  }
0x44: {  	s29 =	simm.s32 $0x3000;
	s30 =	rddreg [dreg:$0x16]  }
0x45: {  	[tilespmem:s29], [sflag:$0x2] =	stream.strided.gather [hbm4b:s28+s1], $0x400, s2, s1, $0x38;
	[tilespmem:$0x18C00] =	vst v63  }
0x46: {  	s31 =	simm.s32 $0x3400;
	s5 =	rddreg [dreg:$0x18]  }
0x47: {  	[tilespmem:s31], [sflag:$0x2] =	stream.strided.gather [hbm4b:s30+s1], $0x400, s2, s1, $0x38;
	[tilespmem:$0x18C00] =	vst v63  }
0x48: {  	s4 =	simm.s32 $0x3800;
	s3 =	rddreg [dreg:$0x17]  }
0x49: {  	[tilespmem:s4], [sflag:$0x2] =	stream.strided.gather [hbm4b:s3+s1], $0x400, s2, s1, $0x38;
	[tilespmem:$0x18C00] =	vst v63  }
0x4a: {  	s6 =	simm.s32 $0x3C00;
	s7 =	rddreg [dreg:$0x19]  }
0x4b: {  	[tilespmem:s6], [sflag:$0x2] =	stream.strided.gather [hbm4b:s5+s1], $0x400, s2, s1, $0x38;
	[tilespmem:$0x18C00] =	vst v63  }
0x4c: {  	s8 =	simm.s32 $0x4000;
	s9 =	rddreg [dreg:$0x1a]  }
0x4d: {  	[tilespmem:s8], [sflag:$0x2] =	stream.strided.gather [hbm4b:s7+s1], $0x400, s2, s1, $0x38;
	[tilespmem:$0x18C00] =	vst v63  }
0x4e: {  	s10 =	simm.s32 $0x4400;
	s11 =	rddreg [dreg:$0x1e]  }
0x4f: {  	[tilespmem:s10], [sflag:$0x2] =	stream.strided.gather [hbm4b:s9+s1], $0x400, s2, s1, $0x38;
	[tilespmem:$0x18C00] =	vst v63  }
0x50: {  	s12 =	simm.s32 $0x4800;
	s13 =	sld [smem:$0x7FA]  }
0x51: {  	[tilespmem:s12], [sflag:$0x2] =	stream.strided.gather [hbm4b:s11+s1], $0x400, s2, s1, $0x38;
	[tilespmem:$0x18C00] =	vst v63  }
0x52: {  	s14 =	simm.s32 $0x4C00;
	s15 =	rddreg [dreg:$0x1c]  }
0x53: {  	[tilespmem:s14], [sflag:$0x2] =	stream.strided.gather [hbm4b:s13+s1], $0x400, s2, s1, $0x38;
	[tilespmem:$0x18C00] =	vst v63  }
0x54: {  	s16 =	simm.s32 $0x5000;
	s17 =	rddreg [dreg:$0x1d]  }
0x55: {  	[tilespmem:s16], [sflag:$0x2] =	stream.strided.gather [hbm4b:s15+s1], $0x400, s2, s1, $0x38;
	[tilespmem:$0x18C00] =	vst v63  }
0x56: {  	s18 =	simm.s32 $0x5400;
	s19 =	rddreg [dreg:$0x1f]  }
0x57: {  	[tilespmem:s18], [sflag:$0x2] =	stream.strided.gather [hbm4b:s17+s1], $0x400, s2, s1, $0x38;
	[tilespmem:$0x18C00] =	vst v63  }
0x58: {  	s21 =	simm.s32 $0x5800;
	s22 =	sld [smem:$0x7F9]  }
0x59: {  	[tilespmem:s21], [sflag:$0x2] =	stream.strided.gather [hbm4b:s19+s1], $0x400, s2, s1, $0x38;
	[tilespmem:$0x18C00] =	vst v63  }
0x5a: {  	s24 =	simm.s32 $0x5C00;
	s25 =	sld [smem:$0x7FB]  }
0x5b: {  	[tilespmem:s24], [sflag:$0x2] =	stream.strided.gather [hbm4b:s22+s1], $0x400, s2, s1, $0x38;
	[tilespmem:$0x18C00] =	vst v63  }
0x5c: {  	s26 =	simm.s32 $0x6000;
	s28 =	sld [smem:$0x7FC]  }
0x5d: {  	[tilespmem:s26], [sflag:$0x2] =	stream.strided.gather [hbm4b:s25+s1], $0x400, s2, s1, $0x38;
	[tilespmem:$0x18C00] =	vst v63  }
0x5e: {  	s29 =	simm.s32 $0x6400;
	s30 =	sld [smem:$0x7FD]  }
0x5f: {  	[tilespmem:s29], [sflag:$0x2] =	stream.strided.gather [hbm4b:s28+s1], $0x400, s2, s1, $0x38;
	[tilespmem:$0x18C00] =	vst v63  }
0x60: {  	s31 =	simm.s32 $0x6800;
	s13 =	simm.s32 $0x0  }
0x61: {  	[tilespmem:s31], [sflag:$0x2] =	stream.strided.gather [hbm4b:s30+s1], $0x400, s2, s1, $0x38;
	[tilespmem:$0x18C00] =	vst v63  }
.LBB2_2:
0x62: {  	p0 =	seq.s32 s13, $0x1F;
	s3 =	simm.s32 $0x1  }
0x63: {  	_ =	swait.ge [sflag:s3], $0x200;
	s0 =	sadd.s32 @!p0 $0x1, s13  }
0x64: {  	[sflag:s3] =	ssyncset.done $0x0;
	s1 =	sshll.u32 @!p0 s0, $0x6  }
0x65: {  	s2 =	sshll.u32 @!p0 s0, $0x4;
	[sflag:s3] =	ssyncadd.s32 $0xFFFFFE00;
	s3 =	rddreg [dreg:$0x5]  }
0x66: {  	s2 =	sand.u32 @!p0 $0x70, s2;
	s1 =	sadd.s32 @!p0 s3, s1;
	s3 =	rddreg [dreg:$0x1]  }
0x67: {  	s0 =	sshll.u32 @!p0 s0, $0x7;
	s1 =	sand.u32 @!p0 $0x1FE00, s1;
	s2 =	sadd.s32 @!p0 s3, s2  }
0x68: {  	s0 =	sand.u32 @!p0 $0x80, s0;
	s1 =	sadd.s32 @!p0 s1, s2;
	s2 =	simm.s32 @!p0 $0x0  }
0x69: {  	[tilespmem:s0], [sflag:$0x1] =	stream.linear.gather @!p0 [hbm4b:s1+s2], $0x80, $0x38;
	[tilespmem:$0x18C00] =	vst v63  }
0x6a: {  	s4 =	sor.u32 @!p0 $0x100, s0;
	s3 =	sadd.s32 @!p0 $0x80, s1  }
0x6b: {  	[tilespmem:s4], [sflag:$0x1] =	stream.linear.gather @!p0 [hbm4b:s3+s2], $0x80, $0x38;
	[tilespmem:$0x18C00] =	vst v63  }
0x6c: {  	s3 =	sadd.s32 @!p0 $0x100, s1;
	s4 =	sor.u32 @!p0 $0x200, s0  }
0x6d: {  	[tilespmem:s4], [sflag:$0x1] =	stream.linear.gather @!p0 [hbm4b:s3+s2], $0x80, $0x38;
	[tilespmem:$0x18C00] =	vst v63  }
0x6e: {  	s21 =	simm.s32 $0x0;
	s1 =	sadd.s32 @!p0 $0x180, s1;
	s0 =	sor.u32 @!p0 $0x300, s0  }
0x6f: {  	[tilespmem:s0], [sflag:$0x1] =	stream.linear.gather @!p0 [hbm4b:s1+s2], $0x80, $0x38;
	[tilespmem:$0x18C00] =	vst v63  }
0x70: {  	s22 =	sand.u32 $0xC00, s21;
	s0 =	sshll.u32 s13, $0x7  }
0x71: {  	s24 =	simm.s32 $0x10;
	s3 =	sshrl.u32 s22, $0x2;
	s1 =	sand.u32 $0x80, s0  }
0x72: {  	s5 =	sand.u32 $0x70, s24;
	s3 =	sor.u32 s3, s1  }
0x73: {  	s6 =	sand.u32 $0x60, s21;
	s5 =	sadd.s32 s5, s3  }
0x74: {  	s3 =	sadd.s32 s6, s3;
	v2 =	vld [tilespmem:s5+$0x0]  }
0x75: {  	v3 =	vld [tilespmem:s3+$0x0];
	_ =	sdelay $0x1  }
0x76: {  	v4 =	vor.u32 s24, v0;
	v5 =	vor.u32 s21, v0  }
0x77: {  	v4 =	vcvt.s32.f32 v4;
	v5 =	vcvt.s32.f32 v5;
	_ =	sdelay $0x1  }
0x78: {  	v2 =	vsub.f32 v4, v2;
	v3 =	vsub.f32 v5, v3;
	_ =	sdelay $0x1  }
0x79: {  	v2 =	vmax.f32 v2, $-1.000000000e+00;
	v3 =	vmax.f32 v3, $-1.000000000e+00  }
0x7a: {  	v2 =	vmin.f32 v2, $5.120000000e+02;
	v3 =	vmin.f32 v3, $5.120000000e+02  }
0x7b: {  	v2 =	vadd.f32 $1.000000000e+00, v2;
	v3 =	vadd.f32 $1.000000000e+00, v3  }
0x7c: {  	s25 =	simm.s32 $0x100  }
0x7d: {  	s2 =	sand.u32 $0xC00, s25;
	v4 =	vtrunc.f32 v2;
	v5 =	vtrunc.f32 v3  }
0x7e: {  	s26 =	simm.s32 $0x30;
	s29 =	simm.s32 $0x20;
	s2 =	sshrl.u32 s2, $0x2;
	v4 =	vcvt.f32.s32 v4;
	v5 =	vcvt.f32.s32 v5  }
0x7f: {  	s28 =	sand.u32 $0x70, s26;
	v7 =	vor.u32 s29, v0;
	s2 =	sor.u32 s2, s1  }
0x80: {  	s4 =	sadd.s32 s28, s2;
	v6 =	vcvt.s32.f32 v4;
	v9 =	vcvt.s32.f32 v5;
	v5 =	vadd.s32 $0xFFFFFFFF, v5  }
0x81: {  	s30 =	sand.u32 $0x60, s29;
	v7 =	vcvt.s32.f32 v7;
	v8 =	vld [tilespmem:s4+$0x0];
	v4 =	vadd.s32 $0xFFFFFFFF, v4;
	vm0 =	vlt.u32 v5, $0x200  }
0x82: {  	s2 =	sadd.s32 s30, s2;
	vm1 =	vgt.s32 v5, $0x0;
	vm10 =	vlt.u32 v4, $0x200;
	v6 =	vsub.f32 v2, v6  }
0x83: {  	vm2 =	vgt.s32 v4, $0x0;
	v2 =	vor.u32 s26, v0;
	v9 =	vsub.f32 v3, v9;
	v3 =	vld [tilespmem:s2+$0x0]  }
0x84: {  	v10 =	vnsel vm1, $0x0, v5;
	v2 =	vcvt.s32.f32 v2;
	vm9 =	vgt.f32 v6, $0.0e+00  }
0x85: {  	v12 =	vsub.f32 $1.000000000e+00, v6;
	vm13 =	vgt.f32 v9, $0.0e+00;
	v11 =	vsel vm9, $0x1, v1  }
0x86: {  	v8 =	vsub.f32 v2, v8;
	v2 =	vmin.u32 v10, $0x1FF;
	v11 =	vadd.s32 v11, v4  }
0x87: {  	v12 =	vnsel vm10, $0x0, v12;
	v4 =	vnsel vm2, $0x0, v4;
	vm11 =	vlt.u32 v11, $0x200  }
0x88: {  	vm12 =	vgt.s32 v11, $0x0;
	v3 =	vsub.f32 v7, v3;
	v7 =	vmin.u32 v4, $0x1FF  }
0x89: {  	v8 =	vmax.f32 v8, $-1.000000000e+00;
	v6 =	vnsel vm11, $0x0, v6;
	v4 =	vnsel vm12, $0x0, v11  }
0x8a: {  	v10 =	vmin.u32 v4, $0x1FF;
	v3 =	vmax.f32 v3, $-1.000000000e+00;
	v4 =	vmin.f32 v8, $5.120000000e+02  }
0x8b: {  	s9 =	simm.s32 $0x40;
	s4 =	simm.s32 $0x810;
	v8 =	vsel vm13, $0x1, v1;
	v3 =	vmin.f32 v3, $5.120000000e+02;
	v4 =	vadd.f32 $1.000000000e+00, v4  }
0x8c: {  	s31 =	rddreg [dreg:$0x6];
	s6 =	simm.s32 $0x200;
	s3 =	simm.s32 $0xA10;
	[tilespmem:s4+$0x0] =	vst v12;
	v11 =	vsub.f32 $1.000000000e+00, v9;
	v8 =	vadd.s32 v8, v5;
	v5 =	vadd.f32 $1.000000000e+00, v3  }
0x8d: {  	s8 =	simm.s32 $0x50;
	s5 =	simm.s32 $0x410;
	s7 =	sand.u32 $0xC00, s6;
	[tilespmem:s3+$0x0] =	vst v6;
	vm14 =	vgt.s32 v8, $0x0;
	vm15 =	vlt.u32 v8, $0x200;
	v3 =	vtrunc.f32 v4  }
0x8e: {  	s10 =	sand.u32 $0x60, s9;
	s7 =	sshrl.u32 s7, $0x2;
	s2 =	simm.s32 $0x610;
	[tilespmem:s5+$0x0] =	vst v7;
	v7 =	vnsel vm14, $0x0, v8;
	v8 =	vtrunc.f32 v5;
	v6 =	vcvt.f32.s32 v3  }
0x8f: {  	s11 =	sand.u32 $0x70, s8;
	s14 =	sadd.s32 s31, s13;
	s7 =	sor.u32 s7, s1;
	v11 =	vnsel vm0, $0x0, v11;
	[tilespmem:s2+$0x0] =	vst v10;
	v10 =	vor.u32 s9, v0;
	v8 =	vcvt.f32.s32 v8  }
0x90: {  	s9 =	sadd.s32 s10, s7;
	s10 =	sadd.s32 s11, s7;
	s7 =	simm.s32 $0x60;
	[tilespmem:s4+$0xFFFFFFF0] =	vst v11;
	v3 =	vmin.u32 v7, $0x1FF;
	v7 =	vnsel vm15, $0x0, v9;
	v9 =	vcvt.s32.f32 v6  }
.LBB2_3:
0x91: {  	p1 =	slt.u32 s7, $0x1E0;
	v10 =	vcvt.s32.f32 v10;
	v11 =	vld [tilespmem:s10+$0x0];
	v12 =	vcvt.s32.f32 v8;
	v8 =	vadd.s32 $0xFFFFFFFF, v8;
	[tilespmem:s3+$0xFFFFFFF0] =	vst v7  }
0x92: {  	v7 =	vld [tilespmem:s9+$0x0];
	vm0 =	vlt.u32 v8, $0x200;
	vm1 =	vgt.s32 v8, $0x0;
	v4 =	vsub.f32 v4, v9;
	[tilespmem:s5+$0xFFFFFFF0] =	vst v2  }
0x93: {  	v2 =	vor.u32 s8, v0;
	v9 =	vsub.f32 v5, v12;
	v5 =	vnsel vm1, $0x0, v8;
	[tilespmem:s2+$0xFFFFFFF0] =	vst v3  }
0x94: {  	v3 =	vcvt.s32.f32 v2;
	v2 =	vmin.u32 v5, $0x1FF;
	vm1 =	vgt.f32 v4, $0.0e+00  }
0x95: {  	v6 =	vadd.s32 $0xFFFFFFFF, v6;
	v12 =	vsub.f32 $1.000000000e+00, v4;
	v5 =	vsel vm1, $0x1, v1  }
0x96: {  	vm1 =	vlt.u32 v6, $0x200;
	v3 =	vsub.f32 v3, v11;
	v5 =	vadd.s32 v5, v6  }
0x97: {  	s4 =	sadd.s32 $0x20, s4;
	vm2 =	vgt.s32 v6, $0x0;
	v11 =	vnsel vm1, $0x0, v12;
	vm1 =	vlt.u32 v5, $0x200  }
0x98: {  	s3 =	sadd.s32 $0x20, s3;
	v6 =	vnsel vm2, $0x0, v6;
	[tilespmem:s4+$0x0] =	vst v11;
	v4 =	vnsel vm1, $0x0, v4;
	vm1 =	vgt.s32 v5, $0x0  }
0x99: {  	s5 =	sadd.s32 $0x20, s5;
	v7 =	vsub.f32 v10, v7;
	[tilespmem:s3+$0x0] =	vst v4;
	v4 =	vmin.u32 v6, $0x1FF;
	v5 =	vnsel vm1, $0x0, v5  }
0x9a: {  	s2 =	sadd.s32 $0x20, s2;
	v3 =	vmax.f32 v3, $-1.000000000e+00;
	vm1 =	vgt.f32 v9, $0.0e+00;
	[tilespmem:s5+$0x0] =	vst v4;
	v4 =	vmin.u32 v5, $0x1FF  }
0x9b: {  	v3 =	vmin.f32 v3, $5.120000000e+02;
	v5 =	vmax.f32 v7, $-1.000000000e+00;
	v6 =	vsel vm1, $0x1, v1;
	[tilespmem:s2+$0x0] =	vst v4  }
0x9c: {  	v5 =	vmin.f32 v5, $5.120000000e+02;
	v4 =	vadd.f32 $1.000000000e+00, v3;
	v3 =	vadd.s32 v6, v8  }
.Ltmp0:
0x9d: {  	s6 =	sadd.s32 $0x100, s6;
	v7 =	vsub.f32 $1.000000000e+00, v9;
	v5 =	vadd.f32 $1.000000000e+00, v5;
	vm1 =	vgt.s32 v3, $0x0;
	(pc) =	sbr.rel @p1 .LBB2_3-.Ltmp0, $4  }
0x9e: {  	s8 =	sand.u32 $0xC00, s6;
	vm2 =	vlt.u32 v3, $0x200;
	v6 =	vtrunc.f32 v4;
	v3 =	vnsel vm1, $0x0, v3  }
0x9f: {  	s9 =	sshrl.u32 s8, $0x2;
	s8 =	sadd.s32 $0x10, s7;
	v8 =	vtrunc.f32 v5;
	v6 =	vcvt.f32.s32 v6;
	v3 =	vmin.u32 v3, $0x1FF  }
0xa0: {  	s10 =	sand.u32 $0x60, s7;
	s11 =	sor.u32 s9, s1;
	s12 =	sand.u32 $0x70, s8;
	v11 =	vnsel vm0, $0x0, v7;
	v7 =	vnsel vm2, $0x0, v9;
	v8 =	vcvt.f32.s32 v8  }
0xa1: {  	s9 =	sadd.s32 s10, s11;
	s10 =	sadd.s32 s12, s11;
	v10 =	vor.u32 s7, v0;
	s7 =	sadd.s32 $0x20, s7;
	v9 =	vcvt.s32.f32 v6;
	[tilespmem:s4+$0xFFFFFFF0] =	vst v11  }
0xa2: {  	v10 =	vcvt.s32.f32 v10  }
0xa3: {  	v11 =	vld [tilespmem:s10+$0x0];
	v12 =	vcvt.s32.f32 v8;
	v25 =	vadd.s32 $0xFFFFFFFF, v8;
	v13 =	vor.u32 s8, v0  }
0xa4: {  	v27 =	vld [tilespmem:s9+$0x0];
	v6 =	vadd.s32 $0xFFFFFFFF, v6;
	vm1 =	vgt.s32 v25, $0x0;
	v4 =	vsub.f32 v4, v9  }
0xa5: {  	v26 =	vcvt.s32.f32 v13;
	vm0 =	vlt.u32 v25, $0x200;
	vm12 =	vlt.u32 v6, $0x200  }
0xa6: {  	vm2 =	vgt.s32 v6, $0x0;
	v5 =	vsub.f32 v5, v12;
	v28 =	vnsel vm1, $0x0, v25  }
0xa7: {  	v12 =	vmin.u32 v28, $0x1FF;
	vm11 =	vgt.f32 v4, $0.0e+00;
	v14 =	vsub.f32 $1.000000000e+00, v4  }
0xa8: {  	v29 =	vsel vm11, $0x1, v1;
	vm15 =	vgt.f32 v5, $0.0e+00;
	v9 =	vsub.f32 v26, v11  }
0xa9: {  	v37 =	vsub.f32 $1.000000000e+00, v5;
	v11 =	vadd.s32 v29, v6;
	v10 =	vsub.f32 v10, v27  }
0xaa: {  	v14 =	vnsel vm12, $0x0, v14;
	v6 =	vnsel vm2, $0x0, v6;
	v9 =	vmax.f32 v9, $-1.000000000e+00  }
0xab: {  	v34 =	vsel vm15, $0x1, v1;
	v10 =	vmax.f32 v10, $-1.000000000e+00;
	v9 =	vmin.f32 v9, $5.120000000e+02  }
0xac: {  	vm13 =	vlt.u32 v11, $0x200;
	v31 =	vmin.f32 v10, $5.120000000e+02;
	v9 =	vadd.f32 $1.000000000e+00, v9  }
0xad: {  	[tilespmem:s3+$0xFFFFFFF0] =	vst v7;
	vm14 =	vgt.s32 v11, $0x0;
	v6 =	vmin.u32 v6, $0x1FF;
	v7 =	vadd.f32 $1.000000000e+00, v31  }
0xae: {  	[tilespmem:s5+$0xFFFFFFF0] =	vst v2;
	v35 =	vadd.s32 v34, v25;
	v43 =	vnsel vm0, $0x0, v37;
	v30 =	vtrunc.f32 v9  }
0xaf: {  	s1 =	sadd.s32 $0x20, s4;
	[tilespmem:s2+$0xFFFFFFF0] =	vst v3;
	v4 =	vnsel vm13, $0x0, v4;
	v38 =	vtrunc.f32 v7;
	v32 =	vcvt.f32.s32 v30  }
0xb0: {  	[tilespmem:s1+$0x0] =	vst v14;
	v33 =	vnsel vm14, $0x0, v11;
	vm4 =	vgt.s32 v35, $0x0;
	v41 =	vcvt.f32.s32 v38  }
0xb1: {  	s29 =	sadd.s32 $0x20, s3;
	vm5 =	vlt.u32 v35, $0x200;
	[tilespmem:s1+$0xFFFFFFF0] =	vst v43;
	v2 =	vmin.u32 v33, $0x1FF;
	v36 =	vcvt.s32.f32 v32  }
0xb2: {  	s30 =	sadd.s32 $0x20, s5;
	[tilespmem:s29+$0x0] =	vst v4;
	v40 =	vnsel vm4, $0x0, v35;
	v44 =	vnsel vm5, $0x0, v5;
	v45 =	vcvt.s32.f32 v41  }
0xb3: {  	[tilespmem:s30+$0x0] =	vst v6;
	v42 =	vmin.u32 v40, $0x1FF;
	v48 =	vadd.s32 $0xFFFFFFFF, v32;
	v39 =	vsub.f32 v9, v36  }
0xb4: {  	s31 =	sadd.s32 $0x20, s2;
	[tilespmem:s29+$0xFFFFFFF0] =	vst v44;
	v46 =	vadd.s32 $0xFFFFFFFF, v41;
	vm7 =	vlt.u32 v48, $0x200;
	v49 =	vsub.f32 v7, v45  }
0xb5: {  	[tilespmem:s31+$0x0] =	vst v2;
	vm12 =	vlt.u32 v46, $0x200;
	vm6 =	vgt.f32 v39, $0.0e+00;
	v50 =	vsub.f32 $1.000000000e+00, v39  }
0xb6: {  	[tilespmem:s30+$0xFFFFFFF0] =	vst v12;
	vm11 =	vgt.f32 v49, $0.0e+00;
	v57 =	vsub.f32 $1.000000000e+00, v49;
	v47 =	vsel vm6, $0x1, v1  }
0xb7: {  	s1 =	sadd.s32 $0x20, s1;
	[tilespmem:s31+$0xFFFFFFF0] =	vst v42;
	v56 =	vsel vm11, $0x1, v1;
	v51 =	vadd.s32 v47, v48;
	v52 =	vnsel vm7, $0x0, v50  }
0xb8: {  	v59 =	vadd.s32 v56, v46;
	v60 =	vnsel vm12, $0x0, v57;
	vm8 =	vlt.u32 v51, $0x200;
	[tilespmem:s1+$0x0] =	vst v52  }
0xb9: {  	s3 =	sadd.s32 $0x20, s29;
	vm9 =	vgt.s32 v48, $0x0;
	vm14 =	vlt.u32 v59, $0x200;
	[tilespmem:s1+$0xFFFFFFF0] =	vst v60;
	v4 =	vnsel vm8, $0x0, v39  }
0xba: {  	v53 =	vnsel vm9, $0x0, v48;
	vm10 =	vgt.s32 v51, $0x0;
	v2 =	vnsel vm14, $0x0, v49;
	[tilespmem:s3+$0x0] =	vst v4  }
0xbb: {  	s4 =	sadd.s32 $0x20, s30;
	v54 =	vmin.u32 v53, $0x1FF;
	v55 =	vnsel vm10, $0x0, v51;
	[tilespmem:s3+$0xFFFFFFF0] =	vst v2  }
0xbc: {  	s2 =	sadd.s32 $0x20, s31;
	vm13 =	vgt.s32 v46, $0x0;
	v58 =	vmin.u32 v55, $0x1FF;
	[tilespmem:s4+$0x0] =	vst v54  }
0xbd: {  	v61 =	vnsel vm13, $0x0, v46;
	vm15 =	vgt.s32 v59, $0x0;
	[tilespmem:s2+$0x0] =	vst v58  }
0xbe: {  	v62 =	vmin.u32 v61, $0x1FF;
	v4 =	vnsel vm15, $0x0, v59;
	[smem:$0x7F4] =	sst s14  }
0xbf: {  	v63 =	vmin.u32 v4, $0x1FF;
	[tilespmem:s4+$0xFFFFFFF0] =	vst v62  }
0xc0: {  	s6 =	simm.s32 $0x2;
	s5 =	sshll.u32 s14, $0x9;
	[tilespmem:s2+$0xFFFFFFF0] =	vst v63  }
0xc1: {  	s0 =	sand.u32 $0x380, s0;
	s1 =	sand.u32 $0x3F000, s5;
	_ =	swait.ge [sflag:s6], $0x6000  }
0xc2: {  	s0 =	sor.u32 s0, s1;
	s7 =	rddreg [dreg:$0x9];
	[sflag:s6] =	ssyncset.done $0x0  }
0xc3: {  	s1 =	sor.u32 s7, s0;
	[sflag:s6] =	ssyncadd.s32 $0xFFFFA000  }
0xc4: {  	s8 =	sshrl.u32 s1, $0x3;
	s9 =	rddreg [dreg:$0x0]  }
0xc5: {  	s5 =	simm.s32 $0x40000;
	s4 =	simm.s32 $0x80;
	s1 =	sadd.s32 s9, s8  }
0xc6: {  	[tilespmem:s23], [sflag:$0x3] =	stream.strided.gather [hbm4b:s1+s4], $0x400, s5, s4, $0x38;
	[tilespmem:$0x18C00] =	vst v63  }
0xc7: {  	s11 =	simm.s32 $0x7000;
	s10 =	sadd.s32 $0x80, s1  }
0xc8: {  	[tilespmem:s11], [sflag:$0x3] =	stream.strided.gather [hbm4b:s10+s4], $0x400, s5, s4, $0x38;
	[tilespmem:$0x18C00] =	vst v63  }
0xc9: {  	s14 =	simm.s32 $0x7400;
	s12 =	sadd.s32 $0x100, s1  }
0xca: {  	[tilespmem:s14], [sflag:$0x3] =	stream.strided.gather [hbm4b:s12+s4], $0x400, s5, s4, $0x38;
	[tilespmem:$0x18C00] =	vst v63  }
0xcb: {  	s16 =	simm.s32 $0x7800;
	s15 =	sadd.s32 $0x180, s1  }
0xcc: {  	[tilespmem:s16], [sflag:$0x3] =	stream.strided.gather [hbm4b:s15+s4], $0x400, s5, s4, $0x38;
	[tilespmem:$0x18C00] =	vst v63  }
0xcd: {  	s18 =	simm.s32 $0x7C00;
	s17 =	sadd.s32 $0x40000, s1  }
0xce: {  	[tilespmem:s18], [sflag:$0x3] =	stream.strided.gather [hbm4b:s17+s4], $0x400, s5, s4, $0x38;
	[tilespmem:$0x18C00] =	vst v63  }
0xcf: {  	s6 =	simm.s32 $0x8000;
	s19 =	sadd.s32 $0x80, s17  }
0xd0: {  	[tilespmem:s6], [sflag:$0x3] =	stream.strided.gather [hbm4b:s19+s4], $0x400, s5, s4, $0x38;
	[tilespmem:$0x18C00] =	vst v63  }
0xd1: {  	s22 =	simm.s32 $0x8400;
	s21 =	sadd.s32 $0x100, s17  }
0xd2: {  	[tilespmem:s22], [sflag:$0x3] =	stream.strided.gather [hbm4b:s21+s4], $0x400, s5, s4, $0x38;
	[tilespmem:$0x18C00] =	vst v63  }
0xd3: {  	s24 =	simm.s32 $0x8800;
	s2 =	sadd.s32 $0x180, s17  }
0xd4: {  	[tilespmem:s24], [sflag:$0x3] =	stream.strided.gather [hbm4b:s2+s4], $0x400, s5, s4, $0x38;
	[tilespmem:$0x18C00] =	vst v63  }
0xd5: {  	s26 =	simm.s32 $0x8C00;
	s25 =	sadd.s32 $0x80000, s1  }
0xd6: {  	[tilespmem:s26], [sflag:$0x3] =	stream.strided.gather [hbm4b:s25+s4], $0x400, s5, s4, $0x38;
	[tilespmem:$0x18C00] =	vst v63  }
0xd7: {  	s29 =	simm.s32 $0x9000;
	s28 =	sadd.s32 $0x80, s25  }
0xd8: {  	[tilespmem:s29], [sflag:$0x3] =	stream.strided.gather [hbm4b:s28+s4], $0x400, s5, s4, $0x38;
	[tilespmem:$0x18C00] =	vst v63  }
0xd9: {  	s31 =	simm.s32 $0x9400;
	s30 =	sadd.s32 $0x100, s25  }
0xda: {  	[tilespmem:s31], [sflag:$0x3] =	stream.strided.gather [hbm4b:s30+s4], $0x400, s5, s4, $0x38;
	[tilespmem:$0x18C00] =	vst v63  }
0xdb: {  	s6 =	simm.s32 $0x9800;
	s2 =	sadd.s32 $0x180, s25  }
0xdc: {  	[tilespmem:s6], [sflag:$0x3] =	stream.strided.gather [hbm4b:s2+s4], $0x400, s5, s4, $0x38;
	[tilespmem:$0x18C00] =	vst v63  }
0xdd: {  	[smem:$0x7F5] =	sst s8;
	s8 =	simm.s32 $0x9C00;
	s7 =	sadd.s32 $0xC0000, s1  }
0xde: {  	[tilespmem:s8], [sflag:$0x3] =	stream.strided.gather [hbm4b:s7+s4], $0x400, s5, s4, $0x38;
	[tilespmem:$0x18C00] =	vst v63  }
0xdf: {  	s9 =	sadd.s32 $0x80, s7;
	s10 =	simm.s32 $0xA000  }
0xe0: {  	[tilespmem:s10], [sflag:$0x3] =	stream.strided.gather [hbm4b:s9+s4], $0x400, s5, s4, $0x38;
	[tilespmem:$0x18C00] =	vst v63  }
0xe1: {  	s11 =	sadd.s32 $0x100, s7;
	s12 =	simm.s32 $0xA400  }
0xe2: {  	[tilespmem:s12], [sflag:$0x3] =	stream.strided.gather [hbm4b:s11+s4], $0x400, s5, s4, $0x38;
	[tilespmem:$0x18C00] =	vst v63  }
0xe3: {  	s14 =	simm.s32 $0xA800;
	s2 =	sadd.s32 $0x180, s7  }
0xe4: {  	[tilespmem:s14], [sflag:$0x3] =	stream.strided.gather [hbm4b:s2+s4], $0x400, s5, s4, $0x38;
	[tilespmem:$0x18C00] =	vst v63  }
0xe5: {  	s15 =	sadd.s32 $0x100000, s1;
	s16 =	simm.s32 $0xAC00  }
0xe6: {  	[tilespmem:s16], [sflag:$0x3] =	stream.strided.gather [hbm4b:s15+s4], $0x400, s5, s4, $0x38;
	[tilespmem:$0x18C00] =	vst v63  }
0xe7: {  	s17 =	sadd.s32 $0x80, s15;
	s18 =	simm.s32 $0xB000  }
0xe8: {  	[tilespmem:s18], [sflag:$0x3] =	stream.strided.gather [hbm4b:s17+s4], $0x400, s5, s4, $0x38;
	[tilespmem:$0x18C00] =	vst v63  }
0xe9: {  	s19 =	sadd.s32 $0x100, s15;
	s21 =	simm.s32 $0xB400  }
0xea: {  	[tilespmem:s21], [sflag:$0x3] =	stream.strided.gather [hbm4b:s19+s4], $0x400, s5, s4, $0x38;
	[tilespmem:$0x18C00] =	vst v63  }
0xeb: {  	s22 =	simm.s32 $0xB800;
	s2 =	sadd.s32 $0x180, s15  }
0xec: {  	[tilespmem:s22], [sflag:$0x3] =	stream.strided.gather [hbm4b:s2+s4], $0x400, s5, s4, $0x38;
	[tilespmem:$0x18C00] =	vst v63  }
0xed: {  	s1 =	sadd.s32 $0x140000, s1;
	s24 =	simm.s32 $0xBC00  }
0xee: {  	[tilespmem:s24], [sflag:$0x3] =	stream.strided.gather [hbm4b:s1+s4], $0x400, s5, s4, $0x38;
	[tilespmem:$0x18C00] =	vst v63  }
0xef: {  	s25 =	sadd.s32 $0x80, s1;
	s26 =	simm.s32 $0xC000  }
0xf0: {  	[tilespmem:s26], [sflag:$0x3] =	stream.strided.gather [hbm4b:s25+s4], $0x400, s5, s4, $0x38;
	[tilespmem:$0x18C00] =	vst v63  }
0xf1: {  	s28 =	sadd.s32 $0x100, s1;
	s29 =	simm.s32 $0xC400  }
0xf2: {  	[tilespmem:s29], [sflag:$0x3] =	stream.strided.gather [hbm4b:s28+s4], $0x400, s5, s4, $0x38;
	[tilespmem:$0x18C00] =	vst v63  }
0xf3: {  	p1 =	seq.s32 s13, $0x0;
	s30 =	simm.s32 $0xC800;
	s1 =	sadd.s32 $0x180, s1  }
0xf4: {  	[tilespmem:s30], [sflag:$0x3] =	stream.strided.gather [hbm4b:s1+s4], $0x400, s5, s4, $0x38;
	[tilespmem:$0x18C00] =	vst v63  }
0xf5: {  	s3 =	simm.s32 $0x400;
	[smem:$0x7F6] =	sst s13;
	s1 =	simm.s32 @!p1 $0x4  }
0xf6: {  	s2 =	simm.s32 $0x600;
	s5 =	simm.s32 $0xFFFFFFC0;
	_ =	swait.ge @!p1 [sflag:s1], $0x6000  }
0xf7: {  	s4 =	simm.s32 $0x0;
	[sflag:s1] =	ssyncset.done @!p1 $0x0;
	s31 =	rddreg [dreg:$0x4]  }
0xf8: {  	s0 =	sor.u32 s31, s0;
	[sflag:s1] =	ssyncadd.s32 @!p1 $0xFFFFA000;
	p1 =	por $0x0, $0x0  }
0xf9: {  	s1 =	simm.s32 $0x800;
	[smem:$0x7F7] =	sst s0;
	s0 =	simm.s32 $0xA00  }
.LBB2_5:
0xfa: {  	v2 =	vld [tilespmem:s3+$0x0]  }
0xfb: {  	v3 =	vld [tilespmem:s2+$0x0];
	_ =	sdelay $0x3  }
0xfc: {  	v4 =	vshll.u32 v2, $0x3  }
0xfd: {  	v2 =	vand.u32 $0x7F, v2;
	v5 =	vshll.u32 v3, $0x3;
	v4 =	vand.u32 $0xFFFFFC00, v4  }
0xfe: {  	v44 =	vand.u32 $0x7F, v3;
	v45 =	vand.u32 $0xFFFFFC00, v5;
	v13 =	vor.u32 v2, v4  }
0xff: {  	v12 =	vor.u32 v44, v45  }
0x100: {  	v4 =	vor.u32 $0x80, v13  }
0x101: {  	v3 =	vld [tilespmem:s0+$0x0];
	v46 =	vor.u32 $0x80, v12  }
0x102: {  	v2 =	vld [tilespmem:s1+$0x0];
	v6 =	vor.u32 $0x100, v13  }
0x103: {  	v8 =	vor.u32 $0x100, v12;
	v7 =	vld.idx.msk [tilespmem:v13+s20+$0x0], $0xffff  }
0x104: {  	v10 =	vor.u32 $0x180, v13;
	v9 =	vld.idx.msk [tilespmem:v12+s20+$0x0], $0xffff  }
0x105: {  	v11 =	vor.u32 $0x180, v12;
	v4 =	vld.idx.msk [tilespmem:v4+s20+$0x0], $0xffff  }
0x106: {  	v14 =	vor.u32 $0x200, v13;
	v5 =	vld.idx.msk [tilespmem:v46+s20+$0x0], $0xffff  }
0x107: {  	v15 =	vor.u32 $0x200, v12;
	v6 =	vld.idx.msk [tilespmem:v6+s20+$0x0], $0xffff  }
0x108: {  	v16 =	vor.u32 $0x280, v13;
	v8 =	vld.idx.msk [tilespmem:v8+s20+$0x0], $0xffff  }
0x109: {  	v17 =	vor.u32 $0x280, v12;
	v10 =	vld.idx.msk [tilespmem:v10+s20+$0x0], $0xffff  }
0x10a: {  	v18 =	vor.u32 $0x300, v13;
	v11 =	vld.idx.msk [tilespmem:v11+s20+$0x0], $0xffff  }
0x10b: {  	v19 =	vor.u32 $0x300, v12;
	v14 =	vld.idx.msk [tilespmem:v14+s20+$0x0], $0xffff  }
0x10c: {  	v20 =	vor.u32 $0x380, v13;
	v15 =	vld.idx.msk [tilespmem:v15+s20+$0x0], $0xffff  }
0x10d: {  	v21 =	vor.u32 $0x380, v12;
	v16 =	vld.idx.msk [tilespmem:v16+s20+$0x0], $0xffff  }
0x10e: {  	v17 =	vld.idx.msk [tilespmem:v17+s20+$0x0], $0xffff  }
0x10f: {  	v18 =	vld.idx.msk [tilespmem:v18+s20+$0x0], $0xffff  }
0x110: {  	v19 =	vld.idx.msk [tilespmem:v19+s20+$0x0], $0xffff;
	v7 =	vmul.f32 v7, v2;
	v9 =	vmul.f32 v9, v3  }
0x111: {  	[smem:$0x7EE] =	sst s4;
	s5 =	sadd.s32 $0x40, s5;
	s13 =	sand.u32 $0xC00, s4;
	v59 =	vadd.s32 $0x1000, v13;
	v20 =	vld.idx.msk [tilespmem:v20+s20+$0x0], $0xffff;
	v4 =	vmul.f32 v4, v2;
	v5 =	vmul.f32 v5, v3  }
0x112: {  	[smem:$0x7F2] =	sst s0;
	s4 =	sand.u32 $0x40, s5;
	s19 =	sadd.s32 $0xCC00, s13;
	v21 =	vld.idx.msk [tilespmem:v21+s20+$0x0], $0xffff;
	v6 =	vmul.f32 v6, v2;
	v8 =	vmul.f32 v8, v3;
	v7 =	vadd.f32 v9, v7  }
0x113: {  	s29 =	sld [smem:$0x7EE];
	s28 =	sor.u32 s4, s19;
	s0 =	simm.s32 $0x1;
	v47 =	vmul.f32 v10, v2;
	v48 =	vmul.f32 v11, v3;
	v4 =	vadd.f32 v5, v4  }
0x114: {  	s0 =	simm.s32 @!p1 $0x0;
	v49 =	vmul.f32 v14, v2;
	v50 =	vmul.f32 v15, v3;
	v6 =	vadd.f32 v8, v6;
	[tilespmem:s28+$0x0] =	vst v7  }
0x115: {  	[smem:$0x7F0] =	sst s3;
	s0 =	sshll.u32 s0, $0x6;
	v51 =	vmul.f32 v16, v2;
	v52 =	vmul.f32 v17, v3;
	v53 =	vadd.f32 v48, v47;
	[tilespmem:s28+$0x80] =	vst v4  }
0x116: {  	s3 =	sld [smem:$0x7EE];
	s26 =	sadd.s32 s0, s29;
	v55 =	vmul.f32 v18, v2;
	v56 =	vmul.f32 v19, v3;
	v5 =	vadd.f32 v50, v49;
	[tilespmem:s28+$0x100] =	vst v6  }
0x117: {  	s30 =	sor.u32 $0x200, s26;
	v57 =	vmul.f32 v20, v2;
	v58 =	vmul.f32 v21, v3;
	v54 =	vadd.f32 v52, v51;
	[tilespmem:s28+$0x180] =	vst v53  }
0x118: {  	v61 =	vadd.s32 $0x1000, v12;
	s31 =	sor.u32 $0x280, s26;
	v60 =	vadd.f32 v56, v55;
	[tilespmem:s30+$0xCC00] =	vst v5  }
0x119: {  	s6 =	sor.u32 s3, s5;
	v62 =	vadd.s32 $0x1080, v13;
	s0 =	sor.u32 $0x300, s26;
	v4 =	vadd.f32 v58, v57;
	[tilespmem:s31+$0xCC00] =	vst v54  }
0x11a: {  	s7 =	sor.u32 $0x380, s6;
	v63 =	vadd.s32 $0x1080, v12;
	[tilespmem:s0+$0xCC00] =	vst v60  }
0x11b: {  	v0 =	vadd.s32 $0x1100, v13;
	[tilespmem:s7+$0xCC00] =	vst v4  }
0x11c: {  	v20 =	vadd.s32 $0x1100, v12;
	v1 =	vld.idx.msk [tilespmem:v59+s20+$0x0], $0xffff  }
0x11d: {  	v21 =	vadd.s32 $0x1180, v13;
	v7 =	vld.idx.msk [tilespmem:v61+s20+$0x0], $0xffff  }
0x11e: {  	v22 =	vadd.s32 $0x1180, v12;
	v6 =	vld.idx.msk [tilespmem:v62+s20+$0x0], $0xffff  }
0x11f: {  	v23 =	vadd.s32 $0x1200, v13;
	v5 =	vld.idx.msk [tilespmem:v63+s20+$0x0], $0xffff  }
0x120: {  	v24 =	vadd.s32 $0x1200, v12;
	v4 =	vld.idx.msk [tilespmem:v0+s20+$0x0], $0xffff  }
0x121: {  	v25 =	vadd.s32 $0x1280, v13;
	v9 =	vld.idx.msk [tilespmem:v20+s20+$0x0], $0xffff  }
0x122: {  	v26 =	vadd.s32 $0x1280, v12;
	v10 =	vld.idx.msk [tilespmem:v21+s20+$0x0], $0xffff  }
0x123: {  	v27 =	vadd.s32 $0x1300, v13;
	v11 =	vld.idx.msk [tilespmem:v22+s20+$0x0], $0xffff  }
0x124: {  	v28 =	vadd.s32 $0x1300, v12;
	v14 =	vld.idx.msk [tilespmem:v23+s20+$0x0], $0xffff  }
0x125: {  	v29 =	vadd.s32 $0x1380, v13;
	v15 =	vld.idx.msk [tilespmem:v24+s20+$0x0], $0xffff  }
0x126: {  	v30 =	vadd.s32 $0x1380, v12;
	v16 =	vld.idx.msk [tilespmem:v25+s20+$0x0], $0xffff  }
0x127: {  	v17 =	vld.idx.msk [tilespmem:v26+s20+$0x0], $0xffff  }
0x128: {  	v18 =	vld.idx.msk [tilespmem:v27+s20+$0x0], $0xffff  }
0x129: {  	v19 =	vld.idx.msk [tilespmem:v28+s20+$0x0], $0xffff;
	v8 =	vmul.f32 v1, v2;
	v7 =	vmul.f32 v7, v3  }
0x12a: {  	v43 =	vadd.s32 $0x2000, v13;
	v20 =	vld.idx.msk [tilespmem:v29+s20+$0x0], $0xffff;
	v6 =	vmul.f32 v6, v2;
	v5 =	vmul.f32 v5, v3  }
0x12b: {  	s29 =	sadd.s32 $0xDC00, s13;
	v21 =	vld.idx.msk [tilespmem:v30+s20+$0x0], $0xffff;
	v4 =	vmul.f32 v4, v2;
	v9 =	vmul.f32 v9, v3;
	v7 =	vadd.f32 v7, v8  }
0x12c: {  	s24 =	sadd.s32 $0xDC80, s13;
	s8 =	sor.u32 s4, s29;
	v31 =	vmul.f32 v10, v2;
	v32 =	vmul.f32 v11, v3;
	v5 =	vadd.f32 v5, v6  }
0x12d: {  	s6 =	sor.u32 s4, s24;
	s28 =	sadd.s32 $0xDD00, s13;
	v33 =	vmul.f32 v14, v2;
	v34 =	vmul.f32 v15, v3;
	v4 =	vadd.f32 v9, v4;
	[tilespmem:s8+$0x0] =	vst v7  }
0x12e: {  	s3 =	sadd.s32 $0xDD80, s13;
	s9 =	sor.u32 s4, s28;
	v35 =	vmul.f32 v16, v2;
	v36 =	vmul.f32 v17, v3;
	v37 =	vadd.f32 v32, v31;
	[tilespmem:s6+$0x0] =	vst v5  }
0x12f: {  	s10 =	sor.u32 s4, s3;
	s30 =	sadd.s32 $0xDE00, s13;
	v39 =	vmul.f32 v18, v2;
	v40 =	vmul.f32 v19, v3;
	v6 =	vadd.f32 v34, v33;
	[tilespmem:s9+$0x0] =	vst v4  }
0x130: {  	[smem:$0x7F1] =	sst s5;
	s5 =	sadd.s32 $0xDE80, s13;
	s11 =	sor.u32 s4, s30;
	v41 =	vmul.f32 v20, v2;
	v42 =	vmul.f32 v21, v3;
	v38 =	vadd.f32 v36, v35;
	[tilespmem:s10+$0x0] =	vst v37  }
0x131: {  	s12 =	sor.u32 s4, s5;
	v45 =	vadd.s32 $0x2000, v12;
	v44 =	vadd.f32 v40, v39;
	s9 =	sadd.s32 $0xDF00, s13;
	[tilespmem:s11+$0x0] =	vst v6  }
0x132: {  	s18 =	sadd.s32 $0xDF80, s13;
	v47 =	vadd.s32 $0x2080, v13;
	v46 =	vadd.f32 v42, v41;
	s11 =	sor.u32 s4, s9;
	[tilespmem:s12+$0x0] =	vst v38  }
0x133: {  	s14 =	sor.u32 s4, s18;
	v48 =	vadd.s32 $0x2080, v12;
	[tilespmem:s11+$0x0] =	vst v44  }
0x134: {  	v49 =	vadd.s32 $0x2100, v13;
	[tilespmem:s14+$0x0] =	vst v46  }
0x135: {  	v51 =	vadd.s32 $0x2100, v12;
	v50 =	vld.idx.msk [tilespmem:v43+s20+$0x0], $0xffff  }
0x136: {  	v52 =	vadd.s32 $0x2180, v13;
	v7 =	vld.idx.msk [tilespmem:v45+s20+$0x0], $0xffff  }
0x137: {  	v53 =	vadd.s32 $0x2180, v12;
	v5 =	vld.idx.msk [tilespmem:v47+s20+$0x0], $0xffff  }
0x138: {  	v54 =	vadd.s32 $0x2200, v13;
	v6 =	vld.idx.msk [tilespmem:v48+s20+$0x0], $0xffff  }
0x139: {  	v55 =	vadd.s32 $0x2200, v12;
	v4 =	vld.idx.msk [tilespmem:v49+s20+$0x0], $0xffff  }
0x13a: {  	v56 =	vadd.s32 $0x2280, v13;
	v9 =	vld.idx.msk [tilespmem:v51+s20+$0x0], $0xffff  }
0x13b: {  	v57 =	vadd.s32 $0x2280, v12;
	v10 =	vld.idx.msk [tilespmem:v52+s20+$0x0], $0xffff  }
0x13c: {  	v58 =	vadd.s32 $0x2300, v13;
	v11 =	vld.idx.msk [tilespmem:v53+s20+$0x0], $0xffff  }
0x13d: {  	v59 =	vadd.s32 $0x2300, v12;
	v14 =	vld.idx.msk [tilespmem:v54+s20+$0x0], $0xffff  }
0x13e: {  	v60 =	vadd.s32 $0x2380, v13;
	v15 =	vld.idx.msk [tilespmem:v55+s20+$0x0], $0xffff  }
0x13f: {  	v61 =	vadd.s32 $0x2380, v12;
	v16 =	vld.idx.msk [tilespmem:v56+s20+$0x0], $0xffff  }
0x140: {  	v17 =	vld.idx.msk [tilespmem:v57+s20+$0x0], $0xffff  }
0x141: {  	v18 =	vld.idx.msk [tilespmem:v58+s20+$0x0], $0xffff  }
0x142: {  	v19 =	vld.idx.msk [tilespmem:v59+s20+$0x0], $0xffff;
	v8 =	vmul.f32 v50, v2;
	v7 =	vmul.f32 v7, v3  }
0x143: {  	v23 =	vadd.s32 $0x3000, v13;
	v20 =	vld.idx.msk [tilespmem:v60+s20+$0x0], $0xffff;
	v5 =	vmul.f32 v5, v2;
	v6 =	vmul.f32 v6, v3  }
0x144: {  	[smem:$0x7F3] =	sst s1;
	s1 =	sadd.s32 $0xEC00, s13;
	v21 =	vld.idx.msk [tilespmem:v61+s20+$0x0], $0xffff;
	v4 =	vmul.f32 v4, v2;
	v9 =	vmul.f32 v9, v3;
	v7 =	vadd.f32 v7, v8  }
0x145: {  	s10 =	sadd.s32 $0xEC80, s13;
	s12 =	sor.u32 s4, s1;
	v62 =	vmul.f32 v10, v2;
	v63 =	vmul.f32 v11, v3;
	v5 =	vadd.f32 v6, v5  }
0x146: {  	s6 =	sadd.s32 $0xED00, s13;
	s15 =	sor.u32 s4, s10;
	v0 =	vmul.f32 v14, v2;
	v1 =	vmul.f32 v15, v3;
	v4 =	vadd.f32 v9, v4;
	[tilespmem:s12+$0x0] =	vst v7  }
0x147: {  	s16 =	sadd.s32 $0xED80, s13;
	s14 =	sor.u32 s4, s6;
	v14 =	vmul.f32 v16, v2;
	v15 =	vmul.f32 v17, v3;
	v16 =	vadd.f32 v63, v62;
	[tilespmem:s15+$0x0] =	vst v5  }
0x148: {  	s21 =	sadd.s32 $0xEE00, s13;
	s17 =	sor.u32 s4, s16;
	v18 =	vmul.f32 v18, v2;
	v19 =	vmul.f32 v19, v3;
	v6 =	vadd.f32 v1, v0;
	[tilespmem:s14+$0x0] =	vst v4  }
0x149: {  	s25 =	sadd.s32 $0xEE80, s13;
	s22 =	sor.u32 s4, s21;
	v20 =	vmul.f32 v20, v2;
	v22 =	vmul.f32 v21, v3;
	v17 =	vadd.f32 v15, v14;
	[tilespmem:s17+$0x0] =	vst v16  }
0x14a: {  	s31 =	sor.u32 s4, s25;
	v25 =	vadd.s32 $0x3000, v12;
	s11 =	sadd.s32 $0xEF00, s13;
	v24 =	vadd.f32 v19, v18;
	[tilespmem:s22+$0x0] =	vst v6  }
0x14b: {  	[smem:$0x7D3] =	sst s25;
	s25 =	sadd.s32 $0xEF80, s13;
	v27 =	vadd.s32 $0x3080, v13;
	s0 =	sor.u32 s4, s11;
	v26 =	vadd.f32 v22, v20;
	[tilespmem:s31+$0x0] =	vst v17  }
0x14c: {  	[smem:$0x7EF] =	sst s2;
	s2 =	sor.u32 s4, s25;
	v28 =	vadd.s32 $0x3080, v12;
	[tilespmem:s0+$0x0] =	vst v24  }
0x14d: {  	v29 =	vadd.s32 $0x3100, v13;
	[tilespmem:s2+$0x0] =	vst v26  }
0x14e: {  	v31 =	vadd.s32 $0x3100, v12;
	v30 =	vld.idx.msk [tilespmem:v23+s20+$0x0], $0xffff  }
0x14f: {  	v32 =	vadd.s32 $0x3180, v13;
	v7 =	vld.idx.msk [tilespmem:v25+s20+$0x0], $0xffff  }
0x150: {  	v33 =	vadd.s32 $0x3180, v12;
	v5 =	vld.idx.msk [tilespmem:v27+s20+$0x0], $0xffff  }
0x151: {  	v34 =	vadd.s32 $0x3200, v13;
	v6 =	vld.idx.msk [tilespmem:v28+s20+$0x0], $0xffff  }
0x152: {  	v35 =	vadd.s32 $0x3200, v12;
	v4 =	vld.idx.msk [tilespmem:v29+s20+$0x0], $0xffff  }
0x153: {  	v36 =	vadd.s32 $0x3280, v13;
	v9 =	vld.idx.msk [tilespmem:v31+s20+$0x0], $0xffff  }
0x154: {  	v37 =	vadd.s32 $0x3280, v12;
	v10 =	vld.idx.msk [tilespmem:v32+s20+$0x0], $0xffff  }
0x155: {  	v38 =	vadd.s32 $0x3300, v13;
	v11 =	vld.idx.msk [tilespmem:v33+s20+$0x0], $0xffff  }
0x156: {  	v39 =	vadd.s32 $0x3300, v12;
	v14 =	vld.idx.msk [tilespmem:v34+s20+$0x0], $0xffff  }
0x157: {  	v40 =	vadd.s32 $0x3380, v13;
	v15 =	vld.idx.msk [tilespmem:v35+s20+$0x0], $0xffff  }
0x158: {  	v41 =	vadd.s32 $0x3380, v12;
	v16 =	vld.idx.msk [tilespmem:v36+s20+$0x0], $0xffff  }
0x159: {  	v17 =	vld.idx.msk [tilespmem:v37+s20+$0x0], $0xffff  }
0x15a: {  	v18 =	vld.idx.msk [tilespmem:v38+s20+$0x0], $0xffff  }
0x15b: {  	v19 =	vld.idx.msk [tilespmem:v39+s20+$0x0], $0xffff;
	v8 =	vmul.f32 v30, v2;
	v7 =	vmul.f32 v7, v3  }
0x15c: {  	[smem:$0x7D1] =	sst s16;
	v54 =	vadd.s32 $0x4000, v13;
	v20 =	vld.idx.msk [tilespmem:v40+s20+$0x0], $0xffff;
	v5 =	vmul.f32 v5, v2;
	v6 =	vmul.f32 v6, v3  }
0x15d: {  	[smem:$0x7D2] =	sst s21;
	s7 =	sadd.s32 $0xFC00, s13;
	v21 =	vld.idx.msk [tilespmem:v41+s20+$0x0], $0xffff;
	v4 =	vmul.f32 v4, v2;
	v9 =	vmul.f32 v9, v3;
	v7 =	vadd.f32 v7, v8  }
0x15e: {  	s8 =	sor.u32 s4, s7;
	s12 =	sadd.s32 $0xFC80, s13;
	s22 =	sld [smem:$0x7F1];
	v42 =	vmul.f32 v10, v2;
	v43 =	vmul.f32 v11, v3;
	v5 =	vadd.f32 v6, v5  }
0x15f: {  	[smem:$0x7D4] =	sst s7;
	s7 =	sadd.s32 $0xFD00, s13;
	s15 =	sor.u32 s4, s12;
	v44 =	vmul.f32 v14, v2;
	v45 =	vmul.f32 v15, v3;
	v4 =	vadd.f32 v9, v4;
	[tilespmem:s8+$0x0] =	vst v7  }
0x160: {  	s16 =	sadd.s32 $0xFD80, s13;
	s21 =	sadd.s32 $0xFE00, s13;
	s17 =	sor.u32 s4, s7;
	v46 =	vmul.f32 v16, v2;
	v47 =	vmul.f32 v17, v3;
	v48 =	vadd.f32 v43, v42;
	[tilespmem:s15+$0x0] =	vst v5  }
0x161: {  	s14 =	sor.u32 $0x10, s4;
	s22 =	sand.u32 $0x180, s22;
	v50 =	vmul.f32 v18, v2;
	v51 =	vmul.f32 v19, v3;
	v6 =	vadd.f32 v45, v44;
	s15 =	sor.u32 s4, s16;
	[tilespmem:s17+$0x0] =	vst v4  }
0x162: {  	s31 =	sor.u32 s4, s21;
	s2 =	sadd.s32 $0xFE80, s13;
	v52 =	vmul.f32 v20, v2;
	v53 =	vmul.f32 v21, v3;
	v49 =	vadd.f32 v47, v46;
	s17 =	sor.u32 s22, s14;
	[tilespmem:s15+$0x0] =	vst v48  }
0x163: {  	v56 =	vadd.s32 $0x4000, v12;
	s0 =	sor.u32 s4, s2;
	v55 =	vadd.f32 v51, v50;
	s8 =	sadd.s32 $0xFF00, s13;
	v57 =	vld [tilespmem:s17+$0x400];
	[tilespmem:s31+$0x0] =	vst v6  }
0x164: {  	[smem:$0x7D5] =	sst s21;
	v59 =	vadd.s32 $0x4080, v13;
	v58 =	vadd.f32 v53, v52;
	s21 =	sor.u32 s4, s8;
	v60 =	vld [tilespmem:s17+$0x600];
	s31 =	sadd.s32 $0xFF80, s13;
	[tilespmem:s0+$0x0] =	vst v49  }
0x165: {  	v61 =	vadd.s32 $0x4080, v12;
	[smem:$0x7D6] =	sst s8;
	v5 =	vld [tilespmem:s17+$0x800];
	s8 =	sor.u32 s4, s31;
	[tilespmem:s21+$0x0] =	vst v55  }
0x166: {  	v62 =	vadd.s32 $0x4100, v13;
	v4 =	vld [tilespmem:s17+$0xA00];
	[tilespmem:s8+$0x0] =	vst v58  }
0x167: {  	v63 =	vadd.s32 $0x4100, v12;
	v10 =	vld.idx.msk [tilespmem:v54+s20+$0x0], $0xffff  }
0x168: {  	v0 =	vadd.s32 $0x4180, v13;
	v7 =	vld.idx.msk [tilespmem:v56+s20+$0x0], $0xffff  }
0x169: {  	v32 =	vadd.s32 $0x4180, v12;
	v1 =	vld.idx.msk [tilespmem:v59+s20+$0x0], $0xffff  }
0x16a: {  	v33 =	vadd.s32 $0x4200, v13;
	v48 =	vadd.s32 $0x4380, v12;
	v6 =	vld.idx.msk [tilespmem:v61+s20+$0x0], $0xffff  }
0x16b: {  	v34 =	vshll.u32 v57, $0x3;
	v8 =	vand.u32 $0x7F, v57;
	v35 =	vshll.u32 v60, $0x3;
	v14 =	vld.idx.msk [tilespmem:v62+s20+$0x0], $0xffff  }
0x16c: {  	v15 =	vld.idx.msk [tilespmem:v63+s20+$0x0], $0xffff;
	v9 =	vand.u32 $0xFFFFFC00, v34;
	v37 =	vand.u32 $0xFFFFFC00, v35;
	v35 =	vadd.s32 $0x4200, v12  }
0x16d: {  	v36 =	vand.u32 $0x7F, v60;
	v11 =	vld.idx.msk [tilespmem:v0+s20+$0x0], $0xffff;
	v9 =	vor.u32 v8, v9  }
0x16e: {  	v18 =	vld.idx.msk [tilespmem:v32+s20+$0x0], $0xffff;
	v8 =	vor.u32 v36, v37  }
0x16f: {  	v19 =	vld.idx.msk [tilespmem:v33+s20+$0x0], $0xffff;
	v38 =	vor.u32 $0x80, v9  }
0x170: {  	v63 =	vld.idx.msk [tilespmem:v48+s20+$0x0], $0xffff;
	v39 =	vor.u32 $0x80, v8  }
0x171: {  	v40 =	vor.u32 $0x100, v9;
	v43 =	vld.idx.msk [tilespmem:v35+s20+$0x0], $0xffff  }
0x172: {  	v23 =	vor.u32 $0x100, v8;
	v22 =	vld.idx.msk [tilespmem:v9+s20+$0x0], $0xffff  }
0x173: {  	v25 =	vor.u32 $0x180, v9;
	v24 =	vld.idx.msk [tilespmem:v8+s20+$0x0], $0xffff  }
0x174: {  	v26 =	vor.u32 $0x180, v8;
	v16 =	vld.idx.msk [tilespmem:v38+s20+$0x0], $0xffff  }
0x175: {  	v27 =	vor.u32 $0x200, v9;
	v20 =	vld.idx.msk [tilespmem:v39+s20+$0x0], $0xffff  }
0x176: {  	v28 =	vor.u32 $0x200, v8;
	v21 =	vld.idx.msk [tilespmem:v40+s20+$0x0], $0xffff  }
0x177: {  	v29 =	vor.u32 $0x280, v9;
	v23 =	vld.idx.msk [tilespmem:v23+s20+$0x0], $0xffff  }
0x178: {  	v30 =	vor.u32 $0x280, v8;
	v25 =	vld.idx.msk [tilespmem:v25+s20+$0x0], $0xffff  }
0x179: {  	v31 =	vor.u32 $0x300, v9;
	v26 =	vld.idx.msk [tilespmem:v26+s20+$0x0], $0xffff  }
0x17a: {  	v32 =	vor.u32 $0x300, v8;
	v27 =	vld.idx.msk [tilespmem:v27+s20+$0x0], $0xffff  }
0x17b: {  	v33 =	vor.u32 $0x380, v9;
	v28 =	vld.idx.msk [tilespmem:v28+s20+$0x0], $0xffff  }
0x17c: {  	v34 =	vor.u32 $0x380, v8;
	v29 =	vld.idx.msk [tilespmem:v29+s20+$0x0], $0xffff  }
0x17d: {  	v37 =	vadd.s32 $0x4280, v12;
	v30 =	vld.idx.msk [tilespmem:v30+s20+$0x0], $0xffff  }
0x17e: {  	v36 =	vadd.s32 $0x4280, v13;
	v56 =	vadd.s32 $0x1000, v9;
	v38 =	vadd.s32 $0x4300, v13;
	v31 =	vld.idx.msk [tilespmem:v31+s20+$0x0], $0xffff  }
0x17f: {  	v39 =	vadd.s32 $0x4300, v12;
	v32 =	vld.idx.msk [tilespmem:v32+s20+$0x0], $0xffff;
	v22 =	vmul.f32 v22, v5;
	v24 =	vmul.f32 v24, v4  }
0x180: {  	v40 =	vadd.s32 $0x4380, v13;
	v33 =	vld.idx.msk [tilespmem:v33+s20+$0x0], $0xffff;
	v16 =	vmul.f32 v16, v5;
	v20 =	vmul.f32 v20, v4  }
0x181: {  	v34 =	vld.idx.msk [tilespmem:v34+s20+$0x0], $0xffff;
	v21 =	vmul.f32 v21, v5;
	v23 =	vmul.f32 v23, v4;
	v22 =	vadd.f32 v24, v22  }
0x182: {  	s21 =	sor.u32 s14, s19;
	v53 =	vld.idx.msk [tilespmem:v37+s20+$0x0], $0xffff;
	v41 =	vmul.f32 v25, v5;
	v42 =	vmul.f32 v26, v4;
	v16 =	vadd.f32 v20, v16  }
0x183: {  	[smem:$0x7D8] =	sst s19;
	v44 =	vmul.f32 v27, v5;
	v45 =	vmul.f32 v28, v4;
	v21 =	vadd.f32 v23, v21;
	[tilespmem:s21+$0x0] =	vst v22  }
0x184: {  	[smem:$0x7E2] =	sst s16;
	v46 =	vmul.f32 v29, v5;
	v47 =	vmul.f32 v30, v4;
	v49 =	vadd.f32 v42, v41;
	[tilespmem:s21+$0x80] =	vst v16  }
0x185: {  	[smem:$0x7D7] =	sst s31;
	s31 =	sadd.s32 $0x10, s26;
	v51 =	vmul.f32 v31, v5;
	v52 =	vmul.f32 v32, v4;
	v20 =	vadd.f32 v45, v44;
	[tilespmem:s21+$0x100] =	vst v21  }
0x186: {  	[smem:$0x7D9] =	sst s30;
	s0 =	sor.u32 $0x200, s31;
	v54 =	vmul.f32 v33, v5;
	v55 =	vmul.f32 v34, v4;
	v50 =	vadd.f32 v47, v46;
	[tilespmem:s21+$0x180] =	vst v49  }
0x187: {  	[smem:$0x7DF] =	sst s25;
	s8 =	sor.u32 $0x280, s31;
	v58 =	vadd.s32 $0x1000, v8;
	v28 =	vld.idx.msk [tilespmem:v36+s20+$0x0], $0xffff;
	v22 =	vadd.f32 v52, v51;
	[tilespmem:s0+$0xCC00] =	vst v20  }
0x188: {  	[smem:$0x7E1] =	sst s7;
	s19 =	sor.u32 $0x300, s31;
	v60 =	vadd.s32 $0x1080, v9;
	v57 =	vld.idx.msk [tilespmem:v38+s20+$0x0], $0xffff;
	v24 =	vadd.f32 v55, v54;
	[tilespmem:s8+$0xCC00] =	vst v50  }
0x189: {  	[smem:$0x7DE] =	sst s6;
	v62 =	vadd.s32 $0x1080, v8;
	v59 =	vld.idx.msk [tilespmem:v39+s20+$0x0], $0xffff;
	s21 =	sor.u32 $0x380, s31;
	[tilespmem:s19+$0xCC00] =	vst v22  }
0x18a: {  	[smem:$0x7E0] =	sst s12;
	v0 =	vadd.s32 $0x1100, v9;
	v61 =	vld.idx.msk [tilespmem:v40+s20+$0x0], $0xffff;
	[tilespmem:s21+$0xCC00] =	vst v24  }
0x18b: {  	[smem:$0x7E3] =	sst s2;
	v17 =	vmul.f32 v1, v2;
	v1 =	vadd.s32 $0x1100, v8;
	v27 =	vld.idx.msk [tilespmem:v56+s20+$0x0], $0xffff  }
0x18c: {  	v36 =	vadd.s32 $0x1180, v9;
	v23 =	vld.idx.msk [tilespmem:v58+s20+$0x0], $0xffff  }
0x18d: {  	v38 =	vadd.s32 $0x1180, v8;
	v37 =	vld.idx.msk [tilespmem:v60+s20+$0x0], $0xffff  }
0x18e: {  	v48 =	vadd.s32 $0x1300, v9;
	v40 =	vadd.s32 $0x1200, v9;
	v39 =	vld.idx.msk [tilespmem:v62+s20+$0x0], $0xffff  }
0x18f: {  	v10 =	vmul.f32 v10, v2;
	v7 =	vmul.f32 v7, v3;
	v41 =	vadd.s32 $0x1200, v8;
	v29 =	vld.idx.msk [tilespmem:v0+s20+$0x0], $0xffff  }
0x190: {  	v6 =	vmul.f32 v6, v3;
	v14 =	vmul.f32 v14, v2;
	v42 =	vadd.s32 $0x1280, v9;
	v31 =	vld.idx.msk [tilespmem:v1+s20+$0x0], $0xffff  }
0x191: {  	v15 =	vmul.f32 v15, v3;
	v11 =	vmul.f32 v11, v2;
	v45 =	vadd.s32 $0x1280, v8;
	v44 =	vld.idx.msk [tilespmem:v36+s20+$0x0], $0xffff  }
0x192: {  	v18 =	vmul.f32 v18, v3;
	v19 =	vmul.f32 v19, v2;
	v6 =	vadd.f32 v6, v17;
	v17 =	vld.idx.msk [tilespmem:v38+s20+$0x0], $0xffff  }
0x193: {  	v7 =	vadd.f32 v7, v10;
	v26 =	vmul.f32 v43, v3;
	v51 =	vadd.s32 $0x1300, v8;
	v50 =	vld.idx.msk [tilespmem:v40+s20+$0x0], $0xffff  }
0x194: {  	v43 =	vadd.f32 v15, v14;
	v46 =	vadd.f32 v18, v11;
	v55 =	vadd.s32 $0x1380, v9;
	s19 =	sadd.s32 $0x10C00, s13;
	v54 =	vld.idx.msk [tilespmem:v41+s20+$0x0], $0xffff  }
0x195: {  	v47 =	vadd.f32 v26, v19;
	s0 =	sadd.s32 $0x10C80, s13;
	v52 =	vmul.f32 v57, v2;
	v57 =	vadd.s32 $0x1380, v8;
	s31 =	sor.u32 s4, s19;
	v56 =	vld.idx.msk [tilespmem:v42+s20+$0x0], $0xffff  }
0x196: {  	s17 =	sadd.s32 $0x10D00, s13;
	v16 =	vmul.f32 v53, v3;
	v49 =	vmul.f32 v28, v2;
	s8 =	sor.u32 s4, s0;
	[tilespmem:s31+$0x0] =	vst v7;
	v15 =	vld.idx.msk [tilespmem:v45+s20+$0x0], $0xffff  }
0x197: {  	v53 =	vmul.f32 v59, v3;
	v59 =	vmul.f32 v63, v3;
	s21 =	sor.u32 s4, s17;
	[smem:$0x7EB] =	sst s0;
	s31 =	sadd.s32 $0x10D80, s13;
	v60 =	vld.idx.msk [tilespmem:v48+s20+$0x0], $0xffff;
	[tilespmem:s8+$0x0] =	vst v6  }
0x198: {  	v35 =	vadd.s32 $0x2000, v9;
	v7 =	vadd.f32 v16, v49;
	v58 =	vmul.f32 v61, v2;
	v62 =	vld.idx.msk [tilespmem:v51+s20+$0x0], $0xffff;
	[smem:$0x7DB] =	sst s31;
	s0 =	sor.u32 s4, s31;
	s31 =	sadd.s32 $0x10E00, s13;
	[tilespmem:s21+$0x0] =	vst v43  }
0x199: {  	[smem:$0x7DA] =	sst s17;
	s17 =	sadd.s32 $0x10E80, s13;
	v0 =	vld.idx.msk [tilespmem:v55+s20+$0x0], $0xffff;
	v55 =	vadd.s32 $0x5080, v13;
	v6 =	vadd.f32 v53, v52;
	v53 =	vadd.s32 $0x5000, v12;
	s8 =	sor.u32 s4, s31;
	[tilespmem:s0+$0x0] =	vst v46  }
0x19a: {  	v16 =	vld.idx.msk [tilespmem:v57+s20+$0x0], $0xffff;
	v57 =	vadd.s32 $0x5080, v12;
	s21 =	sor.u32 s4, s17;
	s0 =	sadd.s32 $0x10F00, s13;
	[tilespmem:s8+$0x0] =	vst v47;
	v61 =	vmul.f32 v27, v5;
	v23 =	vmul.f32 v23, v4  }
0x19b: {  	[smem:$0x7DC] =	sst s17;
	v20 =	vadd.f32 v59, v58;
	s17 =	sadd.s32 $0x10F80, s13;
	s8 =	sor.u32 s4, s0;
	[tilespmem:s21+$0x0] =	vst v7;
	v10 =	vmul.f32 v37, v5;
	v63 =	vmul.f32 v39, v4  }
0x19c: {  	[smem:$0x7E5] =	sst s24;
	v1 =	vmul.f32 v29, v5;
	v28 =	vmul.f32 v31, v4;
	s21 =	sor.u32 s4, s17;
	[tilespmem:s8+$0x0] =	vst v6;
	v18 =	vadd.f32 v23, v61  }
0x19d: {  	[smem:$0x7ED] =	sst s0;
	s0 =	sor.u32 s14, s29;
	v14 =	vmul.f32 v44, v5;
	v17 =	vmul.f32 v17, v4;
	[tilespmem:s21+$0x0] =	vst v20;
	v10 =	vadd.f32 v63, v10  }
0x19e: {  	s15 =	sor.u32 $0x20, s4;
	[smem:$0x7E6] =	sst s28;
	v19 =	vmul.f32 v50, v5;
	v29 =	vmul.f32 v54, v4;
	s8 =	sor.u32 s14, s24;
	v30 =	vadd.f32 v28, v1;
	[tilespmem:s0+$0x0] =	vst v18  }
0x19f: {  	v11 =	vmul.f32 v56, v5;
	v15 =	vmul.f32 v15, v4;
	v32 =	vadd.f32 v17, v14;
	s0 =	smov.u32 s24;
	s24 =	smov.u32 s28;
	s28 =	sor.u32 s14, s28;
	[tilespmem:s8+$0x0] =	vst v10  }
0x1a0: {  	[smem:$0x7DD] =	sst s17;
	v7 =	vmul.f32 v60, v5;
	s17 =	sor.u32 s14, s3;
	v6 =	vmul.f32 v62, v4;
	v33 =	vadd.f32 v29, v19;
	s21 =	sor.u32 s22, s15;
	[tilespmem:s28+$0x0] =	vst v30  }
0x1a1: {  	s30 =	sor.u32 s14, s30;
	v34 =	vmul.f32 v0, v5;
	v16 =	vmul.f32 v16, v4;
	v15 =	vadd.f32 v15, v11;
	v11 =	vld [tilespmem:s21+$0x600];
	[tilespmem:s17+$0x0] =	vst v32  }
0x1a2: {  	v36 =	vadd.s32 $0x2000, v8;
	v7 =	vadd.f32 v6, v7;
	v6 =	vld [tilespmem:s21+$0x800];
	s8 =	sor.u32 s14, s5;
	[tilespmem:s30+$0x0] =	vst v33  }
0x1a3: {  	v38 =	vadd.s32 $0x2080, v9;
	[smem:$0x7E8] =	sst s9;
	v37 =	vadd.f32 v16, v34;
	v25 =	vld.idx.msk [tilespmem:v53+s20+$0x0], $0xffff;
	s17 =	smov.u32 s9;
	s9 =	sor.u32 s14, s9;
	[tilespmem:s8+$0x0] =	vst v15  }
0x1a4: {  	v39 =	vadd.s32 $0x2080, v8;
	v26 =	vld.idx.msk [tilespmem:v55+s20+$0x0], $0xffff;
	s30 =	sor.u32 s14, s18;
	[tilespmem:s9+$0x0] =	vst v7  }
0x1a5: {  	v40 =	vadd.s32 $0x2100, v9;
	v27 =	vld.idx.msk [tilespmem:v57+s20+$0x0], $0xffff;
	[tilespmem:s30+$0x0] =	vst v37  }
0x1a6: {  	v41 =	vadd.s32 $0x2100, v8;
	v18 =	vld.idx.msk [tilespmem:v35+s20+$0x0], $0xffff  }
0x1a7: {  	v42 =	vadd.s32 $0x2180, v9;
	v14 =	vld.idx.msk [tilespmem:v36+s20+$0x0], $0xffff  }
0x1a8: {  	v43 =	vadd.s32 $0x2180, v8;
	v16 =	vld.idx.msk [tilespmem:v38+s20+$0x0], $0xffff  }
0x1a9: {  	v44 =	vadd.s32 $0x2200, v9;
	v17 =	vld.idx.msk [tilespmem:v39+s20+$0x0], $0xffff  }
0x1aa: {  	v45 =	vadd.s32 $0x2200, v8;
	v15 =	vld.idx.msk [tilespmem:v40+s20+$0x0], $0xffff  }
0x1ab: {  	v46 =	vadd.s32 $0x2280, v9;
	v19 =	vld.idx.msk [tilespmem:v41+s20+$0x0], $0xffff  }
0x1ac: {  	v47 =	vadd.s32 $0x2280, v8;
	v20 =	vld.idx.msk [tilespmem:v42+s20+$0x0], $0xffff  }
0x1ad: {  	v48 =	vadd.s32 $0x2300, v9;
	v21 =	vld.idx.msk [tilespmem:v43+s20+$0x0], $0xffff  }
0x1ae: {  	v49 =	vadd.s32 $0x2300, v8;
	v23 =	vld.idx.msk [tilespmem:v44+s20+$0x0], $0xffff  }
0x1af: {  	v50 =	vadd.s32 $0x2380, v9;
	v24 =	vld.idx.msk [tilespmem:v45+s20+$0x0], $0xffff  }
0x1b0: {  	v52 =	vadd.s32 $0x2380, v8;
	v51 =	vld.idx.msk [tilespmem:v46+s20+$0x0], $0xffff  }
0x1b1: {  	v54 =	vld.idx.msk [tilespmem:v47+s20+$0x0], $0xffff;
	v18 =	vmul.f32 v18, v5;
	v14 =	vmul.f32 v14, v4  }
0x1b2: {  	v31 =	vadd.s32 $0x5000, v13;
	v56 =	vld.idx.msk [tilespmem:v48+s20+$0x0], $0xffff;
	v16 =	vmul.f32 v16, v5;
	v17 =	vmul.f32 v17, v4  }
0x1b3: {  	v58 =	vadd.s32 $0x5100, v13;
	v59 =	vadd.s32 $0x5100, v12;
	v28 =	vld.idx.msk [tilespmem:v49+s20+$0x0], $0xffff;
	v14 =	vadd.f32 v14, v18  }
0x1b4: {  	s8 =	sor.u32 s14, s1;
	v29 =	vld.idx.msk [tilespmem:v50+s20+$0x0], $0xffff;
	v15 =	vmul.f32 v15, v5;
	v19 =	vmul.f32 v19, v4;
	v16 =	vadd.f32 v17, v16  }
0x1b5: {  	v60 =	vadd.s32 $0x5180, v13;
	s9 =	sor.u32 s14, s10;
	v63 =	vld.idx.msk [tilespmem:v52+s20+$0x0], $0xffff;
	v1 =	vmul.f32 v20, v5;
	v39 =	vmul.f32 v21, v4;
	[tilespmem:s8+$0x0] =	vst v14;
	s8 =	sld [smem:$0x7D1]  }
0x1b6: {  	v10 =	vld [tilespmem:s21+$0x400];
	v40 =	vmul.f32 v23, v5;
	v41 =	vmul.f32 v24, v4;
	v15 =	vadd.f32 v19, v15;
	[tilespmem:s9+$0x0] =	vst v16;
	s9 =	sld [smem:$0x7D2]  }
0x1b7: {  	v61 =	vadd.s32 $0x5180, v12;
	v22 =	vld.idx.msk [tilespmem:v31+s20+$0x0], $0xffff;
	s30 =	smov.u32 s1;
	s1 =	smov.u32 s10;
	s10 =	sor.u32 s14, s6;
	v17 =	vadd.f32 v39, v1  }
0x1b8: {  	v0 =	vadd.s32 $0x5200, v12;
	v7 =	vld [tilespmem:s21+$0xA00];
	v19 =	vadd.f32 v41, v40;
	[tilespmem:s10+$0x0] =	vst v15;
	s28 =	sor.u32 s14, s8  }
0x1b9: {  	v62 =	vadd.s32 $0x5200, v13;
	v44 =	vadd.s32 $0x5280, v12;
	v23 =	vld.idx.msk [tilespmem:v58+s20+$0x0], $0xffff;
	[tilespmem:s28+$0x0] =	vst v17;
	s6 =	sor.u32 s14, s9  }
0x1ba: {  	v42 =	vadd.s32 $0x5280, v13;
	v30 =	vmul.f32 v51, v5;
	v43 =	vmul.f32 v54, v4;
	v24 =	vld.idx.msk [tilespmem:v59+s20+$0x0], $0xffff;
	[tilespmem:s6+$0x0] =	vst v19;
	s6 =	sld [smem:$0x7D3]  }
0x1bb: {  	v48 =	vadd.s32 $0x3000, v9;
	v20 =	vld.idx.msk [tilespmem:v60+s20+$0x0], $0xffff;
	v45 =	vmul.f32 v56, v5;
	v28 =	vmul.f32 v28, v4  }
0x1bc: {  	v21 =	vld.idx.msk [tilespmem:v61+s20+$0x0], $0xffff;
	v46 =	vmul.f32 v29, v5;
	v47 =	vmul.f32 v63, v4;
	v30 =	vadd.f32 v43, v30  }
0x1bd: {  	v49 =	vadd.s32 $0x3000, v8;
	v28 =	vadd.f32 v28, v45;
	v18 =	vld.idx.msk [tilespmem:v0+s20+$0x0], $0xffff;
	s10 =	sor.u32 s14, s6  }
0x1be: {  	v51 =	vadd.s32 $0x3080, v9;
	v50 =	vadd.f32 v47, v46;
	v0 =	vld.idx.msk [tilespmem:v44+s20+$0x0], $0xffff;
	s28 =	sor.u32 s14, s11;
	[tilespmem:s10+$0x0] =	vst v30  }
0x1bf: {  	v52 =	vadd.s32 $0x3080, v8;
	v17 =	vld.idx.msk [tilespmem:v42+s20+$0x0], $0xffff;
	s10 =	smov.u32 s11;
	s11 =	sor.u32 s14, s25;
	[tilespmem:s28+$0x0] =	vst v28  }
0x1c0: {  	v53 =	vadd.s32 $0x3100, v9;
	v19 =	vld.idx.msk [tilespmem:v62+s20+$0x0], $0xffff;
	[tilespmem:s11+$0x0] =	vst v50  }
0x1c1: {  	v54 =	vadd.s32 $0x3100, v8;
	v30 =	vld.idx.msk [tilespmem:v48+s20+$0x0], $0xffff  }
0x1c2: {  	v55 =	vadd.s32 $0x3180, v9;
	v31 =	vld.idx.msk [tilespmem:v49+s20+$0x0], $0xffff  }
0x1c3: {  	v56 =	vadd.s32 $0x3180, v8;
	v29 =	vld.idx.msk [tilespmem:v51+s20+$0x0], $0xffff  }
0x1c4: {  	v57 =	vadd.s32 $0x3200, v9;
	v28 =	vld.idx.msk [tilespmem:v52+s20+$0x0], $0xffff  }
0x1c5: {  	v59 =	vadd.s32 $0x3200, v8;
	v58 =	vld.idx.msk [tilespmem:v53+s20+$0x0], $0xffff  }
0x1c6: {  	v61 =	vadd.s32 $0x3280, v9;
	v60 =	vld.idx.msk [tilespmem:v54+s20+$0x0], $0xffff  }
0x1c7: {  	v62 =	vadd.s32 $0x3280, v8;
	v32 =	vld.idx.msk [tilespmem:v55+s20+$0x0], $0xffff  }
0x1c8: {  	v63 =	vadd.s32 $0x3300, v9;
	v41 =	vadd.s32 $0x3380, v9;
	v33 =	vld.idx.msk [tilespmem:v56+s20+$0x0], $0xffff  }
0x1c9: {  	[tilespmem:$0x1FFF0] =	vst v0;
	v0 =	vadd.s32 $0x3300, v8;
	v42 =	vadd.s32 $0x3380, v8;
	v50 =	vshll.u32 v11, $0x3;
	v34 =	vld.idx.msk [tilespmem:v57+s20+$0x0], $0xffff  }
0x1ca: {  	v1 =	vld.idx.msk [tilespmem:v59+s20+$0x0], $0xffff;
	v49 =	vshll.u32 v10, $0x3;
	v51 =	vand.u32 $0x7F, v11;
	v52 =	vand.u32 $0xFFFFFC00, v50  }
0x1cb: {  	v43 =	vld.idx.msk [tilespmem:v61+s20+$0x0], $0xffff;
	v10 =	vand.u32 $0x7F, v10;
	v14 =	vand.u32 $0xFFFFFC00, v49;
	v15 =	vor.u32 v51, v52  }
0x1cc: {  	v37 =	vld.idx.msk [tilespmem:v62+s20+$0x0], $0xffff;
	v14 =	vor.u32 v10, v14;
	v56 =	vor.u32 $0x80, v15  }
0x1cd: {  	s11 =	sld [smem:$0x7D4];
	v38 =	vld.idx.msk [tilespmem:v63+s20+$0x0], $0xffff;
	v46 =	vor.u32 $0x100, v15;
	v30 =	vmul.f32 v30, v5;
	v31 =	vmul.f32 v31, v4  }
0x1ce: {  	v53 =	vld.idx.msk [tilespmem:v0+s20+$0x0], $0xffff;
	v57 =	vor.u32 $0x200, v15;
	v29 =	vmul.f32 v29, v5;
	v28 =	vmul.f32 v28, v4  }
0x1cf: {  	v55 =	vld.idx.msk [tilespmem:v41+s20+$0x0], $0xffff;
	v35 =	vmul.f32 v58, v5;
	v36 =	vmul.f32 v60, v4;
	v30 =	vadd.f32 v31, v30  }
0x1d0: {  	v42 =	vld.idx.msk [tilespmem:v42+s20+$0x0], $0xffff;
	s25 =	sor.u32 s14, s11;
	v32 =	vmul.f32 v32, v5;
	v33 =	vmul.f32 v33, v4;
	v28 =	vadd.f32 v28, v29  }
0x1d1: {  	s28 =	sor.u32 s14, s12;
	v59 =	vor.u32 $0x280, v15;
	v47 =	vld.idx.msk [tilespmem:v15+s20+$0x0], $0xffff;
	v35 =	vadd.f32 v36, v35;
	[tilespmem:s25+$0x0] =	vst v30  }
0x1d2: {  	s7 =	sor.u32 s14, s7;
	v62 =	vor.u32 $0x300, v15;
	v45 =	vld.idx.msk [tilespmem:v14+s20+$0x0], $0xffff;
	v32 =	vadd.f32 v33, v32;
	[tilespmem:s28+$0x0] =	vst v28  }
0x1d3: {  	s12 =	sor.u32 s14, s16;
	v54 =	vor.u32 $0x80, v14;
	v41 =	vld.idx.msk [tilespmem:v56+s20+$0x0], $0xffff;
	[tilespmem:s7+$0x0] =	vst v35  }
0x1d4: {  	v44 =	vor.u32 $0x100, v14;
	v34 =	vmul.f32 v34, v5;
	v40 =	vmul.f32 v1, v4;
	v33 =	vld.idx.msk [tilespmem:v46+s20+$0x0], $0xffff;
	[tilespmem:s12+$0x0] =	vst v32;
	s12 =	sld [smem:$0x7D5]  }
0x1d5: {  	v48 =	vor.u32 $0x180, v14;
	v43 =	vmul.f32 v43, v5;
	v37 =	vmul.f32 v37, v4;
	v31 =	vld.idx.msk [tilespmem:v57+s20+$0x0], $0xffff  }
0x1d6: {  	v49 =	vor.u32 $0x180, v15;
	v10 =	vmul.f32 v53, v4;
	v34 =	vadd.f32 v40, v34;
	v53 =	vld.idx.msk [tilespmem:v59+s20+$0x0], $0xffff  }
0x1d7: {  	v50 =	vor.u32 $0x200, v14;
	v16 =	vadd.f32 v37, v43;
	v59 =	vld.idx.msk [tilespmem:v62+s20+$0x0], $0xffff;
	s16 =	sor.u32 s14, s12  }
0x1d8: {  	v58 =	vor.u32 $0x280, v14;
	v11 =	vld.idx.msk [tilespmem:v54+s20+$0x0], $0xffff;
	s25 =	sor.u32 s14, s2;
	[tilespmem:s16+$0x0] =	vst v34  }
0x1d9: {  	v60 =	vor.u32 $0x300, v14;
	v61 =	vmul.f32 v38, v5;
	v29 =	vld.idx.msk [tilespmem:v44+s20+$0x0], $0xffff;
	[tilespmem:s25+$0x0] =	vst v16;
	s25 =	sld [smem:$0x7D6]  }
0x1da: {  	v63 =	vmul.f32 v55, v5;
	v0 =	vmul.f32 v42, v4;
	v1 =	vor.u32 $0x380, v14;
	v44 =	vld.idx.msk [tilespmem:v48+s20+$0x0], $0xffff;
	s16 =	sld [smem:$0x7D7]  }
0x1db: {  	v51 =	vor.u32 $0x380, v15;
	v10 =	vadd.f32 v10, v61;
	v48 =	vld.idx.msk [tilespmem:v49+s20+$0x0], $0xffff  }
0x1dc: {  	v52 =	vadd.s32 $0x4000, v9;
	v38 =	vld.idx.msk [tilespmem:v50+s20+$0x0], $0xffff;
	v28 =	vadd.f32 v0, v63;
	s28 =	sor.u32 s14, s25  }
0x1dd: {  	v54 =	vadd.s32 $0x4000, v8;
	v36 =	vld.idx.msk [tilespmem:v58+s20+$0x0], $0xffff;
	v57 =	vmul.f32 v47, v7;
	v56 =	vmul.f32 v45, v6;
	s2 =	sor.u32 s14, s16;
	[tilespmem:s28+$0x0] =	vst v10  }
0x1de: {  	v55 =	vld.idx.msk [tilespmem:v60+s20+$0x0], $0xffff;
	v58 =	vadd.s32 $0x4080, v9;
	v41 =	vmul.f32 v41, v7;
	v62 =	vmul.f32 v33, v7;
	[tilespmem:s2+$0x0] =	vst v28;
	s2 =	sld [smem:$0x7D8]  }
0x1df: {  	v60 =	vadd.s32 $0x4080, v8;
	v42 =	vld.idx.msk [tilespmem:v1+s20+$0x0], $0xffff;
	v31 =	vmul.f32 v31, v7;
	v11 =	vmul.f32 v11, v6;
	s28 =	sor.u32 $0x30, s4  }
0x1e0: {  	v63 =	vld.idx.msk [tilespmem:v51+s20+$0x0], $0xffff;
	v32 =	vmul.f32 v53, v7;
	v61 =	vmul.f32 v29, v6;
	v0 =	vadd.f32 v57, v56;
	s21 =	sor.u32 s22, s28  }
0x1e1: {  	v44 =	vmul.f32 v44, v6;
	v1 =	vmul.f32 v48, v7;
	v11 =	vadd.f32 v41, v11;
	v39 =	vld [tilespmem:s21+$0x400];
	s7 =	sor.u32 s15, s2  }
0x1e2: {  	v49 =	vmul.f32 v59, v7;
	v29 =	vadd.f32 v62, v61;
	v16 =	vmul.f32 v38, v6;
	v40 =	vld [tilespmem:s21+$0x600];
	[tilespmem:s7+$0x0] =	vst v0  }
0x1e3: {  	v36 =	vmul.f32 v36, v6;
	v41 =	vadd.s32 $0x4100, v9;
	v44 =	vadd.f32 v1, v44;
	v10 =	vld [tilespmem:s21+$0x800];
	[tilespmem:s7+$0x80] =	vst v11  }
0x1e4: {  	v48 =	vmul.f32 v55, v6;
	v50 =	vmul.f32 v42, v6;
	v28 =	vadd.f32 v31, v16;
	v11 =	vld [tilespmem:s21+$0xA00];
	[tilespmem:s7+$0x100] =	vst v29;
	s21 =	sadd.s32 $0x20, s26  }
0x1e5: {  	v51 =	vadd.s32 $0x1000, v14;
	v33 =	vmul.f32 v63, v7;
	v47 =	vadd.f32 v32, v36;
	v30 =	vld.idx.msk [tilespmem:v52+s20+$0x0], $0xffff;
	[tilespmem:s7+$0x180] =	vst v44;
	s7 =	sor.u32 $0x200, s21  }
0x1e6: {  	v31 =	vadd.f32 v49, v48;
	v52 =	vadd.s32 $0x1000, v15;
	v29 =	vld.idx.msk [tilespmem:v58+s20+$0x0], $0xffff;
	[tilespmem:s7+$0xCC00] =	vst v28;
	s7 =	sor.u32 $0x280, s21  }
0x1e7: {  	v53 =	vadd.s32 $0x1080, v14;
	v33 =	vadd.f32 v33, v50;
	v28 =	vld.idx.msk [tilespmem:v54+s20+$0x0], $0xffff;
	[tilespmem:s7+$0xCC00] =	vst v47;
	s7 =	sor.u32 $0x300, s21  }
0x1e8: {  	v55 =	vadd.s32 $0x1100, v14;
	s21 =	sor.u32 $0x380, s21;
	[tilespmem:s7+$0xCC00] =	vst v31;
	v31 =	vld.idx.msk [tilespmem:v60+s20+$0x0], $0xffff  }
0x1e9: {  	v56 =	vadd.s32 $0x1100, v15;
	[tilespmem:s21+$0xCC00] =	vst v33;
	v33 =	vld.idx.msk [tilespmem:v41+s20+$0x0], $0xffff  }
0x1ea: {  	v57 =	vadd.s32 $0x1180, v14;
	v37 =	vld.idx.msk [tilespmem:v51+s20+$0x0], $0xffff  }
0x1eb: {  	v58 =	vadd.s32 $0x1180, v15;
	v32 =	vld.idx.msk [tilespmem:v52+s20+$0x0], $0xffff  }
0x1ec: {  	v59 =	vadd.s32 $0x1200, v14;
	v34 =	vld.idx.msk [tilespmem:v53+s20+$0x0], $0xffff  }
0x1ed: {  	v61 =	vadd.s32 $0x1280, v14;
	v36 =	vld.idx.msk [tilespmem:v55+s20+$0x0], $0xffff  }
0x1ee: {  	v62 =	vadd.s32 $0x1280, v15;
	v38 =	vld.idx.msk [tilespmem:v56+s20+$0x0], $0xffff  }
0x1ef: {  	v63 =	vadd.s32 $0x1300, v14;
	v41 =	vld.idx.msk [tilespmem:v57+s20+$0x0], $0xffff  }
0x1f0: {  	v54 =	vadd.s32 $0x1080, v15;
	v42 =	vld.idx.msk [tilespmem:v58+s20+$0x0], $0xffff  }
0x1f1: {  	v0 =	vadd.s32 $0x1300, v15;
	v43 =	vld.idx.msk [tilespmem:v59+s20+$0x0], $0xffff  }
0x1f2: {  	v60 =	vadd.s32 $0x1200, v15;
	v45 =	vld.idx.msk [tilespmem:v61+s20+$0x0], $0xffff  }
0x1f3: {  	v1 =	vadd.s32 $0x1380, v14;
	v46 =	vld.idx.msk [tilespmem:v62+s20+$0x0], $0xffff  }
0x1f4: {  	v16 =	vadd.s32 $0x1380, v15;
	v47 =	vld.idx.msk [tilespmem:v63+s20+$0x0], $0xffff  }
0x1f5: {  	v52 =	vadd.s32 $0x4180, v9;
	v35 =	vld.idx.msk [tilespmem:v54+s20+$0x0], $0xffff  }
0x1f6: {  	v51 =	vadd.s32 $0x4100, v8;
	v53 =	vadd.s32 $0x4180, v8;
	v55 =	vadd.s32 $0x4200, v8;
	v48 =	vld.idx.msk [tilespmem:v0+s20+$0x0], $0xffff  }
0x1f7: {  	v56 =	vadd.s32 $0x4280, v9;
	v44 =	vld.idx.msk [tilespmem:v60+s20+$0x0], $0xffff;
	v37 =	vmul.f32 v37, v6;
	v32 =	vmul.f32 v32, v7  }
0x1f8: {  	v57 =	vadd.s32 $0x4280, v8;
	v49 =	vld.idx.msk [tilespmem:v1+s20+$0x0], $0xffff;
	v34 =	vmul.f32 v34, v6;
	v36 =	vmul.f32 v36, v6  }
0x1f9: {  	v50 =	vld.idx.msk [tilespmem:v16+s20+$0x0], $0xffff;
	v54 =	vadd.s32 $0x4200, v9;
	v38 =	vmul.f32 v38, v7;
	v60 =	vmul.f32 v41, v6  }
0x1fa: {  	v59 =	vadd.s32 $0x4300, v9;
	v52 =	vld.idx.msk [tilespmem:v52+s20+$0x0], $0xffff;
	v61 =	vmul.f32 v42, v7;
	v35 =	vmul.f32 v35, v7  }
0x1fb: {  	v42 =	vld.idx.msk [tilespmem:v53+s20+$0x0], $0xffff;
	v62 =	vmul.f32 v43, v6;
	v45 =	vmul.f32 v45, v6;
	v32 =	vadd.f32 v32, v37  }
0x1fc: {  	s7 =	sor.u32 s15, s29;
	v46 =	vmul.f32 v46, v7;
	v41 =	vld.idx.msk [tilespmem:v56+s20+$0x0], $0xffff;
	v34 =	vadd.f32 v35, v34;
	v63 =	vmul.f32 v44, v7  }
0x1fd: {  	s22 =	sor.u32 s15, s0;
	v1 =	vadd.s32 $0x4380, v8;
	v56 =	vmul.f32 v49, v6;
	v36 =	vadd.f32 v38, v36;
	[tilespmem:s7+$0x0] =	vst v32;
	v32 =	vld.idx.msk [tilespmem:v51+s20+$0x0], $0xffff;
	s7 =	sld [smem:$0x7D9]  }
0x1fe: {  	[smem:$0x7E4] =	sst s29;
	s29 =	sor.u32 s15, s24;
	v0 =	vadd.s32 $0x4380, v9;
	v35 =	vadd.f32 v61, v60;
	[tilespmem:s22+$0x0] =	vst v34;
	v34 =	vld.idx.msk [tilespmem:v54+s20+$0x0], $0xffff;
	v38 =	vadd.f32 v63, v62  }
0x1ff: {  	s0 =	sor.u32 s15, s3;
	v51 =	vadd.s32 $0x4300, v8;
	v54 =	vmul.f32 v47, v6;
	[tilespmem:s29+$0x0] =	vst v36;
	v36 =	vld.idx.msk [tilespmem:v55+s20+$0x0], $0xffff;
	v55 =	vmul.f32 v48, v7  }
0x200: {  	s24 =	smov.u32 s3;
	v58 =	vadd.s32 $0x2000, v14;
	v16 =	vadd.f32 v46, v45;
	[tilespmem:s0+$0x0] =	vst v35;
	v35 =	vld.idx.msk [tilespmem:v57+s20+$0x0], $0xffff;
	v57 =	vmul.f32 v50, v7;
	s3 =	sor.u32 s15, s7  }
0x201: {  	v37 =	vld.idx.msk [tilespmem:v59+s20+$0x0], $0xffff;
	v60 =	vadd.s32 $0x2000, v15;
	s22 =	sor.u32 s15, s5;
	[tilespmem:s3+$0x0] =	vst v38;
	v59 =	vadd.f32 v55, v54  }
0x202: {  	v46 =	vld.idx.msk [tilespmem:v1+s20+$0x0], $0xffff;
	v62 =	vadd.s32 $0x2080, v14;
	s29 =	sor.u32 s15, s17;
	[tilespmem:s22+$0x0] =	vst v16;
	v61 =	vadd.f32 v57, v56  }
0x203: {  	v63 =	vadd.s32 $0x2080, v15;
	s0 =	sor.u32 s15, s18;
	v38 =	vld.idx.msk [tilespmem:v0+s20+$0x0], $0xffff;
	[tilespmem:s29+$0x0] =	vst v59  }
0x204: {  	v1 =	vadd.s32 $0x2100, v15;
	v43 =	vld.idx.msk [tilespmem:v51+s20+$0x0], $0xffff;
	[tilespmem:s0+$0x0] =	vst v61  }
0x205: {  	[smem:$0x7EA] =	sst s19;
	v30 =	vmul.f32 v30, v5;
	v28 =	vmul.f32 v28, v4;
	v0 =	vadd.s32 $0x2100, v14;
	v49 =	vld.idx.msk [tilespmem:v58+s20+$0x0], $0xffff  }
0x206: {  	[smem:$0x7E7] =	sst s5;
	v29 =	vmul.f32 v29, v5;
	v16 =	vadd.s32 $0x2180, v14;
	v45 =	vld.idx.msk [tilespmem:v60+s20+$0x0], $0xffff  }
0x207: {  	v31 =	vmul.f32 v31, v4;
	v28 =	vadd.f32 v28, v30;
	s5 =	sld [smem:$0x7EB];
	v57 =	vadd.s32 $0x2180, v15;
	v47 =	vld.idx.msk [tilespmem:v62+s20+$0x0], $0xffff  }
0x208: {  	v33 =	vmul.f32 v33, v5;
	s3 =	sor.u32 s14, s19;
	s19 =	sld [smem:$0x7DA];
	v32 =	vmul.f32 v32, v4;
	v56 =	vadd.s32 $0x2300, v15;
	v30 =	vld.idx.msk [tilespmem:v63+s20+$0x0], $0xffff  }
0x209: {  	v29 =	vadd.f32 v31, v29;
	v58 =	vadd.s32 $0x2200, v14;
	v50 =	vld.idx.msk [tilespmem:v1+s20+$0x0], $0xffff  }
0x20a: {  	s17 =	sor.u32 s14, s5;
	[tilespmem:s3+$0x0] =	vst v28;
	v59 =	vadd.f32 v32, v33;
	v60 =	vadd.s32 $0x2200, v15;
	v32 =	vld.idx.msk [tilespmem:v0+s20+$0x0], $0xffff  }
0x20b: {  	[smem:$0x7E9] =	sst s18;
	[tilespmem:s17+$0x0] =	vst v29;
	s18 =	sor.u32 s14, s19;
	v62 =	vadd.s32 $0x2280, v14;
	v0 =	vmul.f32 v36, v4;
	v36 =	vld.idx.msk [tilespmem:v16+s20+$0x0], $0xffff  }
0x20c: {  	v42 =	vmul.f32 v42, v4;
	v61 =	vmul.f32 v52, v5;
	v1 =	vadd.s32 $0x2280, v15;
	[tilespmem:s18+$0x0] =	vst v59;
	s18 =	sld [smem:$0x7DB];
	v48 =	vld.idx.msk [tilespmem:v57+s20+$0x0], $0xffff  }
0x20d: {  	v29 =	vadd.s32 $0x5300, v12;
	v63 =	vmul.f32 v34, v5;
	v34 =	vld.idx.msk [tilespmem:v56+s20+$0x0], $0xffff  }
0x20e: {  	v41 =	vmul.f32 v41, v5;
	v42 =	vadd.f32 v42, v61;
	v16 =	vadd.s32 $0x2300, v14;
	v31 =	vld.idx.msk [tilespmem:v58+s20+$0x0], $0xffff  }
0x20f: {  	v12 =	vadd.s32 $0x5380, v12;
	v35 =	vmul.f32 v35, v4;
	v28 =	vadd.f32 v0, v63;
	s22 =	sor.u32 s14, s18;
	v33 =	vld.idx.msk [tilespmem:v60+s20+$0x0], $0xffff  }
0x210: {  	s29 =	sor.u32 s14, s31;
	v61 =	vmul.f32 v46, v4;
	v57 =	vadd.s32 $0x2380, v14;
	v59 =	vmul.f32 v43, v4;
	[tilespmem:s22+$0x0] =	vst v42;
	v43 =	vld.idx.msk [tilespmem:v62+s20+$0x0], $0xffff  }
0x211: {  	v58 =	vmul.f32 v37, v5;
	v60 =	vadd.s32 $0x2380, v15;
	v46 =	vld.idx.msk [tilespmem:v1+s20+$0x0], $0xffff;
	v49 =	vmul.f32 v49, v6;
	[tilespmem:s29+$0x0] =	vst v28;
	s29 =	sld [smem:$0x7DC]  }
0x212: {  	v54 =	vadd.s32 $0x5300, v13;
	v45 =	vmul.f32 v45, v7;
	v56 =	vmul.f32 v32, v6;
	v32 =	vld.idx.msk [tilespmem:v29+s20+$0x0], $0xffff  }
0x213: {  	v35 =	vadd.f32 v35, v41;
	v1 =	vmul.f32 v47, v6;
	v37 =	vld.idx.msk [tilespmem:v16+s20+$0x0], $0xffff;
	v16 =	vmul.f32 v30, v7  }
0x214: {  	[smem:$0x7EC] =	sst s31;
	v13 =	vadd.s32 $0x5380, v13;
	v29 =	vld.idx.msk [tilespmem:v12+s20+$0x0], $0xffff;
	v0 =	vadd.f32 v45, v49;
	s31 =	sor.u32 s14, s29  }
0x215: {  	v51 =	vadd.s32 $0x5080, v9;
	s0 =	sld [smem:$0x7ED];
	v38 =	vmul.f32 v38, v5;
	s22 =	sor.u32 s15, s30;
	v42 =	vld.idx.msk [tilespmem:v57+s20+$0x0], $0xffff;
	v57 =	vadd.f32 v16, v1;
	[tilespmem:s31+$0x0] =	vst v35  }
0x216: {  	s17 =	sld [smem:$0x7DD];
	v41 =	vadd.s32 $0x5000, v8;
	v63 =	vadd.s32 $0x5000, v9;
	v50 =	vmul.f32 v50, v7;
	v44 =	vld.idx.msk [tilespmem:v60+s20+$0x0], $0xffff;
	[tilespmem:s22+$0x0] =	vst v0;
	s31 =	sor.u32 s15, s1  }
0x217: {  	v28 =	vadd.f32 v59, v58;
	v36 =	vmul.f32 v36, v6;
	v58 =	vmul.f32 v48, v7;
	[tilespmem:s31+$0x0] =	vst v57;
	s31 =	sld [smem:$0x7DE]  }
0x218: {  	s3 =	sor.u32 s14, s0;
	v62 =	vadd.f32 v61, v38;
	v61 =	vadd.s32 $0x5100, v8;
	v30 =	vld.idx.msk [tilespmem:v54+s20+$0x0], $0xffff;
	v59 =	vadd.f32 v50, v56  }
0x219: {  	s5 =	sor.u32 s14, s17;
	v36 =	vadd.f32 v58, v36;
	v60 =	vmul.f32 v31, v6;
	v33 =	vmul.f32 v33, v7;
	[tilespmem:s3+$0x0] =	vst v28  }
0x21a: {  	v49 =	vadd.s32 $0x5100, v9;
	v43 =	vmul.f32 v43, v6;
	v46 =	vmul.f32 v46, v7;
	v28 =	vld.idx.msk [tilespmem:v13+s20+$0x0], $0xffff;
	[tilespmem:s5+$0x0] =	vst v62;
	s0 =	sor.u32 s15, s31  }
0x21b: {  	v1 =	vmul.f32 v34, v7;
	v35 =	vadd.s32 $0x5080, v8;
	s3 =	smov.u32 s1;
	s1 =	sor.u32 s15, s8;
	v31 =	vld.idx.msk [tilespmem:v63+s20+$0x0], $0xffff;
	v63 =	vadd.f32 v33, v60;
	[tilespmem:s0+$0x0] =	vst v59  }
0x21c: {  	v62 =	vadd.s32 $0x5180, v9;
	v0 =	vadd.f32 v46, v43;
	v37 =	vmul.f32 v37, v6;
	s5 =	sor.u32 s15, s9;
	v33 =	vld.idx.msk [tilespmem:v41+s20+$0x0], $0xffff;
	[tilespmem:s1+$0x0] =	vst v36  }
0x21d: {  	v16 =	vadd.s32 $0x3000, v14;
	v42 =	vmul.f32 v42, v6;
	v34 =	vld.idx.msk [tilespmem:v51+s20+$0x0], $0xffff;
	v44 =	vmul.f32 v44, v7;
	s0 =	sor.u32 s15, s10;
	[tilespmem:s5+$0x0] =	vst v63;
	s5 =	smov.u32 s10;
	s10 =	sld [smem:$0x7DF]  }
0x21e: {  	v50 =	vadd.s32 $0x3000, v15;
	s22 =	sor.u32 s15, s6;
	v38 =	vld.idx.msk [tilespmem:v61+s20+$0x0], $0xffff;
	v48 =	vadd.f32 v1, v37  }
0x21f: {  	v52 =	vadd.s32 $0x3080, v14;
	v37 =	vld.idx.msk [tilespmem:v49+s20+$0x0], $0xffff;
	v51 =	vadd.f32 v44, v42;
	[tilespmem:s22+$0x0] =	vst v0  }
0x220: {  	v53 =	vadd.s32 $0x3080, v15;
	v36 =	vld.idx.msk [tilespmem:v35+s20+$0x0], $0xffff;
	[tilespmem:s0+$0x0] =	vst v48;
	s1 =	sor.u32 s15, s10  }
0x221: {  	v54 =	vadd.s32 $0x3100, v14;
	v35 =	vld.idx.msk [tilespmem:v62+s20+$0x0], $0xffff;
	[tilespmem:s1+$0x0] =	vst v51  }
0x222: {  	v55 =	vadd.s32 $0x3100, v15;
	v44 =	vld.idx.msk [tilespmem:v16+s20+$0x0], $0xffff  }
0x223: {  	v56 =	vadd.s32 $0x3180, v14;
	v58 =	vshll.u32 v39, $0x3;
	v39 =	vand.u32 $0x7F, v39;
	v43 =	vld.idx.msk [tilespmem:v50+s20+$0x0], $0xffff  }
0x224: {  	v57 =	vadd.s32 $0x3180, v15;
	v13 =	vand.u32 $0xFFFFFC00, v58;
	v59 =	vshll.u32 v40, $0x3;
	v42 =	vld.idx.msk [tilespmem:v52+s20+$0x0], $0xffff  }
0x225: {  	v13 =	vor.u32 v39, v13;
	v60 =	vand.u32 $0x7F, v40;
	v61 =	vand.u32 $0xFFFFFC00, v59;
	v49 =	vld.idx.msk [tilespmem:v53+s20+$0x0], $0xffff  }
0x226: {  	v12 =	vor.u32 v60, v61;
	v40 =	vld.idx.msk [tilespmem:v54+s20+$0x0], $0xffff  }
0x227: {  	v62 =	vor.u32 $0x80, v13;
	v39 =	vld.idx.msk [tilespmem:v55+s20+$0x0], $0xffff  }
0x228: {  	v61 =	vor.u32 $0x180, v13;
	v45 =	vld.idx.msk [tilespmem:v56+s20+$0x0], $0xffff  }
0x229: {  	v63 =	vor.u32 $0x80, v12;
	v47 =	vld.idx.msk [tilespmem:v57+s20+$0x0], $0xffff  }
0x22a: {  	v0 =	vor.u32 $0x100, v13;
	v50 =	vld.idx.msk [tilespmem:v13+s20+$0x0], $0xffff  }
0x22b: {  	v1 =	vor.u32 $0x100, v12;
	v16 =	vld.idx.msk [tilespmem:v12+s20+$0x0], $0xffff  }
0x22c: {  	v58 =	vor.u32 $0x280, v12;
	v41 =	vld.idx.msk [tilespmem:v62+s20+$0x0], $0xffff  }
0x22d: {  	v60 =	vor.u32 $0x300, v12;
	v53 =	vld.idx.msk [tilespmem:v61+s20+$0x0], $0xffff  }
0x22e: {  	v62 =	vor.u32 $0x180, v12;
	v46 =	vld.idx.msk [tilespmem:v63+s20+$0x0], $0xffff  }
0x22f: {  	v63 =	vor.u32 $0x200, v13;
	v48 =	vld.idx.msk [tilespmem:v0+s20+$0x0], $0xffff  }
0x230: {  	v0 =	vor.u32 $0x200, v12;
	v51 =	vld.idx.msk [tilespmem:v1+s20+$0x0], $0xffff  }
0x231: {  	v1 =	vor.u32 $0x280, v13;
	v58 =	vld.idx.msk [tilespmem:v58+s20+$0x0], $0xffff  }
0x232: {  	v59 =	vor.u32 $0x300, v13;
	v60 =	vld.idx.msk [tilespmem:v60+s20+$0x0], $0xffff  }
0x233: {  	v61 =	vor.u32 $0x380, v13;
	v54 =	vld.idx.msk [tilespmem:v62+s20+$0x0], $0xffff  }
0x234: {  	v50 =	vmul.f32 v50, v10;
	v52 =	vmul.f32 v16, v11;
	v55 =	vld.idx.msk [tilespmem:v63+s20+$0x0], $0xffff;
	v63 =	vor.u32 $0x380, v12  }
0x235: {  	v62 =	vadd.s32 $0x3200, v14;
	v41 =	vmul.f32 v41, v10;
	v44 =	vmul.f32 v44, v6;
	v56 =	vld.idx.msk [tilespmem:v0+s20+$0x0], $0xffff  }
0x236: {  	v57 =	vld.idx.msk [tilespmem:v1+s20+$0x0], $0xffff;
	v0 =	vadd.s32 $0x3200, v15;
	v46 =	vmul.f32 v46, v11;
	v48 =	vmul.f32 v48, v10  }
0x237: {  	v59 =	vld.idx.msk [tilespmem:v59+s20+$0x0], $0xffff;
	v1 =	vadd.s32 $0x3280, v14;
	v51 =	vmul.f32 v51, v11;
	v58 =	vmul.f32 v58, v11  }
0x238: {  	v61 =	vld.idx.msk [tilespmem:v61+s20+$0x0], $0xffff;
	v60 =	vmul.f32 v60, v11;
	v50 =	vadd.f32 v52, v50;
	v52 =	vadd.s32 $0x3280, v15  }
0x239: {  	v41 =	vadd.f32 v46, v41;
	v48 =	vadd.f32 v51, v48;
	v51 =	vmul.f32 v53, v10;
	v63 =	vld.idx.msk [tilespmem:v63+s20+$0x0], $0xffff  }
0x23a: {  	s21 =	sor.u32 s28, s2;
	v46 =	vadd.s32 $0x3300, v14;
	v16 =	vmul.f32 v54, v11;
	v54 =	vld.idx.msk [tilespmem:v62+s20+$0x0], $0xffff;
	v55 =	vmul.f32 v55, v10  }
0x23b: {  	v62 =	vadd.s32 $0x3300, v15;
	v56 =	vmul.f32 v56, v11;
	v0 =	vld.idx.msk [tilespmem:v0+s20+$0x0], $0xffff;
	[tilespmem:s21+$0x0] =	vst v50;
	v57 =	vmul.f32 v57, v10  }
0x23c: {  	v50 =	vadd.s32 $0x3380, v14;
	v1 =	vld.idx.msk [tilespmem:v1+s20+$0x0], $0xffff;
	[tilespmem:s21+$0x80] =	vst v41;
	v41 =	vadd.s32 $0x3380, v15;
	v51 =	vadd.f32 v16, v51  }
0x23d: {  	s22 =	sadd.s32 $0x30, s26;
	[tilespmem:s21+$0x100] =	vst v48;
	v53 =	vadd.f32 v56, v55;
	v48 =	vadd.f32 v58, v57;
	v55 =	vmul.f32 v59, v10  }
0x23e: {  	s26 =	sor.u32 $0x200, s22;
	v16 =	vadd.s32 $0x1000, v13;
	[tilespmem:s21+$0x180] =	vst v51;
	v51 =	vld.idx.msk [tilespmem:v52+s20+$0x0], $0xffff;
	v52 =	vmul.f32 v61, v10;
	v63 =	vmul.f32 v63, v11  }
0x23f: {  	s2 =	sor.u32 $0x280, s22;
	v43 =	vmul.f32 v43, v7;
	v46 =	vld.idx.msk [tilespmem:v46+s20+$0x0], $0xffff;
	[tilespmem:s26+$0xCC00] =	vst v53;
	v60 =	vadd.f32 v60, v55  }
0x240: {  	s21 =	sor.u32 $0x300, s22;
	[tilespmem:s2+$0xCC00] =	vst v48;
	v48 =	vld.idx.msk [tilespmem:v62+s20+$0x0], $0xffff;
	v52 =	vadd.f32 v63, v52  }
0x241: {  	s0 =	sor.u32 $0x380, s22;
	v43 =	vadd.f32 v43, v44;
	v50 =	vld.idx.msk [tilespmem:v50+s20+$0x0], $0xffff;
	[tilespmem:s21+$0xCC00] =	vst v60  }
0x242: {  	v42 =	vmul.f32 v42, v6;
	v49 =	vmul.f32 v49, v7;
	s22 =	sor.u32 s15, s11;
	v41 =	vld.idx.msk [tilespmem:v41+s20+$0x0], $0xffff;
	s21 =	sld [smem:$0x7E0];
	[tilespmem:s0+$0xCC00] =	vst v52;
	v52 =	vadd.s32 $0x1100, v13  }
0x243: {  	v40 =	vmul.f32 v40, v6;
	v39 =	vmul.f32 v39, v7;
	[tilespmem:s22+$0x0] =	vst v43;
	s22 =	sld [smem:$0x7E1];
	v57 =	vld.idx.msk [tilespmem:v16+s20+$0x0], $0xffff;
	v16 =	vadd.s32 $0x1100, v12  }
0x244: {  	v42 =	vadd.f32 v49, v42  }
0x245: {  	v39 =	vadd.f32 v39, v40;
	s26 =	sor.u32 s15, s21  }
0x246: {  	v61 =	vadd.s32 $0x1000, v12;
	s1 =	sor.u32 s15, s22;
	[tilespmem:s26+$0x0] =	vst v42  }
0x247: {  	v45 =	vmul.f32 v45, v6;
	v47 =	vmul.f32 v47, v7;
	v63 =	vadd.s32 $0x1080, v13;
	[tilespmem:s1+$0x0] =	vst v39;
	s1 =	sld [smem:$0x7E2];
	v40 =	vld.idx.msk [tilespmem:v52+s20+$0x0], $0xffff  }
0x248: {  	v53 =	vadd.s32 $0x1080, v12;
	v0 =	vmul.f32 v0, v7;
	v52 =	vld.idx.msk [tilespmem:v16+s20+$0x0], $0xffff;
	v16 =	vmul.f32 v54, v6  }
0x249: {  	v49 =	vadd.s32 $0x1200, v12;
	v45 =	vadd.f32 v47, v45  }
0x24a: {  	v60 =	vadd.s32 $0x1180, v12;
	s2 =	sor.u32 s15, s1;
	v0 =	vadd.f32 v0, v16  }
0x24b: {  	v58 =	vadd.s32 $0x1280, v13;
	v55 =	vld.idx.msk [tilespmem:v61+s20+$0x0], $0xffff;
	s26 =	sor.u32 s15, s12;
	[tilespmem:s2+$0x0] =	vst v45  }
0x24c: {  	v59 =	vadd.s32 $0x1180, v13;
	v1 =	vmul.f32 v1, v6;
	v56 =	vld.idx.msk [tilespmem:v63+s20+$0x0], $0xffff;
	v63 =	vmul.f32 v51, v7;
	[tilespmem:s26+$0x0] =	vst v0;
	s26 =	sld [smem:$0x7E3]  }
0x24d: {  	v44 =	vld.idx.msk [tilespmem:v53+s20+$0x0], $0xffff;
	v53 =	vadd.s32 $0x1200, v13;
	v62 =	vmul.f32 v48, v7;
	v16 =	vmul.f32 v46, v6  }
0x24e: {  	v43 =	vadd.s32 $0x1300, v12;
	v49 =	vld.idx.msk [tilespmem:v49+s20+$0x0], $0xffff;
	v1 =	vadd.f32 v63, v1  }
0x24f: {  	v47 =	vld.idx.msk [tilespmem:v60+s20+$0x0], $0xffff;
	v60 =	vadd.s32 $0x1300, v13;
	s2 =	smov.u32 s12;
	v0 =	vadd.f32 v62, v16;
	s12 =	sor.u32 s15, s26  }
0x250: {  	v48 =	vld.idx.msk [tilespmem:v58+s20+$0x0], $0xffff;
	v41 =	vmul.f32 v41, v7;
	v51 =	vadd.s32 $0x1380, v13;
	v63 =	vmul.f32 v50, v6;
	[tilespmem:s12+$0x0] =	vst v1;
	s12 =	sor.u32 s15, s25  }
0x251: {  	s0 =	sor.u32 s15, s16;
	v58 =	vadd.s32 $0x1380, v12;
	v54 =	vld.idx.msk [tilespmem:v59+s20+$0x0], $0xffff;
	[tilespmem:s12+$0x0] =	vst v0;
	s12 =	smov.u32 s16;
	s16 =	sld [smem:$0x7E4]  }
0x252: {  	v59 =	vadd.s32 $0x1280, v12;
	v53 =	vld.idx.msk [tilespmem:v53+s20+$0x0], $0xffff;
	v41 =	vadd.f32 v41, v63  }
0x253: {  	v61 =	vadd.s32 $0x5180, v8;
	v57 =	vmul.f32 v57, v10;
	v55 =	vmul.f32 v55, v11;
	v45 =	vld.idx.msk [tilespmem:v43+s20+$0x0], $0xffff  }
0x254: {  	v46 =	vld.idx.msk [tilespmem:v60+s20+$0x0], $0xffff;
	v1 =	vadd.s32 $0x5280, v9;
	[tilespmem:s0+$0x0] =	vst v41;
	s0 =	sor.u32 s28, s16;
	s16 =	sld [smem:$0x7E5]  }
0x255: {  	v42 =	vadd.s32 $0x5200, v9;
	v44 =	vmul.f32 v44, v11;
	v51 =	vld.idx.msk [tilespmem:v51+s20+$0x0], $0xffff;
	v16 =	vadd.f32 v55, v57  }
0x256: {  	v39 =	vadd.s32 $0x5200, v8;
	v47 =	vmul.f32 v47, v11;
	v63 =	vmul.f32 v56, v10;
	v62 =	vld.idx.msk [tilespmem:v58+s20+$0x0], $0xffff  }
0x257: {  	v40 =	vmul.f32 v40, v10;
	v50 =	vld.idx.msk [tilespmem:v59+s20+$0x0], $0xffff;
	v59 =	vadd.s32 $0x5280, v8;
	v52 =	vmul.f32 v52, v11;
	[tilespmem:s0+$0x0] =	vst v16;
	s0 =	sor.u32 s28, s16;
	s16 =	sld [smem:$0x7E6]  }
0x258: {  	v43 =	vld.idx.msk [tilespmem:v61+s20+$0x0], $0xffff;
	v54 =	vmul.f32 v54, v10;
	v0 =	vadd.s32 $0x5300, v9;
	v41 =	vadd.f32 v44, v63  }
0x259: {  	v49 =	vmul.f32 v49, v11;
	v16 =	vadd.f32 v52, v40;
	v40 =	vld.idx.msk [tilespmem:v1+s20+$0x0], $0xffff;
	v1 =	vadd.s32 $0x4080, v15  }
0x25a: {  	v42 =	vld.idx.msk [tilespmem:v42+s20+$0x0], $0xffff;
	v56 =	vadd.s32 $0x4080, v14;
	v58 =	vmul.f32 v53, v10;
	v47 =	vadd.f32 v47, v54;
	[tilespmem:s0+$0x0] =	vst v41;
	s0 =	sor.u32 s28, s16  }
0x25b: {  	s24 =	sor.u32 s28, s24;
	v48 =	vmul.f32 v48, v10;
	v60 =	vadd.s32 $0x4000, v14;
	v45 =	vmul.f32 v45, v11;
	v44 =	vld.idx.msk [tilespmem:v39+s20+$0x0], $0xffff;
	[tilespmem:s0+$0x0] =	vst v16  }
0x25c: {  	v55 =	vadd.s32 $0x4000, v15;
	v49 =	vadd.f32 v49, v58;
	v50 =	vmul.f32 v50, v11;
	v39 =	vld.idx.msk [tilespmem:v59+s20+$0x0], $0xffff;
	[tilespmem:s24+$0x0] =	vst v47;
	s24 =	sld [smem:$0x7E7]  }
0x25d: {  	v53 =	vadd.s32 $0x4100, v14;
	v46 =	vmul.f32 v46, v10;
	v61 =	vmul.f32 v51, v10;
	v41 =	vld.idx.msk [tilespmem:v0+s20+$0x0], $0xffff;
	s16 =	sor.u32 s28, s7;
	s7 =	sld [smem:$0x7E8]  }
0x25e: {  	v62 =	vmul.f32 v62, v11;
	v63 =	vadd.s32 $0x2000, v13;
	v59 =	vadd.f32 v50, v48;
	v1 =	vld.idx.msk [tilespmem:v1+s20+$0x0], $0xffff;
	[tilespmem:s16+$0x0] =	vst v49;
	s16 =	sld [smem:$0x7E9]  }
0x25f: {  	v57 =	vadd.s32 $0x2000, v12;
	v45 =	vadd.f32 v45, v46;
	v16 =	vld.idx.msk [tilespmem:v56+s20+$0x0], $0xffff;
	s0 =	sor.u32 s28, s24  }
0x260: {  	v58 =	vadd.s32 $0x2080, v13;
	v48 =	vadd.f32 v62, v61;
	v47 =	vld.idx.msk [tilespmem:v60+s20+$0x0], $0xffff;
	[tilespmem:s0+$0x0] =	vst v59;
	s0 =	sor.u32 s28, s7  }
0x261: {  	v60 =	vadd.s32 $0x2100, v13;
	v49 =	vld.idx.msk [tilespmem:v55+s20+$0x0], $0xffff;
	[tilespmem:s0+$0x0] =	vst v45;
	s0 =	sor.u32 s28, s16  }
0x262: {  	v61 =	vadd.s32 $0x2100, v12;
	[tilespmem:s0+$0x0] =	vst v48;
	v48 =	vld.idx.msk [tilespmem:v53+s20+$0x0], $0xffff  }
0x263: {  	v0 =	vadd.s32 $0x2200, v12;
	v51 =	vld.idx.msk [tilespmem:v63+s20+$0x0], $0xffff  }
0x264: {  	v59 =	vadd.s32 $0x2080, v12;
	v46 =	vld.idx.msk [tilespmem:v57+s20+$0x0], $0xffff  }
0x265: {  	v25 =	vmul.f32 v25, v3;
	v26 =	vmul.f32 v26, v2;
	v62 =	vadd.s32 $0x2180, v13;
	v50 =	vld.idx.msk [tilespmem:v58+s20+$0x0], $0xffff  }
0x266: {  	v27 =	vmul.f32 v27, v3;
	v22 =	vmul.f32 v22, v2;
	v56 =	vadd.s32 $0x2200, v13;
	v52 =	vld.idx.msk [tilespmem:v60+s20+$0x0], $0xffff  }
0x267: {  	v63 =	vadd.s32 $0x2180, v12;
	v53 =	vld.idx.msk [tilespmem:v61+s20+$0x0], $0xffff  }
0x268: {  	v25 =	vadd.f32 v25, v22;
	v22 =	vadd.f32 v27, v26;
	v60 =	vadd.s32 $0x2280, v12;
	v26 =	vld.idx.msk [tilespmem:v0+s20+$0x0], $0xffff  }
0x269: {  	v0 =	vadd.s32 $0x2300, v13;
	v45 =	vld.idx.msk [tilespmem:v59+s20+$0x0], $0xffff  }
0x26a: {  	v54 =	vld.idx.msk [tilespmem:v62+s20+$0x0], $0xffff;
	v59 =	vadd.s32 $0x2280, v13  }
0x26b: {  	v61 =	vadd.s32 $0x4180, v14;
	v56 =	vld.idx.msk [tilespmem:v56+s20+$0x0], $0xffff  }
0x26c: {  	v23 =	vmul.f32 v23, v2;
	v58 =	vadd.s32 $0x4100, v15;
	v57 =	vadd.s32 $0x2300, v12;
	v55 =	vld.idx.msk [tilespmem:v63+s20+$0x0], $0xffff  }
0x26d: {  	v62 =	vadd.s32 $0x2380, v13;
	v51 =	vmul.f32 v51, v10;
	v46 =	vmul.f32 v46, v11;
	v60 =	vld.idx.msk [tilespmem:v60+s20+$0x0], $0xffff  }
0x26e: {  	v63 =	vadd.s32 $0x2380, v12;
	v50 =	vmul.f32 v50, v10;
	v27 =	vld.idx.msk [tilespmem:v0+s20+$0x0], $0xffff;
	v45 =	vmul.f32 v45, v11  }
0x26f: {  	v59 =	vld.idx.msk [tilespmem:v59+s20+$0x0], $0xffff;
	v46 =	vadd.f32 v46, v51;
	v51 =	vmul.f32 v52, v10;
	v52 =	vmul.f32 v53, v11  }
0x270: {  	v56 =	vmul.f32 v56, v10;
	v26 =	vmul.f32 v26, v11;
	v0 =	vadd.s32 $0x4200, v14;
	v53 =	vld.idx.msk [tilespmem:v61+s20+$0x0], $0xffff  }
0x271: {  	v61 =	vadd.s32 $0x4180, v15;
	v45 =	vadd.f32 v45, v50;
	v50 =	vadd.f32 v52, v51;
	v52 =	vld.idx.msk [tilespmem:v57+s20+$0x0], $0xffff  }
0x272: {  	v24 =	vmul.f32 v24, v3;
	v54 =	vmul.f32 v54, v10;
	v51 =	vadd.s32 $0x4200, v15;
	v57 =	vld.idx.msk [tilespmem:v62+s20+$0x0], $0xffff  }
0x273: {  	v26 =	vadd.f32 v26, v56;
	v56 =	vadd.s32 $0x4280, v15;
	v55 =	vmul.f32 v55, v11;
	v62 =	vld.idx.msk [tilespmem:v63+s20+$0x0], $0xffff  }
0x274: {  	s24 =	sor.u32 s28, s30;
	v58 =	vld.idx.msk [tilespmem:v58+s20+$0x0], $0xffff;
	v60 =	vmul.f32 v60, v11;
	v63 =	vadd.s32 $0x4300, v14;
	v59 =	vmul.f32 v59, v10  }
0x275: {  	s30 =	sor.u32 s28, s3;
	v1 =	vmul.f32 v1, v7;
	[tilespmem:s24+$0x0] =	vst v46;
	v0 =	vld.idx.msk [tilespmem:v0+s20+$0x0], $0xffff;
	v54 =	vadd.f32 v55, v54;
	v55 =	vadd.s32 $0x4280, v14  }
0x276: {  	s3 =	sor.u32 s28, s31;
	v16 =	vmul.f32 v16, v6;
	[tilespmem:s30+$0x0] =	vst v45;
	v61 =	vld.idx.msk [tilespmem:v61+s20+$0x0], $0xffff;
	v46 =	vadd.f32 v60, v59;
	v59 =	vadd.s32 $0x4300, v15  }
0x277: {  	s7 =	sor.u32 s28, s8;
	v27 =	vmul.f32 v27, v10;
	[tilespmem:s3+$0x0] =	vst v50;
	v45 =	vld.idx.msk [tilespmem:v51+s20+$0x0], $0xffff;
	v51 =	vadd.s32 $0x4380, v14;
	v52 =	vmul.f32 v52, v11  }
0x278: {  	s8 =	sor.u32 s28, s9;
	[tilespmem:s7+$0x0] =	vst v54;
	v54 =	vld.idx.msk [tilespmem:v56+s20+$0x0], $0xffff;
	v56 =	vmul.f32 v57, v10;
	v60 =	vadd.s32 $0x3000, v13;
	v57 =	vmul.f32 v62, v11  }
0x279: {  	v23 =	vadd.f32 v24, v23;
	s9 =	sor.u32 s28, s6;
	[tilespmem:s8+$0x0] =	vst v26;
	v26 =	vld.idx.msk [tilespmem:v63+s20+$0x0], $0xffff;
	v62 =	vadd.s32 $0x3080, v13;
	v27 =	vadd.f32 v52, v27  }
0x27a: {  	s16 =	sor.u32 s28, s5;
	v1 =	vadd.f32 v1, v16;
	v16 =	vadd.s32 $0x3080, v12;
	[tilespmem:s9+$0x0] =	vst v46;
	v50 =	vld.idx.msk [tilespmem:v55+s20+$0x0], $0xffff;
	v63 =	vadd.f32 v57, v56  }
0x27b: {  	v47 =	vmul.f32 v47, v6;
	v49 =	vmul.f32 v49, v7;
	s24 =	sor.u32 s28, s10;
	v52 =	vadd.s32 $0x3000, v12;
	[tilespmem:s16+$0x0] =	vst v27;
	v24 =	vld.idx.msk [tilespmem:v59+s20+$0x0], $0xffff  }
0x27c: {  	v55 =	vadd.s32 $0x4380, v15;
	v27 =	vld.idx.msk [tilespmem:v51+s20+$0x0], $0xffff;
	[tilespmem:s24+$0x0] =	vst v63  }
0x27d: {  	v47 =	vadd.f32 v49, v47;
	v46 =	vadd.s32 $0x3100, v13;
	v57 =	vld.idx.msk [tilespmem:v60+s20+$0x0], $0xffff  }
0x27e: {  	v48 =	vmul.f32 v48, v6;
	v51 =	vmul.f32 v58, v7;
	v58 =	vadd.s32 $0x3100, v12;
	v56 =	vld.idx.msk [tilespmem:v62+s20+$0x0], $0xffff  }
0x27f: {  	s10 =	sld [smem:$0x7EA];
	v53 =	vmul.f32 v53, v6;
	v0 =	vmul.f32 v0, v6;
	v59 =	vadd.s32 $0x3180, v13;
	v16 =	vld.idx.msk [tilespmem:v16+s20+$0x0], $0xffff  }
0x280: {  	s16 =	sld [smem:$0x7EB];
	v45 =	vmul.f32 v45, v7;
	v54 =	vmul.f32 v54, v7;
	v60 =	vadd.s32 $0x3180, v12;
	v52 =	vld.idx.msk [tilespmem:v52+s20+$0x0], $0xffff  }
0x281: {  	v49 =	vld.idx.msk [tilespmem:v55+s20+$0x0], $0xffff;
	v55 =	vmul.f32 v61, v7;
	v50 =	vmul.f32 v50, v6;
	v61 =	vadd.s32 $0x3300, v13  }
0x282: {  	s30 =	sor.u32 s15, s10;
	v62 =	vadd.s32 $0x3300, v12;
	v48 =	vadd.f32 v51, v48;
	v0 =	vadd.f32 v45, v0;
	v46 =	vld.idx.msk [tilespmem:v46+s20+$0x0], $0xffff  }
0x283: {  	s31 =	sor.u32 s15, s16;
	[tilespmem:s30+$0x0] =	vst v47;
	v51 =	vadd.f32 v55, v53;
	v53 =	vadd.s32 $0x3200, v13;
	v45 =	vadd.f32 v54, v50;
	v54 =	vld.idx.msk [tilespmem:v58+s20+$0x0], $0xffff  }
0x284: {  	v9 =	vadd.s32 $0x5380, v9;
	s3 =	sor.u32 s15, s19;
	[tilespmem:s31+$0x0] =	vst v1;
	v50 =	vadd.s32 $0x3200, v12;
	v58 =	vld.idx.msk [tilespmem:v59+s20+$0x0], $0xffff  }
0x285: {  	s5 =	sor.u32 s15, s18;
	v26 =	vmul.f32 v26, v6;
	v24 =	vmul.f32 v24, v7;
	v55 =	vadd.s32 $0x3280, v13;
	[tilespmem:s3+$0x0] =	vst v48;
	v60 =	vld.idx.msk [tilespmem:v60+s20+$0x0], $0xffff  }
0x286: {  	s24 =	sld [smem:$0x7EC];
	v27 =	vmul.f32 v27, v6;
	v59 =	vadd.s32 $0x3280, v12;
	v57 =	vmul.f32 v57, v10;
	[tilespmem:s5+$0x0] =	vst v51;
	v51 =	vld.idx.msk [tilespmem:v61+s20+$0x0], $0xffff  }
0x287: {  	v47 =	vadd.s32 $0x3380, v13;
	v56 =	vmul.f32 v56, v10;
	v49 =	vmul.f32 v49, v7;
	v61 =	vld.idx.msk [tilespmem:v62+s20+$0x0], $0xffff  }
0x288: {  	s31 =	sld [smem:$0x7ED];
	v16 =	vmul.f32 v16, v11;
	v52 =	vmul.f32 v52, v11;
	v24 =	vadd.f32 v24, v26;
	v53 =	vld.idx.msk [tilespmem:v53+s20+$0x0], $0xffff  }
0x289: {  	s6 =	sor.u32 s15, s24;
	v46 =	vmul.f32 v46, v10;
	v26 =	vadd.f32 v49, v27;
	v27 =	vld.idx.msk [tilespmem:v50+s20+$0x0], $0xffff;
	v50 =	vadd.s32 $0x3380, v12  }
0x28a: {  	s7 =	sor.u32 s15, s29;
	v48 =	vadd.s32 $0x5300, v8;
	[tilespmem:s6+$0x0] =	vst v0;
	v1 =	vadd.f32 v52, v57;
	v49 =	vld.idx.msk [tilespmem:v55+s20+$0x0], $0xffff;
	v54 =	vmul.f32 v54, v11  }
0x28b: {  	s8 =	sor.u32 s15, s31;
	v62 =	vadd.s32 $0x5000, v14;
	[tilespmem:s7+$0x0] =	vst v45;
	v52 =	vld.idx.msk [tilespmem:v59+s20+$0x0], $0xffff;
	v55 =	vmul.f32 v58, v10;
	v63 =	vmul.f32 v60, v11  }
0x28c: {  	s9 =	sor.u32 s15, s17;
	v16 =	vadd.f32 v16, v56;
	v47 =	vld.idx.msk [tilespmem:v47+s20+$0x0], $0xffff;
	[tilespmem:s8+$0x0] =	vst v24;
	v60 =	vadd.s32 $0x5380, v8;
	v0 =	vadd.f32 v54, v46  }
0x28d: {  	v24 =	vld.idx.msk [tilespmem:v9+s20+$0x0], $0xffff;
	v46 =	vmul.f32 v20, v2;
	[tilespmem:s9+$0x0] =	vst v26;
	v26 =	vadd.s32 $0x5080, v14;
	v45 =	vadd.f32 v63, v55  }
0x28e: {  	v63 =	vadd.s32 $0x5000, v15;
	v61 =	vmul.f32 v61, v11;
	v50 =	vld.idx.msk [tilespmem:v50+s20+$0x0], $0xffff;
	v53 =	vmul.f32 v53, v10  }
0x28f: {  	s11 =	sor.u32 s28, s11;
	v8 =	vld.idx.msk [tilespmem:v48+s20+$0x0], $0xffff;
	v48 =	vadd.s32 $0x5100, v14;
	v27 =	vmul.f32 v27, v11;
	v57 =	vmul.f32 v49, v10  }
0x290: {  	s21 =	sor.u32 s28, s21;
	v58 =	vmul.f32 v52, v11;
	[tilespmem:s11+$0x0] =	vst v1;
	v52 =	vmul.f32 v18, v3;
	v18 =	vld.idx.msk [tilespmem:v62+s20+$0x0], $0xffff  }
0x291: {  	s30 =	sor.u32 s28, s22;
	v1 =	vmul.f32 v19, v2;
	[tilespmem:s21+$0x0] =	vst v16;
	v19 =	vld.idx.msk [tilespmem:v60+s20+$0x0], $0xffff;
	v59 =	vadd.f32 v27, v53;
	v27 =	vadd.s32 $0x5080, v15  }
0x292: {  	s3 =	sor.u32 s28, s1;
	v62 =	vmul.f32 v47, v10;
	v60 =	vmul.f32 v51, v10;
	[tilespmem:s30+$0x0] =	vst v0;
	v0 =	vadd.s32 $0x5100, v15;
	v9 =	vld.idx.msk [tilespmem:v26+s20+$0x0], $0xffff  }
0x293: {  	s5 =	sor.u32 s28, s2;
	v56 =	vadd.s32 $0x4000, v13;
	v16 =	vadd.f32 v58, v57;
	v20 =	vld.idx.msk [tilespmem:v63+s20+$0x0], $0xffff;
	[tilespmem:s3+$0x0] =	vst v45;
	v63 =	vmul.f32 v50, v11  }
0x294: {  	s6 =	sor.u32 s28, s26;
	v57 =	vmul.f32 v17, v2;
	v17 =	vld.idx.msk [tilespmem:v48+s20+$0x0], $0xffff;
	v58 =	vadd.f32 v61, v60;
	[tilespmem:s5+$0x0] =	vst v59;
	v59 =	vadd.s32 $0x4000, v12  }
0x295: {  	v21 =	vmul.f32 v21, v3;
	s7 =	sor.u32 s28, s25;
	v54 =	vadd.s32 $0x4080, v12;
	v60 =	vld [tilespmem:$0x1FFF0];
	[tilespmem:s6+$0x0] =	vst v16;
	v62 =	vadd.f32 v63, v62  }
0x296: {  	v32 =	vmul.f32 v32, v3;
	v30 =	vmul.f32 v30, v2;
	s8 =	sor.u32 s28, s12;
	v55 =	vadd.s32 $0x4100, v13;
	[tilespmem:s7+$0x0] =	vst v58;
	v16 =	vld.idx.msk [tilespmem:v27+s20+$0x0], $0xffff  }
0x297: {  	s0 =	sadd.s32 $0x11C00, s13;
	v46 =	vadd.f32 v21, v46;
	v58 =	vadd.s32 $0x4180, v12;
	v21 =	vld.idx.msk [tilespmem:v0+s20+$0x0], $0xffff;
	[tilespmem:s8+$0x0] =	vst v62  }
0x298: {  	v30 =	vadd.f32 v32, v30;
	s1 =	sadd.s32 $0x11C80, s13;
	s9 =	sor.u32 s4, s0;
	v63 =	vadd.s32 $0x4080, v13;
	v32 =	vld.idx.msk [tilespmem:v56+s20+$0x0], $0xffff  }
0x299: {  	s2 =	sadd.s32 $0x11D00, s13;
	[tilespmem:s9+$0x0] =	vst v25;
	s11 =	sor.u32 s4, s1;
	v49 =	vadd.s32 $0x5200, v15;
	v2 =	vmul.f32 v28, v2;
	v28 =	vld.idx.msk [tilespmem:v59+s20+$0x0], $0xffff  }
0x29a: {  	v31 =	vmul.f32 v31, v5;
	s12 =	sor.u32 s4, s2;
	[tilespmem:s11+$0x0] =	vst v22;
	s3 =	sadd.s32 $0x11D80, s13;
	v61 =	vmul.f32 v60, v3;
	v62 =	vadd.s32 $0x4280, v12;
	v26 =	vld.idx.msk [tilespmem:v54+s20+$0x0], $0xffff  }
0x29b: {  	v34 =	vmul.f32 v34, v5;
	v1 =	vadd.f32 v52, v1;
	[tilespmem:s12+$0x0] =	vst v23;
	s21 =	sor.u32 s4, s3;
	s5 =	sadd.s32 $0x11E00, s13;
	v56 =	vadd.s32 $0x4100, v12;
	v0 =	vld.idx.msk [tilespmem:v55+s20+$0x0], $0xffff  }
0x29c: {  	v38 =	vmul.f32 v38, v4;
	[tilespmem:s21+$0x0] =	vst v46;
	s22 =	sor.u32 s4, s5;
	s6 =	sadd.s32 $0x11E80, s13;
	v27 =	vadd.f32 v61, v57;
	v57 =	vadd.s32 $0x4180, v13;
	v53 =	vld.idx.msk [tilespmem:v58+s20+$0x0], $0xffff  }
0x29d: {  	v37 =	vmul.f32 v37, v5;
	v36 =	vmul.f32 v36, v4;
	[tilespmem:s22+$0x0] =	vst v1;
	s25 =	sor.u32 s4, s6;
	v59 =	vadd.s32 $0x4200, v13;
	v45 =	vld.idx.msk [tilespmem:v63+s20+$0x0], $0xffff  }
0x29e: {  	v33 =	vmul.f32 v33, v4;
	v3 =	vmul.f32 v29, v3;
	v60 =	vadd.s32 $0x4200, v12;
	[tilespmem:s25+$0x0] =	vst v27;
	v27 =	vld.idx.msk [tilespmem:v49+s20+$0x0], $0xffff  }
0x29f: {  	v34 =	vadd.f32 v36, v34;
	v36 =	vadd.f32 v38, v37;
	v61 =	vadd.s32 $0x4280, v13;
	v37 =	vld.idx.msk [tilespmem:v62+s20+$0x0], $0xffff  }
0x2a0: {  	v2 =	vadd.f32 v3, v2;
	v3 =	vadd.f32 v33, v31;
	v55 =	vadd.s32 $0x4300, v13;
	v31 =	vld.idx.msk [tilespmem:v56+s20+$0x0], $0xffff  }
0x2a1: {  	v35 =	vmul.f32 v35, v5;
	v52 =	vadd.s32 $0x5180, v14;
	v63 =	vmul.f32 v43, v4;
	v29 =	vld.idx.msk [tilespmem:v57+s20+$0x0], $0xffff  }
0x2a2: {  	v42 =	vmul.f32 v42, v5;
	v54 =	vld.idx.msk [tilespmem:v59+s20+$0x0], $0xffff;
	v57 =	vadd.s32 $0x4300, v12  }
0x2a3: {  	v44 =	vmul.f32 v44, v4;
	v23 =	vadd.f32 v63, v35;
	v56 =	vld.idx.msk [tilespmem:v60+s20+$0x0], $0xffff;
	v59 =	vadd.s32 $0x4380, v13  }
0x2a4: {  	v32 =	vmul.f32 v32, v10;
	v28 =	vmul.f32 v28, v11;
	v58 =	vld.idx.msk [tilespmem:v61+s20+$0x0], $0xffff;
	v60 =	vadd.s32 $0x4380, v12  }
0x2a5: {  	v62 =	vadd.s32 $0x5200, v14;
	v26 =	vmul.f32 v26, v11;
	v61 =	vadd.s32 $0x5180, v15;
	v63 =	vld.idx.msk [tilespmem:v55+s20+$0x0], $0xffff  }
0x2a6: {  	s30 =	sor.u32 s14, s0;
	s7 =	sadd.s32 $0x11F00, s13;
	v0 =	vmul.f32 v0, v10;
	v55 =	vadd.s32 $0x5300, v14;
	v28 =	vadd.f32 v28, v32;
	v32 =	vld.idx.msk [tilespmem:v52+s20+$0x0], $0xffff  }
0x2a7: {  	s26 =	sor.u32 s4, s7;
	[tilespmem:s30+$0x0] =	vst v3;
	v51 =	vmul.f32 v53, v11;
	v45 =	vmul.f32 v45, v10;
	v52 =	vadd.s32 $0x5280, v14;
	v50 =	vld.idx.msk [tilespmem:v57+s20+$0x0], $0xffff  }
0x2a8: {  	s8 =	sadd.s32 $0x11F80, s13;
	[tilespmem:s26+$0x0] =	vst v30;
	v14 =	vadd.s32 $0x5380, v14;
	v37 =	vmul.f32 v37, v11;
	v31 =	vmul.f32 v31, v11;
	v33 =	vld.idx.msk [tilespmem:v59+s20+$0x0], $0xffff  }
0x2a9: {  	s4 =	sor.u32 s4, s8;
	v26 =	vadd.f32 v26, v45;
	v29 =	vmul.f32 v29, v10;
	v53 =	vmul.f32 v54, v10;
	v38 =	vld.idx.msk [tilespmem:v60+s20+$0x0], $0xffff  }
0x2aa: {  	s9 =	sor.u32 s28, s10;
	[tilespmem:s4+$0x0] =	vst v2;
	v1 =	vld.idx.msk [tilespmem:v62+s20+$0x0], $0xffff;
	v25 =	vmul.f32 v56, v11;
	v54 =	vadd.s32 $0x5280, v15;
	v22 =	vmul.f32 v58, v10  }
0x2ab: {  	s10 =	sor.u32 s28, s16;
	v3 =	vld.idx.msk [tilespmem:v61+s20+$0x0], $0xffff;
	[tilespmem:s9+$0x0] =	vst v28;
	v56 =	vadd.s32 $0x5300, v15;
	v58 =	vmul.f32 v41, v5;
	v0 =	vadd.f32 v31, v0  }
0x2ac: {  	s11 =	sor.u32 s28, s19;
	v15 =	vadd.s32 $0x5380, v15;
	v59 =	vmul.f32 v63, v10;
	v41 =	vld.idx.msk [tilespmem:v55+s20+$0x0], $0xffff;
	[tilespmem:s10+$0x0] =	vst v26;
	v29 =	vadd.f32 v51, v29  }
0x2ad: {  	s12 =	sor.u32 s28, s18;
	v25 =	vadd.f32 v25, v53;
	v22 =	vadd.f32 v37, v22;
	[tilespmem:s11+$0x0] =	vst v0;
	v60 =	vmul.f32 v50, v11  }
0x2ae: {  	s13 =	sor.u32 s28, s24;
	v63 =	vadd.s32 $0x5000, v13;
	v14 =	vld.idx.msk [tilespmem:v14+s20+$0x0], $0xffff;
	[tilespmem:s12+$0x0] =	vst v29;
	v61 =	vmul.f32 v33, v10;
	v62 =	vmul.f32 v38, v11  }
0x2af: {  	s16 =	sor.u32 s28, s29;
	v43 =	vadd.s32 $0x5000, v12;
	v35 =	vadd.f32 v44, v42;
	v0 =	vld.idx.msk [tilespmem:v52+s20+$0x0], $0xffff;
	[tilespmem:s13+$0x0] =	vst v25;
	v42 =	vadd.f32 v60, v59  }
0x2b0: {  	s18 =	sor.u32 s28, s31;
	v45 =	vadd.s32 $0x5080, v13;
	v2 =	vld.idx.msk [tilespmem:v54+s20+$0x0], $0xffff;
	[tilespmem:s16+$0x0] =	vst v22;
	v29 =	vadd.f32 v62, v61  }
0x2b1: {  	v8 =	vmul.f32 v8, v4;
	s19 =	sor.u32 s28, s17;
	v46 =	vadd.s32 $0x5080, v12;
	v28 =	vld.idx.msk [tilespmem:v56+s20+$0x0], $0xffff;
	[tilespmem:s18+$0x0] =	vst v42  }
0x2b2: {  	v47 =	vadd.s32 $0x5100, v13;
	v18 =	vmul.f32 v18, v6;
	v20 =	vmul.f32 v20, v7;
	v15 =	vld.idx.msk [tilespmem:v15+s20+$0x0], $0xffff;
	[tilespmem:s19+$0x0] =	vst v29  }
0x2b3: {  	v48 =	vadd.s32 $0x5100, v12;
	v9 =	vmul.f32 v9, v6;
	v17 =	vmul.f32 v17, v6;
	v26 =	vld.idx.msk [tilespmem:v63+s20+$0x0], $0xffff  }
0x2b4: {  	s21 =	sor.u32 s14, s1;
	v49 =	vadd.f32 v20, v18;
	v16 =	vmul.f32 v16, v7;
	v51 =	vadd.s32 $0x5180, v13;
	v50 =	vld.idx.msk [tilespmem:v43+s20+$0x0], $0xffff  }
0x2b5: {  	s22 =	sor.u32 s14, s2;
	[tilespmem:s21+$0x0] =	vst v34;
	v44 =	vmul.f32 v39, v4;
	v4 =	vmul.f32 v19, v4;
	v53 =	vadd.s32 $0x5180, v12;
	v52 =	vld.idx.msk [tilespmem:v45+s20+$0x0], $0xffff  }
0x2b6: {  	s24 =	sor.u32 s14, s3;
	[tilespmem:s22+$0x0] =	vst v36;
	v57 =	vmul.f32 v40, v5;
	v5 =	vmul.f32 v24, v5;
	v54 =	vadd.s32 $0x5200, v13;
	v19 =	vld.idx.msk [tilespmem:v46+s20+$0x0], $0xffff  }
0x2b7: {  	s25 =	sor.u32 s14, s5;
	v21 =	vmul.f32 v21, v7;
	[tilespmem:s24+$0x0] =	vst v23;
	v8 =	vadd.f32 v8, v58;
	v56 =	vadd.s32 $0x5200, v12;
	v25 =	vld.idx.msk [tilespmem:v47+s20+$0x0], $0xffff  }
0x2b8: {  	s31 =	sor.u32 s15, s0;
	v34 =	vadd.s32 $0x5300, v13;
	[tilespmem:s25+$0x0] =	vst v35;
	v4 =	vadd.f32 v4, v5;
	v22 =	vadd.f32 v44, v57;
	v58 =	vld.idx.msk [tilespmem:v48+s20+$0x0], $0xffff  }
0x2b9: {  	s26 =	sor.u32 s14, s6;
	v36 =	vadd.s32 $0x5300, v12;
	v55 =	vmul.f32 v32, v6;
	[tilespmem:s31+$0x0] =	vst v49;
	v60 =	vadd.f32 v16, v9;
	v62 =	vld.idx.msk [tilespmem:v51+s20+$0x0], $0xffff  }
0x2ba: {  	s9 =	sor.u32 s15, s1;
	v3 =	vmul.f32 v3, v7;
	v37 =	vmul.f32 v41, v6;
	v41 =	vadd.s32 $0x5380, v12;
	[tilespmem:s26+$0x0] =	vst v22;
	v33 =	vld.idx.msk [tilespmem:v53+s20+$0x0], $0xffff  }
0x2bb: {  	s29 =	sor.u32 s14, s7;
	v1 =	vmul.f32 v1, v6;
	v59 =	vadd.s32 $0x5280, v13;
	v61 =	vadd.f32 v21, v17;
	[tilespmem:s9+$0x0] =	vst v60;
	v35 =	vld.idx.msk [tilespmem:v54+s20+$0x0], $0xffff  }
0x2bc: {  	s10 =	sor.u32 s15, s2;
	v57 =	vmul.f32 v27, v7;
	v3 =	vadd.f32 v3, v55;
	[tilespmem:s29+$0x0] =	vst v8;
	v63 =	vadd.s32 $0x5280, v12;
	v39 =	vld.idx.msk [tilespmem:v56+s20+$0x0], $0xffff  }
0x2bd: {  	s30 =	sor.u32 s14, s8;
	v0 =	vmul.f32 v0, v6;
	v2 =	vmul.f32 v2, v7;
	[tilespmem:s10+$0x0] =	vst v61;
	v46 =	vld.idx.msk [tilespmem:v34+s20+$0x0], $0xffff  }
0x2be: {  	s11 =	sor.u32 s15, s3;
	v13 =	vadd.s32 $0x5380, v13;
	v1 =	vadd.f32 v57, v1;
	v38 =	vmul.f32 v28, v7;
	[tilespmem:s30+$0x0] =	vst v4;
	v47 =	vld.idx.msk [tilespmem:v36+s20+$0x0], $0xffff  }
0x2bf: {  	s12 =	sor.u32 s15, s5;
	v44 =	vmul.f32 v14, v6;
	[tilespmem:s11+$0x0] =	vst v3;
	v3 =	vld.idx.msk [tilespmem:v41+s20+$0x0], $0xffff;
	v0 =	vadd.f32 v2, v0  }
0x2c0: {  	s13 =	sor.u32 s15, s6;
	v45 =	vmul.f32 v15, v7;
	v40 =	vld.idx.msk [tilespmem:v59+s20+$0x0], $0xffff;
	[tilespmem:s12+$0x0] =	vst v1;
	v42 =	vadd.f32 v38, v37  }
0x2c1: {  	s14 =	sor.u32 s15, s7;
	[tilespmem:s13+$0x0] =	vst v0;
	v43 =	vld.idx.msk [tilespmem:v63+s20+$0x0], $0xffff;
	v48 =	vmul.f32 v26, v10;
	v49 =	vmul.f32 v50, v11  }
0x2c2: {  	v0 =	vadd.f32 v45, v44;
	[tilespmem:s14+$0x0] =	vst v42;
	v51 =	vmul.f32 v52, v10;
	v52 =	vmul.f32 v19, v11  }
0x2c3: {  	s15 =	sor.u32 s15, s8;
	v50 =	vld.idx.msk [tilespmem:v13+s20+$0x0], $0xffff;
	v53 =	vmul.f32 v25, v10;
	v54 =	vmul.f32 v58, v11;
	v8 =	vadd.f32 v49, v48  }
0x2c4: {  	s0 =	sor.u32 s28, s0;
	s24 =	sor.u32 s28, s5;
	s5 =	sld [smem:$0x7F1];
	[tilespmem:s15+$0x0] =	vst v0;
	v56 =	vmul.f32 v62, v10;
	v5 =	vmul.f32 v33, v11;
	v55 =	vadd.f32 v52, v51  }
0x2c5: {  	s17 =	sor.u32 s28, s1;
	s22 =	sld [smem:$0x7F0];
	v4 =	vmul.f32 v35, v10;
	v58 =	vmul.f32 v39, v11;
	v57 =	vadd.f32 v54, v53;
	[tilespmem:s0+$0x0] =	vst v8  }
0x2c6: {  	s31 =	sld [smem:$0x7F3];
	s18 =	sor.u32 s28, s2;
	v2 =	vmul.f32 v40, v10;
	v59 =	vadd.f32 v5, v56;
	[tilespmem:s17+$0x0] =	vst v55;
	v60 =	vmul.f32 v43, v11  }
0x2c7: {  	s21 =	sor.u32 s28, s3;
	s16 =	sld [smem:$0x7EE];
	p2 =	slt.u32 s5, $0x1C0;
	v7 =	vmul.f32 v46, v10;
	v1 =	vmul.f32 v47, v11;
	v4 =	vadd.f32 v58, v4;
	[tilespmem:s18+$0x0] =	vst v57  }
.Ltmp1:
0x2c8: {  	s19 =	sld [smem:$0x7EF];
	v3 =	vmul.f32 v3, v11;
	v62 =	vmul.f32 v50, v10;
	[tilespmem:s21+$0x0] =	vst v59;
	v61 =	vadd.f32 v60, v2;
	(pc) =	sbr.rel @p2 .LBB2_5-.Ltmp1, $4  }
0x2c9: {  	s25 =	sor.u32 s28, s6;
	s30 =	sld [smem:$0x7F2];
	v1 =	vadd.f32 v1, v7;
	[tilespmem:s24+$0x0] =	vst v4  }
0x2ca: {  	p1 =	por !p1, !p1;
	s26 =	sor.u32 s28, s7;
	v63 =	vadd.f32 v3, v62;
	[tilespmem:s25+$0x0] =	vst v61  }
0x2cb: {  	s3 =	sadd.s32 $0x40, s22;
	s1 =	sadd.s32 $0x40, s31;
	s29 =	sor.u32 s28, s8;
	[tilespmem:s26+$0x0] =	vst v1  }
0x2cc: {  	s4 =	sadd.s32 $0x200, s16;
	s2 =	sadd.s32 $0x40, s19;
	s0 =	sadd.s32 $0x40, s30;
	[tilespmem:s29+$0x0] =	vst v63  }
0x2cd: {  	s0 =	sld [smem:$0x7F7];
	_ =	sdelay $0x2  }
0x2ce: {  	s1 =	rddreg [dreg:$0x2];
	s3 =	simm.s32 $0x80;
	s0 =	sshrl.u32 s0, $0x3  }
0x2cf: {  	s4 =	simm.s32 $0x40000;
	s13 =	simm.s32 $0xCC00;
	s0 =	sadd.s32 s1, s0  }
0x2d0: {  	[hbm4b:s0+s3] =	stream.strided.scatter [tilespmem:s13], [sflag:$0x4], $0x400, s4, s3, $0x38;
	[tilespmem:$0x18C00] =	vst v63  }
0x2d1: {  	s2 =	simm.s32 $0xD000;
	s14 =	sadd.s32 $0x80, s0  }
0x2d2: {  	[hbm4b:s14+s3] =	stream.strided.scatter [tilespmem:s2], [sflag:$0x4], $0x400, s4, s3, $0x38;
	[tilespmem:$0x18C00] =	vst v63  }
0x2d3: {  	s16 =	simm.s32 $0xD400;
	s15 =	sadd.s32 $0x100, s0  }
0x2d4: {  	[hbm4b:s15+s3] =	stream.strided.scatter [tilespmem:s16], [sflag:$0x4], $0x400, s4, s3, $0x38;
	[tilespmem:$0x18C00] =	vst v63  }
0x2d5: {  	s18 =	simm.s32 $0xD800;
	s17 =	sadd.s32 $0x180, s0  }
0x2d6: {  	[hbm4b:s17+s3] =	stream.strided.scatter [tilespmem:s18], [sflag:$0x4], $0x400, s4, s3, $0x38;
	[tilespmem:$0x18C00] =	vst v63  }
0x2d7: {  	s21 =	simm.s32 $0xDC00;
	s19 =	sadd.s32 $0x40000, s0  }
0x2d8: {  	[hbm4b:s19+s3] =	stream.strided.scatter [tilespmem:s21], [sflag:$0x4], $0x400, s4, s3, $0x38;
	[tilespmem:$0x18C00] =	vst v63  }
0x2d9: {  	s5 =	simm.s32 $0xE000;
	s22 =	sadd.s32 $0x80, s19  }
0x2da: {  	[hbm4b:s22+s3] =	stream.strided.scatter [tilespmem:s5], [sflag:$0x4], $0x400, s4, s3, $0x38;
	[tilespmem:$0x18C00] =	vst v63  }
0x2db: {  	s25 =	simm.s32 $0xE400;
	s24 =	sadd.s32 $0x100, s19  }
0x2dc: {  	[hbm4b:s24+s3] =	stream.strided.scatter [tilespmem:s25], [sflag:$0x4], $0x400, s4, s3, $0x38;
	[tilespmem:$0x18C00] =	vst v63  }
0x2dd: {  	s26 =	simm.s32 $0xE800;
	s1 =	sadd.s32 $0x180, s19  }
0x2de: {  	[hbm4b:s1+s3] =	stream.strided.scatter [tilespmem:s26], [sflag:$0x4], $0x400, s4, s3, $0x38;
	[tilespmem:$0x18C00] =	vst v63  }
0x2df: {  	s29 =	simm.s32 $0xEC00;
	s28 =	sadd.s32 $0x80000, s0  }
0x2e0: {  	[hbm4b:s28+s3] =	stream.strided.scatter [tilespmem:s29], [sflag:$0x4], $0x400, s4, s3, $0x38;
	[tilespmem:$0x18C00] =	vst v63  }
0x2e1: {  	s31 =	simm.s32 $0xF000;
	s30 =	sadd.s32 $0x80, s28  }
0x2e2: {  	[hbm4b:s30+s3] =	stream.strided.scatter [tilespmem:s31], [sflag:$0x4], $0x400, s4, s3, $0x38;
	[tilespmem:$0x18C00] =	vst v63  }
0x2e3: {  	s6 =	simm.s32 $0xF400;
	s5 =	sadd.s32 $0x100, s28  }
0x2e4: {  	[hbm4b:s5+s3] =	stream.strided.scatter [tilespmem:s6], [sflag:$0x4], $0x400, s4, s3, $0x38;
	[tilespmem:$0x18C00] =	vst v63  }
0x2e5: {  	s7 =	simm.s32 $0xF800;
	s1 =	sadd.s32 $0x180, s28  }
0x2e6: {  	[hbm4b:s1+s3] =	stream.strided.scatter [tilespmem:s7], [sflag:$0x4], $0x400, s4, s3, $0x38;
	[tilespmem:$0x18C00] =	vst v63  }
0x2e7: {  	s9 =	simm.s32 $0xFC00;
	s8 =	sadd.s32 $0xC0000, s0  }
0x2e8: {  	[hbm4b:s8+s3] =	stream.strided.scatter [tilespmem:s9], [sflag:$0x4], $0x400, s4, s3, $0x38;
	[tilespmem:$0x18C00] =	vst v63  }
0x2e9: {  	s11 =	simm.s32 $0x10000;
	s10 =	sadd.s32 $0x80, s8  }
0x2ea: {  	[hbm4b:s10+s3] =	stream.strided.scatter [tilespmem:s11], [sflag:$0x4], $0x400, s4, s3, $0x38;
	[tilespmem:$0x18C00] =	vst v63  }
0x2eb: {  	s13 =	simm.s32 $0x10400;
	s12 =	sadd.s32 $0x100, s8  }
0x2ec: {  	[hbm4b:s12+s3] =	stream.strided.scatter [tilespmem:s13], [sflag:$0x4], $0x400, s4, s3, $0x38;
	[tilespmem:$0x18C00] =	vst v63  }
0x2ed: {  	s14 =	simm.s32 $0x10800;
	s1 =	sadd.s32 $0x180, s8  }
0x2ee: {  	[hbm4b:s1+s3] =	stream.strided.scatter [tilespmem:s14], [sflag:$0x4], $0x400, s4, s3, $0x38;
	[tilespmem:$0x18C00] =	vst v63  }
0x2ef: {  	s15 =	sadd.s32 $0x100000, s0;
	s16 =	simm.s32 $0x10C00  }
0x2f0: {  	[hbm4b:s15+s3] =	stream.strided.scatter [tilespmem:s16], [sflag:$0x4], $0x400, s4, s3, $0x38;
	[tilespmem:$0x18C00] =	vst v63  }
0x2f1: {  	s17 =	sadd.s32 $0x80, s15;
	s18 =	simm.s32 $0x11000  }
0x2f2: {  	[hbm4b:s17+s3] =	stream.strided.scatter [tilespmem:s18], [sflag:$0x4], $0x400, s4, s3, $0x38;
	[tilespmem:$0x18C00] =	vst v63  }
0x2f3: {  	s19 =	sadd.s32 $0x100, s15;
	s21 =	simm.s32 $0x11400  }
0x2f4: {  	[hbm4b:s19+s3] =	stream.strided.scatter [tilespmem:s21], [sflag:$0x4], $0x400, s4, s3, $0x38;
	[tilespmem:$0x18C00] =	vst v63  }
0x2f5: {  	s22 =	simm.s32 $0x11800;
	s1 =	sadd.s32 $0x180, s15  }
0x2f6: {  	[hbm4b:s1+s3] =	stream.strided.scatter [tilespmem:s22], [sflag:$0x4], $0x400, s4, s3, $0x38;
	[tilespmem:$0x18C00] =	vst v63  }
0x2f7: {  	s0 =	sadd.s32 $0x140000, s0;
	s24 =	simm.s32 $0x11C00  }
0x2f8: {  	[hbm4b:s0+s3] =	stream.strided.scatter [tilespmem:s24], [sflag:$0x4], $0x400, s4, s3, $0x38;
	[tilespmem:$0x18C00] =	vst v63  }
0x2f9: {  	s25 =	sadd.s32 $0x80, s0;
	s26 =	simm.s32 $0x12000  }
0x2fa: {  	[hbm4b:s25+s3] =	stream.strided.scatter [tilespmem:s26], [sflag:$0x4], $0x400, s4, s3, $0x38;
	[tilespmem:$0x18C00] =	vst v63  }
0x2fb: {  	s28 =	sadd.s32 $0x100, s0;
	s29 =	simm.s32 $0x12400  }
0x2fc: {  	[hbm4b:s28+s3] =	stream.strided.scatter [tilespmem:s29], [sflag:$0x4], $0x400, s4, s3, $0x38;
	[tilespmem:$0x18C00] =	vst v63  }
0x2fd: {  	s30 =	simm.s32 $0x12800;
	s0 =	sadd.s32 $0x180, s0  }
0x2fe: {  	[hbm4b:s0+s3] =	stream.strided.scatter [tilespmem:s30], [sflag:$0x4], $0x400, s4, s3, $0x38;
	[tilespmem:$0x18C00] =	vst v63  }
0x2ff: {  	s0 =	sld [smem:$0x7F4];
	_ =	sdelay $0x2  }
0x300: {  	s0 =	sadd.s32 @!p0 $0x1, s0  }
0x301: {  	s31 =	simm.s32 $0x3;
	s1 =	sshll.u32 @!p0 s0, $0x7;
	s0 =	sshll.u32 @!p0 s0, $0x9  }
0x302: {  	_ =	swait.ge [sflag:s31], $0x6000;
	s1 =	sand.u32 @!p0 $0x380, s1;
	s0 =	sand.u32 @!p0 $0x7F000, s0  }
0x303: {  	[sflag:s31] =	ssyncset.done $0x0;
	s0 =	sor.u32 @!p0 s0, s1;
	s1 =	rddreg [dreg:$0x4]  }
0x304: {  	[sflag:s31] =	ssyncadd.s32 $0xFFFFA000;
	s0 =	sor.u32 @!p0 s1, s0  }
0x305: {  	s3 =	simm.s32 @!p0 $0xC00;
	s1 =	rddreg [dreg:$0x0];
	s0 =	sshrl.u32 @!p0 s0, $0x3  }
0x306: {  	s2 =	sadd.s32 @!p0 s1, s0;
	s0 =	simm.s32 @!p0 $0x80;
	s1 =	simm.s32 @!p0 $0x40000  }
0x307: {  	[tilespmem:s3], [sflag:$0x2] =	stream.strided.gather @!p0 [hbm4b:s2+s0], $0x400, s1, s0, $0x38;
	[tilespmem:$0x18C00] =	vst v63  }
0x308: {  	s4 =	simm.s32 @!p0 $0x1000;
	s3 =	sadd.s32 @!p0 $0x80, s2  }
0x309: {  	[tilespmem:s4], [sflag:$0x2] =	stream.strided.gather @!p0 [hbm4b:s3+s0], $0x400, s1, s0, $0x38;
	[tilespmem:$0x18C00] =	vst v63  }
0x30a: {  	s3 =	sadd.s32 @!p0 $0x100, s2;
	s4 =	simm.s32 @!p0 $0x1400  }
0x30b: {  	[tilespmem:s4], [sflag:$0x2] =	stream.strided.gather @!p0 [hbm4b:s3+s0], $0x400, s1, s0, $0x38;
	[tilespmem:$0x18C00] =	vst v63  }
0x30c: {  	s3 =	sadd.s32 @!p0 $0x180, s2;
	s4 =	simm.s32 @!p0 $0x1800  }
0x30d: {  	[tilespmem:s4], [sflag:$0x2] =	stream.strided.gather @!p0 [hbm4b:s3+s0], $0x400, s1, s0, $0x38;
	[tilespmem:$0x18C00] =	vst v63  }
0x30e: {  	s3 =	sadd.s32 @!p0 $0x40000, s2;
	s4 =	simm.s32 @!p0 $0x1C00  }
0x30f: {  	[tilespmem:s4], [sflag:$0x2] =	stream.strided.gather @!p0 [hbm4b:s3+s0], $0x400, s1, s0, $0x38;
	[tilespmem:$0x18C00] =	vst v63  }
0x310: {  	s5 =	simm.s32 @!p0 $0x2000;
	s4 =	sadd.s32 @!p0 $0x80, s3  }
0x311: {  	[tilespmem:s5], [sflag:$0x2] =	stream.strided.gather @!p0 [hbm4b:s4+s0], $0x400, s1, s0, $0x38;
	[tilespmem:$0x18C00] =	vst v63  }
0x312: {  	s4 =	sadd.s32 @!p0 $0x100, s3;
	s5 =	simm.s32 @!p0 $0x2400  }
0x313: {  	[tilespmem:s5], [sflag:$0x2] =	stream.strided.gather @!p0 [hbm4b:s4+s0], $0x400, s1, s0, $0x38;
	[tilespmem:$0x18C00] =	vst v63  }
0x314: {  	s3 =	sadd.s32 @!p0 $0x180, s3;
	s4 =	simm.s32 @!p0 $0x2800  }
0x315: {  	[tilespmem:s4], [sflag:$0x2] =	stream.strided.gather @!p0 [hbm4b:s3+s0], $0x400, s1, s0, $0x38;
	[tilespmem:$0x18C00] =	vst v63  }
0x316: {  	s3 =	sadd.s32 @!p0 $0x80000, s2;
	s4 =	simm.s32 @!p0 $0x2C00  }
0x317: {  	[tilespmem:s4], [sflag:$0x2] =	stream.strided.gather @!p0 [hbm4b:s3+s0], $0x400, s1, s0, $0x38;
	[tilespmem:$0x18C00] =	vst v63  }
0x318: {  	s5 =	simm.s32 @!p0 $0x3000;
	s4 =	sadd.s32 @!p0 $0x80, s3  }
0x319: {  	[tilespmem:s5], [sflag:$0x2] =	stream.strided.gather @!p0 [hbm4b:s4+s0], $0x400, s1, s0, $0x38;
	[tilespmem:$0x18C00] =	vst v63  }
0x31a: {  	s4 =	sadd.s32 @!p0 $0x100, s3;
	s5 =	simm.s32 @!p0 $0x3400  }
0x31b: {  	[tilespmem:s5], [sflag:$0x2] =	stream.strided.gather @!p0 [hbm4b:s4+s0], $0x400, s1, s0, $0x38;
	[tilespmem:$0x18C00] =	vst v63  }
0x31c: {  	s3 =	sadd.s32 @!p0 $0x180, s3;
	s4 =	simm.s32 @!p0 $0x3800  }
0x31d: {  	[tilespmem:s4], [sflag:$0x2] =	stream.strided.gather @!p0 [hbm4b:s3+s0], $0x400, s1, s0, $0x38;
	[tilespmem:$0x18C00] =	vst v63  }
0x31e: {  	s3 =	sadd.s32 @!p0 $0xC0000, s2;
	s4 =	simm.s32 @!p0 $0x3C00  }
0x31f: {  	[tilespmem:s4], [sflag:$0x2] =	stream.strided.gather @!p0 [hbm4b:s3+s0], $0x400, s1, s0, $0x38;
	[tilespmem:$0x18C00] =	vst v63  }
0x320: {  	s5 =	simm.s32 @!p0 $0x4000;
	s4 =	sadd.s32 @!p0 $0x80, s3  }
0x321: {  	[tilespmem:s5], [sflag:$0x2] =	stream.strided.gather @!p0 [hbm4b:s4+s0], $0x400, s1, s0, $0x38;
	[tilespmem:$0x18C00] =	vst v63  }
0x322: {  	s4 =	sadd.s32 @!p0 $0x100, s3;
	s5 =	simm.s32 @!p0 $0x4400  }
0x323: {  	[tilespmem:s5], [sflag:$0x2] =	stream.strided.gather @!p0 [hbm4b:s4+s0], $0x400, s1, s0, $0x38;
	[tilespmem:$0x18C00] =	vst v63  }
0x324: {  	s3 =	sadd.s32 @!p0 $0x180, s3;
	s4 =	simm.s32 @!p0 $0x4800  }
0x325: {  	[tilespmem:s4], [sflag:$0x2] =	stream.strided.gather @!p0 [hbm4b:s3+s0], $0x400, s1, s0, $0x38;
	[tilespmem:$0x18C00] =	vst v63  }
0x326: {  	s3 =	sadd.s32 @!p0 $0x100000, s2;
	s4 =	simm.s32 @!p0 $0x4C00  }
0x327: {  	[tilespmem:s4], [sflag:$0x2] =	stream.strided.gather @!p0 [hbm4b:s3+s0], $0x400, s1, s0, $0x38;
	[tilespmem:$0x18C00] =	vst v63  }
0x328: {  	s5 =	simm.s32 @!p0 $0x5000;
	s4 =	sadd.s32 @!p0 $0x80, s3  }
0x329: {  	[tilespmem:s5], [sflag:$0x2] =	stream.strided.gather @!p0 [hbm4b:s4+s0], $0x400, s1, s0, $0x38;
	[tilespmem:$0x18C00] =	vst v63  }
0x32a: {  	s4 =	sadd.s32 @!p0 $0x100, s3;
	s5 =	simm.s32 @!p0 $0x5400  }
0x32b: {  	[tilespmem:s5], [sflag:$0x2] =	stream.strided.gather @!p0 [hbm4b:s4+s0], $0x400, s1, s0, $0x38;
	[tilespmem:$0x18C00] =	vst v63  }
0x32c: {  	s3 =	sadd.s32 @!p0 $0x180, s3;
	s4 =	simm.s32 @!p0 $0x5800  }
0x32d: {  	[tilespmem:s4], [sflag:$0x2] =	stream.strided.gather @!p0 [hbm4b:s3+s0], $0x400, s1, s0, $0x38;
	[tilespmem:$0x18C00] =	vst v63  }
0x32e: {  	s2 =	sadd.s32 @!p0 $0x140000, s2;
	s3 =	simm.s32 @!p0 $0x5C00  }
0x32f: {  	[tilespmem:s3], [sflag:$0x2] =	stream.strided.gather @!p0 [hbm4b:s2+s0], $0x400, s1, s0, $0x38;
	[tilespmem:$0x18C00] =	vst v63  }
0x330: {  	s4 =	simm.s32 @!p0 $0x6000;
	s3 =	sadd.s32 @!p0 $0x80, s2  }
0x331: {  	[tilespmem:s4], [sflag:$0x2] =	stream.strided.gather @!p0 [hbm4b:s3+s0], $0x400, s1, s0, $0x38;
	[tilespmem:$0x18C00] =	vst v63  }
0x332: {  	s3 =	sadd.s32 @!p0 $0x100, s2;
	s4 =	simm.s32 @!p0 $0x6400  }
0x333: {  	[tilespmem:s4], [sflag:$0x2] =	stream.strided.gather @!p0 [hbm4b:s3+s0], $0x400, s1, s0, $0x38;
	[tilespmem:$0x18C00] =	vst v63  }
0x334: {  	s2 =	sadd.s32 @!p0 $0x180, s2;
	s3 =	simm.s32 @!p0 $0x6800  }
0x335: {  	[tilespmem:s3], [sflag:$0x2] =	stream.strided.gather @!p0 [hbm4b:s2+s0], $0x400, s1, s0, $0x38;
	[tilespmem:$0x18C00] =	vst v63  }
0x336: {  	s0 =	sld [smem:$0x7F6];
	_ =	sdelay $0x2  }
0x337: {  	p1 =	seq.s32 @!p0 s0, $0x0  }
0x338: {  	p0 =	por p0, !p1  }
0x339: {  	s5 =	simm.s32 $0xFFFFFFC0;
	s0 =	simm.s32 @p0 $0x5  }
0x33a: {  	s4 =	simm.s32 $0x0;
	s1 =	simm.s32 $0x800;
	_ =	swait.ge @p0 [sflag:s0], $0x6000  }
0x33b: {  	s2 =	simm.s32 $0x600;
	s3 =	simm.s32 $0x400;
	[sflag:s0] =	ssyncset.done @p0 $0x0  }
0x33c: {  	[sflag:s0] =	ssyncadd.s32 @p0 $0xFFFFA000;
	p0 =	por $0x0, $0x0;
	s0 =	simm.s32 $0xA00  }
.LBB2_7:
0x33d: {  	v0 =	vld [tilespmem:s3+$0x0]  }
0x33e: {  	v1 =	vld [tilespmem:s2+$0x0];
	_ =	sdelay $0x3  }
0x33f: {  	v2 =	vshll.u32 v0, $0x3  }
0x340: {  	v0 =	vand.u32 $0x7F, v0;
	v3 =	vshll.u32 v1, $0x3;
	v2 =	vand.u32 $0xFFFFFC00, v2  }
0x341: {  	v19 =	vand.u32 $0x7F, v1;
	v20 =	vand.u32 $0xFFFFFC00, v3;
	v13 =	vor.u32 v0, v2  }
0x342: {  	v12 =	vor.u32 v19, v20  }
0x343: {  	v21 =	vor.u32 $0x80, v13  }
0x344: {  	v3 =	vld [tilespmem:s0+$0x0];
	v1 =	vor.u32 $0x80, v12  }
0x345: {  	v2 =	vld [tilespmem:s1+$0x0];
	v4 =	vor.u32 $0x100, v13  }
0x346: {  	v6 =	vor.u32 $0x100, v12;
	v5 =	vld.idx.msk [tilespmem:v13+s23+$0x0], $0xffff  }
0x347: {  	v8 =	vor.u32 $0x180, v13;
	v7 =	vld.idx.msk [tilespmem:v12+s23+$0x0], $0xffff  }
0x348: {  	v9 =	vor.u32 $0x180, v12;
	v0 =	vld.idx.msk [tilespmem:v21+s23+$0x0], $0xffff  }
0x349: {  	v10 =	vor.u32 $0x200, v13;
	v1 =	vld.idx.msk [tilespmem:v1+s23+$0x0], $0xffff  }
0x34a: {  	v11 =	vor.u32 $0x200, v12;
	v4 =	vld.idx.msk [tilespmem:v4+s23+$0x0], $0xffff  }
0x34b: {  	v14 =	vor.u32 $0x280, v13;
	v6 =	vld.idx.msk [tilespmem:v6+s23+$0x0], $0xffff  }
0x34c: {  	v15 =	vor.u32 $0x280, v12;
	v8 =	vld.idx.msk [tilespmem:v8+s23+$0x0], $0xffff  }
0x34d: {  	v16 =	vor.u32 $0x300, v13;
	v9 =	vld.idx.msk [tilespmem:v9+s23+$0x0], $0xffff  }
0x34e: {  	v17 =	vor.u32 $0x300, v12;
	v10 =	vld.idx.msk [tilespmem:v10+s23+$0x0], $0xffff  }
0x34f: {  	v18 =	vor.u32 $0x380, v13;
	v11 =	vld.idx.msk [tilespmem:v11+s23+$0x0], $0xffff  }
0x350: {  	v19 =	vor.u32 $0x380, v12;
	v14 =	vld.idx.msk [tilespmem:v14+s23+$0x0], $0xffff  }
0x351: {  	v15 =	vld.idx.msk [tilespmem:v15+s23+$0x0], $0xffff  }
0x352: {  	v16 =	vld.idx.msk [tilespmem:v16+s23+$0x0], $0xffff  }
0x353: {  	v17 =	vld.idx.msk [tilespmem:v17+s23+$0x0], $0xffff;
	v5 =	vmul.f32 v5, v2;
	v7 =	vmul.f32 v7, v3  }
0x354: {  	[smem:$0x7CB] =	sst s4;
	s5 =	sadd.s32 $0x40, s5;
	s13 =	sand.u32 $0xC00, s4;
	v34 =	vadd.s32 $0x1000, v13;
	v18 =	vld.idx.msk [tilespmem:v18+s23+$0x0], $0xffff;
	v0 =	vmul.f32 v0, v2;
	v1 =	vmul.f32 v1, v3  }
0x355: {  	[smem:$0x7CF] =	sst s0;
	s4 =	sand.u32 $0x40, s5;
	s19 =	sadd.s32 $0x12C00, s13;
	v19 =	vld.idx.msk [tilespmem:v19+s23+$0x0], $0xffff;
	v4 =	vmul.f32 v4, v2;
	v6 =	vmul.f32 v6, v3;
	v5 =	vadd.f32 v7, v5  }
0x356: {  	s29 =	sld [smem:$0x7CB];
	s28 =	sor.u32 s4, s19;
	s0 =	simm.s32 $0x1;
	v22 =	vmul.f32 v8, v2;
	v23 =	vmul.f32 v9, v3;
	v0 =	vadd.f32 v1, v0  }
0x357: {  	s0 =	simm.s32 @!p0 $0x0;
	v24 =	vmul.f32 v10, v2;
	v25 =	vmul.f32 v11, v3;
	v4 =	vadd.f32 v6, v4;
	[tilespmem:s28+$0x0] =	vst v5  }
0x358: {  	[smem:$0x7CD] =	sst s3;
	s0 =	sshll.u32 s0, $0x6;
	v26 =	vmul.f32 v14, v2;
	v27 =	vmul.f32 v15, v3;
	v28 =	vadd.f32 v23, v22;
	[tilespmem:s28+$0x80] =	vst v0  }
0x359: {  	s3 =	sld [smem:$0x7CB];
	s24 =	sadd.s32 s0, s29;
	v30 =	vmul.f32 v16, v2;
	v31 =	vmul.f32 v17, v3;
	v1 =	vadd.f32 v25, v24;
	[tilespmem:s28+$0x100] =	vst v4  }
0x35a: {  	s30 =	sor.u32 $0x200, s24;
	v32 =	vmul.f32 v18, v2;
	v33 =	vmul.f32 v19, v3;
	v29 =	vadd.f32 v27, v26;
	[tilespmem:s28+$0x180] =	vst v28  }
0x35b: {  	v36 =	vadd.s32 $0x1000, v12;
	s31 =	sor.u32 $0x280, s24;
	v35 =	vadd.f32 v31, v30;
	[tilespmem:s30+$0x12C00] =	vst v1  }
0x35c: {  	s6 =	sor.u32 s3, s5;
	v37 =	vadd.s32 $0x1080, v13;
	s0 =	sor.u32 $0x300, s24;
	v0 =	vadd.f32 v33, v32;
	[tilespmem:s31+$0x12C00] =	vst v29  }
0x35d: {  	s7 =	sor.u32 $0x380, s6;
	v38 =	vadd.s32 $0x1080, v12;
	[tilespmem:s0+$0x12C00] =	vst v35  }
0x35e: {  	v39 =	vadd.s32 $0x1100, v13;
	[tilespmem:s7+$0x12C00] =	vst v0  }
0x35f: {  	v41 =	vadd.s32 $0x1100, v12;
	v40 =	vld.idx.msk [tilespmem:v34+s23+$0x0], $0xffff  }
0x360: {  	v42 =	vadd.s32 $0x1180, v13;
	v5 =	vld.idx.msk [tilespmem:v36+s23+$0x0], $0xffff  }
0x361: {  	v43 =	vadd.s32 $0x1180, v12;
	v4 =	vld.idx.msk [tilespmem:v37+s23+$0x0], $0xffff  }
0x362: {  	v44 =	vadd.s32 $0x1200, v13;
	v1 =	vld.idx.msk [tilespmem:v38+s23+$0x0], $0xffff  }
0x363: {  	v45 =	vadd.s32 $0x1200, v12;
	v0 =	vld.idx.msk [tilespmem:v39+s23+$0x0], $0xffff  }
0x364: {  	v46 =	vadd.s32 $0x1280, v13;
	v7 =	vld.idx.msk [tilespmem:v41+s23+$0x0], $0xffff  }
0x365: {  	v47 =	vadd.s32 $0x1280, v12;
	v8 =	vld.idx.msk [tilespmem:v42+s23+$0x0], $0xffff  }
0x366: {  	v48 =	vadd.s32 $0x1300, v13;
	v9 =	vld.idx.msk [tilespmem:v43+s23+$0x0], $0xffff  }
0x367: {  	v49 =	vadd.s32 $0x1300, v12;
	v10 =	vld.idx.msk [tilespmem:v44+s23+$0x0], $0xffff  }
0x368: {  	v50 =	vadd.s32 $0x1380, v13;
	v11 =	vld.idx.msk [tilespmem:v45+s23+$0x0], $0xffff  }
0x369: {  	v51 =	vadd.s32 $0x1380, v12;
	v14 =	vld.idx.msk [tilespmem:v46+s23+$0x0], $0xffff  }
0x36a: {  	v15 =	vld.idx.msk [tilespmem:v47+s23+$0x0], $0xffff  }
0x36b: {  	v16 =	vld.idx.msk [tilespmem:v48+s23+$0x0], $0xffff;
	v6 =	vmul.f32 v40, v2  }
0x36c: {  	v17 =	vld.idx.msk [tilespmem:v49+s23+$0x0], $0xffff;
	v5 =	vmul.f32 v5, v3;
	v4 =	vmul.f32 v4, v2  }
0x36d: {  	v18 =	vld.idx.msk [tilespmem:v50+s23+$0x0], $0xffff;
	v1 =	vmul.f32 v1, v3;
	v0 =	vmul.f32 v0, v2  }
0x36e: {  	s28 =	sadd.s32 $0x13C00, s13;
	v19 =	vld.idx.msk [tilespmem:v51+s23+$0x0], $0xffff;
	v7 =	vmul.f32 v7, v3;
	v52 =	vmul.f32 v8, v2;
	v5 =	vadd.f32 v5, v6  }
0x36f: {  	s26 =	sadd.s32 $0x13C80, s13;
	s8 =	sor.u32 s4, s28;
	v53 =	vmul.f32 v9, v3;
	v54 =	vmul.f32 v10, v2;
	v1 =	vadd.f32 v1, v4  }
0x370: {  	s25 =	sadd.s32 $0x13D00, s13;
	s6 =	sor.u32 s4, s26;
	v55 =	vmul.f32 v11, v3;
	v56 =	vmul.f32 v14, v2;
	v0 =	vadd.f32 v7, v0;
	[tilespmem:s8+$0x0] =	vst v5  }
0x371: {  	s9 =	sor.u32 s4, s25;
	s3 =	sadd.s32 $0x13D80, s13;
	v57 =	vmul.f32 v15, v3;
	v60 =	vmul.f32 v16, v2;
	v58 =	vadd.f32 v53, v52;
	[tilespmem:s6+$0x0] =	vst v1  }
0x372: {  	s10 =	sor.u32 s4, s3;
	s29 =	sadd.s32 $0x13E00, s13;
	v61 =	vmul.f32 v17, v3;
	v62 =	vmul.f32 v18, v2;
	v4 =	vadd.f32 v55, v54;
	[tilespmem:s9+$0x0] =	vst v0  }
0x373: {  	[smem:$0x7CE] =	sst s5;
	s5 =	sadd.s32 $0x13E80, s13;
	s11 =	sor.u32 s4, s29;
	v63 =	vmul.f32 v19, v3;
	v14 =	vadd.s32 $0x2000, v13;
	v59 =	vadd.f32 v57, v56;
	[tilespmem:s10+$0x0] =	vst v58  }
0x374: {  	s12 =	sor.u32 s4, s5;
	v16 =	vadd.s32 $0x2000, v12;
	v15 =	vadd.f32 v61, v60;
	s9 =	sadd.s32 $0x13F00, s13;
	[tilespmem:s11+$0x0] =	vst v4  }
0x375: {  	s18 =	sadd.s32 $0x13F80, s13;
	v18 =	vadd.s32 $0x2080, v13;
	v17 =	vadd.f32 v63, v62;
	s11 =	sor.u32 s4, s9;
	[tilespmem:s12+$0x0] =	vst v59  }
0x376: {  	s14 =	sor.u32 s4, s18;
	v19 =	vadd.s32 $0x2080, v12;
	[tilespmem:s11+$0x0] =	vst v15  }
0x377: {  	v20 =	vadd.s32 $0x2100, v13;
	[tilespmem:s14+$0x0] =	vst v17  }
0x378: {  	v22 =	vadd.s32 $0x2100, v12;
	v21 =	vld.idx.msk [tilespmem:v14+s23+$0x0], $0xffff  }
0x379: {  	v23 =	vadd.s32 $0x2180, v13;
	v5 =	vld.idx.msk [tilespmem:v16+s23+$0x0], $0xffff  }
0x37a: {  	v24 =	vadd.s32 $0x2180, v12;
	v1 =	vld.idx.msk [tilespmem:v18+s23+$0x0], $0xffff  }
0x37b: {  	v25 =	vadd.s32 $0x2200, v13;
	v4 =	vld.idx.msk [tilespmem:v19+s23+$0x0], $0xffff  }
0x37c: {  	v26 =	vadd.s32 $0x2200, v12;
	v0 =	vld.idx.msk [tilespmem:v20+s23+$0x0], $0xffff  }
0x37d: {  	v27 =	vadd.s32 $0x2280, v13;
	v7 =	vld.idx.msk [tilespmem:v22+s23+$0x0], $0xffff  }
0x37e: {  	v28 =	vadd.s32 $0x2280, v12;
	v8 =	vld.idx.msk [tilespmem:v23+s23+$0x0], $0xffff  }
0x37f: {  	v29 =	vadd.s32 $0x2300, v13;
	v9 =	vld.idx.msk [tilespmem:v24+s23+$0x0], $0xffff  }
0x380: {  	v30 =	vadd.s32 $0x2300, v12;
	v10 =	vld.idx.msk [tilespmem:v25+s23+$0x0], $0xffff  }
0x381: {  	v31 =	vadd.s32 $0x2380, v13;
	v11 =	vld.idx.msk [tilespmem:v26+s23+$0x0], $0xffff  }
0x382: {  	v32 =	vadd.s32 $0x2380, v12;
	v14 =	vld.idx.msk [tilespmem:v27+s23+$0x0], $0xffff  }
0x383: {  	v15 =	vld.idx.msk [tilespmem:v28+s23+$0x0], $0xffff  }
0x384: {  	v16 =	vld.idx.msk [tilespmem:v29+s23+$0x0], $0xffff  }
0x385: {  	v17 =	vld.idx.msk [tilespmem:v30+s23+$0x0], $0xffff;
	v6 =	vmul.f32 v21, v2;
	v5 =	vmul.f32 v5, v3  }
0x386: {  	v45 =	vadd.s32 $0x3000, v13;
	v18 =	vld.idx.msk [tilespmem:v31+s23+$0x0], $0xffff;
	v1 =	vmul.f32 v1, v2;
	v4 =	vmul.f32 v4, v3  }
0x387: {  	[smem:$0x7D0] =	sst s1;
	s1 =	sadd.s32 $0x14C00, s13;
	v19 =	vld.idx.msk [tilespmem:v32+s23+$0x0], $0xffff;
	v0 =	vmul.f32 v0, v2;
	v7 =	vmul.f32 v7, v3;
	v5 =	vadd.f32 v5, v6  }
0x388: {  	s10 =	sadd.s32 $0x14C80, s13;
	s12 =	sor.u32 s4, s1;
	v33 =	vmul.f32 v8, v2;
	v34 =	vmul.f32 v9, v3;
	v1 =	vadd.f32 v4, v1  }
0x389: {  	s6 =	sadd.s32 $0x14D00, s13;
	s15 =	sor.u32 s4, s10;
	v35 =	vmul.f32 v10, v2;
	v36 =	vmul.f32 v11, v3;
	v0 =	vadd.f32 v7, v0;
	[tilespmem:s12+$0x0] =	vst v5  }
0x38a: {  	s16 =	sadd.s32 $0x14D80, s13;
	s14 =	sor.u32 s4, s6;
	v37 =	vmul.f32 v14, v2;
	v38 =	vmul.f32 v15, v3;
	v39 =	vadd.f32 v34, v33;
	[tilespmem:s15+$0x0] =	vst v1  }
0x38b: {  	s21 =	sadd.s32 $0x14E00, s13;
	s17 =	sor.u32 s4, s16;
	v41 =	vmul.f32 v16, v2;
	v42 =	vmul.f32 v17, v3;
	v4 =	vadd.f32 v36, v35;
	[tilespmem:s14+$0x0] =	vst v0  }
0x38c: {  	s22 =	sor.u32 s4, s21;
	s30 =	sadd.s32 $0x14E80, s13;
	v43 =	vmul.f32 v18, v2;
	v44 =	vmul.f32 v19, v3;
	v40 =	vadd.f32 v38, v37;
	[tilespmem:s17+$0x0] =	vst v39  }
0x38d: {  	s31 =	sor.u32 s4, s30;
	v47 =	vadd.s32 $0x3000, v12;
	s11 =	sadd.s32 $0x14F00, s13;
	v46 =	vadd.f32 v42, v41;
	[tilespmem:s22+$0x0] =	vst v4  }
0x38e: {  	[smem:$0x7B0] =	sst s30;
	s30 =	sadd.s32 $0x14F80, s13;
	v49 =	vadd.s32 $0x3080, v13;
	s0 =	sor.u32 s4, s11;
	v48 =	vadd.f32 v44, v43;
	[tilespmem:s31+$0x0] =	vst v40  }
0x38f: {  	[smem:$0x7CC] =	sst s2;
	s2 =	sor.u32 s4, s30;
	v50 =	vadd.s32 $0x3080, v12;
	[tilespmem:s0+$0x0] =	vst v46  }
0x390: {  	v51 =	vadd.s32 $0x3100, v13;
	[tilespmem:s2+$0x0] =	vst v48  }
0x391: {  	v53 =	vadd.s32 $0x3100, v12;
	v52 =	vld.idx.msk [tilespmem:v45+s23+$0x0], $0xffff  }
0x392: {  	v54 =	vadd.s32 $0x3180, v13;
	v5 =	vld.idx.msk [tilespmem:v47+s23+$0x0], $0xffff  }
0x393: {  	v55 =	vadd.s32 $0x3180, v12;
	v1 =	vld.idx.msk [tilespmem:v49+s23+$0x0], $0xffff  }
0x394: {  	v56 =	vadd.s32 $0x3200, v13;
	v4 =	vld.idx.msk [tilespmem:v50+s23+$0x0], $0xffff  }
0x395: {  	v57 =	vadd.s32 $0x3200, v12;
	v0 =	vld.idx.msk [tilespmem:v51+s23+$0x0], $0xffff  }
0x396: {  	v58 =	vadd.s32 $0x3280, v13;
	v7 =	vld.idx.msk [tilespmem:v53+s23+$0x0], $0xffff  }
0x397: {  	v59 =	vadd.s32 $0x3280, v12;
	v8 =	vld.idx.msk [tilespmem:v54+s23+$0x0], $0xffff  }
0x398: {  	v60 =	vadd.s32 $0x3300, v13;
	v9 =	vld.idx.msk [tilespmem:v55+s23+$0x0], $0xffff  }
0x399: {  	v61 =	vadd.s32 $0x3300, v12;
	v10 =	vld.idx.msk [tilespmem:v56+s23+$0x0], $0xffff  }
0x39a: {  	v62 =	vadd.s32 $0x3380, v13;
	v11 =	vld.idx.msk [tilespmem:v57+s23+$0x0], $0xffff  }
0x39b: {  	v63 =	vadd.s32 $0x3380, v12;
	v14 =	vld.idx.msk [tilespmem:v58+s23+$0x0], $0xffff  }
0x39c: {  	v15 =	vld.idx.msk [tilespmem:v59+s23+$0x0], $0xffff  }
0x39d: {  	v16 =	vld.idx.msk [tilespmem:v60+s23+$0x0], $0xffff  }
0x39e: {  	v17 =	vld.idx.msk [tilespmem:v61+s23+$0x0], $0xffff;
	v6 =	vmul.f32 v52, v2;
	v5 =	vmul.f32 v5, v3  }
0x39f: {  	[smem:$0x7AE] =	sst s16;
	v33 =	vadd.s32 $0x4000, v13;
	v18 =	vld.idx.msk [tilespmem:v62+s23+$0x0], $0xffff;
	v1 =	vmul.f32 v1, v2;
	v4 =	vmul.f32 v4, v3  }
0x3a0: {  	[smem:$0x7AF] =	sst s21;
	s7 =	sadd.s32 $0x15C00, s13;
	v19 =	vld.idx.msk [tilespmem:v63+s23+$0x0], $0xffff;
	v0 =	vmul.f32 v0, v2;
	v7 =	vmul.f32 v7, v3;
	v5 =	vadd.f32 v5, v6  }
0x3a1: {  	s8 =	sor.u32 s4, s7;
	s12 =	sadd.s32 $0x15C80, s13;
	s22 =	sld [smem:$0x7CE];
	v21 =	vmul.f32 v8, v2;
	v22 =	vmul.f32 v9, v3;
	v1 =	vadd.f32 v4, v1  }
0x3a2: {  	[smem:$0x7B1] =	sst s7;
	s7 =	sadd.s32 $0x15D00, s13;
	s15 =	sor.u32 s4, s12;
	v23 =	vmul.f32 v10, v2;
	v24 =	vmul.f32 v11, v3;
	v0 =	vadd.f32 v7, v0;
	[tilespmem:s8+$0x0] =	vst v5  }
0x3a3: {  	s16 =	sadd.s32 $0x15D80, s13;
	s21 =	sadd.s32 $0x15E00, s13;
	s17 =	sor.u32 s4, s7;
	v25 =	vmul.f32 v14, v2;
	v26 =	vmul.f32 v15, v3;
	v27 =	vadd.f32 v22, v21;
	[tilespmem:s15+$0x0] =	vst v1  }
0x3a4: {  	s14 =	sor.u32 $0x10, s4;
	s22 =	sand.u32 $0x180, s22;
	v29 =	vmul.f32 v16, v2;
	v30 =	vmul.f32 v17, v3;
	v4 =	vadd.f32 v24, v23;
	s15 =	sor.u32 s4, s16;
	[tilespmem:s17+$0x0] =	vst v0  }
0x3a5: {  	s31 =	sor.u32 s4, s21;
	s2 =	sadd.s32 $0x15E80, s13;
	v31 =	vmul.f32 v18, v2;
	v32 =	vmul.f32 v19, v3;
	v28 =	vadd.f32 v26, v25;
	s17 =	sor.u32 s22, s14;
	[tilespmem:s15+$0x0] =	vst v27  }
0x3a6: {  	v35 =	vadd.s32 $0x4000, v12;
	s0 =	sor.u32 s4, s2;
	v34 =	vadd.f32 v30, v29;
	s8 =	sadd.s32 $0x15F00, s13;
	v36 =	vld [tilespmem:s17+$0x400];
	[tilespmem:s31+$0x0] =	vst v4  }
0x3a7: {  	[smem:$0x7B2] =	sst s21;
	v38 =	vadd.s32 $0x4080, v13;
	v37 =	vadd.f32 v32, v31;
	s21 =	sor.u32 s4, s8;
	v39 =	vld [tilespmem:s17+$0x600];
	s31 =	sadd.s32 $0x15F80, s13;
	[tilespmem:s0+$0x0] =	vst v28  }
0x3a8: {  	v40 =	vadd.s32 $0x4080, v12;
	[smem:$0x7B3] =	sst s8;
	v5 =	vld [tilespmem:s17+$0x800];
	s8 =	sor.u32 s4, s31;
	[tilespmem:s21+$0x0] =	vst v34  }
0x3a9: {  	v41 =	vadd.s32 $0x4100, v13;
	v4 =	vld [tilespmem:s17+$0xA00];
	[tilespmem:s8+$0x0] =	vst v37  }
0x3aa: {  	v42 =	vadd.s32 $0x4100, v12;
	v11 =	vld.idx.msk [tilespmem:v33+s23+$0x0], $0xffff  }
0x3ab: {  	v44 =	vadd.s32 $0x4180, v12;
	v6 =	vld.idx.msk [tilespmem:v35+s23+$0x0], $0xffff  }
0x3ac: {  	v45 =	vadd.s32 $0x4200, v13;
	v1 =	vld.idx.msk [tilespmem:v38+s23+$0x0], $0xffff  }
0x3ad: {  	v43 =	vadd.s32 $0x4180, v13;
	v54 =	vadd.s32 $0x4380, v12;
	v46 =	vshll.u32 v36, $0x3;
	v10 =	vld.idx.msk [tilespmem:v40+s23+$0x0], $0xffff  }
0x3ae: {  	v9 =	vand.u32 $0x7F, v36;
	v47 =	vshll.u32 v39, $0x3;
	v0 =	vld.idx.msk [tilespmem:v41+s23+$0x0], $0xffff;
	v17 =	vand.u32 $0xFFFFFC00, v46  }
0x3af: {  	v7 =	vand.u32 $0x7F, v39;
	v49 =	vld.idx.msk [tilespmem:v42+s23+$0x0], $0xffff;
	v48 =	vand.u32 $0xFFFFFC00, v47;
	v9 =	vor.u32 v9, v17  }
0x3b0: {  	v15 =	vld.idx.msk [tilespmem:v44+s23+$0x0], $0xffff;
	v8 =	vor.u32 v7, v48  }
0x3b1: {  	v16 =	vld.idx.msk [tilespmem:v45+s23+$0x0], $0xffff;
	v60 =	vor.u32 $0x80, v9  }
0x3b2: {  	v7 =	vld.idx.msk [tilespmem:v43+s23+$0x0], $0xffff;
	v17 =	vor.u32 $0x80, v8  }
0x3b3: {  	v43 =	vld.idx.msk [tilespmem:v54+s23+$0x0], $0xffff;
	v61 =	vor.u32 $0x100, v9  }
0x3b4: {  	v21 =	vor.u32 $0x100, v8;
	v20 =	vld.idx.msk [tilespmem:v9+s23+$0x0], $0xffff  }
0x3b5: {  	v23 =	vor.u32 $0x180, v9;
	v22 =	vld.idx.msk [tilespmem:v8+s23+$0x0], $0xffff  }
0x3b6: {  	v24 =	vor.u32 $0x180, v8;
	v14 =	vld.idx.msk [tilespmem:v60+s23+$0x0], $0xffff  }
0x3b7: {  	v25 =	vor.u32 $0x200, v9;
	v17 =	vld.idx.msk [tilespmem:v17+s23+$0x0], $0xffff  }
0x3b8: {  	v26 =	vor.u32 $0x200, v8;
	v19 =	vld.idx.msk [tilespmem:v61+s23+$0x0], $0xffff  }
0x3b9: {  	v27 =	vor.u32 $0x280, v9;
	v21 =	vld.idx.msk [tilespmem:v21+s23+$0x0], $0xffff  }
0x3ba: {  	v28 =	vor.u32 $0x280, v8;
	v23 =	vld.idx.msk [tilespmem:v23+s23+$0x0], $0xffff  }
0x3bb: {  	v29 =	vor.u32 $0x300, v9;
	v24 =	vld.idx.msk [tilespmem:v24+s23+$0x0], $0xffff  }
0x3bc: {  	v30 =	vor.u32 $0x300, v8;
	v25 =	vld.idx.msk [tilespmem:v25+s23+$0x0], $0xffff  }
0x3bd: {  	v31 =	vor.u32 $0x380, v9;
	v26 =	vld.idx.msk [tilespmem:v26+s23+$0x0], $0xffff  }
0x3be: {  	v32 =	vor.u32 $0x380, v8;
	v27 =	vld.idx.msk [tilespmem:v27+s23+$0x0], $0xffff  }
0x3bf: {  	v34 =	vadd.s32 $0x4280, v13;
	v37 =	vadd.s32 $0x4300, v12;
	v28 =	vld.idx.msk [tilespmem:v28+s23+$0x0], $0xffff  }
0x3c0: {  	v33 =	vadd.s32 $0x4200, v12;
	v35 =	vadd.s32 $0x4280, v12;
	v29 =	vld.idx.msk [tilespmem:v29+s23+$0x0], $0xffff;
	v20 =	vmul.f32 v20, v5  }
0x3c1: {  	v36 =	vadd.s32 $0x4300, v13;
	v30 =	vld.idx.msk [tilespmem:v30+s23+$0x0], $0xffff;
	v22 =	vmul.f32 v22, v4;
	v14 =	vmul.f32 v14, v5  }
0x3c2: {  	v38 =	vadd.s32 $0x4380, v13;
	v31 =	vld.idx.msk [tilespmem:v31+s23+$0x0], $0xffff;
	v17 =	vmul.f32 v17, v4;
	v19 =	vmul.f32 v19, v5  }
0x3c3: {  	v32 =	vld.idx.msk [tilespmem:v32+s23+$0x0], $0xffff;
	v21 =	vmul.f32 v21, v4;
	v62 =	vmul.f32 v23, v5;
	v20 =	vadd.f32 v22, v20  }
0x3c4: {  	s21 =	sor.u32 s14, s19;
	v39 =	vld.idx.msk [tilespmem:v37+s23+$0x0], $0xffff;
	v63 =	vmul.f32 v24, v4;
	v50 =	vmul.f32 v25, v5;
	v14 =	vadd.f32 v17, v14  }
0x3c5: {  	[smem:$0x7B5] =	sst s19;
	v51 =	vmul.f32 v26, v4;
	v52 =	vmul.f32 v27, v5;
	v19 =	vadd.f32 v21, v19;
	[tilespmem:s21+$0x0] =	vst v20  }
0x3c6: {  	[smem:$0x7BF] =	sst s16;
	v53 =	vmul.f32 v28, v4;
	v57 =	vmul.f32 v29, v5;
	v55 =	vadd.f32 v63, v62;
	[tilespmem:s21+$0x80] =	vst v14  }
0x3c7: {  	[smem:$0x7B4] =	sst s31;
	s31 =	sadd.s32 $0x10, s24;
	v58 =	vmul.f32 v30, v4;
	v60 =	vmul.f32 v31, v5;
	v17 =	vadd.f32 v51, v50;
	[tilespmem:s21+$0x100] =	vst v19  }
0x3c8: {  	[smem:$0x7B6] =	sst s29;
	s0 =	sor.u32 $0x200, s31;
	v33 =	vld.idx.msk [tilespmem:v33+s23+$0x0], $0xffff;
	v61 =	vmul.f32 v32, v4;
	v56 =	vadd.f32 v53, v52;
	v62 =	vadd.s32 $0x1000, v9;
	[tilespmem:s21+$0x180] =	vst v55  }
0x3c9: {  	[smem:$0x7BC] =	sst s30;
	s8 =	sor.u32 $0x280, s31;
	v63 =	vld.idx.msk [tilespmem:v36+s23+$0x0], $0xffff;
	v36 =	vadd.s32 $0x1000, v8;
	v20 =	vadd.f32 v58, v57;
	[tilespmem:s0+$0x12C00] =	vst v17  }
0x3ca: {  	[smem:$0x7BE] =	sst s7;
	s19 =	sor.u32 $0x300, s31;
	v40 =	vadd.s32 $0x1080, v9;
	v59 =	vld.idx.msk [tilespmem:v35+s23+$0x0], $0xffff;
	v22 =	vadd.f32 v61, v60;
	[tilespmem:s8+$0x12C00] =	vst v56  }
0x3cb: {  	[smem:$0x7BB] =	sst s6;
	v42 =	vadd.s32 $0x1080, v8;
	v41 =	vld.idx.msk [tilespmem:v38+s23+$0x0], $0xffff;
	s21 =	sor.u32 $0x380, s31;
	[tilespmem:s19+$0x12C00] =	vst v20  }
0x3cc: {  	[smem:$0x7BD] =	sst s12;
	v44 =	vadd.s32 $0x1100, v9;
	v26 =	vld.idx.msk [tilespmem:v34+s23+$0x0], $0xffff;
	[tilespmem:s21+$0x12C00] =	vst v22  }
0x3cd: {  	[smem:$0x7C0] =	sst s2;
	v45 =	vadd.s32 $0x1100, v8;
	v25 =	vld.idx.msk [tilespmem:v62+s23+$0x0], $0xffff  }
0x3ce: {  	v46 =	vadd.s32 $0x1180, v9;
	v21 =	vld.idx.msk [tilespmem:v36+s23+$0x0], $0xffff  }
0x3cf: {  	v48 =	vadd.s32 $0x1180, v8;
	v47 =	vld.idx.msk [tilespmem:v40+s23+$0x0], $0xffff  }
0x3d0: {  	v18 =	vmul.f32 v49, v3;
	v50 =	vadd.s32 $0x1200, v9;
	v49 =	vld.idx.msk [tilespmem:v42+s23+$0x0], $0xffff  }
0x3d1: {  	v11 =	vmul.f32 v11, v2;
	v6 =	vmul.f32 v6, v3;
	v51 =	vadd.s32 $0x1200, v8;
	v27 =	vld.idx.msk [tilespmem:v44+s23+$0x0], $0xffff  }
0x3d2: {  	v1 =	vmul.f32 v1, v2;
	v10 =	vmul.f32 v10, v3;
	v52 =	vadd.s32 $0x1280, v9;
	v29 =	vld.idx.msk [tilespmem:v45+s23+$0x0], $0xffff  }
0x3d3: {  	v54 =	vadd.s32 $0x1280, v8;
	v0 =	vmul.f32 v0, v2;
	v15 =	vmul.f32 v15, v3;
	v53 =	vld.idx.msk [tilespmem:v46+s23+$0x0], $0xffff  }
0x3d4: {  	v16 =	vmul.f32 v16, v2;
	v6 =	vadd.f32 v6, v11;
	v57 =	vadd.s32 $0x1300, v9;
	v11 =	vld.idx.msk [tilespmem:v48+s23+$0x0], $0xffff  }
0x3d5: {  	v7 =	vmul.f32 v7, v2;
	v60 =	vadd.s32 $0x1300, v8;
	v14 =	vmul.f32 v59, v3;
	v59 =	vld.idx.msk [tilespmem:v50+s23+$0x0], $0xffff  }
0x3d6: {  	v24 =	vmul.f32 v33, v3;
	v28 =	vadd.s32 $0x1380, v9;
	s19 =	sadd.s32 $0x16C00, s13;
	v61 =	vmul.f32 v63, v2;
	v63 =	vld.idx.msk [tilespmem:v51+s23+$0x0], $0xffff  }
0x3d7: {  	v1 =	vadd.f32 v10, v1;
	v32 =	vmul.f32 v41, v2;
	v33 =	vmul.f32 v43, v3;
	s0 =	sadd.s32 $0x16C80, s13;
	s31 =	sor.u32 s4, s19;
	v30 =	vld.idx.msk [tilespmem:v52+s23+$0x0], $0xffff  }
0x3d8: {  	s17 =	sadd.s32 $0x16D00, s13;
	v0 =	vadd.f32 v18, v0;
	v31 =	vadd.s32 $0x1380, v8;
	v55 =	vadd.f32 v15, v7;
	s8 =	sor.u32 s4, s0;
	[tilespmem:s31+$0x0] =	vst v6;
	v18 =	vld.idx.msk [tilespmem:v54+s23+$0x0], $0xffff  }
0x3d9: {  	v58 =	vmul.f32 v26, v2;
	v17 =	vadd.f32 v33, v32;
	s21 =	sor.u32 s4, s17;
	[smem:$0x7C8] =	sst s0;
	s31 =	sadd.s32 $0x16D80, s13;
	v34 =	vld.idx.msk [tilespmem:v57+s23+$0x0], $0xffff;
	[tilespmem:s8+$0x0] =	vst v1  }
0x3da: {  	v56 =	vadd.f32 v24, v16;
	v62 =	vmul.f32 v39, v3;
	v36 =	vld.idx.msk [tilespmem:v60+s23+$0x0], $0xffff;
	[smem:$0x7B8] =	sst s31;
	s0 =	sor.u32 s4, s31;
	s31 =	sadd.s32 $0x16E00, s13;
	[tilespmem:s21+$0x0] =	vst v0  }
0x3db: {  	v43 =	vadd.s32 $0x5000, v13;
	[smem:$0x7B7] =	sst s17;
	s17 =	sadd.s32 $0x16E80, s13;
	v38 =	vld.idx.msk [tilespmem:v28+s23+$0x0], $0xffff;
	s8 =	sor.u32 s4, s31;
	v0 =	vadd.f32 v14, v58;
	[tilespmem:s0+$0x0] =	vst v55;
	v35 =	vmul.f32 v25, v5  }
0x3dc: {  	v1 =	vadd.f32 v62, v61;
	s21 =	sor.u32 s4, s17;
	s0 =	sadd.s32 $0x16F00, s13;
	[tilespmem:s8+$0x0] =	vst v56;
	v21 =	vmul.f32 v21, v4;
	v10 =	vmul.f32 v47, v5  }
0x3dd: {  	v46 =	vadd.s32 $0x2000, v9;
	[smem:$0x7B9] =	sst s17;
	s17 =	sadd.s32 $0x16F80, s13;
	v14 =	vld.idx.msk [tilespmem:v31+s23+$0x0], $0xffff;
	s8 =	sor.u32 s4, s0;
	[tilespmem:s21+$0x0] =	vst v0;
	v37 =	vmul.f32 v49, v4;
	v39 =	vmul.f32 v27, v5  }
0x3de: {  	[smem:$0x7C2] =	sst s26;
	v40 =	vmul.f32 v29, v4;
	v6 =	vmul.f32 v53, v5;
	s21 =	sor.u32 s4, s17;
	[tilespmem:s8+$0x0] =	vst v1;
	v15 =	vadd.f32 v21, v35  }
0x3df: {  	[smem:$0x7CA] =	sst s0;
	s0 =	sor.u32 s14, s28;
	v11 =	vmul.f32 v11, v4;
	v16 =	vmul.f32 v59, v5;
	[tilespmem:s21+$0x0] =	vst v17;
	v10 =	vadd.f32 v37, v10  }
0x3e0: {  	s15 =	sor.u32 $0x20, s4;
	[smem:$0x7C3] =	sst s25;
	v41 =	vmul.f32 v63, v4;
	v7 =	vmul.f32 v30, v5;
	s8 =	sor.u32 s14, s26;
	v42 =	vadd.f32 v40, v39;
	[tilespmem:s0+$0x0] =	vst v15  }
0x3e1: {  	v18 =	vmul.f32 v18, v4;
	v63 =	vadd.s32 $0x5000, v12;
	v6 =	vadd.f32 v11, v6;
	s0 =	smov.u32 s26;
	s26 =	smov.u32 s25;
	s25 =	sor.u32 s14, s25;
	[tilespmem:s8+$0x0] =	vst v10  }
0x3e2: {  	[smem:$0x7BA] =	sst s17;
	v0 =	vmul.f32 v34, v5;
	s17 =	sor.u32 s14, s3;
	v1 =	vmul.f32 v36, v4;
	v44 =	vadd.f32 v41, v16;
	s21 =	sor.u32 s22, s15;
	[tilespmem:s25+$0x0] =	vst v42  }
0x3e3: {  	s29 =	sor.u32 s14, s29;
	v45 =	vmul.f32 v38, v5;
	v7 =	vadd.f32 v18, v7;
	v14 =	vmul.f32 v14, v4;
	v11 =	vld [tilespmem:s21+$0x600];
	[tilespmem:s17+$0x0] =	vst v6  }
0x3e4: {  	v47 =	vadd.s32 $0x2000, v8;
	v0 =	vadd.f32 v1, v0;
	v22 =	vld.idx.msk [tilespmem:v43+s23+$0x0], $0xffff;
	s8 =	sor.u32 s14, s5;
	[tilespmem:s29+$0x0] =	vst v44  }
0x3e5: {  	v48 =	vadd.s32 $0x2080, v9;
	[smem:$0x7C5] =	sst s9;
	v14 =	vadd.f32 v14, v45;
	v10 =	vld [tilespmem:s21+$0x400];
	s17 =	smov.u32 s9;
	s9 =	sor.u32 s14, s9;
	[tilespmem:s8+$0x0] =	vst v7  }
0x3e6: {  	v49 =	vadd.s32 $0x2080, v8;
	v25 =	vld.idx.msk [tilespmem:v63+s23+$0x0], $0xffff;
	s29 =	sor.u32 s14, s18;
	[tilespmem:s9+$0x0] =	vst v0  }
0x3e7: {  	v50 =	vadd.s32 $0x2100, v9;
	v6 =	vld [tilespmem:s21+$0x800];
	[tilespmem:s29+$0x0] =	vst v14  }
0x3e8: {  	v51 =	vadd.s32 $0x2100, v8;
	v15 =	vld.idx.msk [tilespmem:v46+s23+$0x0], $0xffff  }
0x3e9: {  	v52 =	vadd.s32 $0x2180, v9;
	v1 =	vld.idx.msk [tilespmem:v47+s23+$0x0], $0xffff  }
0x3ea: {  	v53 =	vadd.s32 $0x2180, v8;
	v16 =	vld.idx.msk [tilespmem:v48+s23+$0x0], $0xffff  }
0x3eb: {  	v54 =	vadd.s32 $0x2200, v9;
	v0 =	vld.idx.msk [tilespmem:v49+s23+$0x0], $0xffff  }
0x3ec: {  	v55 =	vadd.s32 $0x2200, v8;
	v14 =	vld.idx.msk [tilespmem:v50+s23+$0x0], $0xffff  }
0x3ed: {  	v56 =	vadd.s32 $0x2280, v9;
	v17 =	vld.idx.msk [tilespmem:v51+s23+$0x0], $0xffff  }
0x3ee: {  	v57 =	vadd.s32 $0x2280, v8;
	v18 =	vld.idx.msk [tilespmem:v52+s23+$0x0], $0xffff  }
0x3ef: {  	v58 =	vadd.s32 $0x2300, v9;
	v19 =	vld.idx.msk [tilespmem:v53+s23+$0x0], $0xffff  }
0x3f0: {  	v59 =	vadd.s32 $0x2300, v8;
	v20 =	vld.idx.msk [tilespmem:v54+s23+$0x0], $0xffff  }
0x3f1: {  	v60 =	vadd.s32 $0x2380, v9;
	v21 =	vld.idx.msk [tilespmem:v55+s23+$0x0], $0xffff  }
0x3f2: {  	v62 =	vadd.s32 $0x2380, v8;
	v61 =	vld.idx.msk [tilespmem:v56+s23+$0x0], $0xffff  }
0x3f3: {  	v45 =	vadd.s32 $0x5100, v13;
	v24 =	vld.idx.msk [tilespmem:v57+s23+$0x0], $0xffff;
	v15 =	vmul.f32 v15, v5;
	v1 =	vmul.f32 v1, v4  }
0x3f4: {  	v42 =	vadd.s32 $0x5080, v13;
	v43 =	vld.idx.msk [tilespmem:v58+s23+$0x0], $0xffff;
	v16 =	vmul.f32 v16, v5;
	v0 =	vmul.f32 v0, v4  }
0x3f5: {  	v44 =	vadd.s32 $0x5080, v12;
	v46 =	vadd.s32 $0x5100, v12;
	v47 =	vld.idx.msk [tilespmem:v59+s23+$0x0], $0xffff;
	v1 =	vadd.f32 v1, v15  }
0x3f6: {  	s8 =	sor.u32 s14, s1;
	v50 =	vld.idx.msk [tilespmem:v60+s23+$0x0], $0xffff;
	v14 =	vmul.f32 v14, v5;
	v17 =	vmul.f32 v17, v4;
	v0 =	vadd.f32 v0, v16  }
0x3f7: {  	s9 =	sor.u32 s14, s10;
	v48 =	vadd.s32 $0x5180, v13;
	v39 =	vld.idx.msk [tilespmem:v62+s23+$0x0], $0xffff;
	v53 =	vmul.f32 v18, v5;
	v54 =	vmul.f32 v19, v4;
	[tilespmem:s8+$0x0] =	vst v1;
	s8 =	sld [smem:$0x7AE]  }
0x3f8: {  	v7 =	vld [tilespmem:s21+$0xA00];
	v55 =	vmul.f32 v20, v5;
	v56 =	vmul.f32 v21, v4;
	v14 =	vadd.f32 v17, v14;
	[tilespmem:s9+$0x0] =	vst v0;
	s9 =	sld [smem:$0x7AF]  }
0x3f9: {  	v23 =	vld.idx.msk [tilespmem:v45+s23+$0x0], $0xffff;
	s29 =	smov.u32 s1;
	s1 =	smov.u32 s10;
	s10 =	sor.u32 s14, s6;
	v49 =	vadd.s32 $0x5180, v12;
	v16 =	vadd.f32 v54, v53  }
0x3fa: {  	v26 =	vld.idx.msk [tilespmem:v42+s23+$0x0], $0xffff;
	v51 =	vadd.s32 $0x5200, v13;
	v17 =	vadd.f32 v56, v55;
	[tilespmem:s10+$0x0] =	vst v14;
	s25 =	sor.u32 s14, s8  }
0x3fb: {  	v35 =	vadd.s32 $0x3000, v9;
	v52 =	vadd.s32 $0x5200, v12;
	v27 =	vld.idx.msk [tilespmem:v44+s23+$0x0], $0xffff;
	[tilespmem:s25+$0x0] =	vst v16;
	s6 =	sor.u32 s14, s9  }
0x3fc: {  	v60 =	vadd.s32 $0x5280, v12;
	v58 =	vmul.f32 v61, v5;
	v59 =	vmul.f32 v24, v4;
	v24 =	vld.idx.msk [tilespmem:v46+s23+$0x0], $0xffff;
	[tilespmem:s6+$0x0] =	vst v17;
	s6 =	sld [smem:$0x7B0]  }
0x3fd: {  	v57 =	vadd.s32 $0x5280, v13;
	v20 =	vld.idx.msk [tilespmem:v48+s23+$0x0], $0xffff;
	v62 =	vmul.f32 v43, v5;
	v63 =	vmul.f32 v47, v4  }
0x3fe: {  	v21 =	vld.idx.msk [tilespmem:v49+s23+$0x0], $0xffff;
	v33 =	vmul.f32 v50, v5;
	v34 =	vmul.f32 v39, v4;
	v61 =	vadd.f32 v59, v58  }
0x3ff: {  	v37 =	vadd.s32 $0x3000, v8;
	v19 =	vld.idx.msk [tilespmem:v51+s23+$0x0], $0xffff;
	v36 =	vadd.f32 v63, v62;
	s10 =	sor.u32 s14, s6  }
0x400: {  	v18 =	vld.idx.msk [tilespmem:v52+s23+$0x0], $0xffff;
	v39 =	vadd.s32 $0x3080, v9;
	v38 =	vadd.f32 v34, v33;
	[tilespmem:s10+$0x0] =	vst v61;
	s10 =	smov.u32 s11;
	s11 =	sor.u32 s14, s11  }
0x401: {  	v40 =	vadd.s32 $0x3080, v8;
	v41 =	vld.idx.msk [tilespmem:v60+s23+$0x0], $0xffff;
	s25 =	sor.u32 s14, s30;
	[tilespmem:s11+$0x0] =	vst v36  }
0x402: {  	v42 =	vadd.s32 $0x3100, v9;
	v17 =	vld.idx.msk [tilespmem:v57+s23+$0x0], $0xffff;
	[tilespmem:s25+$0x0] =	vst v38  }
0x403: {  	v43 =	vadd.s32 $0x3100, v8;
	v30 =	vld.idx.msk [tilespmem:v35+s23+$0x0], $0xffff  }
0x404: {  	v44 =	vadd.s32 $0x3180, v9;
	v28 =	vld.idx.msk [tilespmem:v37+s23+$0x0], $0xffff  }
0x405: {  	v45 =	vadd.s32 $0x3180, v8;
	v29 =	vld.idx.msk [tilespmem:v39+s23+$0x0], $0xffff  }
0x406: {  	v46 =	vadd.s32 $0x3200, v9;
	v0 =	vld.idx.msk [tilespmem:v40+s23+$0x0], $0xffff  }
0x407: {  	v47 =	vadd.s32 $0x3200, v8;
	v1 =	vld.idx.msk [tilespmem:v42+s23+$0x0], $0xffff  }
0x408: {  	v49 =	vadd.s32 $0x3280, v9;
	v48 =	vld.idx.msk [tilespmem:v43+s23+$0x0], $0xffff  }
0x409: {  	v51 =	vadd.s32 $0x3280, v8;
	v50 =	vld.idx.msk [tilespmem:v44+s23+$0x0], $0xffff  }
0x40a: {  	v52 =	vadd.s32 $0x3300, v9;
	v31 =	vld.idx.msk [tilespmem:v45+s23+$0x0], $0xffff  }
0x40b: {  	v53 =	vadd.s32 $0x3300, v8;
	v32 =	vld.idx.msk [tilespmem:v46+s23+$0x0], $0xffff  }
0x40c: {  	v54 =	vadd.s32 $0x3380, v9;
	v57 =	vshll.u32 v11, $0x3;
	v33 =	vld.idx.msk [tilespmem:v47+s23+$0x0], $0xffff  }
0x40d: {  	v55 =	vadd.s32 $0x3380, v8;
	v58 =	vand.u32 $0x7F, v11;
	[tilespmem:$0x1FFE0] =	vst v41;
	v59 =	vand.u32 $0xFFFFFC00, v57;
	v41 =	vld.idx.msk [tilespmem:v49+s23+$0x0], $0xffff  }
0x40e: {  	v15 =	vor.u32 v58, v59;
	v40 =	vshll.u32 v10, $0x3;
	v42 =	vld.idx.msk [tilespmem:v51+s23+$0x0], $0xffff  }
0x40f: {  	v63 =	vor.u32 $0x80, v15;
	v10 =	vand.u32 $0x7F, v10;
	v36 =	vld.idx.msk [tilespmem:v52+s23+$0x0], $0xffff;
	v56 =	vand.u32 $0xFFFFFC00, v40  }
0x410: {  	v60 =	vld.idx.msk [tilespmem:v53+s23+$0x0], $0xffff;
	v14 =	vor.u32 v10, v56  }
0x411: {  	v62 =	vld.idx.msk [tilespmem:v54+s23+$0x0], $0xffff;
	v44 =	vor.u32 $0x100, v15;
	v47 =	vor.u32 $0x180, v15;
	v52 =	vor.u32 $0x200, v15  }
0x412: {  	s11 =	sld [smem:$0x7B1];
	v39 =	vld.idx.msk [tilespmem:v55+s23+$0x0], $0xffff;
	v61 =	vor.u32 $0x80, v14;
	v30 =	vmul.f32 v30, v5;
	v28 =	vmul.f32 v28, v4  }
0x413: {  	v45 =	vld.idx.msk [tilespmem:v15+s23+$0x0], $0xffff;
	v16 =	vor.u32 $0x100, v14;
	v29 =	vmul.f32 v29, v5;
	v0 =	vmul.f32 v0, v4  }
0x414: {  	v38 =	vld.idx.msk [tilespmem:v63+s23+$0x0], $0xffff;
	v1 =	vmul.f32 v1, v5;
	v34 =	vmul.f32 v48, v4;
	v28 =	vadd.f32 v28, v30  }
0x415: {  	s30 =	sor.u32 s14, s11;
	v46 =	vor.u32 $0x180, v14;
	v35 =	vmul.f32 v50, v5;
	v43 =	vld.idx.msk [tilespmem:v14+s23+$0x0], $0xffff;
	v0 =	vadd.f32 v0, v29  }
0x416: {  	s12 =	sor.u32 s14, s12;
	v54 =	vor.u32 $0x280, v15;
	v31 =	vmul.f32 v31, v4;
	v1 =	vadd.f32 v34, v1;
	v34 =	vld.idx.msk [tilespmem:v44+s23+$0x0], $0xffff;
	[tilespmem:s30+$0x0] =	vst v28  }
0x417: {  	v53 =	vor.u32 $0x280, v14;
	v32 =	vmul.f32 v32, v5;
	v33 =	vmul.f32 v33, v4;
	v30 =	vld.idx.msk [tilespmem:v52+s23+$0x0], $0xffff;
	[tilespmem:s12+$0x0] =	vst v0;
	s12 =	sld [smem:$0x7B2]  }
0x418: {  	s25 =	sor.u32 s14, s7;
	v41 =	vmul.f32 v41, v5;
	v42 =	vmul.f32 v42, v4;
	v31 =	vadd.f32 v31, v35;
	v11 =	vld.idx.msk [tilespmem:v61+s23+$0x0], $0xffff  }
0x419: {  	v55 =	vor.u32 $0x300, v14;
	v29 =	vld.idx.msk [tilespmem:v16+s23+$0x0], $0xffff;
	v61 =	vadd.f32 v33, v32;
	s30 =	sor.u32 s14, s16;
	[tilespmem:s25+$0x0] =	vst v1  }
0x41a: {  	v48 =	vor.u32 $0x200, v14;
	v58 =	vmul.f32 v62, v5;
	v62 =	vadd.f32 v42, v41;
	v40 =	vld.idx.msk [tilespmem:v46+s23+$0x0], $0xffff;
	[tilespmem:s30+$0x0] =	vst v31;
	s7 =	sor.u32 s14, s12  }
0x41b: {  	v57 =	vor.u32 $0x300, v15;
	v56 =	vmul.f32 v36, v5;
	v10 =	vmul.f32 v60, v4;
	v46 =	vld.idx.msk [tilespmem:v47+s23+$0x0], $0xffff;
	s16 =	sor.u32 s14, s2;
	s30 =	sld [smem:$0x7B3];
	[tilespmem:s7+$0x0] =	vst v61  }
0x41c: {  	v59 =	vmul.f32 v39, v4;
	v60 =	vor.u32 $0x380, v14;
	v33 =	vld.idx.msk [tilespmem:v53+s23+$0x0], $0xffff;
	[tilespmem:s16+$0x0] =	vst v62;
	s16 =	sld [smem:$0x7B4]  }
0x41d: {  	v63 =	vor.u32 $0x380, v15;
	v10 =	vadd.f32 v10, v56;
	v16 =	vld.idx.msk [tilespmem:v54+s23+$0x0], $0xffff  }
0x41e: {  	v51 =	vmul.f32 v45, v7;
	v49 =	vld.idx.msk [tilespmem:v55+s23+$0x0], $0xffff;
	v0 =	vadd.f32 v59, v58;
	s25 =	sor.u32 s14, s30  }
0x41f: {  	v38 =	vmul.f32 v38, v7;
	v52 =	vadd.s32 $0x4080, v9;
	v54 =	vadd.s32 $0x4080, v8;
	v36 =	vld.idx.msk [tilespmem:v48+s23+$0x0], $0xffff;
	[tilespmem:s25+$0x0] =	vst v10;
	s2 =	sor.u32 s14, s16  }
0x420: {  	v53 =	vld.idx.msk [tilespmem:v57+s23+$0x0], $0xffff;
	v28 =	vadd.s32 $0x4000, v9;
	v50 =	vmul.f32 v43, v6;
	v57 =	vmul.f32 v34, v7;
	[tilespmem:s2+$0x0] =	vst v0;
	s2 =	sld [smem:$0x7B5]  }
0x421: {  	v55 =	vld.idx.msk [tilespmem:v60+s23+$0x0], $0xffff;
	v1 =	vadd.s32 $0x4000, v8;
	v30 =	vmul.f32 v30, v7;
	v11 =	vmul.f32 v11, v6;
	s25 =	sor.u32 $0x30, s4  }
0x422: {  	v58 =	vld.idx.msk [tilespmem:v63+s23+$0x0], $0xffff;
	v56 =	vmul.f32 v29, v6;
	v60 =	vmul.f32 v40, v6;
	v59 =	vadd.f32 v51, v50;
	s21 =	sor.u32 s22, s25  }
0x423: {  	v33 =	vmul.f32 v33, v6;
	v61 =	vmul.f32 v46, v7;
	v62 =	vadd.f32 v38, v11;
	v39 =	vld [tilespmem:s21+$0x400];
	s7 =	sor.u32 s15, s2  }
0x424: {  	v31 =	vmul.f32 v16, v7;
	v63 =	vmul.f32 v36, v6;
	v29 =	vadd.f32 v57, v56;
	v40 =	vld [tilespmem:s21+$0x600];
	[tilespmem:s7+$0x0] =	vst v59  }
0x425: {  	v16 =	vadd.s32 $0x4100, v9;
	v42 =	vmul.f32 v49, v6;
	v38 =	vadd.f32 v61, v60;
	v10 =	vld [tilespmem:s21+$0x800];
	[tilespmem:s7+$0x80] =	vst v62  }
0x426: {  	v43 =	vmul.f32 v53, v7;
	v41 =	vadd.f32 v31, v33;
	v30 =	vadd.f32 v30, v63;
	v11 =	vld [tilespmem:s21+$0xA00];
	s21 =	sadd.s32 $0x20, s24;
	[tilespmem:s7+$0x100] =	vst v29  }
0x427: {  	v46 =	vadd.s32 $0x1000, v14;
	v45 =	vmul.f32 v55, v6;
	v34 =	vmul.f32 v58, v7;
	v0 =	vld.idx.msk [tilespmem:v28+s23+$0x0], $0xffff;
	[tilespmem:s7+$0x180] =	vst v38;
	s7 =	sor.u32 $0x200, s21  }
0x428: {  	v48 =	vadd.s32 $0x1000, v15;
	v47 =	vadd.f32 v43, v42;
	v1 =	vld.idx.msk [tilespmem:v1+s23+$0x0], $0xffff;
	[tilespmem:s7+$0x12C00] =	vst v30;
	s7 =	sor.u32 $0x280, s21  }
0x429: {  	v49 =	vadd.s32 $0x1080, v14;
	v28 =	vadd.f32 v34, v45;
	v29 =	vld.idx.msk [tilespmem:v52+s23+$0x0], $0xffff;
	[tilespmem:s7+$0x12C00] =	vst v41;
	s7 =	sor.u32 $0x300, s21  }
0x42a: {  	v50 =	vadd.s32 $0x1080, v15;
	v30 =	vld.idx.msk [tilespmem:v54+s23+$0x0], $0xffff;
	s21 =	sor.u32 $0x380, s21;
	[tilespmem:s7+$0x12C00] =	vst v47  }
0x42b: {  	v51 =	vadd.s32 $0x1100, v14;
	[tilespmem:s21+$0x12C00] =	vst v28;
	v28 =	vld.idx.msk [tilespmem:v16+s23+$0x0], $0xffff  }
0x42c: {  	v53 =	vadd.s32 $0x1100, v15;
	v52 =	vld.idx.msk [tilespmem:v46+s23+$0x0], $0xffff  }
0x42d: {  	v55 =	vadd.s32 $0x1180, v15;
	v31 =	vld.idx.msk [tilespmem:v48+s23+$0x0], $0xffff  }
0x42e: {  	v56 =	vadd.s32 $0x1200, v14;
	v32 =	vld.idx.msk [tilespmem:v49+s23+$0x0], $0xffff  }
0x42f: {  	v57 =	vadd.s32 $0x1200, v15;
	v33 =	vld.idx.msk [tilespmem:v50+s23+$0x0], $0xffff  }
0x430: {  	v58 =	vadd.s32 $0x1280, v14;
	v34 =	vld.idx.msk [tilespmem:v51+s23+$0x0], $0xffff  }
0x431: {  	v59 =	vadd.s32 $0x1280, v15;
	v36 =	vld.idx.msk [tilespmem:v53+s23+$0x0], $0xffff  }
0x432: {  	v60 =	vadd.s32 $0x1300, v14;
	v38 =	vld.idx.msk [tilespmem:v55+s23+$0x0], $0xffff  }
0x433: {  	v61 =	vadd.s32 $0x1300, v15;
	v41 =	vld.idx.msk [tilespmem:v56+s23+$0x0], $0xffff  }
0x434: {  	v54 =	vadd.s32 $0x1180, v14;
	v42 =	vld.idx.msk [tilespmem:v57+s23+$0x0], $0xffff  }
0x435: {  	v62 =	vadd.s32 $0x1380, v14;
	v43 =	vld.idx.msk [tilespmem:v58+s23+$0x0], $0xffff  }
0x436: {  	v63 =	vadd.s32 $0x1380, v15;
	v44 =	vld.idx.msk [tilespmem:v59+s23+$0x0], $0xffff  }
0x437: {  	v50 =	vadd.s32 $0x4180, v9;
	v45 =	vld.idx.msk [tilespmem:v60+s23+$0x0], $0xffff  }
0x438: {  	v49 =	vadd.s32 $0x4100, v8;
	v51 =	vadd.s32 $0x4180, v8;
	v53 =	vadd.s32 $0x4200, v8;
	v46 =	vld.idx.msk [tilespmem:v61+s23+$0x0], $0xffff  }
0x439: {  	v37 =	vld.idx.msk [tilespmem:v54+s23+$0x0], $0xffff;
	v54 =	vadd.s32 $0x4280, v9;
	v35 =	vmul.f32 v52, v6;
	v31 =	vmul.f32 v31, v7  }
0x43a: {  	v47 =	vld.idx.msk [tilespmem:v62+s23+$0x0], $0xffff;
	v60 =	vadd.s32 $0x4380, v8;
	v32 =	vmul.f32 v32, v6;
	v33 =	vmul.f32 v33, v7  }
0x43b: {  	v55 =	vadd.s32 $0x4280, v8;
	v48 =	vld.idx.msk [tilespmem:v63+s23+$0x0], $0xffff;
	v34 =	vmul.f32 v34, v6;
	v36 =	vmul.f32 v36, v7  }
0x43c: {  	v52 =	vadd.s32 $0x4200, v9;
	v50 =	vld.idx.msk [tilespmem:v50+s23+$0x0], $0xffff;
	v56 =	vmul.f32 v38, v7;
	v57 =	vmul.f32 v41, v6  }
0x43d: {  	v38 =	vld.idx.msk [tilespmem:v51+s23+$0x0], $0xffff;
	v43 =	vmul.f32 v43, v6;
	v44 =	vmul.f32 v44, v7;
	v31 =	vadd.f32 v31, v35  }
0x43e: {  	s7 =	sor.u32 s15, s28;
	v58 =	vmul.f32 v42, v7;
	v16 =	vmul.f32 v37, v6;
	v37 =	vld.idx.msk [tilespmem:v54+s23+$0x0], $0xffff;
	v32 =	vadd.f32 v33, v32  }
0x43f: {  	s22 =	sor.u32 s15, s0;
	v35 =	vadd.s32 $0x4300, v9;
	v34 =	vadd.f32 v36, v34;
	v61 =	vadd.f32 v44, v43;
	v44 =	vld.idx.msk [tilespmem:v60+s23+$0x0], $0xffff;
	[tilespmem:s7+$0x0] =	vst v31;
	s7 =	sld [smem:$0x7B6]  }
0x440: {  	[smem:$0x7C1] =	sst s28;
	s28 =	sor.u32 s15, s26;
	v59 =	vadd.s32 $0x4380, v9;
	v62 =	vmul.f32 v45, v6;
	v33 =	vadd.f32 v56, v16;
	v31 =	vld.idx.msk [tilespmem:v49+s23+$0x0], $0xffff;
	[tilespmem:s22+$0x0] =	vst v32  }
0x441: {  	s0 =	sor.u32 s15, s3;
	v63 =	vmul.f32 v46, v7;
	v36 =	vadd.f32 v58, v57;
	v49 =	vadd.s32 $0x4300, v8;
	v32 =	vld.idx.msk [tilespmem:v52+s23+$0x0], $0xffff;
	[tilespmem:s28+$0x0] =	vst v34  }
0x442: {  	s26 =	smov.u32 s3;
	v16 =	vmul.f32 v47, v6;
	v52 =	vmul.f32 v48, v7;
	v34 =	vld.idx.msk [tilespmem:v53+s23+$0x0], $0xffff;
	v53 =	vadd.s32 $0x2000, v14;
	[tilespmem:s0+$0x0] =	vst v33;
	s3 =	sor.u32 s15, s7  }
0x443: {  	v54 =	vadd.f32 v63, v62;
	s22 =	sor.u32 s15, s5;
	v33 =	vld.idx.msk [tilespmem:v55+s23+$0x0], $0xffff;
	v55 =	vadd.s32 $0x2000, v15;
	[tilespmem:s3+$0x0] =	vst v36  }
0x444: {  	v57 =	vadd.s32 $0x2080, v14;
	s28 =	sor.u32 s15, s17;
	v35 =	vld.idx.msk [tilespmem:v35+s23+$0x0], $0xffff;
	v56 =	vadd.f32 v52, v16;
	[tilespmem:s22+$0x0] =	vst v61  }
0x445: {  	v0 =	vmul.f32 v0, v5;
	v1 =	vmul.f32 v1, v4;
	v58 =	vadd.s32 $0x2080, v15;
	s0 =	sor.u32 s15, s18;
	v36 =	vld.idx.msk [tilespmem:v59+s23+$0x0], $0xffff;
	[tilespmem:s28+$0x0] =	vst v54  }
0x446: {  	[smem:$0x7C7] =	sst s19;
	v60 =	vadd.s32 $0x2100, v15;
	v41 =	vld.idx.msk [tilespmem:v49+s23+$0x0], $0xffff;
	[tilespmem:s0+$0x0] =	vst v56  }
0x447: {  	[smem:$0x7C4] =	sst s5;
	v0 =	vadd.f32 v1, v0;
	v62 =	vadd.s32 $0x2180, v15;
	v47 =	vld.idx.msk [tilespmem:v53+s23+$0x0], $0xffff  }
0x448: {  	v29 =	vmul.f32 v29, v5;
	v30 =	vmul.f32 v30, v4;
	v63 =	vadd.s32 $0x2200, v14;
	s5 =	sld [smem:$0x7C8];
	v43 =	vld.idx.msk [tilespmem:v55+s23+$0x0], $0xffff  }
0x449: {  	v28 =	vmul.f32 v28, v5;
	v16 =	vadd.s32 $0x2200, v15;
	s3 =	sor.u32 s14, s19;
	s19 =	sld [smem:$0x7B7];
	v31 =	vmul.f32 v31, v4;
	v45 =	vld.idx.msk [tilespmem:v57+s23+$0x0], $0xffff  }
0x44a: {  	v29 =	vadd.f32 v30, v29;
	v61 =	vadd.s32 $0x2180, v14;
	v1 =	vld.idx.msk [tilespmem:v58+s23+$0x0], $0xffff  }
0x44b: {  	v59 =	vadd.s32 $0x2100, v14;
	s17 =	sor.u32 s14, s5;
	[tilespmem:s3+$0x0] =	vst v0;
	v28 =	vadd.f32 v31, v28;
	v48 =	vld.idx.msk [tilespmem:v60+s23+$0x0], $0xffff  }
0x44c: {  	[smem:$0x7C6] =	sst s18;
	v54 =	vadd.s32 $0x2280, v14;
	[tilespmem:s17+$0x0] =	vst v29;
	s18 =	sor.u32 s14, s19;
	v46 =	vld.idx.msk [tilespmem:v62+s23+$0x0], $0xffff  }
0x44d: {  	v38 =	vmul.f32 v38, v4;
	v53 =	vmul.f32 v50, v5;
	v57 =	vadd.s32 $0x2280, v15;
	v42 =	vld.idx.msk [tilespmem:v63+s23+$0x0], $0xffff;
	[tilespmem:s18+$0x0] =	vst v28;
	s18 =	sld [smem:$0x7B8]  }
0x44e: {  	v56 =	vmul.f32 v34, v4;
	v58 =	vadd.s32 $0x2300, v14;
	v60 =	vmul.f32 v37, v5;
	v37 =	vld.idx.msk [tilespmem:v16+s23+$0x0], $0xffff  }
0x44f: {  	v55 =	vmul.f32 v32, v5;
	v34 =	vld.idx.msk [tilespmem:v61+s23+$0x0], $0xffff;
	v38 =	vadd.f32 v38, v53;
	v61 =	vadd.s32 $0x2380, v14  }
0x450: {  	v52 =	vadd.s32 $0x5300, v13;
	v33 =	vmul.f32 v33, v4;
	v16 =	vadd.s32 $0x2380, v15;
	v31 =	vld.idx.msk [tilespmem:v59+s23+$0x0], $0xffff;
	s22 =	sor.u32 s14, s18  }
0x451: {  	v62 =	vmul.f32 v35, v5;
	v59 =	vadd.s32 $0x2300, v15;
	v0 =	vadd.f32 v56, v55;
	[tilespmem:s22+$0x0] =	vst v38;
	v38 =	vld.idx.msk [tilespmem:v54+s23+$0x0], $0xffff  }
0x452: {  	v13 =	vadd.s32 $0x5380, v13;
	s28 =	sor.u32 s14, s31;
	v55 =	vld.idx.msk [tilespmem:v57+s23+$0x0], $0xffff;
	v47 =	vmul.f32 v47, v6;
	v43 =	vmul.f32 v43, v7  }
0x453: {  	v29 =	vadd.s32 $0x5300, v12;
	v63 =	vmul.f32 v41, v4;
	v32 =	vadd.f32 v33, v60;
	v35 =	vld.idx.msk [tilespmem:v58+s23+$0x0], $0xffff;
	[tilespmem:s28+$0x0] =	vst v0;
	s28 =	sld [smem:$0x7B9]  }
0x454: {  	v45 =	vmul.f32 v45, v6;
	v1 =	vmul.f32 v1, v7;
	v60 =	vld.idx.msk [tilespmem:v61+s23+$0x0], $0xffff;
	v61 =	vadd.f32 v43, v47  }
0x455: {  	[smem:$0x7C9] =	sst s31;
	v12 =	vadd.s32 $0x5380, v12;
	v53 =	vmul.f32 v36, v5;
	v54 =	vmul.f32 v44, v4;
	v41 =	vld.idx.msk [tilespmem:v16+s23+$0x0], $0xffff;
	s22 =	sor.u32 s15, s29  }
0x456: {  	s0 =	sld [smem:$0x7CA];
	v57 =	vadd.s32 $0x5000, v9;
	v48 =	vmul.f32 v48, v7;
	v36 =	vld.idx.msk [tilespmem:v59+s23+$0x0], $0xffff;
	v1 =	vadd.f32 v1, v45;
	s31 =	sor.u32 s14, s28;
	[tilespmem:s22+$0x0] =	vst v61  }
0x457: {  	s17 =	sld [smem:$0x7BA];
	v30 =	vld.idx.msk [tilespmem:v52+s23+$0x0], $0xffff;
	v58 =	vadd.s32 $0x5000, v8;
	v16 =	vmul.f32 v46, v7;
	v42 =	vmul.f32 v42, v6;
	[tilespmem:s31+$0x0] =	vst v32;
	s31 =	sor.u32 s15, s1  }
0x458: {  	v37 =	vmul.f32 v37, v7;
	v0 =	vadd.f32 v63, v62;
	v31 =	vmul.f32 v31, v6;
	[tilespmem:s31+$0x0] =	vst v1;
	s31 =	sld [smem:$0x7BB]  }
0x459: {  	v28 =	vld.idx.msk [tilespmem:v13+s23+$0x0], $0xffff;
	s3 =	sor.u32 s14, s0;
	v59 =	vadd.s32 $0x5080, v9;
	v56 =	vadd.f32 v54, v53;
	v34 =	vmul.f32 v34, v6  }
0x45a: {  	s5 =	sor.u32 s14, s17;
	v62 =	vadd.s32 $0x5080, v8;
	v37 =	vadd.f32 v37, v42;
	v51 =	vadd.f32 v48, v31;
	v32 =	vld.idx.msk [tilespmem:v29+s23+$0x0], $0xffff;
	[tilespmem:s3+$0x0] =	vst v0  }
0x45b: {  	v63 =	vadd.s32 $0x5100, v9;
	v34 =	vadd.f32 v16, v34;
	v29 =	vld.idx.msk [tilespmem:v12+s23+$0x0], $0xffff;
	v53 =	vmul.f32 v38, v6;
	[tilespmem:s5+$0x0] =	vst v56;
	s0 =	sor.u32 s15, s31  }
0x45c: {  	v52 =	vadd.s32 $0x5100, v8;
	v54 =	vmul.f32 v55, v7;
	v41 =	vmul.f32 v41, v7;
	s3 =	smov.u32 s1;
	s1 =	sor.u32 s15, s8;
	v31 =	vld.idx.msk [tilespmem:v57+s23+$0x0], $0xffff;
	[tilespmem:s0+$0x0] =	vst v51  }
0x45d: {  	v55 =	vadd.s32 $0x5180, v9;
	s5 =	sor.u32 s15, s9;
	v33 =	vld.idx.msk [tilespmem:v58+s23+$0x0], $0xffff;
	v57 =	vmul.f32 v35, v6;
	v58 =	vmul.f32 v36, v7;
	[tilespmem:s1+$0x0] =	vst v34  }
0x45e: {  	v56 =	vadd.f32 v54, v53;
	s0 =	sor.u32 s15, s10;
	v34 =	vld.idx.msk [tilespmem:v59+s23+$0x0], $0xffff;
	v59 =	vmul.f32 v60, v6;
	v60 =	vadd.s32 $0x3000, v14;
	[tilespmem:s5+$0x0] =	vst v37;
	s5 =	smov.u32 s10;
	s10 =	sld [smem:$0x7BC]  }
0x45f: {  	v61 =	vadd.s32 $0x3000, v15;
	s22 =	sor.u32 s15, s6;
	v36 =	vld.idx.msk [tilespmem:v62+s23+$0x0], $0xffff;
	v12 =	vadd.f32 v58, v57  }
0x460: {  	v37 =	vld.idx.msk [tilespmem:v63+s23+$0x0], $0xffff;
	v63 =	vadd.s32 $0x3080, v14;
	[tilespmem:s22+$0x0] =	vst v56;
	v62 =	vadd.f32 v41, v59  }
0x461: {  	v16 =	vadd.s32 $0x3080, v15;
	v38 =	vld.idx.msk [tilespmem:v52+s23+$0x0], $0xffff;
	[tilespmem:s0+$0x0] =	vst v12;
	s1 =	sor.u32 s15, s10  }
0x462: {  	v48 =	vadd.s32 $0x3100, v14;
	v35 =	vld.idx.msk [tilespmem:v55+s23+$0x0], $0xffff;
	[tilespmem:s1+$0x0] =	vst v62  }
0x463: {  	v49 =	vadd.s32 $0x3100, v15;
	v42 =	vld.idx.msk [tilespmem:v60+s23+$0x0], $0xffff  }
0x464: {  	v50 =	vadd.s32 $0x3180, v14;
	v53 =	vand.u32 $0x7F, v39;
	v52 =	vshll.u32 v39, $0x3;
	v43 =	vld.idx.msk [tilespmem:v61+s23+$0x0], $0xffff  }
0x465: {  	v54 =	vshll.u32 v40, $0x3;
	v51 =	vadd.s32 $0x3180, v15;
	v12 =	vand.u32 $0xFFFFFC00, v52;
	v41 =	vld.idx.msk [tilespmem:v63+s23+$0x0], $0xffff  }
0x466: {  	v39 =	vand.u32 $0xFFFFFC00, v54;
	v55 =	vand.u32 $0x7F, v40;
	v13 =	vor.u32 v53, v12;
	v1 =	vld.idx.msk [tilespmem:v16+s23+$0x0], $0xffff  }
0x467: {  	v12 =	vor.u32 v55, v39;
	v0 =	vld.idx.msk [tilespmem:v48+s23+$0x0], $0xffff  }
0x468: {  	v56 =	vor.u32 $0x80, v13;
	v39 =	vld.idx.msk [tilespmem:v49+s23+$0x0], $0xffff  }
0x469: {  	v57 =	vor.u32 $0x80, v12;
	v44 =	vld.idx.msk [tilespmem:v50+s23+$0x0], $0xffff  }
0x46a: {  	v58 =	vor.u32 $0x100, v13;
	v46 =	vld.idx.msk [tilespmem:v51+s23+$0x0], $0xffff  }
0x46b: {  	v59 =	vor.u32 $0x100, v12;
	v48 =	vld.idx.msk [tilespmem:v13+s23+$0x0], $0xffff  }
0x46c: {  	v62 =	vor.u32 $0x200, v13;
	v50 =	vld.idx.msk [tilespmem:v12+s23+$0x0], $0xffff  }
0x46d: {  	v60 =	vor.u32 $0x180, v13;
	v40 =	vld.idx.msk [tilespmem:v56+s23+$0x0], $0xffff  }
0x46e: {  	v61 =	vor.u32 $0x180, v12;
	v45 =	vld.idx.msk [tilespmem:v57+s23+$0x0], $0xffff  }
0x46f: {  	v63 =	vor.u32 $0x200, v12;
	v47 =	vld.idx.msk [tilespmem:v58+s23+$0x0], $0xffff  }
0x470: {  	v16 =	vor.u32 $0x280, v13;
	v49 =	vld.idx.msk [tilespmem:v59+s23+$0x0], $0xffff  }
0x471: {  	v56 =	vor.u32 $0x280, v12;
	v53 =	vld.idx.msk [tilespmem:v62+s23+$0x0], $0xffff  }
0x472: {  	v57 =	vor.u32 $0x300, v13;
	v51 =	vld.idx.msk [tilespmem:v60+s23+$0x0], $0xffff  }
0x473: {  	v58 =	vor.u32 $0x300, v12;
	v52 =	vld.idx.msk [tilespmem:v61+s23+$0x0], $0xffff  }
0x474: {  	v59 =	vor.u32 $0x380, v13;
	v54 =	vld.idx.msk [tilespmem:v63+s23+$0x0], $0xffff  }
0x475: {  	v62 =	vadd.s32 $0x3200, v15;
	v55 =	vld.idx.msk [tilespmem:v16+s23+$0x0], $0xffff;
	v42 =	vmul.f32 v42, v6;
	v43 =	vmul.f32 v43, v7  }
0x476: {  	v61 =	vor.u32 $0x380, v12;
	v48 =	vmul.f32 v48, v10;
	v50 =	vmul.f32 v50, v11;
	v56 =	vld.idx.msk [tilespmem:v56+s23+$0x0], $0xffff  }
0x477: {  	v60 =	vadd.s32 $0x3200, v14;
	v57 =	vld.idx.msk [tilespmem:v57+s23+$0x0], $0xffff;
	v40 =	vmul.f32 v40, v10;
	v45 =	vmul.f32 v45, v11  }
0x478: {  	v63 =	vadd.s32 $0x3280, v14;
	v58 =	vld.idx.msk [tilespmem:v58+s23+$0x0], $0xffff;
	v47 =	vmul.f32 v47, v10;
	v49 =	vmul.f32 v49, v11  }
0x479: {  	v59 =	vld.idx.msk [tilespmem:v59+s23+$0x0], $0xffff;
	v53 =	vmul.f32 v53, v10;
	v48 =	vadd.f32 v50, v48;
	v50 =	vadd.s32 $0x3280, v15  }
0x47a: {  	v62 =	vld.idx.msk [tilespmem:v62+s23+$0x0], $0xffff;
	v16 =	vmul.f32 v52, v11;
	v54 =	vmul.f32 v54, v11;
	v40 =	vadd.f32 v45, v40  }
0x47b: {  	s21 =	sor.u32 s25, s2;
	v61 =	vld.idx.msk [tilespmem:v61+s23+$0x0], $0xffff;
	v45 =	vadd.s32 $0x3300, v14;
	v47 =	vadd.f32 v49, v47;
	v49 =	vmul.f32 v51, v10  }
0x47c: {  	v52 =	vld.idx.msk [tilespmem:v60+s23+$0x0], $0xffff;
	v60 =	vadd.s32 $0x3300, v15;
	v55 =	vmul.f32 v55, v10;
	[tilespmem:s21+$0x0] =	vst v48;
	v48 =	vadd.s32 $0x3380, v14  }
0x47d: {  	v51 =	vadd.f32 v54, v53;
	[tilespmem:s21+$0x80] =	vst v40;
	v49 =	vadd.f32 v16, v49;
	v56 =	vmul.f32 v56, v11  }
0x47e: {  	s22 =	sadd.s32 $0x30, s24;
	v63 =	vld.idx.msk [tilespmem:v63+s23+$0x0], $0xffff;
	v40 =	vadd.s32 $0x3380, v15;
	[tilespmem:s21+$0x100] =	vst v47;
	v53 =	vmul.f32 v57, v10;
	v54 =	vmul.f32 v58, v11  }
0x47f: {  	s24 =	sor.u32 $0x200, s22;
	v41 =	vmul.f32 v41, v6;
	[tilespmem:s21+$0x180] =	vst v49;
	v49 =	vld.idx.msk [tilespmem:v50+s23+$0x0], $0xffff;
	v47 =	vadd.f32 v56, v55  }
0x480: {  	s2 =	sor.u32 $0x280, s22;
	v50 =	vmul.f32 v59, v10;
	[tilespmem:s24+$0x12C00] =	vst v51;
	v45 =	vld.idx.msk [tilespmem:v45+s23+$0x0], $0xffff;
	v59 =	vadd.f32 v54, v53  }
0x481: {  	v42 =	vadd.f32 v43, v42;
	v16 =	vmul.f32 v61, v11;
	s21 =	sor.u32 $0x300, s22;
	v48 =	vld.idx.msk [tilespmem:v48+s23+$0x0], $0xffff;
	[tilespmem:s2+$0x12C00] =	vst v47  }
0x482: {  	s0 =	sor.u32 $0x380, s22;
	v1 =	vmul.f32 v1, v7;
	v0 =	vmul.f32 v0, v6;
	s22 =	sor.u32 s15, s11;
	v47 =	vld.idx.msk [tilespmem:v60+s23+$0x0], $0xffff;
	[tilespmem:s21+$0x12C00] =	vst v59;
	s21 =	sld [smem:$0x7BD]  }
0x483: {  	v39 =	vmul.f32 v39, v7;
	v50 =	vadd.f32 v16, v50;
	v16 =	vadd.s32 $0x1100, v13;
	v40 =	vld.idx.msk [tilespmem:v40+s23+$0x0], $0xffff;
	[tilespmem:s22+$0x0] =	vst v42;
	s22 =	sld [smem:$0x7BE]  }
0x484: {  	v1 =	vadd.f32 v1, v41;
	v56 =	vadd.s32 $0x1000, v13  }
0x485: {  	v0 =	vadd.f32 v39, v0;
	v61 =	vadd.s32 $0x1000, v12;
	[tilespmem:s0+$0x12C00] =	vst v50;
	s24 =	sor.u32 s15, s21  }
0x486: {  	v54 =	vadd.s32 $0x1080, v13;
	s1 =	sor.u32 s15, s22;
	[tilespmem:s24+$0x0] =	vst v1  }
0x487: {  	v44 =	vmul.f32 v44, v6;
	v46 =	vmul.f32 v46, v7;
	v51 =	vadd.s32 $0x1080, v12;
	[tilespmem:s1+$0x0] =	vst v0;
	s1 =	sld [smem:$0x7BF]  }
0x488: {  	v58 =	vadd.s32 $0x1180, v12;
	v42 =	vmul.f32 v52, v6;
	v39 =	vld.idx.msk [tilespmem:v16+s23+$0x0], $0xffff;
	v16 =	vmul.f32 v62, v7  }
0x489: {  	v41 =	vadd.s32 $0x1200, v12;
	v44 =	vadd.f32 v46, v44;
	v55 =	vld.idx.msk [tilespmem:v56+s23+$0x0], $0xffff  }
0x48a: {  	v60 =	vadd.s32 $0x1100, v12;
	v53 =	vld.idx.msk [tilespmem:v61+s23+$0x0], $0xffff;
	v42 =	vadd.f32 v16, v42;
	s2 =	sor.u32 s15, s1  }
0x48b: {  	v52 =	vadd.s32 $0x1300, v12;
	v49 =	vmul.f32 v49, v7;
	v54 =	vld.idx.msk [tilespmem:v54+s23+$0x0], $0xffff;
	s24 =	sor.u32 s15, s12;
	[tilespmem:s2+$0x0] =	vst v44  }
0x48c: {  	v61 =	vadd.s32 $0x1180, v13;
	v43 =	vld.idx.msk [tilespmem:v51+s23+$0x0], $0xffff;
	v51 =	vadd.s32 $0x1200, v13;
	v44 =	vmul.f32 v63, v6;
	[tilespmem:s24+$0x0] =	vst v42;
	s24 =	sld [smem:$0x7C0]  }
0x48d: {  	v46 =	vld.idx.msk [tilespmem:v58+s23+$0x0], $0xffff;
	v58 =	vadd.s32 $0x1300, v13;
	v62 =	vmul.f32 v45, v6;
	v63 =	vmul.f32 v47, v7  }
0x48e: {  	v41 =	vld.idx.msk [tilespmem:v41+s23+$0x0], $0xffff;
	v48 =	vmul.f32 v48, v6;
	v40 =	vmul.f32 v40, v7;
	v44 =	vadd.f32 v49, v44  }
0x48f: {  	v56 =	vadd.s32 $0x1280, v13;
	v50 =	vld.idx.msk [tilespmem:v60+s23+$0x0], $0xffff;
	s2 =	smov.u32 s12;
	v42 =	vadd.f32 v63, v62;
	s12 =	sor.u32 s15, s24  }
0x490: {  	v60 =	vadd.s32 $0x1280, v12;
	v40 =	vadd.f32 v40, v48;
	v48 =	vld.idx.msk [tilespmem:v52+s23+$0x0], $0xffff;
	[tilespmem:s12+$0x0] =	vst v44;
	s12 =	sor.u32 s15, s30  }
0x491: {  	s0 =	sor.u32 s15, s16;
	v16 =	vadd.s32 $0x1380, v12;
	v57 =	vld.idx.msk [tilespmem:v61+s23+$0x0], $0xffff;
	[tilespmem:s12+$0x0] =	vst v42;
	s12 =	smov.u32 s16;
	s16 =	sld [smem:$0x7C1]  }
0x492: {  	v51 =	vld.idx.msk [tilespmem:v51+s23+$0x0], $0xffff;
	v61 =	vadd.s32 $0x1380, v13  }
0x493: {  	v1 =	vadd.s32 $0x5200, v9;
	v45 =	vld.idx.msk [tilespmem:v58+s23+$0x0], $0xffff;
	v55 =	vmul.f32 v55, v10;
	v53 =	vmul.f32 v53, v11  }
0x494: {  	v59 =	vadd.s32 $0x5180, v8;
	v47 =	vld.idx.msk [tilespmem:v56+s23+$0x0], $0xffff;
	[tilespmem:s0+$0x0] =	vst v40;
	s0 =	sor.u32 s25, s16;
	s16 =	sld [smem:$0x7C2]  }
0x495: {  	v0 =	vadd.s32 $0x5200, v8;
	v52 =	vadd.s32 $0x5300, v9;
	v49 =	vld.idx.msk [tilespmem:v60+s23+$0x0], $0xffff;
	v42 =	vadd.f32 v53, v55  }
0x496: {  	v58 =	vadd.s32 $0x5280, v9;
	v63 =	vmul.f32 v54, v10;
	v55 =	vld.idx.msk [tilespmem:v16+s23+$0x0], $0xffff;
	v16 =	vmul.f32 v43, v11  }
0x497: {  	v39 =	vmul.f32 v39, v10;
	v50 =	vmul.f32 v50, v11;
	v60 =	vadd.s32 $0x5280, v8;
	v61 =	vld.idx.msk [tilespmem:v61+s23+$0x0], $0xffff;
	[tilespmem:s0+$0x0] =	vst v42;
	s0 =	sor.u32 s25, s16;
	s16 =	sld [smem:$0x7C3]  }
0x498: {  	v46 =	vmul.f32 v46, v11;
	v42 =	vld.idx.msk [tilespmem:v1+s23+$0x0], $0xffff;
	v1 =	vadd.f32 v16, v63;
	v63 =	vmul.f32 v57, v10  }
0x499: {  	v41 =	vmul.f32 v41, v11;
	v43 =	vld.idx.msk [tilespmem:v59+s23+$0x0], $0xffff;
	v59 =	vadd.s32 $0x4080, v15;
	v16 =	vadd.f32 v50, v39  }
0x49a: {  	v62 =	vadd.s32 $0x4000, v14;
	v44 =	vld.idx.msk [tilespmem:v0+s23+$0x0], $0xffff;
	v57 =	vmul.f32 v51, v10;
	v46 =	vadd.f32 v46, v63;
	[tilespmem:s0+$0x0] =	vst v1;
	s0 =	sor.u32 s25, s16  }
0x49b: {  	s26 =	sor.u32 s25, s26;
	v47 =	vmul.f32 v47, v10;
	v53 =	vadd.s32 $0x4000, v15;
	v40 =	vld.idx.msk [tilespmem:v58+s23+$0x0], $0xffff;
	v49 =	vmul.f32 v49, v11;
	[tilespmem:s0+$0x0] =	vst v16  }
0x49c: {  	v54 =	vadd.s32 $0x4080, v14;
	v39 =	vld.idx.msk [tilespmem:v60+s23+$0x0], $0xffff;
	v60 =	vadd.s32 $0x4100, v14;
	v50 =	vadd.f32 v41, v57;
	[tilespmem:s26+$0x0] =	vst v46;
	s26 =	sld [smem:$0x7C4]  }
0x49d: {  	v48 =	vmul.f32 v48, v11;
	v45 =	vmul.f32 v45, v10;
	v47 =	vadd.f32 v49, v47;
	v41 =	vld.idx.msk [tilespmem:v52+s23+$0x0], $0xffff;
	s16 =	sor.u32 s25, s7;
	s7 =	sld [smem:$0x7C5]  }
0x49e: {  	v56 =	vadd.s32 $0x2000, v13;
	v63 =	vmul.f32 v61, v10;
	v1 =	vld.idx.msk [tilespmem:v59+s23+$0x0], $0xffff;
	v16 =	vmul.f32 v55, v11;
	[tilespmem:s16+$0x0] =	vst v50;
	s16 =	sld [smem:$0x7C6]  }
0x49f: {  	v45 =	vadd.f32 v48, v45;
	v57 =	vadd.s32 $0x2000, v12;
	v46 =	vld.idx.msk [tilespmem:v62+s23+$0x0], $0xffff;
	s0 =	sor.u32 s25, s26  }
0x4a0: {  	v58 =	vadd.s32 $0x2080, v13;
	v50 =	vld.idx.msk [tilespmem:v53+s23+$0x0], $0xffff;
	v49 =	vadd.f32 v16, v63;
	[tilespmem:s0+$0x0] =	vst v47;
	s0 =	sor.u32 s25, s7  }
0x4a1: {  	v59 =	vadd.s32 $0x2080, v12;
	v16 =	vld.idx.msk [tilespmem:v60+s23+$0x0], $0xffff;
	[tilespmem:s0+$0x0] =	vst v45;
	s0 =	sor.u32 s25, s16  }
0x4a2: {  	v60 =	vadd.s32 $0x2100, v13;
	v47 =	vld.idx.msk [tilespmem:v54+s23+$0x0], $0xffff;
	[tilespmem:s0+$0x0] =	vst v49  }
0x4a3: {  	v61 =	vadd.s32 $0x2100, v12;
	v52 =	vld.idx.msk [tilespmem:v56+s23+$0x0], $0xffff  }
0x4a4: {  	v62 =	vadd.s32 $0x2180, v13;
	v48 =	vld.idx.msk [tilespmem:v57+s23+$0x0], $0xffff  }
0x4a5: {  	v63 =	vadd.s32 $0x2180, v12;
	v51 =	vld.idx.msk [tilespmem:v58+s23+$0x0], $0xffff  }
0x4a6: {  	v0 =	vadd.s32 $0x2200, v12;
	v45 =	vld.idx.msk [tilespmem:v59+s23+$0x0], $0xffff  }
0x4a7: {  	v56 =	vadd.s32 $0x2200, v13;
	v49 =	vld.idx.msk [tilespmem:v60+s23+$0x0], $0xffff  }
0x4a8: {  	v22 =	vmul.f32 v22, v2;
	v25 =	vmul.f32 v25, v3;
	v58 =	vadd.s32 $0x4100, v15;
	v53 =	vld.idx.msk [tilespmem:v61+s23+$0x0], $0xffff  }
0x4a9: {  	v26 =	vmul.f32 v26, v2;
	v27 =	vmul.f32 v27, v3;
	v54 =	vld.idx.msk [tilespmem:v62+s23+$0x0], $0xffff;
	v59 =	vadd.s32 $0x2280, v13  }
0x4aa: {  	v55 =	vld.idx.msk [tilespmem:v63+s23+$0x0], $0xffff;
	v60 =	vadd.s32 $0x2280, v12  }
0x4ab: {  	v25 =	vadd.f32 v25, v22;
	v22 =	vadd.f32 v27, v26;
	v26 =	vld.idx.msk [tilespmem:v0+s23+$0x0], $0xffff;
	v0 =	vadd.s32 $0x2300, v13  }
0x4ac: {  	v61 =	vadd.s32 $0x4180, v14;
	v56 =	vld.idx.msk [tilespmem:v56+s23+$0x0], $0xffff;
	v52 =	vmul.f32 v52, v10  }
0x4ad: {  	v57 =	vadd.s32 $0x2300, v12;
	v58 =	vld.idx.msk [tilespmem:v58+s23+$0x0], $0xffff;
	v48 =	vmul.f32 v48, v11;
	v51 =	vmul.f32 v51, v10  }
0x4ae: {  	v62 =	vadd.s32 $0x2380, v13;
	v59 =	vld.idx.msk [tilespmem:v59+s23+$0x0], $0xffff;
	v45 =	vmul.f32 v45, v11;
	v49 =	vmul.f32 v49, v10  }
0x4af: {  	v63 =	vadd.s32 $0x2380, v12;
	v60 =	vld.idx.msk [tilespmem:v60+s23+$0x0], $0xffff;
	v54 =	vmul.f32 v54, v10;
	v55 =	vmul.f32 v55, v11  }
0x4b0: {  	v27 =	vld.idx.msk [tilespmem:v0+s23+$0x0], $0xffff;
	v0 =	vadd.s32 $0x4200, v14;
	v48 =	vadd.f32 v48, v52;
	v52 =	vmul.f32 v53, v11  }
0x4b1: {  	v26 =	vmul.f32 v26, v11;
	v53 =	vld.idx.msk [tilespmem:v61+s23+$0x0], $0xffff;
	v61 =	vadd.s32 $0x4180, v15;
	v54 =	vadd.f32 v55, v54  }
0x4b2: {  	v55 =	vadd.s32 $0x4280, v14;
	v49 =	vadd.f32 v52, v49;
	v52 =	vld.idx.msk [tilespmem:v57+s23+$0x0], $0xffff;
	v56 =	vmul.f32 v56, v10  }
0x4b3: {  	v45 =	vadd.f32 v45, v51;
	v51 =	vadd.s32 $0x4200, v15;
	v57 =	vld.idx.msk [tilespmem:v62+s23+$0x0], $0xffff;
	v59 =	vmul.f32 v59, v10  }
0x4b4: {  	s26 =	sor.u32 s25, s29;
	v62 =	vld.idx.msk [tilespmem:v63+s23+$0x0], $0xffff;
	v60 =	vmul.f32 v60, v11;
	v26 =	vadd.f32 v26, v56;
	v56 =	vadd.s32 $0x4280, v15  }
0x4b5: {  	v23 =	vmul.f32 v23, v2;
	v24 =	vmul.f32 v24, v3;
	s29 =	sor.u32 s25, s3;
	v63 =	vadd.s32 $0x4300, v14;
	[tilespmem:s26+$0x0] =	vst v48;
	v0 =	vld.idx.msk [tilespmem:v0+s23+$0x0], $0xffff  }
0x4b6: {  	v1 =	vmul.f32 v1, v7;
	s3 =	sor.u32 s25, s31;
	[tilespmem:s29+$0x0] =	vst v45;
	v61 =	vld.idx.msk [tilespmem:v61+s23+$0x0], $0xffff;
	v48 =	vadd.f32 v60, v59;
	v59 =	vadd.s32 $0x4300, v15  }
0x4b7: {  	v46 =	vmul.f32 v46, v6;
	v50 =	vmul.f32 v50, v7;
	[tilespmem:s3+$0x0] =	vst v49;
	v49 =	vld.idx.msk [tilespmem:v55+s23+$0x0], $0xffff;
	v55 =	vadd.s32 $0x4380, v15  }
0x4b8: {  	s7 =	sor.u32 s25, s8;
	v27 =	vmul.f32 v27, v10;
	v45 =	vld.idx.msk [tilespmem:v51+s23+$0x0], $0xffff;
	v51 =	vadd.s32 $0x4380, v14;
	v52 =	vmul.f32 v52, v11  }
0x4b9: {  	s8 =	sor.u32 s25, s9;
	[tilespmem:s7+$0x0] =	vst v54;
	v60 =	vadd.s32 $0x3000, v13;
	v54 =	vld.idx.msk [tilespmem:v56+s23+$0x0], $0xffff;
	v56 =	vmul.f32 v57, v10;
	v57 =	vmul.f32 v62, v11  }
0x4ba: {  	s9 =	sor.u32 s25, s6;
	v47 =	vmul.f32 v47, v6;
	s26 =	sor.u32 s25, s10;
	s10 =	sld [smem:$0x7C7];
	[tilespmem:s8+$0x0] =	vst v26;
	v26 =	vld.idx.msk [tilespmem:v63+s23+$0x0], $0xffff;
	v27 =	vadd.f32 v52, v27;
	v52 =	vadd.s32 $0x3000, v12  }
0x4bb: {  	v23 =	vadd.f32 v24, v23;
	s16 =	sor.u32 s25, s5;
	[tilespmem:s9+$0x0] =	vst v48;
	v24 =	vld.idx.msk [tilespmem:v59+s23+$0x0], $0xffff;
	v62 =	vadd.s32 $0x3080, v13;
	v63 =	vadd.f32 v57, v56  }
0x4bc: {  	v46 =	vadd.f32 v50, v46;
	v1 =	vadd.f32 v1, v47;
	v47 =	vadd.s32 $0x3080, v12;
	v50 =	vld.idx.msk [tilespmem:v55+s23+$0x0], $0xffff;
	[tilespmem:s16+$0x0] =	vst v27  }
0x4bd: {  	s29 =	sor.u32 s15, s10;
	v48 =	vadd.s32 $0x3100, v13;
	v27 =	vld.idx.msk [tilespmem:v51+s23+$0x0], $0xffff;
	[tilespmem:s26+$0x0] =	vst v63  }
0x4be: {  	v21 =	vmul.f32 v21, v3;
	v9 =	vadd.s32 $0x5380, v9;
	[tilespmem:s29+$0x0] =	vst v46;
	v46 =	vadd.s32 $0x3380, v13;
	v57 =	vld.idx.msk [tilespmem:v60+s23+$0x0], $0xffff  }
0x4bf: {  	v16 =	vmul.f32 v16, v6;
	v51 =	vmul.f32 v58, v7;
	v58 =	vadd.s32 $0x3100, v12;
	v52 =	vld.idx.msk [tilespmem:v52+s23+$0x0], $0xffff  }
0x4c0: {  	v53 =	vmul.f32 v53, v6;
	v0 =	vmul.f32 v0, v6;
	v59 =	vadd.s32 $0x3180, v13;
	s16 =	sld [smem:$0x7C8];
	v56 =	vld.idx.msk [tilespmem:v62+s23+$0x0], $0xffff  }
0x4c1: {  	v55 =	vmul.f32 v61, v7;
	v45 =	vmul.f32 v45, v7;
	v61 =	vadd.s32 $0x3300, v13;
	v47 =	vld.idx.msk [tilespmem:v47+s23+$0x0], $0xffff  }
0x4c2: {  	v49 =	vmul.f32 v49, v6;
	v54 =	vmul.f32 v54, v7;
	v60 =	vadd.s32 $0x3180, v12;
	v48 =	vld.idx.msk [tilespmem:v48+s23+$0x0], $0xffff  }
0x4c3: {  	v16 =	vadd.f32 v51, v16;
	v51 =	vadd.f32 v55, v53;
	v53 =	vadd.s32 $0x3200, v13;
	s31 =	sor.u32 s15, s16;
	v46 =	vld.idx.msk [tilespmem:v46+s23+$0x0], $0xffff  }
0x4c4: {  	s3 =	sor.u32 s15, s19;
	v0 =	vadd.f32 v45, v0;
	[tilespmem:s31+$0x0] =	vst v1;
	v45 =	vadd.f32 v54, v49;
	v49 =	vadd.s32 $0x3200, v12;
	v54 =	vld.idx.msk [tilespmem:v58+s23+$0x0], $0xffff  }
0x4c5: {  	s5 =	sor.u32 s15, s18;
	v26 =	vmul.f32 v26, v6;
	v55 =	vadd.s32 $0x3280, v13;
	s26 =	sld [smem:$0x7C9];
	v24 =	vmul.f32 v24, v7;
	[tilespmem:s3+$0x0] =	vst v16;
	v58 =	vld.idx.msk [tilespmem:v59+s23+$0x0], $0xffff  }
0x4c6: {  	v50 =	vmul.f32 v50, v7;
	v27 =	vmul.f32 v27, v6;
	v59 =	vadd.s32 $0x3280, v12;
	[tilespmem:s5+$0x0] =	vst v51;
	v51 =	vld.idx.msk [tilespmem:v61+s23+$0x0], $0xffff  }
0x4c7: {  	v62 =	vadd.s32 $0x3300, v12;
	v16 =	vadd.s32 $0x5300, v8;
	v24 =	vadd.f32 v24, v26;
	v60 =	vld.idx.msk [tilespmem:v60+s23+$0x0], $0xffff  }
0x4c8: {  	s31 =	sld [smem:$0x7CA];
	s6 =	sor.u32 s15, s26;
	v53 =	vld.idx.msk [tilespmem:v53+s23+$0x0], $0xffff;
	v26 =	vadd.f32 v50, v27;
	v57 =	vmul.f32 v57, v10;
	v52 =	vmul.f32 v52, v11  }
0x4c9: {  	v50 =	vadd.s32 $0x3380, v12;
	[tilespmem:s6+$0x0] =	vst v0;
	v48 =	vmul.f32 v48, v10;
	v27 =	vld.idx.msk [tilespmem:v49+s23+$0x0], $0xffff;
	v54 =	vmul.f32 v54, v11  }
0x4ca: {  	s7 =	sor.u32 s15, s28;
	v56 =	vmul.f32 v56, v10;
	v47 =	vmul.f32 v47, v11;
	v1 =	vadd.f32 v52, v57;
	v49 =	vld.idx.msk [tilespmem:v55+s23+$0x0], $0xffff  }
0x4cb: {  	s8 =	sor.u32 s15, s31;
	[tilespmem:s7+$0x0] =	vst v45;
	v52 =	vld.idx.msk [tilespmem:v59+s23+$0x0], $0xffff;
	v0 =	vadd.f32 v54, v48;
	v48 =	vmul.f32 v20, v2;
	v20 =	vadd.s32 $0x5380, v8  }
0x4cc: {  	s9 =	sor.u32 s15, s17;
	[tilespmem:s8+$0x0] =	vst v24;
	v63 =	vmul.f32 v58, v10;
	v54 =	vld.idx.msk [tilespmem:v62+s23+$0x0], $0xffff;
	v62 =	vadd.s32 $0x5000, v14;
	v61 =	vmul.f32 v60, v11  }
0x4cd: {  	s11 =	sor.u32 s25, s11;
	v24 =	vld.idx.msk [tilespmem:v9+s23+$0x0], $0xffff;
	[tilespmem:s9+$0x0] =	vst v26;
	v47 =	vadd.f32 v47, v56;
	v51 =	vmul.f32 v51, v10  }
0x4ce: {  	s21 =	sor.u32 s25, s21;
	v50 =	vld.idx.msk [tilespmem:v50+s23+$0x0], $0xffff;
	v53 =	vmul.f32 v53, v10;
	[tilespmem:s11+$0x0] =	vst v1;
	v45 =	vadd.f32 v61, v63;
	v63 =	vadd.s32 $0x5000, v15  }
0x4cf: {  	s29 =	sor.u32 s25, s22;
	v8 =	vld.idx.msk [tilespmem:v16+s23+$0x0], $0xffff;
	v16 =	vadd.s32 $0x5080, v14;
	v1 =	vmul.f32 v19, v2;
	[tilespmem:s21+$0x0] =	vst v47;
	v27 =	vmul.f32 v27, v11  }
0x4d0: {  	s0 =	sadd.s32 $0x17C00, s13;
	[tilespmem:s29+$0x0] =	vst v0;
	v0 =	vadd.s32 $0x5100, v15;
	v59 =	vmul.f32 v49, v10;
	v60 =	vmul.f32 v52, v11;
	v19 =	vld.idx.msk [tilespmem:v20+s23+$0x0], $0xffff  }
0x4d1: {  	s9 =	sor.u32 s4, s0;
	v47 =	vmul.f32 v18, v3;
	v49 =	vadd.s32 $0x5100, v14;
	v61 =	vadd.f32 v27, v53;
	v18 =	vld.idx.msk [tilespmem:v62+s23+$0x0], $0xffff  }
0x4d2: {  	s3 =	sor.u32 s25, s1;
	[tilespmem:s9+$0x0] =	vst v25;
	v27 =	vadd.s32 $0x5080, v15;
	v26 =	vadd.f32 v60, v59;
	v62 =	vmul.f32 v54, v11;
	v60 =	vld [tilespmem:$0x1FFE0]  }
0x4d3: {  	s5 =	sor.u32 s25, s2;
	v57 =	vadd.s32 $0x4000, v13;
	v56 =	vmul.f32 v50, v11;
	[tilespmem:s3+$0x0] =	vst v45;
	v20 =	vld.idx.msk [tilespmem:v63+s23+$0x0], $0xffff;
	v63 =	vmul.f32 v46, v10  }
0x4d4: {  	v30 =	vmul.f32 v30, v2;
	s6 =	sor.u32 s25, s24;
	v9 =	vld.idx.msk [tilespmem:v16+s23+$0x0], $0xffff;
	v59 =	vadd.s32 $0x4000, v12;
	[tilespmem:s5+$0x0] =	vst v61;
	v51 =	vadd.f32 v62, v51  }
0x4d5: {  	s7 =	sor.u32 s25, s30;
	v48 =	vadd.f32 v21, v48;
	v54 =	vadd.s32 $0x4080, v12;
	v21 =	vld.idx.msk [tilespmem:v0+s23+$0x0], $0xffff;
	[tilespmem:s6+$0x0] =	vst v26;
	v62 =	vadd.f32 v56, v63  }
0x4d6: {  	v32 =	vmul.f32 v32, v3;
	s1 =	sadd.s32 $0x17C80, s13;
	s8 =	sor.u32 s25, s12;
	v58 =	vmul.f32 v17, v2;
	v55 =	vadd.s32 $0x4100, v13;
	v17 =	vld.idx.msk [tilespmem:v49+s23+$0x0], $0xffff;
	[tilespmem:s7+$0x0] =	vst v51  }
0x4d7: {  	s2 =	sadd.s32 $0x17D00, s13;
	s11 =	sor.u32 s4, s1;
	v49 =	vadd.s32 $0x5200, v15;
	v16 =	vld.idx.msk [tilespmem:v27+s23+$0x0], $0xffff;
	[tilespmem:s8+$0x0] =	vst v62  }
0x4d8: {  	s12 =	sor.u32 s4, s2;
	[tilespmem:s11+$0x0] =	vst v22;
	s3 =	sadd.s32 $0x17D80, s13;
	v61 =	vmul.f32 v60, v3;
	v63 =	vadd.s32 $0x4080, v13;
	v27 =	vadd.f32 v32, v30;
	v30 =	vld.idx.msk [tilespmem:v57+s23+$0x0], $0xffff  }
0x4d9: {  	v2 =	vmul.f32 v28, v2;
	[tilespmem:s12+$0x0] =	vst v23;
	v1 =	vadd.f32 v47, v1;
	s21 =	sor.u32 s4, s3;
	s5 =	sadd.s32 $0x17E00, s13;
	v56 =	vadd.s32 $0x4100, v12;
	v28 =	vld.idx.msk [tilespmem:v59+s23+$0x0], $0xffff  }
0x4da: {  	[tilespmem:s21+$0x0] =	vst v48;
	s22 =	sor.u32 s4, s5;
	s6 =	sadd.s32 $0x17E80, s13;
	v60 =	vadd.s32 $0x4200, v12;
	v26 =	vadd.f32 v61, v58;
	v46 =	vld.idx.msk [tilespmem:v54+s23+$0x0], $0xffff  }
0x4db: {  	v31 =	vmul.f32 v31, v5;
	[tilespmem:s22+$0x0] =	vst v1;
	s24 =	sor.u32 s4, s6;
	v58 =	vadd.s32 $0x4180, v12;
	v0 =	vld.idx.msk [tilespmem:v55+s23+$0x0], $0xffff  }
0x4dc: {  	v33 =	vmul.f32 v33, v4;
	v3 =	vmul.f32 v29, v3;
	v61 =	vadd.s32 $0x4280, v13;
	[tilespmem:s24+$0x0] =	vst v26;
	v26 =	vld.idx.msk [tilespmem:v49+s23+$0x0], $0xffff  }
0x4dd: {  	v36 =	vmul.f32 v36, v4;
	v62 =	vadd.s32 $0x4280, v12;
	v45 =	vld.idx.msk [tilespmem:v63+s23+$0x0], $0xffff  }
0x4de: {  	v2 =	vadd.f32 v3, v2;
	v3 =	vadd.f32 v33, v31;
	v57 =	vadd.s32 $0x4180, v13;
	v31 =	vld.idx.msk [tilespmem:v56+s23+$0x0], $0xffff  }
0x4df: {  	v38 =	vmul.f32 v38, v4;
	v35 =	vmul.f32 v35, v5;
	v59 =	vadd.s32 $0x4200, v13;
	v56 =	vld.idx.msk [tilespmem:v60+s23+$0x0], $0xffff  }
0x4e0: {  	v34 =	vmul.f32 v34, v5;
	v37 =	vmul.f32 v37, v5;
	v55 =	vadd.s32 $0x4300, v13;
	v53 =	vld.idx.msk [tilespmem:v58+s23+$0x0], $0xffff  }
0x4e1: {  	v44 =	vmul.f32 v44, v4;
	v52 =	vadd.s32 $0x5180, v14;
	v63 =	vmul.f32 v43, v4;
	v58 =	vld.idx.msk [tilespmem:v61+s23+$0x0], $0xffff  }
0x4e2: {  	v42 =	vmul.f32 v42, v5;
	v33 =	vadd.f32 v36, v34;
	v60 =	vadd.s32 $0x4380, v12;
	v36 =	vld.idx.msk [tilespmem:v62+s23+$0x0], $0xffff  }
0x4e3: {  	v34 =	vadd.f32 v38, v37;
	v23 =	vadd.f32 v63, v35;
	v29 =	vld.idx.msk [tilespmem:v57+s23+$0x0], $0xffff;
	v57 =	vadd.s32 $0x4300, v12  }
0x4e4: {  	v54 =	vld.idx.msk [tilespmem:v59+s23+$0x0], $0xffff;
	v30 =	vmul.f32 v30, v10;
	v28 =	vmul.f32 v28, v11;
	v59 =	vadd.s32 $0x4380, v13  }
0x4e5: {  	s30 =	sor.u32 s14, s0;
	s7 =	sadd.s32 $0x17F00, s13;
	v62 =	vadd.s32 $0x5180, v15;
	v63 =	vadd.s32 $0x5200, v14;
	v46 =	vmul.f32 v46, v11;
	v48 =	vld.idx.msk [tilespmem:v55+s23+$0x0], $0xffff  }
0x4e6: {  	s29 =	sor.u32 s4, s7;
	s8 =	sadd.s32 $0x17F80, s13;
	[tilespmem:s30+$0x0] =	vst v3;
	v0 =	vmul.f32 v0, v10;
	v55 =	vadd.s32 $0x5300, v14;
	v28 =	vadd.f32 v28, v30;
	v30 =	vld.idx.msk [tilespmem:v52+s23+$0x0], $0xffff  }
0x4e7: {  	s4 =	sor.u32 s4, s8;
	[tilespmem:s29+$0x0] =	vst v27;
	v45 =	vmul.f32 v45, v10;
	v31 =	vmul.f32 v31, v11;
	v52 =	vadd.s32 $0x5280, v14;
	v37 =	vld.idx.msk [tilespmem:v60+s23+$0x0], $0xffff  }
0x4e8: {  	[tilespmem:s4+$0x0] =	vst v2;
	v25 =	vmul.f32 v56, v11;
	v56 =	vadd.s32 $0x5300, v15;
	v14 =	vadd.s32 $0x5380, v14;
	v51 =	vld.idx.msk [tilespmem:v57+s23+$0x0], $0xffff  }
0x4e9: {  	v61 =	vadd.f32 v46, v45;
	v43 =	vmul.f32 v53, v11;
	v22 =	vmul.f32 v58, v10;
	v32 =	vld.idx.msk [tilespmem:v59+s23+$0x0], $0xffff  }
0x4ea: {  	s9 =	sor.u32 s25, s10;
	v36 =	vmul.f32 v36, v11;
	v0 =	vadd.f32 v31, v0;
	v3 =	vld.idx.msk [tilespmem:v62+s23+$0x0], $0xffff;
	v29 =	vmul.f32 v29, v10  }
0x4eb: {  	s10 =	sor.u32 s25, s16;
	v1 =	vld.idx.msk [tilespmem:v63+s23+$0x0], $0xffff;
	v58 =	vmul.f32 v41, v5;
	v53 =	vmul.f32 v54, v10;
	v54 =	vadd.s32 $0x5280, v15;
	[tilespmem:s9+$0x0] =	vst v28  }
0x4ec: {  	s11 =	sor.u32 s25, s19;
	v15 =	vadd.s32 $0x5380, v15;
	v59 =	vmul.f32 v48, v10;
	v41 =	vld.idx.msk [tilespmem:v55+s23+$0x0], $0xffff;
	[tilespmem:s10+$0x0] =	vst v61;
	v29 =	vadd.f32 v43, v29  }
0x4ed: {  	s12 =	sor.u32 s25, s18;
	v22 =	vadd.f32 v36, v22;
	v25 =	vadd.f32 v25, v53;
	[tilespmem:s11+$0x0] =	vst v0;
	v60 =	vmul.f32 v51, v11  }
0x4ee: {  	s13 =	sor.u32 s25, s26;
	v63 =	vadd.s32 $0x5000, v13;
	v0 =	vld.idx.msk [tilespmem:v52+s23+$0x0], $0xffff;
	v62 =	vmul.f32 v37, v11;
	[tilespmem:s12+$0x0] =	vst v29;
	v61 =	vmul.f32 v32, v10  }
0x4ef: {  	s16 =	sor.u32 s25, s28;
	v35 =	vadd.f32 v44, v42;
	v43 =	vadd.s32 $0x5000, v12;
	v28 =	vld.idx.msk [tilespmem:v56+s23+$0x0], $0xffff;
	[tilespmem:s13+$0x0] =	vst v25;
	v42 =	vadd.f32 v60, v59  }
0x4f0: {  	s18 =	sor.u32 s25, s31;
	v45 =	vadd.s32 $0x5080, v13;
	v14 =	vld.idx.msk [tilespmem:v14+s23+$0x0], $0xffff;
	[tilespmem:s16+$0x0] =	vst v22;
	v29 =	vadd.f32 v62, v61  }
0x4f1: {  	s19 =	sor.u32 s25, s17;
	v8 =	vmul.f32 v8, v4;
	v46 =	vadd.s32 $0x5080, v12;
	v2 =	vld.idx.msk [tilespmem:v54+s23+$0x0], $0xffff;
	[tilespmem:s18+$0x0] =	vst v42  }
0x4f2: {  	v47 =	vadd.s32 $0x5100, v13;
	v18 =	vmul.f32 v18, v6;
	v20 =	vmul.f32 v20, v7;
	v15 =	vld.idx.msk [tilespmem:v15+s23+$0x0], $0xffff;
	[tilespmem:s19+$0x0] =	vst v29  }
0x4f3: {  	v9 =	vmul.f32 v9, v6;
	v21 =	vmul.f32 v21, v7;
	v48 =	vadd.s32 $0x5100, v12;
	v29 =	vld.idx.msk [tilespmem:v63+s23+$0x0], $0xffff  }
0x4f4: {  	s21 =	sor.u32 s14, s1;
	v17 =	vmul.f32 v17, v6;
	v49 =	vadd.f32 v20, v18;
	v51 =	vadd.s32 $0x5180, v13;
	v50 =	vld.idx.msk [tilespmem:v43+s23+$0x0], $0xffff  }
0x4f5: {  	s22 =	sor.u32 s14, s2;
	[tilespmem:s21+$0x0] =	vst v33;
	v44 =	vmul.f32 v39, v4;
	v4 =	vmul.f32 v19, v4;
	v53 =	vadd.s32 $0x5180, v12;
	v52 =	vld.idx.msk [tilespmem:v45+s23+$0x0], $0xffff  }
0x4f6: {  	s24 =	sor.u32 s14, s3;
	[tilespmem:s22+$0x0] =	vst v34;
	v57 =	vmul.f32 v40, v5;
	v5 =	vmul.f32 v24, v5;
	v54 =	vadd.s32 $0x5200, v13;
	v19 =	vld.idx.msk [tilespmem:v46+s23+$0x0], $0xffff  }
0x4f7: {  	s26 =	sor.u32 s14, s5;
	v16 =	vmul.f32 v16, v7;
	[tilespmem:s24+$0x0] =	vst v23;
	v8 =	vadd.f32 v8, v58;
	v56 =	vadd.s32 $0x5200, v12;
	v25 =	vld.idx.msk [tilespmem:v47+s23+$0x0], $0xffff  }
0x4f8: {  	s31 =	sor.u32 s15, s0;
	v34 =	vadd.s32 $0x5300, v13;
	[tilespmem:s26+$0x0] =	vst v35;
	v4 =	vadd.f32 v4, v5;
	v22 =	vadd.f32 v44, v57;
	v58 =	vld.idx.msk [tilespmem:v48+s23+$0x0], $0xffff  }
0x4f9: {  	s28 =	sor.u32 s14, s6;
	v36 =	vadd.s32 $0x5300, v12;
	v55 =	vmul.f32 v30, v6;
	v3 =	vmul.f32 v3, v7;
	[tilespmem:s31+$0x0] =	vst v49;
	v62 =	vld.idx.msk [tilespmem:v51+s23+$0x0], $0xffff  }
0x4fa: {  	s29 =	sor.u32 s14, s7;
	v37 =	vmul.f32 v41, v6;
	v41 =	vadd.s32 $0x5380, v12;
	v60 =	vadd.f32 v16, v9;
	[tilespmem:s28+$0x0] =	vst v22;
	v33 =	vld.idx.msk [tilespmem:v53+s23+$0x0], $0xffff  }
0x4fb: {  	s9 =	sor.u32 s15, s1;
	v1 =	vmul.f32 v1, v6;
	v57 =	vmul.f32 v26, v7;
	v59 =	vadd.s32 $0x5280, v13;
	[tilespmem:s29+$0x0] =	vst v8;
	v35 =	vld.idx.msk [tilespmem:v54+s23+$0x0], $0xffff  }
0x4fc: {  	s30 =	sor.u32 s14, s8;
	v3 =	vadd.f32 v3, v55;
	v61 =	vadd.f32 v21, v17;
	[tilespmem:s9+$0x0] =	vst v60;
	v63 =	vadd.s32 $0x5280, v12;
	v39 =	vld.idx.msk [tilespmem:v56+s23+$0x0], $0xffff  }
0x4fd: {  	s10 =	sor.u32 s15, s2;
	v0 =	vmul.f32 v0, v6;
	[tilespmem:s30+$0x0] =	vst v4;
	v2 =	vmul.f32 v2, v7;
	v46 =	vld.idx.msk [tilespmem:v34+s23+$0x0], $0xffff  }
0x4fe: {  	s11 =	sor.u32 s15, s3;
	v38 =	vmul.f32 v28, v7;
	v13 =	vadd.s32 $0x5380, v13;
	v1 =	vadd.f32 v57, v1;
	[tilespmem:s10+$0x0] =	vst v61;
	v47 =	vld.idx.msk [tilespmem:v36+s23+$0x0], $0xffff  }
0x4ff: {  	s12 =	sor.u32 s15, s5;
	v44 =	vmul.f32 v14, v6;
	[tilespmem:s11+$0x0] =	vst v3;
	v3 =	vld.idx.msk [tilespmem:v41+s23+$0x0], $0xffff;
	v0 =	vadd.f32 v2, v0  }
0x500: {  	s13 =	sor.u32 s15, s6;
	v42 =	vadd.f32 v38, v37;
	v45 =	vmul.f32 v15, v7;
	v40 =	vld.idx.msk [tilespmem:v59+s23+$0x0], $0xffff;
	[tilespmem:s12+$0x0] =	vst v1  }
0x501: {  	s14 =	sor.u32 s15, s7;
	[tilespmem:s13+$0x0] =	vst v0;
	v43 =	vld.idx.msk [tilespmem:v63+s23+$0x0], $0xffff;
	v48 =	vmul.f32 v29, v10;
	v49 =	vmul.f32 v50, v11  }
0x502: {  	v0 =	vadd.f32 v45, v44;
	[tilespmem:s14+$0x0] =	vst v42;
	v51 =	vmul.f32 v52, v10;
	v52 =	vmul.f32 v19, v11  }
0x503: {  	s15 =	sor.u32 s15, s8;
	v50 =	vld.idx.msk [tilespmem:v13+s23+$0x0], $0xffff;
	v53 =	vmul.f32 v25, v10;
	v54 =	vmul.f32 v58, v11;
	v8 =	vadd.f32 v49, v48  }
0x504: {  	s0 =	sor.u32 s25, s0;
	s24 =	sor.u32 s25, s5;
	s5 =	sld [smem:$0x7CE];
	[tilespmem:s15+$0x0] =	vst v0;
	v56 =	vmul.f32 v62, v10;
	v5 =	vmul.f32 v33, v11;
	v55 =	vadd.f32 v52, v51  }
0x505: {  	s17 =	sor.u32 s25, s1;
	s22 =	sld [smem:$0x7CD];
	v4 =	vmul.f32 v35, v10;
	v58 =	vmul.f32 v39, v11;
	v57 =	vadd.f32 v54, v53;
	[tilespmem:s0+$0x0] =	vst v8  }
0x506: {  	s31 =	sld [smem:$0x7D0];
	s18 =	sor.u32 s25, s2;
	v2 =	vmul.f32 v40, v10;
	v59 =	vadd.f32 v5, v56;
	[tilespmem:s17+$0x0] =	vst v55;
	v60 =	vmul.f32 v43, v11  }
0x507: {  	s21 =	sor.u32 s25, s3;
	s16 =	sld [smem:$0x7CB];
	p1 =	slt.u32 s5, $0x1C0;
	v7 =	vmul.f32 v46, v10;
	v1 =	vmul.f32 v47, v11;
	v4 =	vadd.f32 v58, v4;
	[tilespmem:s18+$0x0] =	vst v57  }
.Ltmp2:
0x508: {  	s19 =	sld [smem:$0x7CC];
	v3 =	vmul.f32 v3, v11;
	v62 =	vmul.f32 v50, v10;
	[tilespmem:s21+$0x0] =	vst v59;
	v61 =	vadd.f32 v60, v2;
	(pc) =	sbr.rel @p1 .LBB2_7-.Ltmp2, $4  }
0x509: {  	s26 =	sor.u32 s25, s6;
	s30 =	sld [smem:$0x7CF];
	v1 =	vadd.f32 v1, v7;
	[tilespmem:s24+$0x0] =	vst v4  }
0x50a: {  	p0 =	por !p0, !p0;
	s28 =	sor.u32 s25, s7;
	v63 =	vadd.f32 v3, v62;
	[tilespmem:s26+$0x0] =	vst v61  }
0x50b: {  	s3 =	sadd.s32 $0x40, s22;
	s1 =	sadd.s32 $0x40, s31;
	s29 =	sor.u32 s25, s8;
	[tilespmem:s28+$0x0] =	vst v1  }
0x50c: {  	s4 =	sadd.s32 $0x200, s16;
	s2 =	sadd.s32 $0x40, s19;
	s0 =	sadd.s32 $0x40, s30;
	[tilespmem:s29+$0x0] =	vst v63  }
0x50d: {  	s1 =	sld [smem:$0x7F5];
	_ =	sdelay $0x1  }
0x50e: {  	s0 =	rddreg [dreg:$0x2];
	s3 =	simm.s32 $0x80  }
0x50f: {  	s4 =	simm.s32 $0x40000;
	s13 =	simm.s32 $0x12C00;
	s0 =	sadd.s32 s0, s1  }
0x510: {  	[hbm4b:s0+s3] =	stream.strided.scatter [tilespmem:s13], [sflag:$0x5], $0x400, s4, s3, $0x38;
	[tilespmem:$0x18C00] =	vst v63  }
0x511: {  	s2 =	simm.s32 $0x13000;
	s14 =	sadd.s32 $0x80, s0  }
0x512: {  	[hbm4b:s14+s3] =	stream.strided.scatter [tilespmem:s2], [sflag:$0x5], $0x400, s4, s3, $0x38;
	[tilespmem:$0x18C00] =	vst v63  }
0x513: {  	s16 =	simm.s32 $0x13400;
	s15 =	sadd.s32 $0x100, s0  }
0x514: {  	[hbm4b:s15+s3] =	stream.strided.scatter [tilespmem:s16], [sflag:$0x5], $0x400, s4, s3, $0x38;
	[tilespmem:$0x18C00] =	vst v63  }
0x515: {  	s18 =	simm.s32 $0x13800;
	s17 =	sadd.s32 $0x180, s0  }
0x516: {  	[hbm4b:s17+s3] =	stream.strided.scatter [tilespmem:s18], [sflag:$0x5], $0x400, s4, s3, $0x38;
	[tilespmem:$0x18C00] =	vst v63  }
0x517: {  	s21 =	simm.s32 $0x13C00;
	s19 =	sadd.s32 $0x40000, s0  }
0x518: {  	[hbm4b:s19+s3] =	stream.strided.scatter [tilespmem:s21], [sflag:$0x5], $0x400, s4, s3, $0x38;
	[tilespmem:$0x18C00] =	vst v63  }
0x519: {  	s5 =	simm.s32 $0x14000;
	s22 =	sadd.s32 $0x80, s19  }
0x51a: {  	[hbm4b:s22+s3] =	stream.strided.scatter [tilespmem:s5], [sflag:$0x5], $0x400, s4, s3, $0x38;
	[tilespmem:$0x18C00] =	vst v63  }
0x51b: {  	s25 =	simm.s32 $0x14400;
	s24 =	sadd.s32 $0x100, s19  }
0x51c: {  	[hbm4b:s24+s3] =	stream.strided.scatter [tilespmem:s25], [sflag:$0x5], $0x400, s4, s3, $0x38;
	[tilespmem:$0x18C00] =	vst v63  }
0x51d: {  	s26 =	simm.s32 $0x14800;
	s1 =	sadd.s32 $0x180, s19  }
0x51e: {  	[hbm4b:s1+s3] =	stream.strided.scatter [tilespmem:s26], [sflag:$0x5], $0x400, s4, s3, $0x38;
	[tilespmem:$0x18C00] =	vst v63  }
0x51f: {  	s29 =	simm.s32 $0x14C00;
	s28 =	sadd.s32 $0x80000, s0  }
0x520: {  	[hbm4b:s28+s3] =	stream.strided.scatter [tilespmem:s29], [sflag:$0x5], $0x400, s4, s3, $0x38;
	[tilespmem:$0x18C00] =	vst v63  }
0x521: {  	s31 =	simm.s32 $0x15000;
	s30 =	sadd.s32 $0x80, s28  }
0x522: {  	[hbm4b:s30+s3] =	stream.strided.scatter [tilespmem:s31], [sflag:$0x5], $0x400, s4, s3, $0x38;
	[tilespmem:$0x18C00] =	vst v63  }
0x523: {  	s7 =	simm.s32 $0x15400;
	s6 =	sadd.s32 $0x100, s28  }
0x524: {  	[hbm4b:s6+s3] =	stream.strided.scatter [tilespmem:s7], [sflag:$0x5], $0x400, s4, s3, $0x38;
	[tilespmem:$0x18C00] =	vst v63  }
0x525: {  	s8 =	simm.s32 $0x15800;
	s1 =	sadd.s32 $0x180, s28  }
0x526: {  	[hbm4b:s1+s3] =	stream.strided.scatter [tilespmem:s8], [sflag:$0x5], $0x400, s4, s3, $0x38;
	[tilespmem:$0x18C00] =	vst v63  }
0x527: {  	s10 =	simm.s32 $0x15C00;
	s9 =	sadd.s32 $0xC0000, s0  }
0x528: {  	[hbm4b:s9+s3] =	stream.strided.scatter [tilespmem:s10], [sflag:$0x5], $0x400, s4, s3, $0x38;
	[tilespmem:$0x18C00] =	vst v63  }
0x529: {  	s12 =	simm.s32 $0x16000;
	s11 =	sadd.s32 $0x80, s9  }
0x52a: {  	[hbm4b:s11+s3] =	stream.strided.scatter [tilespmem:s12], [sflag:$0x5], $0x400, s4, s3, $0x38;
	[tilespmem:$0x18C00] =	vst v63  }
0x52b: {  	s13 =	sadd.s32 $0x100, s9;
	s14 =	simm.s32 $0x16400  }
0x52c: {  	[hbm4b:s13+s3] =	stream.strided.scatter [tilespmem:s14], [sflag:$0x5], $0x400, s4, s3, $0x38;
	[tilespmem:$0x18C00] =	vst v63  }
0x52d: {  	s15 =	simm.s32 $0x16800;
	s1 =	sadd.s32 $0x180, s9  }
0x52e: {  	[hbm4b:s1+s3] =	stream.strided.scatter [tilespmem:s15], [sflag:$0x5], $0x400, s4, s3, $0x38;
	[tilespmem:$0x18C00] =	vst v63  }
0x52f: {  	s16 =	sadd.s32 $0x100000, s0;
	s17 =	simm.s32 $0x16C00  }
0x530: {  	[hbm4b:s16+s3] =	stream.strided.scatter [tilespmem:s17], [sflag:$0x5], $0x400, s4, s3, $0x38;
	[tilespmem:$0x18C00] =	vst v63  }
0x531: {  	s18 =	sadd.s32 $0x80, s16;
	s19 =	simm.s32 $0x17000  }
0x532: {  	[hbm4b:s18+s3] =	stream.strided.scatter [tilespmem:s19], [sflag:$0x5], $0x400, s4, s3, $0x38;
	[tilespmem:$0x18C00] =	vst v63  }
0x533: {  	s21 =	sadd.s32 $0x100, s16;
	s22 =	simm.s32 $0x17400;
	s13 =	sld [smem:$0x7F6]  }
0x534: {  	[hbm4b:s21+s3] =	stream.strided.scatter [tilespmem:s22], [sflag:$0x5], $0x400, s4, s3, $0x38;
	[tilespmem:$0x18C00] =	vst v63  }
0x535: {  	s24 =	simm.s32 $0x17800;
	s1 =	sadd.s32 $0x180, s16  }
0x536: {  	[hbm4b:s1+s3] =	stream.strided.scatter [tilespmem:s24], [sflag:$0x5], $0x400, s4, s3, $0x38;
	[tilespmem:$0x18C00] =	vst v63  }
0x537: {  	s0 =	sadd.s32 $0x140000, s0;
	s25 =	simm.s32 $0x17C00;
	s13 =	sadd.s32 $0x1, s13  }
0x538: {  	[hbm4b:s0+s3] =	stream.strided.scatter [tilespmem:s25], [sflag:$0x5], $0x400, s4, s3, $0x38;
	[tilespmem:$0x18C00] =	vst v63  }
0x539: {  	s26 =	sadd.s32 $0x80, s0;
	s28 =	simm.s32 $0x18000;
	p0 =	sne.s32 s13, $0x20  }
0x53a: {  	[hbm4b:s26+s3] =	stream.strided.scatter [tilespmem:s28], [sflag:$0x5], $0x400, s4, s3, $0x38;
	[tilespmem:$0x18C00] =	vst v63  }
.Ltmp3:
0x53b: {  	_ = 	snop;
	(pc) =	sbr.rel @p0 .LBB2_2-.Ltmp3, $4  }
0x53c: {  	s29 =	sadd.s32 $0x100, s0;
	s30 =	simm.s32 $0x18400  }
0x53d: {  	[hbm4b:s29+s3] =	stream.strided.scatter [tilespmem:s30], [sflag:$0x5], $0x400, s4, s3, $0x38;
	[tilespmem:$0x18C00] =	vst v63  }
0x53e: {  	s31 =	simm.s32 $0x18800;
	s0 =	sadd.s32 $0x180, s0  }
0x53f: {  	v0 =	vlaneseq.u32;
	v1 =	vimm.s32 $0x0;
	[hbm4b:s0+s3] =	stream.strided.scatter [tilespmem:s31], [sflag:$0x5], $0x400, s4, s3, $0x38;
	[tilespmem:$0x18C00] =	vst v63  }
0x540: {  	s0 =	simm.s32 $0x4  }
0x541: {  	_ =	swait.ge [sflag:s0], $0x6000  }
0x542: {  	[sflag:s0] =	ssyncset.done $0x0  }
0x543: {  	s1 =	simm.s32 $0x5;
	[sflag:s0] =	ssyncadd.s32 $0xFFFFA000  }
0x544: {  	_ =	swait.ge [sflag:s1], $0x6000  }
0x545: {  	s2 =	sld [smem:$0x7F8];
	_ =	sdelay $0x2  }
0x546: {  	s31 =	rddreg [dreg:$0xa];
	s2 =	sadd.s32 $0x1, s2  }
0x547: {  	p0 =	sne.s32 s2, s31  }
.Ltmp4:
0x548: {  	_ = 	snop;
	(pc) =	sbr.rel @p0 .LBB2_1-.Ltmp4, $3  }
0x549: {  	_ =	sdelay $0x1  }
0x54a: {  	[sflag:s1] =	ssyncset.done $0x0  }
0x54b: {  	[sflag:s1] =	ssyncadd.s32 $0xFFFFA000  }
0x54c: {  	_ =	sfence.sel $0x180000  }
0x54d: {  	[bflag:$0x0] =	sbarrier.arrive $0xFFFF  }
0x54e: {  	_ =	strace $0x90000047  }
0x54f: {  	s0 =	stileid.u32;
	[bflag:$0x2] =	sbarrier.arrive $0xFFFF  }
0x550: {  	p0 =	sne.s32 s0, $0x0;
	s0 =	rddreg [dreg:$0x3]  }
0x551: {  	s0 =	sadd.s32 @!p0 $0x100000, s0  }
0x552: {  	[sflag:s0] =	ssyncadd.tile.s32 @!p0 $0x1;
	_ =	shalt  }
.Lfunc_end2:
_tile_overlayer_lowered:
.L_overlay_start_2:
0x553: {  	(tag) =	ssettag $0x2  }
0x554: {  	s0 =	rddreg [dreg:$0x0];
	s2 =	stileid.u32  }
0x555: {  	s1 =	rddreg [dreg:$0x1];
	p0 =	sne.s32 s2, $0x0  }
0x556: {  	s3 =	rddreg [dreg:$0x2];
	[bflag:$0x3] =	sbarrier.arrive $0xFFFF;
	s2 =	simm.s32 @!p0 $0x1C06  }
0x557: {  	[timem:s3], [sflag:s2] =	dma.local @!p0 [hbm:s0], s1  }
0x558: {  	s0 =	simm.s32 @!p0 $0x6  }
0x559: {  	_ =	swait.ge @!p0 [sflag:s0], s1  }
0x55a: {  	s1 =	ssub.s32 @!p0 $0x0, s1;
	[sflag:s0] =	ssyncset.done @!p0 $0x0  }
0x55b: {  	[sflag:s0] =	ssyncadd.s32 @!p0 s1  }
0x55c: {  	[bflag:$0x3] =	sbarrier.arrive $0xFFFF  }
0x55d: {  	_ =	shalt  }

</sc_bundles>
